<compile_context>
chip_gen: v7x
topology: tpu7x:2x2x1
jax: 0.10.2.dev20260603
libtpu: 0.0.44.dev20260713+nightly
codegen_flags: <defaults>
</compile_context>

<pallas_src>
import functools

import jax
import jax.numpy as jnp
from jax import lax
from jax.experimental import pallas as pl
from jax.experimental.pallas import tpu as pltpu
from jax.experimental.pallas import tpu_sc as plsc

BITS = 4096
LENGTH = 1024
NMAP = 10

NT1 = 16
NPT1 = BITS // NT1
G1 = NPT1 // 16

NW2 = 32
NPT2 = BITS // NW2
G2 = NPT2 // 16


@functools.partial(
    pl.kernel,
    out_type=jax.ShapeDtypeStruct((LENGTH, BITS), jnp.int32),
    mesh=plsc.VectorSubcoreMesh(
        core_axis_name="c", subcore_axis_name="s", num_cores=1
    ),
    compiler_params=pltpu.CompilerParams(needs_layout_passes=False, use_tc_tiling_on_sc=False),
    scratch_types=[
        pltpu.VMEM((BITS + 16,), jnp.int32),
        pltpu.VMEM((NMAP, NPT1), jnp.int32),
        pltpu.VMEM((NPT1, 32), jnp.int32),
        pltpu.VMEM((LENGTH * 16,), jnp.int32),
        pltpu.VMEM((2, 4, NPT1), jnp.int32),
        pltpu.VMEM((NPT1,), jnp.int32),
        pltpu.VMEM_SHARED((2 * BITS,), jnp.int32),
        pltpu.SemaphoreType.DMA,
        pltpu.SemaphoreType.DMA,
    ],
)
def _scan_kernel(tmapT_hbm, tbw_hbm, posb_hbm, bits0_hbm, addr_hbm,
                 inp_v, map_v, tbw_v, posb_v, stage_v, newb_v, shared_s,
                 sem, psem):
    t = lax.axis_index("s")
    n0 = t * NPT1
    iota16 = lax.iota(jnp.int32, 16)

    pltpu.sync_copy(tmapT_hbm.at[:, pl.ds(n0, NPT1)], map_v)
    pltpu.sync_copy(tbw_hbm.at[pl.ds(n0, NPT1), :], tbw_v)
    pltpu.sync_copy(posb_hbm, posb_v)
    pltpu.sync_copy(bits0_hbm, inp_v.at[pl.ds(0, BITS)])

    zero16 = jnp.zeros((16,), jnp.int32)
    for g in range(G1):
        stage_v[0, 0, pl.ds(g * 16, 16)] = zero16

    def _step(i, carry):
        inp_v[pl.ds(BITS, 16)] = posb_v[pl.ds(i * 16, 16)]

        slot = lax.shift_right_logical(i, 2) & 1
        sub = i & 3

        @plsc.parallel_loop(0, G1, unroll=16)
        def _grp(g):
            addr = jnp.zeros((16,), jnp.int32)
            for j in range(NMAP):
                idx = map_v[j, pl.ds(g * 16, 16)]
                b = plsc.load_gather(inp_v, [idx])
                addr = addr + lax.shift_left(b, jnp.int32(j))
            row = g * 16 + iota16
            w = plsc.load_gather(tbw_v, [row, lax.shift_right_logical(addr, 5)])
            bit = lax.shift_right_logical(w, addr & 31) & 1
            newb_v[pl.ds(g * 16, 16)] = bit
            stage_v[slot, sub, pl.ds(g * 16, 16)] = addr

        par = i & 1
        pub = pltpu.async_copy(
            newb_v, shared_s.at[pl.ds(par * BITS + n0, NPT1)], psem)

        @pl.when(((i & 3) == 0) & (i >= 8))
        def _():
            pltpu.make_async_copy(
                stage_v.at[slot],
                addr_hbm.at[pl.ds(i - 8, 4), pl.ds(n0, NPT1)],
                sem,
            ).wait()
        @pl.when((i & 3) == 3)
        def _():
            pltpu.async_copy(
                stage_v.at[slot],
                addr_hbm.at[pl.ds(i - 3, 4), pl.ds(n0, NPT1)],
                sem,
            )

        pub.wait()
        plsc.subcore_barrier()
        pltpu.sync_copy(shared_s.at[pl.ds(par * BITS, BITS)],
                        inp_v.at[pl.ds(0, BITS)])
        return carry

    lax.fori_loop(1, LENGTH, _step, 0)

    for k in range(2):
        i0 = LENGTH - 8 + 4 * k
        pltpu.make_async_copy(
            stage_v.at[(i0 >> 2) & 1],
            addr_hbm.at[pl.ds(i0, 4), pl.ds(n0, NPT1)],
            sem,
        ).wait()


@functools.partial(
    pl.kernel,
    out_type=jax.ShapeDtypeStruct((LENGTH, BITS), jnp.float32),
    mesh=plsc.VectorSubcoreMesh(core_axis_name="c", subcore_axis_name="s"),
    compiler_params=pltpu.CompilerParams(needs_layout_passes=False, use_tc_tiling_on_sc=False),
    scratch_types=[
        pltpu.VMEM((2, 16, LENGTH), jnp.float32),
        pltpu.VMEM((2, LENGTH, 16), jnp.int32),
        pltpu.VMEM((2, LENGTH, 16), jnp.float32),
        pltpu.VMEM((NPT2,), jnp.float32),
        pltpu.SemaphoreType.DMA,
        pltpu.SemaphoreType.DMA,
        pltpu.SemaphoreType.DMA,
    ],
)
def _gather_kernel(tt_hbm, addr_hbm, initc_hbm, out_hbm,
                   rows_v, ablk_v, oblk_v, init_v, rsem, asem, osem):
    c = lax.axis_index("c")
    s = lax.axis_index("s")
    w = c * 16 + s
    n0 = w * NPT2
    iota16 = lax.iota(jnp.int32, 16)

    def _fetch(g):
        gn0 = n0 + g * 16
        pltpu.async_copy(tt_hbm.at[pl.ds(gn0, 16), :], rows_v.at[g & 1], rsem)
        pltpu.async_copy(addr_hbm.at[:, pl.ds(gn0, 16)], ablk_v.at[g & 1], asem)

    _fetch(0)
    for g in range(G2):
        gn0 = n0 + g * 16
        b = g & 1
        if g + 1 < G2:
            _fetch(g + 1)
        pltpu.make_async_copy(tt_hbm.at[pl.ds(gn0, 16), :],
                              rows_v.at[b], rsem).wait()
        pltpu.make_async_copy(addr_hbm.at[:, pl.ds(gn0, 16)],
                              ablk_v.at[b], asem).wait()
        if g >= 2:
            pltpu.make_async_copy(
                oblk_v.at[b], out_hbm.at[:, pl.ds(n0 + (g - 2) * 16, 16)],
                osem).wait()

        ab = ablk_v.at[b]
        rb = rows_v.at[b]
        ob = oblk_v.at[b]

        @plsc.parallel_loop(0, LENGTH, unroll=16)
        def _row(i):
            ivec = jnp.full((16,), 0, jnp.int32) + i
            a = plsc.load_gather(ab, [ivec, iota16])
            v = plsc.load_gather(rb, [iota16, a])
            plsc.store_scatter(ob, [ivec, iota16], v)

        pltpu.async_copy(oblk_v.at[b], out_hbm.at[:, pl.ds(gn0, 16)], osem)

    for g in (G2 - 2, G2 - 1):
        pltpu.make_async_copy(
            oblk_v.at[g & 1], out_hbm.at[:, pl.ds(n0 + g * 16, 16)],
            osem).wait()

    pltpu.sync_copy(initc_hbm.at[pl.ds(n0, NPT2)], init_v)
    pltpu.sync_copy(init_v, out_hbm.at[0, pl.ds(n0, NPT2)])


def kernel(length, transition_table, initial_table, transition_map, initial_map):
    length = jnp.asarray(length, dtype=jnp.int32)
    del initial_map

    initcol = initial_table[:, 0]
    bits0 = (initcol > 0.5).astype(jnp.int32)
    tmap_t = transition_map.T.astype(jnp.int32)

    tb = (transition_table > 0.5).astype(jnp.uint32).reshape(BITS, 32, 32)
    tbw = lax.bitcast_convert_type(
        jnp.sum(tb << jnp.arange(32, dtype=jnp.uint32)[None, None, :], axis=2),
        jnp.int32,
    )

    pos = jnp.arange(LENGTH, dtype=jnp.int32) + (length - LENGTH)
    k = jnp.arange(16, dtype=jnp.int32)
    posb = jnp.where(
        k[None, :] < 4,
        (pos[:, None] >> (3 - jnp.minimum(k, 3))[None, :]) & 1,
        0,
    ).astype(jnp.int32).reshape(-1)

    addr = _scan_kernel(tmap_t, tbw, posb, bits0)
    return _gather_kernel(transition_table, addr, initcol)

# --- scband reference (transcript-rebuilt; emitter-appended) ---
"""Pipeline reference for scband-autoregressive-ram-74483322847756 (READ-ONLY COPY).

The authoritative reference and input builder live on the scoring server;
editing this copy changes nothing except your own understanding.
"""

import jax, jax.numpy as jnp
import numpy as np

BITS = 4096
N_BITS_TRANS = 10  # min(bits + 4, 10)
N_BITS_INIT = 4
LENGTH = 1024

def setup_inputs(seed: int = 0) -> dict:
    key = jax.random.key(seed)
    k1, k2, k3, k4 = jax.random.split(key, 4)
    return {
        "length": 1024,
        "transition_table": jax.random.uniform(k1, (BITS, 2 ** N_BITS_TRANS), dtype=jnp.float32),
        "initial_table": jax.random.uniform(k2, (BITS, 2 ** N_BITS_INIT), dtype=jnp.float32),
        "transition_map": jax.random.randint(k3, (BITS, N_BITS_TRANS), 0, BITS + 4, dtype=jnp.int32),
        "initial_map": jax.random.randint(k4, (BITS, N_BITS_INIT), 0, 4, dtype=jnp.int32),
    }


def _encode_pos(pos):
    # bits[3] = LSB ... bits[0] = MSB of a 4-bit position code (matches torch loop)
    return ((pos >> (3 - jnp.arange(4, dtype=jnp.int32))) & 1).astype(jnp.int32)


def _ram_lookup(table, mapping, inp_bits, n_bits):
    # gather the wired input bits for every neuron -> [num_neurons, n_bits]
    gathered = jnp.take(inp_bits, mapping, axis=0)
    weights = (2 ** jnp.arange(n_bits, dtype=jnp.int32))
    addr = jnp.sum(gathered * weights, axis=1)  # [num_neurons]
    # per-neuron RAM cell read (gather along address axis)
    return jnp.take_along_axis(table, addr[:, None], axis=1)[:, 0]


def reference(length, transition_table, initial_table, transition_map, initial_map):
    length = jnp.asarray(length, dtype=jnp.int32)
    # i == 0: initial RAM layer driven by 4 position bits
    pos0 = _encode_pos(jnp.int32(0))
    out0 = _ram_lookup(initial_table, initial_map, pos0, N_BITS_INIT)
    # i >= 1: transition RAM layer driven by [prev_output_bits, pos_bits]
    def step(prev, pos):
        prev_bits = (prev > 0.5).astype(jnp.int32)
        inp = jnp.concatenate([prev_bits, _encode_pos(pos)], axis=0)
        out = _ram_lookup(transition_table, transition_map, inp, N_BITS_TRANS)
        return out, out
    positions = jnp.arange(1, LENGTH, dtype=jnp.int32) + (length - jnp.int32(LENGTH))
    _, outs = jax.lax.scan(step, out0, positions)
    return jnp.concatenate([out0[None, :], outs], axis=0)  # [length, bits]

if __name__ == "__main__":
    import jax
    _d = setup_inputs()
    print(jax.jit(kernel)(*tuple(_d.values())))

</pallas_src>

<mosaic_0001>
#map = affine_map<(d0, d1) -> (0, 0)>
#map1 = affine_map<(d0, d1) -> (0)>
module attributes {stable_mosaic.version = 14 : i64} {
  func.func @_scan_kernel(%arg0: i32, %arg1: i32, %arg2: memref<10x4096xi32, #tpu.memory_space<hbm>>, %arg3: memref<4096x32xi32, #tpu.memory_space<hbm>>, %arg4: memref<16384xi32, #tpu.memory_space<hbm>>, %arg5: memref<4096xi32, #tpu.memory_space<hbm>>, %arg6: memref<1024x4096xi32, #tpu.memory_space<hbm>>, %arg7: memref<4112xi32, #tpu.memory_space<vmem>>, %arg8: memref<10x256xi32, #tpu.memory_space<vmem>>, %arg9: memref<256x32xi32, #tpu.memory_space<vmem>>, %arg10: memref<16384xi32, #tpu.memory_space<vmem>>, %arg11: memref<2x4x256xi32, #tpu.memory_space<vmem>>, %arg12: memref<256xi32, #tpu.memory_space<vmem>>, %arg13: memref<8192xi32, #tpu.memory_space<vmem_shared>>, %arg14: memref<!tpu.dma_semaphore, #tpu.memory_space<semaphore_mem>>, %arg15: memref<!tpu.dma_semaphore, #tpu.memory_space<semaphore_mem>>) attributes {dimension_semantics = [#tpu.dimension_semantics<core_parallel>, #tpu.dimension_semantics<subcore_parallel>], iteration_bounds = array<i64: 1, 16>, scalar_prefetch = 0 : i64, scratch_operands = 9 : i64, tpu.core_type = #tpu.core_type<sc_vector_subcore>, window_params = [{transform_indices = #map}, {transform_indices = #map}, {transform_indices = #map1}, {transform_indices = #map1}, {transform_indices = #map}]} {
    %mul3A = arith.constant 256 : i32
    %mul3A_0 = arith.muli %arg1, %mul3A : i32
    %iota3A = tpu.iota {dimensions = array<i32: 0>} : vector<16xi32>
    "tpu.region"() ({
      %run_scoped3A = tpu.sem_alloc : memref<!tpu.dma_semaphore, #tpu.memory_space<semaphore_mem>>
      %dma_start3A = arith.constant 0 : i32
      %dma_start3A_127 = tpu.memref_slice %arg2[%dma_start3A, %mul3A_0] : memref<10x4096xi32, #tpu.memory_space<hbm>> -> memref<10x256xi32, #tpu.memory_space<hbm>>
      %dma_start3A_128 = arith.constant 0 : i32
      %dma_start3A_129 = tpu.memref_slice %arg2[%dma_start3A_128, %mul3A_0] : memref<10x4096xi32, #tpu.memory_space<hbm>> -> memref<10x256xi32, #tpu.memory_space<hbm>>
      tpu.enqueue_dma source(%dma_start3A_129 : memref<10x256xi32, #tpu.memory_space<hbm>>) target(%arg8 : memref<10x256xi32, #tpu.memory_space<vmem>>) target_semaphore(%run_scoped3A : memref<!tpu.dma_semaphore, #tpu.memory_space<semaphore_mem>>)
      %dma_wait3A_130 = arith.constant 0 : i32
      %dma_wait3A_131 = tpu.memref_slice %arg2[%dma_wait3A_130, %mul3A_0] : memref<10x4096xi32, #tpu.memory_space<hbm>> -> memref<10x256xi32, #tpu.memory_space<hbm>>
      %dma_wait3A_132 = arith.constant 0 : i32
      %dma_wait3A_133 = tpu.memref_slice %arg2[%dma_wait3A_132, %mul3A_0] : memref<10x4096xi32, #tpu.memory_space<hbm>> -> memref<10x256xi32, #tpu.memory_space<hbm>>
      tpu.wait_dma2 semaphore(%run_scoped3A : memref<!tpu.dma_semaphore, #tpu.memory_space<semaphore_mem>>) src(%dma_wait3A_133 : memref<10x256xi32, #tpu.memory_space<hbm>>) dst(%arg8 : memref<10x256xi32, #tpu.memory_space<vmem>>)
      tpu.yield
    }) : () -> ()
    "tpu.region"() ({
      %run_scoped3A = tpu.sem_alloc : memref<!tpu.dma_semaphore, #tpu.memory_space<semaphore_mem>>
      %dma_start3A = arith.constant 0 : i32
      %dma_start3A_127 = tpu.memref_slice %arg3[%mul3A_0, %dma_start3A] : memref<4096x32xi32, #tpu.memory_space<hbm>> -> memref<256x32xi32, #tpu.memory_space<hbm>>
      %dma_start3A_128 = arith.constant 0 : i32
      %dma_start3A_129 = tpu.memref_slice %arg3[%mul3A_0, %dma_start3A_128] : memref<4096x32xi32, #tpu.memory_space<hbm>> -> memref<256x32xi32, #tpu.memory_space<hbm>>
      tpu.enqueue_dma source(%dma_start3A_129 : memref<256x32xi32, #tpu.memory_space<hbm>>) target(%arg9 : memref<256x32xi32, #tpu.memory_space<vmem>>) target_semaphore(%run_scoped3A : memref<!tpu.dma_semaphore, #tpu.memory_space<semaphore_mem>>)
      %dma_wait3A_130 = arith.constant 0 : i32
      %dma_wait3A_131 = tpu.memref_slice %arg3[%mul3A_0, %dma_wait3A_130] : memref<4096x32xi32, #tpu.memory_space<hbm>> -> memref<256x32xi32, #tpu.memory_space<hbm>>
      %dma_wait3A_132 = arith.constant 0 : i32
      %dma_wait3A_133 = tpu.memref_slice %arg3[%mul3A_0, %dma_wait3A_132] : memref<4096x32xi32, #tpu.memory_space<hbm>> -> memref<256x32xi32, #tpu.memory_space<hbm>>
      tpu.wait_dma2 semaphore(%run_scoped3A : memref<!tpu.dma_semaphore, #tpu.memory_space<semaphore_mem>>) src(%dma_wait3A_133 : memref<256x32xi32, #tpu.memory_space<hbm>>) dst(%arg9 : memref<256x32xi32, #tpu.memory_space<vmem>>)
      tpu.yield
    }) : () -> ()
    "tpu.region"() ({
      %run_scoped3A = tpu.sem_alloc : memref<!tpu.dma_semaphore, #tpu.memory_space<semaphore_mem>>
      tpu.enqueue_dma source(%arg4 : memref<16384xi32, #tpu.memory_space<hbm>>) target(%arg10 : memref<16384xi32, #tpu.memory_space<vmem>>) target_semaphore(%run_scoped3A : memref<!tpu.dma_semaphore, #tpu.memory_space<semaphore_mem>>)
      tpu.wait_dma2 semaphore(%run_scoped3A : memref<!tpu.dma_semaphore, #tpu.memory_space<semaphore_mem>>) src(%arg4 : memref<16384xi32, #tpu.memory_space<hbm>>) dst(%arg10 : memref<16384xi32, #tpu.memory_space<vmem>>)
      tpu.yield
    }) : () -> ()
    "tpu.region"() ({
      %run_scoped3A = tpu.sem_alloc : memref<!tpu.dma_semaphore, #tpu.memory_space<semaphore_mem>>
      %dma_start3A = arith.constant 0 : i32
      %dma_start3A_127 = tpu.memref_slice %arg7[%dma_start3A] : memref<4112xi32, #tpu.memory_space<vmem>> -> memref<4096xi32, #tpu.memory_space<vmem>>
      %dma_start3A_128 = arith.constant 0 : i32
      %dma_start3A_129 = tpu.memref_slice %arg7[%dma_start3A_128] : memref<4112xi32, #tpu.memory_space<vmem>> -> memref<4096xi32, #tpu.memory_space<vmem>>
      tpu.enqueue_dma source(%arg5 : memref<4096xi32, #tpu.memory_space<hbm>>) target(%dma_start3A_129 : memref<4096xi32, #tpu.memory_space<vmem>>) target_semaphore(%run_scoped3A : memref<!tpu.dma_semaphore, #tpu.memory_space<semaphore_mem>>)
      %dma_wait3A_130 = arith.constant 0 : i32
      %dma_wait3A_131 = tpu.memref_slice %arg7[%dma_wait3A_130] : memref<4112xi32, #tpu.memory_space<vmem>> -> memref<4096xi32, #tpu.memory_space<vmem>>
      %dma_wait3A_132 = arith.constant 0 : i32
      %dma_wait3A_133 = tpu.memref_slice %arg7[%dma_wait3A_132] : memref<4112xi32, #tpu.memory_space<vmem>> -> memref<4096xi32, #tpu.memory_space<vmem>>
      tpu.wait_dma2 semaphore(%run_scoped3A : memref<!tpu.dma_semaphore, #tpu.memory_space<semaphore_mem>>) src(%arg5 : memref<4096xi32, #tpu.memory_space<hbm>>) dst(%dma_wait3A_133 : memref<4096xi32, #tpu.memory_space<vmem>>)
      tpu.yield
    }) : () -> ()
    %broadcast_in_dim3A = arith.constant 0 : i32
    %broadcast_in_dim3A_1 = vector.broadcast %broadcast_in_dim3A : i32 to vector<16xi32>
    %swap3A = arith.constant 0 : i32
    %swap3A_2 = arith.constant 0 : i32
    %swap3A_3 = arith.index_cast %swap3A : i32 to index
    %swap3A_4 = arith.index_cast %swap3A_2 : i32 to index
    %swap3A_5 = arith.constant 0 : index
    %swap3A_6 = tpu.vector_load %arg11[%swap3A_3, %swap3A_4, %swap3A_5] {strides = array<i32>} : memref<2x4x256xi32, #tpu.memory_space<vmem>>, vector<16xi32>,
    tpu.vector_store %arg11[%swap3A_3, %swap3A_4, %swap3A_5], %broadcast_in_dim3A_1 {strides = array<i32>} : memref<2x4x256xi32, #tpu.memory_space<vmem>>, vector<16xi32>,
    %swap3A_7 = arith.constant 0 : i32
    %swap3A_8 = arith.constant 0 : i32
    %swap3A_9 = arith.index_cast %swap3A_7 : i32 to index
    %swap3A_10 = arith.index_cast %swap3A_8 : i32 to index
    %swap3A_11 = arith.constant 16 : index
    %swap3A_12 = tpu.vector_load %arg11[%swap3A_9, %swap3A_10, %swap3A_11] {strides = array<i32>} : memref<2x4x256xi32, #tpu.memory_space<vmem>>, vector<16xi32>,
    tpu.vector_store %arg11[%swap3A_9, %swap3A_10, %swap3A_11], %broadcast_in_dim3A_1 {strides = array<i32>} : memref<2x4x256xi32, #tpu.memory_space<vmem>>, vector<16xi32>,
    %swap3A_13 = arith.constant 0 : i32
    %swap3A_14 = arith.constant 0 : i32
    %swap3A_15 = arith.index_cast %swap3A_13 : i32 to index
    %swap3A_16 = arith.index_cast %swap3A_14 : i32 to index
    %swap3A_17 = arith.constant 32 : index
    %swap3A_18 = tpu.vector_load %arg11[%swap3A_15, %swap3A_16, %swap3A_17] {strides = array<i32>} : memref<2x4x256xi32, #tpu.memory_space<vmem>>, vector<16xi32>,
    tpu.vector_store %arg11[%swap3A_15, %swap3A_16, %swap3A_17], %broadcast_in_dim3A_1 {strides = array<i32>} : memref<2x4x256xi32, #tpu.memory_space<vmem>>, vector<16xi32>,
    %swap3A_19 = arith.constant 0 : i32
    %swap3A_20 = arith.constant 0 : i32
    %swap3A_21 = arith.index_cast %swap3A_19 : i32 to index
    %swap3A_22 = arith.index_cast %swap3A_20 : i32 to index
    %swap3A_23 = arith.constant 48 : index
    %swap3A_24 = tpu.vector_load %arg11[%swap3A_21, %swap3A_22, %swap3A_23] {strides = array<i32>} : memref<2x4x256xi32, #tpu.memory_space<vmem>>, vector<16xi32>,
    tpu.vector_store %arg11[%swap3A_21, %swap3A_22, %swap3A_23], %broadcast_in_dim3A_1 {strides = array<i32>} : memref<2x4x256xi32, #tpu.memory_space<vmem>>, vector<16xi32>,
    %swap3A_25 = arith.constant 0 : i32
    %swap3A_26 = arith.constant 0 : i32
    %swap3A_27 = arith.index_cast %swap3A_25 : i32 to index
    %swap3A_28 = arith.index_cast %swap3A_26 : i32 to index
    %swap3A_29 = arith.constant 64 : index
    %swap3A_30 = tpu.vector_load %arg11[%swap3A_27, %swap3A_28, %swap3A_29] {strides = array<i32>} : memref<2x4x256xi32, #tpu.memory_space<vmem>>, vector<16xi32>,
    tpu.vector_store %arg11[%swap3A_27, %swap3A_28, %swap3A_29], %broadcast_in_dim3A_1 {strides = array<i32>} : memref<2x4x256xi32, #tpu.memory_space<vmem>>, vector<16xi32>,
    %swap3A_31 = arith.constant 0 : i32
    %swap3A_32 = arith.constant 0 : i32
    %swap3A_33 = arith.index_cast %swap3A_31 : i32 to index
    %swap3A_34 = arith.index_cast %swap3A_32 : i32 to index
    %swap3A_35 = arith.constant 80 : index
    %swap3A_36 = tpu.vector_load %arg11[%swap3A_33, %swap3A_34, %swap3A_35] {strides = array<i32>} : memref<2x4x256xi32, #tpu.memory_space<vmem>>, vector<16xi32>,
    tpu.vector_store %arg11[%swap3A_33, %swap3A_34, %swap3A_35], %broadcast_in_dim3A_1 {strides = array<i32>} : memref<2x4x256xi32, #tpu.memory_space<vmem>>, vector<16xi32>,
    %swap3A_37 = arith.constant 0 : i32
    %swap3A_38 = arith.constant 0 : i32
    %swap3A_39 = arith.index_cast %swap3A_37 : i32 to index
    %swap3A_40 = arith.index_cast %swap3A_38 : i32 to index
    %swap3A_41 = arith.constant 96 : index
    %swap3A_42 = tpu.vector_load %arg11[%swap3A_39, %swap3A_40, %swap3A_41] {strides = array<i32>} : memref<2x4x256xi32, #tpu.memory_space<vmem>>, vector<16xi32>,
    tpu.vector_store %arg11[%swap3A_39, %swap3A_40, %swap3A_41], %broadcast_in_dim3A_1 {strides = array<i32>} : memref<2x4x256xi32, #tpu.memory_space<vmem>>, vector<16xi32>,
    %swap3A_43 = arith.constant 0 : i32
    %swap3A_44 = arith.constant 0 : i32
    %swap3A_45 = arith.index_cast %swap3A_43 : i32 to index
    %swap3A_46 = arith.index_cast %swap3A_44 : i32 to index
    %swap3A_47 = arith.constant 112 : index
    %swap3A_48 = tpu.vector_load %arg11[%swap3A_45, %swap3A_46, %swap3A_47] {strides = array<i32>} : memref<2x4x256xi32, #tpu.memory_space<vmem>>, vector<16xi32>,
    tpu.vector_store %arg11[%swap3A_45, %swap3A_46, %swap3A_47], %broadcast_in_dim3A_1 {strides = array<i32>} : memref<2x4x256xi32, #tpu.memory_space<vmem>>, vector<16xi32>,
    %swap3A_49 = arith.constant 0 : i32
    %swap3A_50 = arith.constant 0 : i32
    %swap3A_51 = arith.index_cast %swap3A_49 : i32 to index
    %swap3A_52 = arith.index_cast %swap3A_50 : i32 to index
    %swap3A_53 = arith.constant 128 : index
    %swap3A_54 = tpu.vector_load %arg11[%swap3A_51, %swap3A_52, %swap3A_53] {strides = array<i32>} : memref<2x4x256xi32, #tpu.memory_space<vmem>>, vector<16xi32>,
    tpu.vector_store %arg11[%swap3A_51, %swap3A_52, %swap3A_53], %broadcast_in_dim3A_1 {strides = array<i32>} : memref<2x4x256xi32, #tpu.memory_space<vmem>>, vector<16xi32>,
    %swap3A_55 = arith.constant 0 : i32
    %swap3A_56 = arith.constant 0 : i32
    %swap3A_57 = arith.index_cast %swap3A_55 : i32 to index
    %swap3A_58 = arith.index_cast %swap3A_56 : i32 to index
    %swap3A_59 = arith.constant 144 : index
    %swap3A_60 = tpu.vector_load %arg11[%swap3A_57, %swap3A_58, %swap3A_59] {strides = array<i32>} : memref<2x4x256xi32, #tpu.memory_space<vmem>>, vector<16xi32>,
    tpu.vector_store %arg11[%swap3A_57, %swap3A_58, %swap3A_59], %broadcast_in_dim3A_1 {strides = array<i32>} : memref<2x4x256xi32, #tpu.memory_space<vmem>>, vector<16xi32>,
    %swap3A_61 = arith.constant 0 : i32
    %swap3A_62 = arith.constant 0 : i32
    %swap3A_63 = arith.index_cast %swap3A_61 : i32 to index
    %swap3A_64 = arith.index_cast %swap3A_62 : i32 to index
    %swap3A_65 = arith.constant 160 : index
    %swap3A_66 = tpu.vector_load %arg11[%swap3A_63, %swap3A_64, %swap3A_65] {strides = array<i32>} : memref<2x4x256xi32, #tpu.memory_space<vmem>>, vector<16xi32>,
    tpu.vector_store %arg11[%swap3A_63, %swap3A_64, %swap3A_65], %broadcast_in_dim3A_1 {strides = array<i32>} : memref<2x4x256xi32, #tpu.memory_space<vmem>>, vector<16xi32>,
    %swap3A_67 = arith.constant 0 : i32
    %swap3A_68 = arith.constant 0 : i32
    %swap3A_69 = arith.index_cast %swap3A_67 : i32 to index
    %swap3A_70 = arith.index_cast %swap3A_68 : i32 to index
    %swap3A_71 = arith.constant 176 : index
    %swap3A_72 = tpu.vector_load %arg11[%swap3A_69, %swap3A_70, %swap3A_71] {strides = array<i32>} : memref<2x4x256xi32, #tpu.memory_space<vmem>>, vector<16xi32>,
    tpu.vector_store %arg11[%swap3A_69, %swap3A_70, %swap3A_71], %broadcast_in_dim3A_1 {strides = array<i32>} : memref<2x4x256xi32, #tpu.memory_space<vmem>>, vector<16xi32>,
    %swap3A_73 = arith.constant 0 : i32
    %swap3A_74 = arith.constant 0 : i32
    %swap3A_75 = arith.index_cast %swap3A_73 : i32 to index
    %swap3A_76 = arith.index_cast %swap3A_74 : i32 to index
    %swap3A_77 = arith.constant 192 : index
    %swap3A_78 = tpu.vector_load %arg11[%swap3A_75, %swap3A_76, %swap3A_77] {strides = array<i32>} : memref<2x4x256xi32, #tpu.memory_space<vmem>>, vector<16xi32>,
    tpu.vector_store %arg11[%swap3A_75, %swap3A_76, %swap3A_77], %broadcast_in_dim3A_1 {strides = array<i32>} : memref<2x4x256xi32, #tpu.memory_space<vmem>>, vector<16xi32>,
    %swap3A_79 = arith.constant 0 : i32
    %swap3A_80 = arith.constant 0 : i32
    %swap3A_81 = arith.index_cast %swap3A_79 : i32 to index
    %swap3A_82 = arith.index_cast %swap3A_80 : i32 to index
    %swap3A_83 = arith.constant 208 : index
    %swap3A_84 = tpu.vector_load %arg11[%swap3A_81, %swap3A_82, %swap3A_83] {strides = array<i32>} : memref<2x4x256xi32, #tpu.memory_space<vmem>>, vector<16xi32>,
    tpu.vector_store %arg11[%swap3A_81, %swap3A_82, %swap3A_83], %broadcast_in_dim3A_1 {strides = array<i32>} : memref<2x4x256xi32, #tpu.memory_space<vmem>>, vector<16xi32>,
    %swap3A_85 = arith.constant 0 : i32
    %swap3A_86 = arith.constant 0 : i32
    %swap3A_87 = arith.index_cast %swap3A_85 : i32 to index
    %swap3A_88 = arith.index_cast %swap3A_86 : i32 to index
    %swap3A_89 = arith.constant 224 : index
    %swap3A_90 = tpu.vector_load %arg11[%swap3A_87, %swap3A_88, %swap3A_89] {strides = array<i32>} : memref<2x4x256xi32, #tpu.memory_space<vmem>>, vector<16xi32>,
    tpu.vector_store %arg11[%swap3A_87, %swap3A_88, %swap3A_89], %broadcast_in_dim3A_1 {strides = array<i32>} : memref<2x4x256xi32, #tpu.memory_space<vmem>>, vector<16xi32>,
    %swap3A_91 = arith.constant 0 : i32
    %swap3A_92 = arith.constant 0 : i32
    %swap3A_93 = arith.index_cast %swap3A_91 : i32 to index
    %swap3A_94 = arith.index_cast %swap3A_92 : i32 to index
    %swap3A_95 = arith.constant 240 : index
    %swap3A_96 = tpu.vector_load %arg11[%swap3A_93, %swap3A_94, %swap3A_95] {strides = array<i32>} : memref<2x4x256xi32, #tpu.memory_space<vmem>>, vector<16xi32>,
    tpu.vector_store %arg11[%swap3A_93, %swap3A_94, %swap3A_95], %broadcast_in_dim3A_1 {strides = array<i32>} : memref<2x4x256xi32, #tpu.memory_space<vmem>>, vector<16xi32>,
    %scan3A = arith.constant 0 : i32
    %scan3A_97 = arith.constant 1 : i32
    %scan3A_98 = arith.constant 1023 : i32
    %scan3A_99 = arith.addi %scan3A_97, %scan3A_98 : i32
    %scan3A_100 = arith.constant 1 : i32
    scf.for %scan3A_127 = %scan3A_97 to %scan3A_99 step %scan3A_100  : i32 {
      %mul3A_128 = arith.constant 16 : i32
      %mul3A_129 = arith.muli %scan3A_127, %mul3A_128 : i32
      %get3A = arith.index_cast %mul3A_129 : i32 to index
      %get3A_130 = tpu.vector_load %arg10[%get3A] {strides = array<i32>} : memref<16384xi32, #tpu.memory_space<vmem>>, vector<16xi32>,
      %swap3A_131 = arith.constant 4096 : index
      %swap3A_132 = tpu.vector_load %arg7[%swap3A_131] {strides = array<i32>} : memref<4112xi32, #tpu.memory_space<vmem>>, vector<16xi32>,
      tpu.vector_store %arg7[%swap3A_131], %get3A_130 {strides = array<i32>} : memref<4112xi32, #tpu.memory_space<vmem>>, vector<16xi32>,
      %shift_right_logical3A = arith.constant 2 : i32
      %shift_right_logical3A_133 = arith.shrui %scan3A_127, %shift_right_logical3A : i32
      %and3A = arith.constant 1 : i32
      %and3A_134 = arith.andi %shift_right_logical3A_133, %and3A : i32
      %and3A_135 = arith.constant 3 : i32
      %and3A_136 = arith.andi %scan3A_127, %and3A_135 : i32
      %parallel_loop3A = arith.constant 0 : i32
      %parallel_loop3A_137 = arith.constant 16 : i32
      %parallel_loop3A_138 = arith.constant 1 : i32
      scf.for %parallel_loop3A_161 = %parallel_loop3A to %parallel_loop3A_137 step %parallel_loop3A_138  : i32 {
        %parallel_loop3A_162 = arith.constant 0 : i32
        %parallel_loop3A_163 = vector.broadcast %parallel_loop3A_162 : i32 to vector<16xi32>
        %parallel_loop3A_164 = arith.constant 16 : i32
        %parallel_loop3A_165 = arith.muli %parallel_loop3A_161, %parallel_loop3A_164 : i32
        %parallel_loop3A_166 = arith.constant 0 : i32
        %parallel_loop3A_167 = arith.index_cast %parallel_loop3A_166 : i32 to index
        %parallel_loop3A_168 = arith.index_cast %parallel_loop3A_165 : i32 to index
        %parallel_loop3A_169 = tpu.vector_load %arg8[%parallel_loop3A_167, %parallel_loop3A_168] {strides = array<i32>} : memref<10x256xi32, #tpu.memory_space<vmem>>, vector<16xi32>,
        %parallel_loop3A_170 = tpu.vector_load_idx %arg7[%parallel_loop3A_169] : memref<4112xi32, #tpu.memory_space<vmem>>[vector<16xi32>], vector<16xi32>,
        %parallel_loop3A_171 = arith.constant 0 : i32
        %parallel_loop3A_172 = vector.broadcast %parallel_loop3A_171 : i32 to vector<16xi32>
        %parallel_loop3A_173 = arith.shli %parallel_loop3A_170, %parallel_loop3A_172 : vector<16xi32>
        %parallel_loop3A_174 = arith.addi %parallel_loop3A_163, %parallel_loop3A_173 : vector<16xi32>
        %parallel_loop3A_175 = arith.constant 16 : i32
        %parallel_loop3A_176 = arith.muli %parallel_loop3A_161, %parallel_loop3A_175 : i32
        %parallel_loop3A_177 = arith.constant 1 : i32
        %parallel_loop3A_178 = arith.index_cast %parallel_loop3A_177 : i32 to index
        %parallel_loop3A_179 = arith.index_cast %parallel_loop3A_176 : i32 to index
        %parallel_loop3A_180 = tpu.vector_load %arg8[%parallel_loop3A_178, %parallel_loop3A_179] {strides = array<i32>} : memref<10x256xi32, #tpu.memory_space<vmem>>, vector<16xi32>,
        %parallel_loop3A_181 = tpu.vector_load_idx %arg7[%parallel_loop3A_180] : memref<4112xi32, #tpu.memory_space<vmem>>[vector<16xi32>], vector<16xi32>,
        %parallel_loop3A_182 = arith.constant 1 : i32
        %parallel_loop3A_183 = vector.broadcast %parallel_loop3A_182 : i32 to vector<16xi32>
        %parallel_loop3A_184 = arith.shli %parallel_loop3A_181, %parallel_loop3A_183 : vector<16xi32>
        %parallel_loop3A_185 = arith.addi %parallel_loop3A_174, %parallel_loop3A_184 : vector<16xi32>
        %parallel_loop3A_186 = arith.constant 16 : i32
        %parallel_loop3A_187 = arith.muli %parallel_loop3A_161, %parallel_loop3A_186 : i32
        %parallel_loop3A_188 = arith.constant 2 : i32
        %parallel_loop3A_189 = arith.index_cast %parallel_loop3A_188 : i32 to index
        %parallel_loop3A_190 = arith.index_cast %parallel_loop3A_187 : i32 to index
        %parallel_loop3A_191 = tpu.vector_load %arg8[%parallel_loop3A_189, %parallel_loop3A_190] {strides = array<i32>} : memref<10x256xi32, #tpu.memory_space<vmem>>, vector<16xi32>,
        %parallel_loop3A_192 = tpu.vector_load_idx %arg7[%parallel_loop3A_191] : memref<4112xi32, #tpu.memory_space<vmem>>[vector<16xi32>], vector<16xi32>,
        %parallel_loop3A_193 = arith.constant 2 : i32
        %parallel_loop3A_194 = vector.broadcast %parallel_loop3A_193 : i32 to vector<16xi32>
        %parallel_loop3A_195 = arith.shli %parallel_loop3A_192, %parallel_loop3A_194 : vector<16xi32>
        %parallel_loop3A_196 = arith.addi %parallel_loop3A_185, %parallel_loop3A_195 : vector<16xi32>
        %parallel_loop3A_197 = arith.constant 16 : i32
        %parallel_loop3A_198 = arith.muli %parallel_loop3A_161, %parallel_loop3A_197 : i32
        %parallel_loop3A_199 = arith.constant 3 : i32
        %parallel_loop3A_200 = arith.index_cast %parallel_loop3A_199 : i32 to index
        %parallel_loop3A_201 = arith.index_cast %parallel_loop3A_198 : i32 to index
        %parallel_loop3A_202 = tpu.vector_load %arg8[%parallel_loop3A_200, %parallel_loop3A_201] {strides = array<i32>} : memref<10x256xi32, #tpu.memory_space<vmem>>, vector<16xi32>,
        %parallel_loop3A_203 = tpu.vector_load_idx %arg7[%parallel_loop3A_202] : memref<4112xi32, #tpu.memory_space<vmem>>[vector<16xi32>], vector<16xi32>,
        %parallel_loop3A_204 = arith.constant 3 : i32
        %parallel_loop3A_205 = vector.broadcast %parallel_loop3A_204 : i32 to vector<16xi32>
        %parallel_loop3A_206 = arith.shli %parallel_loop3A_203, %parallel_loop3A_205 : vector<16xi32>
        %parallel_loop3A_207 = arith.addi %parallel_loop3A_196, %parallel_loop3A_206 : vector<16xi32>
        %parallel_loop3A_208 = arith.constant 16 : i32
        %parallel_loop3A_209 = arith.muli %parallel_loop3A_161, %parallel_loop3A_208 : i32
        %parallel_loop3A_210 = arith.constant 4 : i32
        %parallel_loop3A_211 = arith.index_cast %parallel_loop3A_210 : i32 to index
        %parallel_loop3A_212 = arith.index_cast %parallel_loop3A_209 : i32 to index
        %parallel_loop3A_213 = tpu.vector_load %arg8[%parallel_loop3A_211, %parallel_loop3A_212] {strides = array<i32>} : memref<10x256xi32, #tpu.memory_space<vmem>>, vector<16xi32>,
        %parallel_loop3A_214 = tpu.vector_load_idx %arg7[%parallel_loop3A_213] : memref<4112xi32, #tpu.memory_space<vmem>>[vector<16xi32>], vector<16xi32>,
        %parallel_loop3A_215 = arith.constant 4 : i32
        %parallel_loop3A_216 = vector.broadcast %parallel_loop3A_215 : i32 to vector<16xi32>
        %parallel_loop3A_217 = arith.shli %parallel_loop3A_214, %parallel_loop3A_216 : vector<16xi32>
        %parallel_loop3A_218 = arith.addi %parallel_loop3A_207, %parallel_loop3A_217 : vector<16xi32>
        %parallel_loop3A_219 = arith.constant 16 : i32
        %parallel_loop3A_220 = arith.muli %parallel_loop3A_161, %parallel_loop3A_219 : i32
        %parallel_loop3A_221 = arith.constant 5 : i32
        %parallel_loop3A_222 = arith.index_cast %parallel_loop3A_221 : i32 to index
        %parallel_loop3A_223 = arith.index_cast %parallel_loop3A_220 : i32 to index
        %parallel_loop3A_224 = tpu.vector_load %arg8[%parallel_loop3A_222, %parallel_loop3A_223] {strides = array<i32>} : memref<10x256xi32, #tpu.memory_space<vmem>>, vector<16xi32>,
        %parallel_loop3A_225 = tpu.vector_load_idx %arg7[%parallel_loop3A_224] : memref<4112xi32, #tpu.memory_space<vmem>>[vector<16xi32>], vector<16xi32>,
        %parallel_loop3A_226 = arith.constant 5 : i32
        %parallel_loop3A_227 = vector.broadcast %parallel_loop3A_226 : i32 to vector<16xi32>
        %parallel_loop3A_228 = arith.shli %parallel_loop3A_225, %parallel_loop3A_227 : vector<16xi32>
        %parallel_loop3A_229 = arith.addi %parallel_loop3A_218, %parallel_loop3A_228 : vector<16xi32>
        %parallel_loop3A_230 = arith.constant 16 : i32
        %parallel_loop3A_231 = arith.muli %parallel_loop3A_161, %parallel_loop3A_230 : i32
        %parallel_loop3A_232 = arith.constant 6 : i32
        %parallel_loop3A_233 = arith.index_cast %parallel_loop3A_232 : i32 to index
        %parallel_loop3A_234 = arith.index_cast %parallel_loop3A_231 : i32 to index
        %parallel_loop3A_235 = tpu.vector_load %arg8[%parallel_loop3A_233, %parallel_loop3A_234] {strides = array<i32>} : memref<10x256xi32, #tpu.memory_space<vmem>>, vector<16xi32>,
        %parallel_loop3A_236 = tpu.vector_load_idx %arg7[%parallel_loop3A_235] : memref<4112xi32, #tpu.memory_space<vmem>>[vector<16xi32>], vector<16xi32>,
        %parallel_loop3A_237 = arith.constant 6 : i32
        %parallel_loop3A_238 = vector.broadcast %parallel_loop3A_237 : i32 to vector<16xi32>
        %parallel_loop3A_239 = arith.shli %parallel_loop3A_236, %parallel_loop3A_238 : vector<16xi32>
        %parallel_loop3A_240 = arith.addi %parallel_loop3A_229, %parallel_loop3A_239 : vector<16xi32>
        %parallel_loop3A_241 = arith.constant 16 : i32
        %parallel_loop3A_242 = arith.muli %parallel_loop3A_161, %parallel_loop3A_241 : i32
        %parallel_loop3A_243 = arith.constant 7 : i32
        %parallel_loop3A_244 = arith.index_cast %parallel_loop3A_243 : i32 to index
        %parallel_loop3A_245 = arith.index_cast %parallel_loop3A_242 : i32 to index
        %parallel_loop3A_246 = tpu.vector_load %arg8[%parallel_loop3A_244, %parallel_loop3A_245] {strides = array<i32>} : memref<10x256xi32, #tpu.memory_space<vmem>>, vector<16xi32>,
        %parallel_loop3A_247 = tpu.vector_load_idx %arg7[%parallel_loop3A_246] : memref<4112xi32, #tpu.memory_space<vmem>>[vector<16xi32>], vector<16xi32>,
        %parallel_loop3A_248 = arith.constant 7 : i32
        %parallel_loop3A_249 = vector.broadcast %parallel_loop3A_248 : i32 to vector<16xi32>
        %parallel_loop3A_250 = arith.shli %parallel_loop3A_247, %parallel_loop3A_249 : vector<16xi32>
        %parallel_loop3A_251 = arith.addi %parallel_loop3A_240, %parallel_loop3A_250 : vector<16xi32>
        %parallel_loop3A_252 = arith.constant 16 : i32
        %parallel_loop3A_253 = arith.muli %parallel_loop3A_161, %parallel_loop3A_252 : i32
        %parallel_loop3A_254 = arith.constant 8 : i32
        %parallel_loop3A_255 = arith.index_cast %parallel_loop3A_254 : i32 to index
        %parallel_loop3A_256 = arith.index_cast %parallel_loop3A_253 : i32 to index
        %parallel_loop3A_257 = tpu.vector_load %arg8[%parallel_loop3A_255, %parallel_loop3A_256] {strides = array<i32>} : memref<10x256xi32, #tpu.memory_space<vmem>>, vector<16xi32>,
        %parallel_loop3A_258 = tpu.vector_load_idx %arg7[%parallel_loop3A_257] : memref<4112xi32, #tpu.memory_space<vmem>>[vector<16xi32>], vector<16xi32>,
        %parallel_loop3A_259 = arith.constant 8 : i32
        %parallel_loop3A_260 = vector.broadcast %parallel_loop3A_259 : i32 to vector<16xi32>
        %parallel_loop3A_261 = arith.shli %parallel_loop3A_258, %parallel_loop3A_260 : vector<16xi32>
        %parallel_loop3A_262 = arith.addi %parallel_loop3A_251, %parallel_loop3A_261 : vector<16xi32>
        %parallel_loop3A_263 = arith.constant 16 : i32
        %parallel_loop3A_264 = arith.muli %parallel_loop3A_161, %parallel_loop3A_263 : i32
        %parallel_loop3A_265 = arith.constant 9 : i32
        %parallel_loop3A_266 = arith.index_cast %parallel_loop3A_265 : i32 to index
        %parallel_loop3A_267 = arith.index_cast %parallel_loop3A_264 : i32 to index
        %parallel_loop3A_268 = tpu.vector_load %arg8[%parallel_loop3A_266, %parallel_loop3A_267] {strides = array<i32>} : memref<10x256xi32, #tpu.memory_space<vmem>>, vector<16xi32>,
        %parallel_loop3A_269 = tpu.vector_load_idx %arg7[%parallel_loop3A_268] : memref<4112xi32, #tpu.memory_space<vmem>>[vector<16xi32>], vector<16xi32>,
        %parallel_loop3A_270 = arith.constant 9 : i32
        %parallel_loop3A_271 = vector.broadcast %parallel_loop3A_270 : i32 to vector<16xi32>
        %parallel_loop3A_272 = arith.shli %parallel_loop3A_269, %parallel_loop3A_271 : vector<16xi32>
        %parallel_loop3A_273 = arith.addi %parallel_loop3A_262, %parallel_loop3A_272 : vector<16xi32>
        %parallel_loop3A_274 = arith.constant 16 : i32
        %parallel_loop3A_275 = arith.muli %parallel_loop3A_161, %parallel_loop3A_274 : i32
        %parallel_loop3A_276 = vector.broadcast %parallel_loop3A_275 : i32 to vector<16xi32>
        %parallel_loop3A_277 = arith.addi %parallel_loop3A_276, %iota3A : vector<16xi32>
        %parallel_loop3A_278 = arith.constant 5 : i32
        %parallel_loop3A_279 = vector.broadcast %parallel_loop3A_278 : i32 to vector<16xi32>
        %parallel_loop3A_280 = arith.shrui %parallel_loop3A_273, %parallel_loop3A_279 : vector<16xi32>
        %parallel_loop3A_281 = tpu.vector_load_idx %arg9[%parallel_loop3A_277, %parallel_loop3A_280] : memref<256x32xi32, #tpu.memory_space<vmem>>[vector<16xi32>, vector<16xi32>], vector<16xi32>,
        %parallel_loop3A_282 = arith.constant 31 : i32
        %parallel_loop3A_283 = vector.broadcast %parallel_loop3A_282 : i32 to vector<16xi32>
        %parallel_loop3A_284 = arith.andi %parallel_loop3A_273, %parallel_loop3A_283 : vector<16xi32>
        %parallel_loop3A_285 = arith.shrui %parallel_loop3A_281, %parallel_loop3A_284 : vector<16xi32>
        %parallel_loop3A_286 = arith.constant 1 : i32
        %parallel_loop3A_287 = vector.broadcast %parallel_loop3A_286 : i32 to vector<16xi32>
        %parallel_loop3A_288 = arith.andi %parallel_loop3A_285, %parallel_loop3A_287 : vector<16xi32>
        %parallel_loop3A_289 = arith.constant 16 : i32
        %parallel_loop3A_290 = arith.muli %parallel_loop3A_161, %parallel_loop3A_289 : i32
        %parallel_loop3A_291 = arith.index_cast %parallel_loop3A_290 : i32 to index
        %parallel_loop3A_292 = tpu.vector_load %arg12[%parallel_loop3A_291] {strides = array<i32>} : memref<256xi32, #tpu.memory_space<vmem>>, vector<16xi32>,
        tpu.vector_store %arg12[%parallel_loop3A_291], %parallel_loop3A_288 {strides = array<i32>} : memref<256xi32, #tpu.memory_space<vmem>>, vector<16xi32>,
        %parallel_loop3A_293 = arith.constant 16 : i32
        %parallel_loop3A_294 = arith.muli %parallel_loop3A_161, %parallel_loop3A_293 : i32
        %parallel_loop3A_295 = arith.index_cast %and3A_134 : i32 to index
        %parallel_loop3A_296 = arith.index_cast %and3A_136 : i32 to index
        %parallel_loop3A_297 = arith.index_cast %parallel_loop3A_294 : i32 to index
        %parallel_loop3A_298 = tpu.vector_load %arg11[%parallel_loop3A_295, %parallel_loop3A_296, %parallel_loop3A_297] {strides = array<i32>} : memref<2x4x256xi32, #tpu.memory_space<vmem>>, vector<16xi32>,
        tpu.vector_store %arg11[%parallel_loop3A_295, %parallel_loop3A_296, %parallel_loop3A_297], %parallel_loop3A_273 {strides = array<i32>} : memref<2x4x256xi32, #tpu.memory_space<vmem>>, vector<16xi32>,
      } {sc.loop_unroll_factor = 16 : i64, sc.parallel_access}
      %and3A_139 = arith.constant 1 : i32
      %and3A_140 = arith.andi %scan3A_127, %and3A_139 : i32
      %mul3A_141 = arith.constant 4096 : i32
      %mul3A_142 = arith.muli %and3A_140, %mul3A_141 : i32
      %add3A = arith.addi %mul3A_142, %mul3A_0 : i32
      %dma_start3A = tpu.memref_slice %arg13[%add3A] : memref<8192xi32, #tpu.memory_space<vmem_shared>> -> memref<256xi32, #tpu.memory_space<vmem_shared>>
      %dma_start3A_143 = tpu.memref_slice %arg13[%add3A] : memref<8192xi32, #tpu.memory_space<vmem_shared>> -> memref<256xi32, #tpu.memory_space<vmem_shared>>
      tpu.enqueue_dma source(%arg12 : memref<256xi32, #tpu.memory_space<vmem>>) target(%dma_start3A_143 : memref<256xi32, #tpu.memory_space<vmem_shared>>) target_semaphore(%arg15 : memref<!tpu.dma_semaphore, #tpu.memory_space<semaphore_mem>>)
      %and3A_144 = arith.constant 3 : i32
      %and3A_145 = arith.andi %scan3A_127, %and3A_144 : i32
      %eq3A = arith.constant 0 : i32
      %eq3A_146 = arith.cmpi eq, %and3A_145, %eq3A : i32
      %ge3A = arith.constant 8 : i32
      %ge3A_147 = arith.cmpi sge, %scan3A_127, %ge3A : i32
      %and3A_148 = arith.andi %eq3A_146, %ge3A_147 : i1
      %convert_element_type3A = arith.extui %and3A_148 : i1 to i32
      %cond3A = arith.constant 0 : i32
      %cond3A_149 = arith.cmpi ne, %convert_element_type3A, %cond3A : i32
      scf.if %cond3A_149 {
        %sub3A = arith.constant 8 : i32
        %sub3A_161 = arith.subi %scan3A_127, %sub3A : i32
        %dma_wait3A_162 = arith.constant 0 : i32
        %dma_wait3A_163 = arith.constant 0 : i32
        %dma_wait3A_164 = tpu.memref_slice %arg11[%and3A_134, %dma_wait3A_162, %dma_wait3A_163] : memref<2x4x256xi32, #tpu.memory_space<vmem>> -> memref<1x4x256xi32, #tpu.memory_space<vmem>>
        %dma_wait3A_165 = tpu.memref_squeeze %dma_wait3A_164 : memref<1x4x256xi32, #tpu.memory_space<vmem>> -> memref<4x256xi32, #tpu.memory_space<vmem>>
        %dma_wait3A_166 = tpu.memref_slice %arg6[%sub3A_161, %mul3A_0] : memref<1024x4096xi32, #tpu.memory_space<hbm>> -> memref<4x256xi32, #tpu.memory_space<hbm>>
        %dma_wait3A_167 = tpu.memref_slice %arg6[%sub3A_161, %mul3A_0] : memref<1024x4096xi32, #tpu.memory_space<hbm>> -> memref<4x256xi32, #tpu.memory_space<hbm>>
        %dma_wait3A_168 = arith.constant 0 : i32
        %dma_wait3A_169 = arith.constant 0 : i32
        %dma_wait3A_170 = tpu.memref_slice %arg11[%and3A_134, %dma_wait3A_168, %dma_wait3A_169] : memref<2x4x256xi32, #tpu.memory_space<vmem>> -> memref<1x4x256xi32, #tpu.memory_space<vmem>>
        %dma_wait3A_171 = tpu.memref_squeeze %dma_wait3A_170 : memref<1x4x256xi32, #tpu.memory_space<vmem>> -> memref<4x256xi32, #tpu.memory_space<vmem>>
        tpu.wait_dma2 semaphore(%arg14 : memref<!tpu.dma_semaphore, #tpu.memory_space<semaphore_mem>>) src(%dma_wait3A_171 : memref<4x256xi32, #tpu.memory_space<vmem>>) dst(%dma_wait3A_167 : memref<4x256xi32, #tpu.memory_space<hbm>>)
      } else {
      }
      %and3A_150 = arith.constant 3 : i32
      %and3A_151 = arith.andi %scan3A_127, %and3A_150 : i32
      %eq3A_152 = arith.constant 3 : i32
      %eq3A_153 = arith.cmpi eq, %and3A_151, %eq3A_152 : i32
      %convert_element_type3A_154 = arith.extui %eq3A_153 : i1 to i32
      %cond3A_155 = arith.constant 0 : i32
      %cond3A_156 = arith.cmpi ne, %convert_element_type3A_154, %cond3A_155 : i32
      scf.if %cond3A_156 {
        %sub3A = arith.constant 3 : i32
        %sub3A_161 = arith.subi %scan3A_127, %sub3A : i32
        %dma_start3A_162 = arith.constant 0 : i32
        %dma_start3A_163 = arith.constant 0 : i32
        %dma_start3A_164 = tpu.memref_slice %arg11[%and3A_134, %dma_start3A_162, %dma_start3A_163] : memref<2x4x256xi32, #tpu.memory_space<vmem>> -> memref<1x4x256xi32, #tpu.memory_space<vmem>>
        %dma_start3A_165 = tpu.memref_squeeze %dma_start3A_164 : memref<1x4x256xi32, #tpu.memory_space<vmem>> -> memref<4x256xi32, #tpu.memory_space<vmem>>
        %dma_start3A_166 = tpu.memref_slice %arg6[%sub3A_161, %mul3A_0] : memref<1024x4096xi32, #tpu.memory_space<hbm>> -> memref<4x256xi32, #tpu.memory_space<hbm>>
        %dma_start3A_167 = tpu.memref_slice %arg6[%sub3A_161, %mul3A_0] : memref<1024x4096xi32, #tpu.memory_space<hbm>> -> memref<4x256xi32, #tpu.memory_space<hbm>>
        %dma_start3A_168 = arith.constant 0 : i32
        %dma_start3A_169 = arith.constant 0 : i32
        %dma_start3A_170 = tpu.memref_slice %arg11[%and3A_134, %dma_start3A_168, %dma_start3A_169] : memref<2x4x256xi32, #tpu.memory_space<vmem>> -> memref<1x4x256xi32, #tpu.memory_space<vmem>>
        %dma_start3A_171 = tpu.memref_squeeze %dma_start3A_170 : memref<1x4x256xi32, #tpu.memory_space<vmem>> -> memref<4x256xi32, #tpu.memory_space<vmem>>
        tpu.enqueue_dma source(%dma_start3A_171 : memref<4x256xi32, #tpu.memory_space<vmem>>) target(%dma_start3A_167 : memref<4x256xi32, #tpu.memory_space<hbm>>) target_semaphore(%arg14 : memref<!tpu.dma_semaphore, #tpu.memory_space<semaphore_mem>>)
      } else {
      }
      %dma_wait3A_157 = tpu.memref_slice %arg13[%add3A] : memref<8192xi32, #tpu.memory_space<vmem_shared>> -> memref<256xi32, #tpu.memory_space<vmem_shared>>
      %dma_wait3A_158 = tpu.memref_slice %arg13[%add3A] : memref<8192xi32, #tpu.memory_space<vmem_shared>> -> memref<256xi32, #tpu.memory_space<vmem_shared>>
      tpu.wait_dma2 semaphore(%arg15 : memref<!tpu.dma_semaphore, #tpu.memory_space<semaphore_mem>>) src(%arg12 : memref<256xi32, #tpu.memory_space<vmem>>) dst(%dma_wait3A_158 : memref<256xi32, #tpu.memory_space<vmem_shared>>)
      %barrier3A = arith.constant 0 : index
      tpu.barrier barrier_id(%barrier3A)
      %mul3A_159 = arith.constant 4096 : i32
      %mul3A_160 = arith.muli %and3A_140, %mul3A_159 : i32
      "tpu.region"() ({
        %run_scoped3A = tpu.sem_alloc : memref<!tpu.dma_semaphore, #tpu.memory_space<semaphore_mem>>
        %dma_start3A_161 = arith.constant 0 : i32
        %dma_start3A_162 = tpu.memref_slice %arg7[%dma_start3A_161] : memref<4112xi32, #tpu.memory_space<vmem>> -> memref<4096xi32, #tpu.memory_space<vmem>>
        %dma_start3A_163 = tpu.memref_slice %arg13[%mul3A_160] : memref<8192xi32, #tpu.memory_space<vmem_shared>> -> memref<4096xi32, #tpu.memory_space<vmem_shared>>
        %dma_start3A_164 = arith.constant 0 : i32
        %dma_start3A_165 = tpu.memref_slice %arg7[%dma_start3A_164] : memref<4112xi32, #tpu.memory_space<vmem>> -> memref<4096xi32, #tpu.memory_space<vmem>>
        %dma_start3A_166 = tpu.memref_slice %arg13[%mul3A_160] : memref<8192xi32, #tpu.memory_space<vmem_shared>> -> memref<4096xi32, #tpu.memory_space<vmem_shared>>
        tpu.enqueue_dma source(%dma_start3A_166 : memref<4096xi32, #tpu.memory_space<vmem_shared>>) target(%dma_start3A_165 : memref<4096xi32, #tpu.memory_space<vmem>>) target_semaphore(%run_scoped3A : memref<!tpu.dma_semaphore, #tpu.memory_space<semaphore_mem>>)
        %dma_wait3A_167 = arith.constant 0 : i32
        %dma_wait3A_168 = tpu.memref_slice %arg7[%dma_wait3A_167] : memref<4112xi32, #tpu.memory_space<vmem>> -> memref<4096xi32, #tpu.memory_space<vmem>>
        %dma_wait3A_169 = tpu.memref_slice %arg13[%mul3A_160] : memref<8192xi32, #tpu.memory_space<vmem_shared>> -> memref<4096xi32, #tpu.memory_space<vmem_shared>>
        %dma_wait3A_170 = arith.constant 0 : i32
        %dma_wait3A_171 = tpu.memref_slice %arg7[%dma_wait3A_170] : memref<4112xi32, #tpu.memory_space<vmem>> -> memref<4096xi32, #tpu.memory_space<vmem>>
        %dma_wait3A_172 = tpu.memref_slice %arg13[%mul3A_160] : memref<8192xi32, #tpu.memory_space<vmem_shared>> -> memref<4096xi32, #tpu.memory_space<vmem_shared>>
        tpu.wait_dma2 semaphore(%run_scoped3A : memref<!tpu.dma_semaphore, #tpu.memory_space<semaphore_mem>>) src(%dma_wait3A_172 : memref<4096xi32, #tpu.memory_space<vmem_shared>>) dst(%dma_wait3A_171 : memref<4096xi32, #tpu.memory_space<vmem>>)
        tpu.yield
      }) : () -> ()
    }
    %scan3A_101 = arith.constant 1023 : i32
    %dma_wait3A = arith.constant 0 : i32
    %dma_wait3A_102 = arith.constant 0 : i32
    %dma_wait3A_103 = arith.constant 0 : i32
    %dma_wait3A_104 = tpu.memref_slice %arg11[%dma_wait3A, %dma_wait3A_102, %dma_wait3A_103] : memref<2x4x256xi32, #tpu.memory_space<vmem>> -> memref<1x4x256xi32, #tpu.memory_space<vmem>>
    %dma_wait3A_105 = tpu.memref_squeeze %dma_wait3A_104 : memref<1x4x256xi32, #tpu.memory_space<vmem>> -> memref<4x256xi32, #tpu.memory_space<vmem>>
    %dma_wait3A_106 = arith.constant 1016 : i32
    %dma_wait3A_107 = tpu.memref_slice %arg6[%dma_wait3A_106, %mul3A_0] : memref<1024x4096xi32, #tpu.memory_space<hbm>> -> memref<4x256xi32, #tpu.memory_space<hbm>>
    %dma_wait3A_108 = arith.constant 1016 : i32
    %dma_wait3A_109 = tpu.memref_slice %arg6[%dma_wait3A_108, %mul3A_0] : memref<1024x4096xi32, #tpu.memory_space<hbm>> -> memref<4x256xi32, #tpu.memory_space<hbm>>
    %dma_wait3A_110 = arith.constant 0 : i32
    %dma_wait3A_111 = arith.constant 0 : i32
    %dma_wait3A_112 = tpu.memref_slice %arg11[%dma_wait3A, %dma_wait3A_110, %dma_wait3A_111] : memref<2x4x256xi32, #tpu.memory_space<vmem>> -> memref<1x4x256xi32, #tpu.memory_space<vmem>>
    %dma_wait3A_113 = tpu.memref_squeeze %dma_wait3A_112 : memref<1x4x256xi32, #tpu.memory_space<vmem>> -> memref<4x256xi32, #tpu.memory_space<vmem>>
    tpu.wait_dma2 semaphore(%arg14 : memref<!tpu.dma_semaphore, #tpu.memory_space<semaphore_mem>>) src(%dma_wait3A_113 : memref<4x256xi32, #tpu.memory_space<vmem>>) dst(%dma_wait3A_109 : memref<4x256xi32, #tpu.memory_space<hbm>>)
    %dma_wait3A_114 = arith.constant 1 : i32
    %dma_wait3A_115 = arith.constant 0 : i32
    %dma_wait3A_116 = arith.constant 0 : i32
    %dma_wait3A_117 = tpu.memref_slice %arg11[%dma_wait3A_114, %dma_wait3A_115, %dma_wait3A_116] : memref<2x4x256xi32, #tpu.memory_space<vmem>> -> memref<1x4x256xi32, #tpu.memory_space<vmem>>
    %dma_wait3A_118 = tpu.memref_squeeze %dma_wait3A_117 : memref<1x4x256xi32, #tpu.memory_space<vmem>> -> memref<4x256xi32, #tpu.memory_space<vmem>>
    %dma_wait3A_119 = arith.constant 1020 : i32
    %dma_wait3A_120 = tpu.memref_slice %arg6[%dma_wait3A_119, %mul3A_0] : memref<1024x4096xi32, #tpu.memory_space<hbm>> -> memref<4x256xi32, #tpu.memory_space<hbm>>
    %dma_wait3A_121 = arith.constant 1020 : i32
    %dma_wait3A_122 = tpu.memref_slice %arg6[%dma_wait3A_121, %mul3A_0] : memref<1024x4096xi32, #tpu.memory_space<hbm>> -> memref<4x256xi32, #tpu.memory_space<hbm>>
    %dma_wait3A_123 = arith.constant 0 : i32
    %dma_wait3A_124 = arith.constant 0 : i32
    %dma_wait3A_125 = tpu.memref_slice %arg11[%dma_wait3A_114, %dma_wait3A_123, %dma_wait3A_124] : memref<2x4x256xi32, #tpu.memory_space<vmem>> -> memref<1x4x256xi32, #tpu.memory_space<vmem>>
    %dma_wait3A_126 = tpu.memref_squeeze %dma_wait3A_125 : memref<1x4x256xi32, #tpu.memory_space<vmem>> -> memref<4x256xi32, #tpu.memory_space<vmem>>
    tpu.wait_dma2 semaphore(%arg14 : memref<!tpu.dma_semaphore, #tpu.memory_space<semaphore_mem>>) src(%dma_wait3A_126 : memref<4x256xi32, #tpu.memory_space<vmem>>) dst(%dma_wait3A_122 : memref<4x256xi32, #tpu.memory_space<hbm>>)
    return
  }
}

#map = affine_map<(d0, d1) -> (0, 0)>
#map1 = affine_map<(d0, d1) -> (0)>
module attributes {stable_mosaic.version = 14 : i64} {
  func.func @_gather_kernel(%arg0: i32, %arg1: i32, %arg2: memref<4096x1024xf32, #tpu.memory_space<hbm>>, %arg3: memref<1024x4096xi32, #tpu.memory_space<hbm>>, %arg4: memref<4096xf32, #tpu.memory_space<hbm>>, %arg5: memref<1024x4096xf32, #tpu.memory_space<hbm>>, %arg6: memref<2x16x1024xf32, #tpu.memory_space<vmem>>, %arg7: memref<2x1024x16xi32, #tpu.memory_space<vmem>>, %arg8: memref<2x1024x16xf32, #tpu.memory_space<vmem>>, %arg9: memref<128xf32, #tpu.memory_space<vmem>>, %arg10: memref<!tpu.dma_semaphore, #tpu.memory_space<semaphore_mem>>, %arg11: memref<!tpu.dma_semaphore, #tpu.memory_space<semaphore_mem>>, %arg12: memref<!tpu.dma_semaphore, #tpu.memory_space<semaphore_mem>>) attributes {dimension_semantics = [#tpu.dimension_semantics<core_parallel>, #tpu.dimension_semantics<subcore_parallel>], iteration_bounds = array<i64: 2, 16>, scalar_prefetch = 0 : i64, scratch_operands = 7 : i64, tpu.core_type = #tpu.core_type<sc_vector_subcore>, window_params = [{transform_indices = #map}, {transform_indices = #map}, {transform_indices = #map1}, {transform_indices = #map}]} {
    %mul3A = arith.constant 16 : i32
    %mul3A_0 = arith.muli %arg0, %mul3A : i32
    %add3A = arith.addi %mul3A_0, %arg1 : i32
    %mul3A_1 = arith.constant 128 : i32
    %mul3A_2 = arith.muli %add3A, %mul3A_1 : i32
    %iota3A = tpu.iota {dimensions = array<i32: 0>} : vector<16xi32>
    %add3A_3 = arith.constant 0 : i32
    %add3A_4 = arith.addi %mul3A_2, %add3A_3 : i32
    %dma_start3A = arith.constant 0 : i32
    %dma_start3A_5 = arith.constant 0 : i32
    %dma_start3A_6 = arith.constant 0 : i32
    %dma_start3A_7 = tpu.memref_slice %arg6[%dma_start3A, %dma_start3A_5, %dma_start3A_6] : memref<2x16x1024xf32, #tpu.memory_space<vmem>> -> memref<1x16x1024xf32, #tpu.memory_space<vmem>>
    %dma_start3A_8 = tpu.memref_squeeze %dma_start3A_7 : memref<1x16x1024xf32, #tpu.memory_space<vmem>> -> memref<16x1024xf32, #tpu.memory_space<vmem>>
    %dma_start3A_9 = arith.constant 0 : i32
    %dma_start3A_10 = tpu.memref_slice %arg2[%add3A_4, %dma_start3A_9] : memref<4096x1024xf32, #tpu.memory_space<hbm>> -> memref<16x1024xf32, #tpu.memory_space<hbm>>
    %dma_start3A_11 = arith.constant 0 : i32
    %dma_start3A_12 = arith.constant 0 : i32
    %dma_start3A_13 = tpu.memref_slice %arg6[%dma_start3A, %dma_start3A_11, %dma_start3A_12] : memref<2x16x1024xf32, #tpu.memory_space<vmem>> -> memref<1x16x1024xf32, #tpu.memory_space<vmem>>
    %dma_start3A_14 = tpu.memref_squeeze %dma_start3A_13 : memref<1x16x1024xf32, #tpu.memory_space<vmem>> -> memref<16x1024xf32, #tpu.memory_space<vmem>>
    %dma_start3A_15 = arith.constant 0 : i32
    %dma_start3A_16 = tpu.memref_slice %arg2[%add3A_4, %dma_start3A_15] : memref<4096x1024xf32, #tpu.memory_space<hbm>> -> memref<16x1024xf32, #tpu.memory_space<hbm>>
    tpu.enqueue_dma source(%dma_start3A_16 : memref<16x1024xf32, #tpu.memory_space<hbm>>) target(%dma_start3A_14 : memref<16x1024xf32, #tpu.memory_space<vmem>>) target_semaphore(%arg10 : memref<!tpu.dma_semaphore, #tpu.memory_space<semaphore_mem>>)
    %dma_start3A_17 = arith.constant 0 : i32
    %dma_start3A_18 = arith.constant 0 : i32
    %dma_start3A_19 = arith.constant 0 : i32
    %dma_start3A_20 = tpu.memref_slice %arg7[%dma_start3A_17, %dma_start3A_18, %dma_start3A_19] : memref<2x1024x16xi32, #tpu.memory_space<vmem>> -> memref<1x1024x16xi32, #tpu.memory_space<vmem>>
    %dma_start3A_21 = tpu.memref_squeeze %dma_start3A_20 : memref<1x1024x16xi32, #tpu.memory_space<vmem>> -> memref<1024x16xi32, #tpu.memory_space<vmem>>
    %dma_start3A_22 = arith.constant 0 : i32
    %dma_start3A_23 = tpu.memref_slice %arg3[%dma_start3A_22, %add3A_4] : memref<1024x4096xi32, #tpu.memory_space<hbm>> -> memref<1024x16xi32, #tpu.memory_space<hbm>>
    %dma_start3A_24 = arith.constant 0 : i32
    %dma_start3A_25 = arith.constant 0 : i32
    %dma_start3A_26 = tpu.memref_slice %arg7[%dma_start3A_17, %dma_start3A_24, %dma_start3A_25] : memref<2x1024x16xi32, #tpu.memory_space<vmem>> -> memref<1x1024x16xi32, #tpu.memory_space<vmem>>
    %dma_start3A_27 = tpu.memref_squeeze %dma_start3A_26 : memref<1x1024x16xi32, #tpu.memory_space<vmem>> -> memref<1024x16xi32, #tpu.memory_space<vmem>>
    %dma_start3A_28 = arith.constant 0 : i32
    %dma_start3A_29 = tpu.memref_slice %arg3[%dma_start3A_28, %add3A_4] : memref<1024x4096xi32, #tpu.memory_space<hbm>> -> memref<1024x16xi32, #tpu.memory_space<hbm>>
    tpu.enqueue_dma source(%dma_start3A_29 : memref<1024x16xi32, #tpu.memory_space<hbm>>) target(%dma_start3A_27 : memref<1024x16xi32, #tpu.memory_space<vmem>>) target_semaphore(%arg11 : memref<!tpu.dma_semaphore, #tpu.memory_space<semaphore_mem>>)
    %add3A_30 = arith.constant 0 : i32
    %add3A_31 = arith.addi %mul3A_2, %add3A_30 : i32
    %add3A_32 = arith.constant 16 : i32
    %add3A_33 = arith.addi %mul3A_2, %add3A_32 : i32
    %dma_start3A_34 = arith.constant 1 : i32
    %dma_start3A_35 = arith.constant 0 : i32
    %dma_start3A_36 = arith.constant 0 : i32
    %dma_start3A_37 = tpu.memref_slice %arg6[%dma_start3A_34, %dma_start3A_35, %dma_start3A_36] : memref<2x16x1024xf32, #tpu.memory_space<vmem>> -> memref<1x16x1024xf32, #tpu.memory_space<vmem>>
    %dma_start3A_38 = tpu.memref_squeeze %dma_start3A_37 : memref<1x16x1024xf32, #tpu.memory_space<vmem>> -> memref<16x1024xf32, #tpu.memory_space<vmem>>
    %dma_start3A_39 = arith.constant 0 : i32
    %dma_start3A_40 = tpu.memref_slice %arg2[%add3A_33, %dma_start3A_39] : memref<4096x1024xf32, #tpu.memory_space<hbm>> -> memref<16x1024xf32, #tpu.memory_space<hbm>>
    %dma_start3A_41 = arith.constant 0 : i32
    %dma_start3A_42 = arith.constant 0 : i32
    %dma_start3A_43 = tpu.memref_slice %arg6[%dma_start3A_34, %dma_start3A_41, %dma_start3A_42] : memref<2x16x1024xf32, #tpu.memory_space<vmem>> -> memref<1x16x1024xf32, #tpu.memory_space<vmem>>
    %dma_start3A_44 = tpu.memref_squeeze %dma_start3A_43 : memref<1x16x1024xf32, #tpu.memory_space<vmem>> -> memref<16x1024xf32, #tpu.memory_space<vmem>>
    %dma_start3A_45 = arith.constant 0 : i32
    %dma_start3A_46 = tpu.memref_slice %arg2[%add3A_33, %dma_start3A_45] : memref<4096x1024xf32, #tpu.memory_space<hbm>> -> memref<16x1024xf32, #tpu.memory_space<hbm>>
    tpu.enqueue_dma source(%dma_start3A_46 : memref<16x1024xf32, #tpu.memory_space<hbm>>) target(%dma_start3A_44 : memref<16x1024xf32, #tpu.memory_space<vmem>>) target_semaphore(%arg10 : memref<!tpu.dma_semaphore, #tpu.memory_space<semaphore_mem>>)
    %dma_start3A_47 = arith.constant 1 : i32
    %dma_start3A_48 = arith.constant 0 : i32
    %dma_start3A_49 = arith.constant 0 : i32
    %dma_start3A_50 = tpu.memref_slice %arg7[%dma_start3A_47, %dma_start3A_48, %dma_start3A_49] : memref<2x1024x16xi32, #tpu.memory_space<vmem>> -> memref<1x1024x16xi32, #tpu.memory_space<vmem>>
    %dma_start3A_51 = tpu.memref_squeeze %dma_start3A_50 : memref<1x1024x16xi32, #tpu.memory_space<vmem>> -> memref<1024x16xi32, #tpu.memory_space<vmem>>
    %dma_start3A_52 = arith.constant 0 : i32
    %dma_start3A_53 = tpu.memref_slice %arg3[%dma_start3A_52, %add3A_33] : memref<1024x4096xi32, #tpu.memory_space<hbm>> -> memref<1024x16xi32, #tpu.memory_space<hbm>>
    %dma_start3A_54 = arith.constant 0 : i32
    %dma_start3A_55 = arith.constant 0 : i32
    %dma_start3A_56 = tpu.memref_slice %arg7[%dma_start3A_47, %dma_start3A_54, %dma_start3A_55] : memref<2x1024x16xi32, #tpu.memory_space<vmem>> -> memref<1x1024x16xi32, #tpu.memory_space<vmem>>
    %dma_start3A_57 = tpu.memref_squeeze %dma_start3A_56 : memref<1x1024x16xi32, #tpu.memory_space<vmem>> -> memref<1024x16xi32, #tpu.memory_space<vmem>>
    %dma_start3A_58 = arith.constant 0 : i32
    %dma_start3A_59 = tpu.memref_slice %arg3[%dma_start3A_58, %add3A_33] : memref<1024x4096xi32, #tpu.memory_space<hbm>> -> memref<1024x16xi32, #tpu.memory_space<hbm>>
    tpu.enqueue_dma source(%dma_start3A_59 : memref<1024x16xi32, #tpu.memory_space<hbm>>) target(%dma_start3A_57 : memref<1024x16xi32, #tpu.memory_space<vmem>>) target_semaphore(%arg11 : memref<!tpu.dma_semaphore, #tpu.memory_space<semaphore_mem>>)
    %dma_wait3A = arith.constant 0 : i32
    %dma_wait3A_60 = arith.constant 0 : i32
    %dma_wait3A_61 = arith.constant 0 : i32
    %dma_wait3A_62 = tpu.memref_slice %arg6[%dma_wait3A, %dma_wait3A_60, %dma_wait3A_61] : memref<2x16x1024xf32, #tpu.memory_space<vmem>> -> memref<1x16x1024xf32, #tpu.memory_space<vmem>>
    %dma_wait3A_63 = tpu.memref_squeeze %dma_wait3A_62 : memref<1x16x1024xf32, #tpu.memory_space<vmem>> -> memref<16x1024xf32, #tpu.memory_space<vmem>>
    %dma_wait3A_64 = arith.constant 0 : i32
    %dma_wait3A_65 = tpu.memref_slice %arg2[%add3A_31, %dma_wait3A_64] : memref<4096x1024xf32, #tpu.memory_space<hbm>> -> memref<16x1024xf32, #tpu.memory_space<hbm>>
    %dma_wait3A_66 = arith.constant 0 : i32
    %dma_wait3A_67 = arith.constant 0 : i32
    %dma_wait3A_68 = tpu.memref_slice %arg6[%dma_wait3A, %dma_wait3A_66, %dma_wait3A_67] : memref<2x16x1024xf32, #tpu.memory_space<vmem>> -> memref<1x16x1024xf32, #tpu.memory_space<vmem>>
    %dma_wait3A_69 = tpu.memref_squeeze %dma_wait3A_68 : memref<1x16x1024xf32, #tpu.memory_space<vmem>> -> memref<16x1024xf32, #tpu.memory_space<vmem>>
    %dma_wait3A_70 = arith.constant 0 : i32
    %dma_wait3A_71 = tpu.memref_slice %arg2[%add3A_31, %dma_wait3A_70] : memref<4096x1024xf32, #tpu.memory_space<hbm>> -> memref<16x1024xf32, #tpu.memory_space<hbm>>
    tpu.wait_dma2 semaphore(%arg10 : memref<!tpu.dma_semaphore, #tpu.memory_space<semaphore_mem>>) src(%dma_wait3A_71 : memref<16x1024xf32, #tpu.memory_space<hbm>>) dst(%dma_wait3A_69 : memref<16x1024xf32, #tpu.memory_space<vmem>>)
    %dma_wait3A_72 = arith.constant 0 : i32
    %dma_wait3A_73 = arith.constant 0 : i32
    %dma_wait3A_74 = arith.constant 0 : i32
    %dma_wait3A_75 = tpu.memref_slice %arg7[%dma_wait3A_72, %dma_wait3A_73, %dma_wait3A_74] : memref<2x1024x16xi32, #tpu.memory_space<vmem>> -> memref<1x1024x16xi32, #tpu.memory_space<vmem>>
    %dma_wait3A_76 = tpu.memref_squeeze %dma_wait3A_75 : memref<1x1024x16xi32, #tpu.memory_space<vmem>> -> memref<1024x16xi32, #tpu.memory_space<vmem>>
    %dma_wait3A_77 = arith.constant 0 : i32
    %dma_wait3A_78 = tpu.memref_slice %arg3[%dma_wait3A_77, %add3A_31] : memref<1024x4096xi32, #tpu.memory_space<hbm>> -> memref<1024x16xi32, #tpu.memory_space<hbm>>
    %dma_wait3A_79 = arith.constant 0 : i32
    %dma_wait3A_80 = arith.constant 0 : i32
    %dma_wait3A_81 = tpu.memref_slice %arg7[%dma_wait3A_72, %dma_wait3A_79, %dma_wait3A_80] : memref<2x1024x16xi32, #tpu.memory_space<vmem>> -> memref<1x1024x16xi32, #tpu.memory_space<vmem>>
    %dma_wait3A_82 = tpu.memref_squeeze %dma_wait3A_81 : memref<1x1024x16xi32, #tpu.memory_space<vmem>> -> memref<1024x16xi32, #tpu.memory_space<vmem>>
    %dma_wait3A_83 = arith.constant 0 : i32
    %dma_wait3A_84 = tpu.memref_slice %arg3[%dma_wait3A_83, %add3A_31] : memref<1024x4096xi32, #tpu.memory_space<hbm>> -> memref<1024x16xi32, #tpu.memory_space<hbm>>
    tpu.wait_dma2 semaphore(%arg11 : memref<!tpu.dma_semaphore, #tpu.memory_space<semaphore_mem>>) src(%dma_wait3A_84 : memref<1024x16xi32, #tpu.memory_space<hbm>>) dst(%dma_wait3A_82 : memref<1024x16xi32, #tpu.memory_space<vmem>>)
    %parallel_loop3A = arith.constant 0 : i32
    %parallel_loop3A_85 = arith.constant 1024 : i32
    %parallel_loop3A_86 = arith.constant 1 : i32
    %parallel_loop3A_87 = arith.constant 0 : i32
    %parallel_loop3A_88 = arith.constant 0 : i32
    %parallel_loop3A_89 = arith.constant 0 : i32
    scf.for %parallel_loop3A_720 = %parallel_loop3A to %parallel_loop3A_85 step %parallel_loop3A_86  : i32 {
      %parallel_loop3A_721 = arith.constant 0 : i32
      %parallel_loop3A_722 = vector.broadcast %parallel_loop3A_721 : i32 to vector<16xi32>
      %parallel_loop3A_723 = vector.broadcast %parallel_loop3A_720 : i32 to vector<16xi32>
      %parallel_loop3A_724 = arith.addi %parallel_loop3A_722, %parallel_loop3A_723 : vector<16xi32>
      %parallel_loop3A_725 = arith.constant 0 : i32
      %parallel_loop3A_726 = arith.constant 0 : i32
      %parallel_loop3A_727 = tpu.memref_slice %arg7[%parallel_loop3A_87, %parallel_loop3A_725, %parallel_loop3A_726] : memref<2x1024x16xi32, #tpu.memory_space<vmem>> -> memref<1x1024x16xi32, #tpu.memory_space<vmem>>
      %parallel_loop3A_728 = tpu.memref_squeeze %parallel_loop3A_727 : memref<1x1024x16xi32, #tpu.memory_space<vmem>> -> memref<1024x16xi32, #tpu.memory_space<vmem>>
      %parallel_loop3A_729 = tpu.vector_load_idx %parallel_loop3A_728[%parallel_loop3A_724, %iota3A] : memref<1024x16xi32, #tpu.memory_space<vmem>>[vector<16xi32>, vector<16xi32>], vector<16xi32>,
      %parallel_loop3A_730 = arith.constant 0 : i32
      %parallel_loop3A_731 = arith.constant 0 : i32
      %parallel_loop3A_732 = tpu.memref_slice %arg6[%parallel_loop3A_88, %parallel_loop3A_730, %parallel_loop3A_731] : memref<2x16x1024xf32, #tpu.memory_space<vmem>> -> memref<1x16x1024xf32, #tpu.memory_space<vmem>>
      %parallel_loop3A_733 = tpu.memref_squeeze %parallel_loop3A_732 : memref<1x16x1024xf32, #tpu.memory_space<vmem>> -> memref<16x1024xf32, #tpu.memory_space<vmem>>
      %parallel_loop3A_734 = tpu.vector_load_idx %parallel_loop3A_733[%iota3A, %parallel_loop3A_729] : memref<16x1024xf32, #tpu.memory_space<vmem>>[vector<16xi32>, vector<16xi32>], vector<16xf32>,
      %parallel_loop3A_735 = arith.constant 0 : i32
      %parallel_loop3A_736 = arith.constant 0 : i32
      %parallel_loop3A_737 = tpu.memref_slice %arg8[%parallel_loop3A_89, %parallel_loop3A_735, %parallel_loop3A_736] : memref<2x1024x16xf32, #tpu.memory_space<vmem>> -> memref<1x1024x16xf32, #tpu.memory_space<vmem>>
      %parallel_loop3A_738 = tpu.memref_squeeze %parallel_loop3A_737 : memref<1x1024x16xf32, #tpu.memory_space<vmem>> -> memref<1024x16xf32, #tpu.memory_space<vmem>>
      tpu.vector_store_idx %parallel_loop3A_738[%parallel_loop3A_724, %iota3A], %parallel_loop3A_734 : memref<1024x16xf32, #tpu.memory_space<vmem>>[vector<16xi32>, vector<16xi32>], vector<16xf32>,
    } {sc.loop_unroll_factor = 16 : i64, sc.parallel_access}
    %dma_start3A_90 = arith.constant 0 : i32
    %dma_start3A_91 = arith.constant 0 : i32
    %dma_start3A_92 = arith.constant 0 : i32
    %dma_start3A_93 = tpu.memref_slice %arg8[%dma_start3A_90, %dma_start3A_91, %dma_start3A_92] : memref<2x1024x16xf32, #tpu.memory_space<vmem>> -> memref<1x1024x16xf32, #tpu.memory_space<vmem>>
    %dma_start3A_94 = tpu.memref_squeeze %dma_start3A_93 : memref<1x1024x16xf32, #tpu.memory_space<vmem>> -> memref<1024x16xf32, #tpu.memory_space<vmem>>
    %dma_start3A_95 = arith.constant 0 : i32
    %dma_start3A_96 = tpu.memref_slice %arg5[%dma_start3A_95, %add3A_31] : memref<1024x4096xf32, #tpu.memory_space<hbm>> -> memref<1024x16xf32, #tpu.memory_space<hbm>>
    %dma_start3A_97 = arith.constant 0 : i32
    %dma_start3A_98 = tpu.memref_slice %arg5[%dma_start3A_97, %add3A_31] : memref<1024x4096xf32, #tpu.memory_space<hbm>> -> memref<1024x16xf32, #tpu.memory_space<hbm>>
    %dma_start3A_99 = arith.constant 0 : i32
    %dma_start3A_100 = arith.constant 0 : i32
    %dma_start3A_101 = tpu.memref_slice %arg8[%dma_start3A_90, %dma_start3A_99, %dma_start3A_100] : memref<2x1024x16xf32, #tpu.memory_space<vmem>> -> memref<1x1024x16xf32, #tpu.memory_space<vmem>>
    %dma_start3A_102 = tpu.memref_squeeze %dma_start3A_101 : memref<1x1024x16xf32, #tpu.memory_space<vmem>> -> memref<1024x16xf32, #tpu.memory_space<vmem>>
    tpu.enqueue_dma source(%dma_start3A_102 : memref<1024x16xf32, #tpu.memory_space<vmem>>) target(%dma_start3A_98 : memref<1024x16xf32, #tpu.memory_space<hbm>>) target_semaphore(%arg12 : memref<!tpu.dma_semaphore, #tpu.memory_space<semaphore_mem>>)
    %add3A_103 = arith.constant 16 : i32
    %add3A_104 = arith.addi %mul3A_2, %add3A_103 : i32
    %add3A_105 = arith.constant 32 : i32
    %add3A_106 = arith.addi %mul3A_2, %add3A_105 : i32
    %dma_start3A_107 = arith.constant 0 : i32
    %dma_start3A_108 = arith.constant 0 : i32
    %dma_start3A_109 = arith.constant 0 : i32
    %dma_start3A_110 = tpu.memref_slice %arg6[%dma_start3A_107, %dma_start3A_108, %dma_start3A_109] : memref<2x16x1024xf32, #tpu.memory_space<vmem>> -> memref<1x16x1024xf32, #tpu.memory_space<vmem>>
    %dma_start3A_111 = tpu.memref_squeeze %dma_start3A_110 : memref<1x16x1024xf32, #tpu.memory_space<vmem>> -> memref<16x1024xf32, #tpu.memory_space<vmem>>
    %dma_start3A_112 = arith.constant 0 : i32
    %dma_start3A_113 = tpu.memref_slice %arg2[%add3A_106, %dma_start3A_112] : memref<4096x1024xf32, #tpu.memory_space<hbm>> -> memref<16x1024xf32, #tpu.memory_space<hbm>>
    %dma_start3A_114 = arith.constant 0 : i32
    %dma_start3A_115 = arith.constant 0 : i32
    %dma_start3A_116 = tpu.memref_slice %arg6[%dma_start3A_107, %dma_start3A_114, %dma_start3A_115] : memref<2x16x1024xf32, #tpu.memory_space<vmem>> -> memref<1x16x1024xf32, #tpu.memory_space<vmem>>
    %dma_start3A_117 = tpu.memref_squeeze %dma_start3A_116 : memref<1x16x1024xf32, #tpu.memory_space<vmem>> -> memref<16x1024xf32, #tpu.memory_space<vmem>>
    %dma_start3A_118 = arith.constant 0 : i32
    %dma_start3A_119 = tpu.memref_slice %arg2[%add3A_106, %dma_start3A_118] : memref<4096x1024xf32, #tpu.memory_space<hbm>> -> memref<16x1024xf32, #tpu.memory_space<hbm>>
    tpu.enqueue_dma source(%dma_start3A_119 : memref<16x1024xf32, #tpu.memory_space<hbm>>) target(%dma_start3A_117 : memref<16x1024xf32, #tpu.memory_space<vmem>>) target_semaphore(%arg10 : memref<!tpu.dma_semaphore, #tpu.memory_space<semaphore_mem>>)
    %dma_start3A_120 = arith.constant 0 : i32
    %dma_start3A_121 = arith.constant 0 : i32
    %dma_start3A_122 = arith.constant 0 : i32
    %dma_start3A_123 = tpu.memref_slice %arg7[%dma_start3A_120, %dma_start3A_121, %dma_start3A_122] : memref<2x1024x16xi32, #tpu.memory_space<vmem>> -> memref<1x1024x16xi32, #tpu.memory_space<vmem>>
    %dma_start3A_124 = tpu.memref_squeeze %dma_start3A_123 : memref<1x1024x16xi32, #tpu.memory_space<vmem>> -> memref<1024x16xi32, #tpu.memory_space<vmem>>
    %dma_start3A_125 = arith.constant 0 : i32
    %dma_start3A_126 = tpu.memref_slice %arg3[%dma_start3A_125, %add3A_106] : memref<1024x4096xi32, #tpu.memory_space<hbm>> -> memref<1024x16xi32, #tpu.memory_space<hbm>>
    %dma_start3A_127 = arith.constant 0 : i32
    %dma_start3A_128 = arith.constant 0 : i32
    %dma_start3A_129 = tpu.memref_slice %arg7[%dma_start3A_120, %dma_start3A_127, %dma_start3A_128] : memref<2x1024x16xi32, #tpu.memory_space<vmem>> -> memref<1x1024x16xi32, #tpu.memory_space<vmem>>
    %dma_start3A_130 = tpu.memref_squeeze %dma_start3A_129 : memref<1x1024x16xi32, #tpu.memory_space<vmem>> -> memref<1024x16xi32, #tpu.memory_space<vmem>>
    %dma_start3A_131 = arith.constant 0 : i32
    %dma_start3A_132 = tpu.memref_slice %arg3[%dma_start3A_131, %add3A_106] : memref<1024x4096xi32, #tpu.memory_space<hbm>> -> memref<1024x16xi32, #tpu.memory_space<hbm>>
    tpu.enqueue_dma source(%dma_start3A_132 : memref<1024x16xi32, #tpu.memory_space<hbm>>) target(%dma_start3A_130 : memref<1024x16xi32, #tpu.memory_space<vmem>>) target_semaphore(%arg11 : memref<!tpu.dma_semaphore, #tpu.memory_space<semaphore_mem>>)
    %dma_wait3A_133 = arith.constant 1 : i32
    %dma_wait3A_134 = arith.constant 0 : i32
    %dma_wait3A_135 = arith.constant 0 : i32
    %dma_wait3A_136 = tpu.memref_slice %arg6[%dma_wait3A_133, %dma_wait3A_134, %dma_wait3A_135] : memref<2x16x1024xf32, #tpu.memory_space<vmem>> -> memref<1x16x1024xf32, #tpu.memory_space<vmem>>
    %dma_wait3A_137 = tpu.memref_squeeze %dma_wait3A_136 : memref<1x16x1024xf32, #tpu.memory_space<vmem>> -> memref<16x1024xf32, #tpu.memory_space<vmem>>
    %dma_wait3A_138 = arith.constant 0 : i32
    %dma_wait3A_139 = tpu.memref_slice %arg2[%add3A_104, %dma_wait3A_138] : memref<4096x1024xf32, #tpu.memory_space<hbm>> -> memref<16x1024xf32, #tpu.memory_space<hbm>>
    %dma_wait3A_140 = arith.constant 0 : i32
    %dma_wait3A_141 = arith.constant 0 : i32
    %dma_wait3A_142 = tpu.memref_slice %arg6[%dma_wait3A_133, %dma_wait3A_140, %dma_wait3A_141] : memref<2x16x1024xf32, #tpu.memory_space<vmem>> -> memref<1x16x1024xf32, #tpu.memory_space<vmem>>
    %dma_wait3A_143 = tpu.memref_squeeze %dma_wait3A_142 : memref<1x16x1024xf32, #tpu.memory_space<vmem>> -> memref<16x1024xf32, #tpu.memory_space<vmem>>
    %dma_wait3A_144 = arith.constant 0 : i32
    %dma_wait3A_145 = tpu.memref_slice %arg2[%add3A_104, %dma_wait3A_144] : memref<4096x1024xf32, #tpu.memory_space<hbm>> -> memref<16x1024xf32, #tpu.memory_space<hbm>>
    tpu.wait_dma2 semaphore(%arg10 : memref<!tpu.dma_semaphore, #tpu.memory_space<semaphore_mem>>) src(%dma_wait3A_145 : memref<16x1024xf32, #tpu.memory_space<hbm>>) dst(%dma_wait3A_143 : memref<16x1024xf32, #tpu.memory_space<vmem>>)
    %dma_wait3A_146 = arith.constant 1 : i32
    %dma_wait3A_147 = arith.constant 0 : i32
    %dma_wait3A_148 = arith.constant 0 : i32
    %dma_wait3A_149 = tpu.memref_slice %arg7[%dma_wait3A_146, %dma_wait3A_147, %dma_wait3A_148] : memref<2x1024x16xi32, #tpu.memory_space<vmem>> -> memref<1x1024x16xi32, #tpu.memory_space<vmem>>
    %dma_wait3A_150 = tpu.memref_squeeze %dma_wait3A_149 : memref<1x1024x16xi32, #tpu.memory_space<vmem>> -> memref<1024x16xi32, #tpu.memory_space<vmem>>
    %dma_wait3A_151 = arith.constant 0 : i32
    %dma_wait3A_152 = tpu.memref_slice %arg3[%dma_wait3A_151, %add3A_104] : memref<1024x4096xi32, #tpu.memory_space<hbm>> -> memref<1024x16xi32, #tpu.memory_space<hbm>>
    %dma_wait3A_153 = arith.constant 0 : i32
    %dma_wait3A_154 = arith.constant 0 : i32
    %dma_wait3A_155 = tpu.memref_slice %arg7[%dma_wait3A_146, %dma_wait3A_153, %dma_wait3A_154] : memref<2x1024x16xi32, #tpu.memory_space<vmem>> -> memref<1x1024x16xi32, #tpu.memory_space<vmem>>
    %dma_wait3A_156 = tpu.memref_squeeze %dma_wait3A_155 : memref<1x1024x16xi32, #tpu.memory_space<vmem>> -> memref<1024x16xi32, #tpu.memory_space<vmem>>
    %dma_wait3A_157 = arith.constant 0 : i32
    %dma_wait3A_158 = tpu.memref_slice %arg3[%dma_wait3A_157, %add3A_104] : memref<1024x4096xi32, #tpu.memory_space<hbm>> -> memref<1024x16xi32, #tpu.memory_space<hbm>>
    tpu.wait_dma2 semaphore(%arg11 : memref<!tpu.dma_semaphore, #tpu.memory_space<semaphore_mem>>) src(%dma_wait3A_158 : memref<1024x16xi32, #tpu.memory_space<hbm>>) dst(%dma_wait3A_156 : memref<1024x16xi32, #tpu.memory_space<vmem>>)
    %parallel_loop3A_159 = arith.constant 0 : i32
    %parallel_loop3A_160 = arith.constant 1024 : i32
    %parallel_loop3A_161 = arith.constant 1 : i32
    %parallel_loop3A_162 = arith.constant 1 : i32
    %parallel_loop3A_163 = arith.constant 1 : i32
    %parallel_loop3A_164 = arith.constant 1 : i32
    scf.for %parallel_loop3A_720 = %parallel_loop3A_159 to %parallel_loop3A_160 step %parallel_loop3A_161  : i32 {
      %parallel_loop3A_721 = arith.constant 0 : i32
      %parallel_loop3A_722 = vector.broadcast %parallel_loop3A_721 : i32 to vector<16xi32>
      %parallel_loop3A_723 = vector.broadcast %parallel_loop3A_720 : i32 to vector<16xi32>
      %parallel_loop3A_724 = arith.addi %parallel_loop3A_722, %parallel_loop3A_723 : vector<16xi32>
      %parallel_loop3A_725 = arith.constant 0 : i32
      %parallel_loop3A_726 = arith.constant 0 : i32
      %parallel_loop3A_727 = tpu.memref_slice %arg7[%parallel_loop3A_162, %parallel_loop3A_725, %parallel_loop3A_726] : memref<2x1024x16xi32, #tpu.memory_space<vmem>> -> memref<1x1024x16xi32, #tpu.memory_space<vmem>>
      %parallel_loop3A_728 = tpu.memref_squeeze %parallel_loop3A_727 : memref<1x1024x16xi32, #tpu.memory_space<vmem>> -> memref<1024x16xi32, #tpu.memory_space<vmem>>
      %parallel_loop3A_729 = tpu.vector_load_idx %parallel_loop3A_728[%parallel_loop3A_724, %iota3A] : memref<1024x16xi32, #tpu.memory_space<vmem>>[vector<16xi32>, vector<16xi32>], vector<16xi32>,
      %parallel_loop3A_730 = arith.constant 0 : i32
      %parallel_loop3A_731 = arith.constant 0 : i32
      %parallel_loop3A_732 = tpu.memref_slice %arg6[%parallel_loop3A_163, %parallel_loop3A_730, %parallel_loop3A_731] : memref<2x16x1024xf32, #tpu.memory_space<vmem>> -> memref<1x16x1024xf32, #tpu.memory_space<vmem>>
      %parallel_loop3A_733 = tpu.memref_squeeze %parallel_loop3A_732 : memref<1x16x1024xf32, #tpu.memory_space<vmem>> -> memref<16x1024xf32, #tpu.memory_space<vmem>>
      %parallel_loop3A_734 = tpu.vector_load_idx %parallel_loop3A_733[%iota3A, %parallel_loop3A_729] : memref<16x1024xf32, #tpu.memory_space<vmem>>[vector<16xi32>, vector<16xi32>], vector<16xf32>,
      %parallel_loop3A_735 = arith.constant 0 : i32
      %parallel_loop3A_736 = arith.constant 0 : i32
      %parallel_loop3A_737 = tpu.memref_slice %arg8[%parallel_loop3A_164, %parallel_loop3A_735, %parallel_loop3A_736] : memref<2x1024x16xf32, #tpu.memory_space<vmem>> -> memref<1x1024x16xf32, #tpu.memory_space<vmem>>
      %parallel_loop3A_738 = tpu.memref_squeeze %parallel_loop3A_737 : memref<1x1024x16xf32, #tpu.memory_space<vmem>> -> memref<1024x16xf32, #tpu.memory_space<vmem>>
      tpu.vector_store_idx %parallel_loop3A_738[%parallel_loop3A_724, %iota3A], %parallel_loop3A_734 : memref<1024x16xf32, #tpu.memory_space<vmem>>[vector<16xi32>, vector<16xi32>], vector<16xf32>,
    } {sc.loop_unroll_factor = 16 : i64, sc.parallel_access}
    %dma_start3A_165 = arith.constant 1 : i32
    %dma_start3A_166 = arith.constant 0 : i32
    %dma_start3A_167 = arith.constant 0 : i32
    %dma_start3A_168 = tpu.memref_slice %arg8[%dma_start3A_165, %dma_start3A_166, %dma_start3A_167] : memref<2x1024x16xf32, #tpu.memory_space<vmem>> -> memref<1x1024x16xf32, #tpu.memory_space<vmem>>
    %dma_start3A_169 = tpu.memref_squeeze %dma_start3A_168 : memref<1x1024x16xf32, #tpu.memory_space<vmem>> -> memref<1024x16xf32, #tpu.memory_space<vmem>>
    %dma_start3A_170 = arith.constant 0 : i32
    %dma_start3A_171 = tpu.memref_slice %arg5[%dma_start3A_170, %add3A_104] : memref<1024x4096xf32, #tpu.memory_space<hbm>> -> memref<1024x16xf32, #tpu.memory_space<hbm>>
    %dma_start3A_172 = arith.constant 0 : i32
    %dma_start3A_173 = tpu.memref_slice %arg5[%dma_start3A_172, %add3A_104] : memref<1024x4096xf32, #tpu.memory_space<hbm>> -> memref<1024x16xf32, #tpu.memory_space<hbm>>
    %dma_start3A_174 = arith.constant 0 : i32
    %dma_start3A_175 = arith.constant 0 : i32
    %dma_start3A_176 = tpu.memref_slice %arg8[%dma_start3A_165, %dma_start3A_174, %dma_start3A_175] : memref<2x1024x16xf32, #tpu.memory_space<vmem>> -> memref<1x1024x16xf32, #tpu.memory_space<vmem>>
    %dma_start3A_177 = tpu.memref_squeeze %dma_start3A_176 : memref<1x1024x16xf32, #tpu.memory_space<vmem>> -> memref<1024x16xf32, #tpu.memory_space<vmem>>
    tpu.enqueue_dma source(%dma_start3A_177 : memref<1024x16xf32, #tpu.memory_space<vmem>>) target(%dma_start3A_173 : memref<1024x16xf32, #tpu.memory_space<hbm>>) target_semaphore(%arg12 : memref<!tpu.dma_semaphore, #tpu.memory_space<semaphore_mem>>)
    %add3A_178 = arith.constant 32 : i32
    %add3A_179 = arith.addi %mul3A_2, %add3A_178 : i32
    %add3A_180 = arith.constant 48 : i32
    %add3A_181 = arith.addi %mul3A_2, %add3A_180 : i32
    %dma_start3A_182 = arith.constant 1 : i32
    %dma_start3A_183 = arith.constant 0 : i32
    %dma_start3A_184 = arith.constant 0 : i32
    %dma_start3A_185 = tpu.memref_slice %arg6[%dma_start3A_182, %dma_start3A_183, %dma_start3A_184] : memref<2x16x1024xf32, #tpu.memory_space<vmem>> -> memref<1x16x1024xf32, #tpu.memory_space<vmem>>
    %dma_start3A_186 = tpu.memref_squeeze %dma_start3A_185 : memref<1x16x1024xf32, #tpu.memory_space<vmem>> -> memref<16x1024xf32, #tpu.memory_space<vmem>>
    %dma_start3A_187 = arith.constant 0 : i32
    %dma_start3A_188 = tpu.memref_slice %arg2[%add3A_181, %dma_start3A_187] : memref<4096x1024xf32, #tpu.memory_space<hbm>> -> memref<16x1024xf32, #tpu.memory_space<hbm>>
    %dma_start3A_189 = arith.constant 0 : i32
    %dma_start3A_190 = arith.constant 0 : i32
    %dma_start3A_191 = tpu.memref_slice %arg6[%dma_start3A_182, %dma_start3A_189, %dma_start3A_190] : memref<2x16x1024xf32, #tpu.memory_space<vmem>> -> memref<1x16x1024xf32, #tpu.memory_space<vmem>>
    %dma_start3A_192 = tpu.memref_squeeze %dma_start3A_191 : memref<1x16x1024xf32, #tpu.memory_space<vmem>> -> memref<16x1024xf32, #tpu.memory_space<vmem>>
    %dma_start3A_193 = arith.constant 0 : i32
    %dma_start3A_194 = tpu.memref_slice %arg2[%add3A_181, %dma_start3A_193] : memref<4096x1024xf32, #tpu.memory_space<hbm>> -> memref<16x1024xf32, #tpu.memory_space<hbm>>
    tpu.enqueue_dma source(%dma_start3A_194 : memref<16x1024xf32, #tpu.memory_space<hbm>>) target(%dma_start3A_192 : memref<16x1024xf32, #tpu.memory_space<vmem>>) target_semaphore(%arg10 : memref<!tpu.dma_semaphore, #tpu.memory_space<semaphore_mem>>)
    %dma_start3A_195 = arith.constant 1 : i32
    %dma_start3A_196 = arith.constant 0 : i32
    %dma_start3A_197 = arith.constant 0 : i32
    %dma_start3A_198 = tpu.memref_slice %arg7[%dma_start3A_195, %dma_start3A_196, %dma_start3A_197] : memref<2x1024x16xi32, #tpu.memory_space<vmem>> -> memref<1x1024x16xi32, #tpu.memory_space<vmem>>
    %dma_start3A_199 = tpu.memref_squeeze %dma_start3A_198 : memref<1x1024x16xi32, #tpu.memory_space<vmem>> -> memref<1024x16xi32, #tpu.memory_space<vmem>>
    %dma_start3A_200 = arith.constant 0 : i32
    %dma_start3A_201 = tpu.memref_slice %arg3[%dma_start3A_200, %add3A_181] : memref<1024x4096xi32, #tpu.memory_space<hbm>> -> memref<1024x16xi32, #tpu.memory_space<hbm>>
    %dma_start3A_202 = arith.constant 0 : i32
    %dma_start3A_203 = arith.constant 0 : i32
    %dma_start3A_204 = tpu.memref_slice %arg7[%dma_start3A_195, %dma_start3A_202, %dma_start3A_203] : memref<2x1024x16xi32, #tpu.memory_space<vmem>> -> memref<1x1024x16xi32, #tpu.memory_space<vmem>>
    %dma_start3A_205 = tpu.memref_squeeze %dma_start3A_204 : memref<1x1024x16xi32, #tpu.memory_space<vmem>> -> memref<1024x16xi32, #tpu.memory_space<vmem>>
    %dma_start3A_206 = arith.constant 0 : i32
    %dma_start3A_207 = tpu.memref_slice %arg3[%dma_start3A_206, %add3A_181] : memref<1024x4096xi32, #tpu.memory_space<hbm>> -> memref<1024x16xi32, #tpu.memory_space<hbm>>
    tpu.enqueue_dma source(%dma_start3A_207 : memref<1024x16xi32, #tpu.memory_space<hbm>>) target(%dma_start3A_205 : memref<1024x16xi32, #tpu.memory_space<vmem>>) target_semaphore(%arg11 : memref<!tpu.dma_semaphore, #tpu.memory_space<semaphore_mem>>)
    %dma_wait3A_208 = arith.constant 0 : i32
    %dma_wait3A_209 = arith.constant 0 : i32
    %dma_wait3A_210 = arith.constant 0 : i32
    %dma_wait3A_211 = tpu.memref_slice %arg6[%dma_wait3A_208, %dma_wait3A_209, %dma_wait3A_210] : memref<2x16x1024xf32, #tpu.memory_space<vmem>> -> memref<1x16x1024xf32, #tpu.memory_space<vmem>>
    %dma_wait3A_212 = tpu.memref_squeeze %dma_wait3A_211 : memref<1x16x1024xf32, #tpu.memory_space<vmem>> -> memref<16x1024xf32, #tpu.memory_space<vmem>>
    %dma_wait3A_213 = arith.constant 0 : i32
    %dma_wait3A_214 = tpu.memref_slice %arg2[%add3A_179, %dma_wait3A_213] : memref<4096x1024xf32, #tpu.memory_space<hbm>> -> memref<16x1024xf32, #tpu.memory_space<hbm>>
    %dma_wait3A_215 = arith.constant 0 : i32
    %dma_wait3A_216 = arith.constant 0 : i32
    %dma_wait3A_217 = tpu.memref_slice %arg6[%dma_wait3A_208, %dma_wait3A_215, %dma_wait3A_216] : memref<2x16x1024xf32, #tpu.memory_space<vmem>> -> memref<1x16x1024xf32, #tpu.memory_space<vmem>>
    %dma_wait3A_218 = tpu.memref_squeeze %dma_wait3A_217 : memref<1x16x1024xf32, #tpu.memory_space<vmem>> -> memref<16x1024xf32, #tpu.memory_space<vmem>>
    %dma_wait3A_219 = arith.constant 0 : i32
    %dma_wait3A_220 = tpu.memref_slice %arg2[%add3A_179, %dma_wait3A_219] : memref<4096x1024xf32, #tpu.memory_space<hbm>> -> memref<16x1024xf32, #tpu.memory_space<hbm>>
    tpu.wait_dma2 semaphore(%arg10 : memref<!tpu.dma_semaphore, #tpu.memory_space<semaphore_mem>>) src(%dma_wait3A_220 : memref<16x1024xf32, #tpu.memory_space<hbm>>) dst(%dma_wait3A_218 : memref<16x1024xf32, #tpu.memory_space<vmem>>)
    %dma_wait3A_221 = arith.constant 0 : i32
    %dma_wait3A_222 = arith.constant 0 : i32
    %dma_wait3A_223 = arith.constant 0 : i32
    %dma_wait3A_224 = tpu.memref_slice %arg7[%dma_wait3A_221, %dma_wait3A_222, %dma_wait3A_223] : memref<2x1024x16xi32, #tpu.memory_space<vmem>> -> memref<1x1024x16xi32, #tpu.memory_space<vmem>>
    %dma_wait3A_225 = tpu.memref_squeeze %dma_wait3A_224 : memref<1x1024x16xi32, #tpu.memory_space<vmem>> -> memref<1024x16xi32, #tpu.memory_space<vmem>>
    %dma_wait3A_226 = arith.constant 0 : i32
    %dma_wait3A_227 = tpu.memref_slice %arg3[%dma_wait3A_226, %add3A_179] : memref<1024x4096xi32, #tpu.memory_space<hbm>> -> memref<1024x16xi32, #tpu.memory_space<hbm>>
    %dma_wait3A_228 = arith.constant 0 : i32
    %dma_wait3A_229 = arith.constant 0 : i32
    %dma_wait3A_230 = tpu.memref_slice %arg7[%dma_wait3A_221, %dma_wait3A_228, %dma_wait3A_229] : memref<2x1024x16xi32, #tpu.memory_space<vmem>> -> memref<1x1024x16xi32, #tpu.memory_space<vmem>>
    %dma_wait3A_231 = tpu.memref_squeeze %dma_wait3A_230 : memref<1x1024x16xi32, #tpu.memory_space<vmem>> -> memref<1024x16xi32, #tpu.memory_space<vmem>>
    %dma_wait3A_232 = arith.constant 0 : i32
    %dma_wait3A_233 = tpu.memref_slice %arg3[%dma_wait3A_232, %add3A_179] : memref<1024x4096xi32, #tpu.memory_space<hbm>> -> memref<1024x16xi32, #tpu.memory_space<hbm>>
    tpu.wait_dma2 semaphore(%arg11 : memref<!tpu.dma_semaphore, #tpu.memory_space<semaphore_mem>>) src(%dma_wait3A_233 : memref<1024x16xi32, #tpu.memory_space<hbm>>) dst(%dma_wait3A_231 : memref<1024x16xi32, #tpu.memory_space<vmem>>)
    %add3A_234 = arith.constant 0 : i32
    %add3A_235 = arith.addi %mul3A_2, %add3A_234 : i32
    %dma_wait3A_236 = arith.constant 0 : i32
    %dma_wait3A_237 = arith.constant 0 : i32
    %dma_wait3A_238 = arith.constant 0 : i32
    %dma_wait3A_239 = tpu.memref_slice %arg8[%dma_wait3A_236, %dma_wait3A_237, %dma_wait3A_238] : memref<2x1024x16xf32, #tpu.memory_space<vmem>> -> memref<1x1024x16xf32, #tpu.memory_space<vmem>>
    %dma_wait3A_240 = tpu.memref_squeeze %dma_wait3A_239 : memref<1x1024x16xf32, #tpu.memory_space<vmem>> -> memref<1024x16xf32, #tpu.memory_space<vmem>>
    %dma_wait3A_241 = arith.constant 0 : i32
    %dma_wait3A_242 = tpu.memref_slice %arg5[%dma_wait3A_241, %add3A_235] : memref<1024x4096xf32, #tpu.memory_space<hbm>> -> memref<1024x16xf32, #tpu.memory_space<hbm>>
    %dma_wait3A_243 = arith.constant 0 : i32
    %dma_wait3A_244 = tpu.memref_slice %arg5[%dma_wait3A_243, %add3A_235] : memref<1024x4096xf32, #tpu.memory_space<hbm>> -> memref<1024x16xf32, #tpu.memory_space<hbm>>
    %dma_wait3A_245 = arith.constant 0 : i32
    %dma_wait3A_246 = arith.constant 0 : i32
    %dma_wait3A_247 = tpu.memref_slice %arg8[%dma_wait3A_236, %dma_wait3A_245, %dma_wait3A_246] : memref<2x1024x16xf32, #tpu.memory_space<vmem>> -> memref<1x1024x16xf32, #tpu.memory_space<vmem>>
    %dma_wait3A_248 = tpu.memref_squeeze %dma_wait3A_247 : memref<1x1024x16xf32, #tpu.memory_space<vmem>> -> memref<1024x16xf32, #tpu.memory_space<vmem>>
    tpu.wait_dma2 semaphore(%arg12 : memref<!tpu.dma_semaphore, #tpu.memory_space<semaphore_mem>>) src(%dma_wait3A_248 : memref<1024x16xf32, #tpu.memory_space<vmem>>) dst(%dma_wait3A_244 : memref<1024x16xf32, #tpu.memory_space<hbm>>)
    %parallel_loop3A_249 = arith.constant 0 : i32
    %parallel_loop3A_250 = arith.constant 1024 : i32
    %parallel_loop3A_251 = arith.constant 1 : i32
    %parallel_loop3A_252 = arith.constant 0 : i32
    %parallel_loop3A_253 = arith.constant 0 : i32
    %parallel_loop3A_254 = arith.constant 0 : i32
    scf.for %parallel_loop3A_720 = %parallel_loop3A_249 to %parallel_loop3A_250 step %parallel_loop3A_251  : i32 {
      %parallel_loop3A_721 = arith.constant 0 : i32
      %parallel_loop3A_722 = vector.broadcast %parallel_loop3A_721 : i32 to vector<16xi32>
      %parallel_loop3A_723 = vector.broadcast %parallel_loop3A_720 : i32 to vector<16xi32>
      %parallel_loop3A_724 = arith.addi %parallel_loop3A_722, %parallel_loop3A_723 : vector<16xi32>
      %parallel_loop3A_725 = arith.constant 0 : i32
      %parallel_loop3A_726 = arith.constant 0 : i32
      %parallel_loop3A_727 = tpu.memref_slice %arg7[%parallel_loop3A_252, %parallel_loop3A_725, %parallel_loop3A_726] : memref<2x1024x16xi32, #tpu.memory_space<vmem>> -> memref<1x1024x16xi32, #tpu.memory_space<vmem>>
      %parallel_loop3A_728 = tpu.memref_squeeze %parallel_loop3A_727 : memref<1x1024x16xi32, #tpu.memory_space<vmem>> -> memref<1024x16xi32, #tpu.memory_space<vmem>>
      %parallel_loop3A_729 = tpu.vector_load_idx %parallel_loop3A_728[%parallel_loop3A_724, %iota3A] : memref<1024x16xi32, #tpu.memory_space<vmem>>[vector<16xi32>, vector<16xi32>], vector<16xi32>,
      %parallel_loop3A_730 = arith.constant 0 : i32
      %parallel_loop3A_731 = arith.constant 0 : i32
      %parallel_loop3A_732 = tpu.memref_slice %arg6[%parallel_loop3A_253, %parallel_loop3A_730, %parallel_loop3A_731] : memref<2x16x1024xf32, #tpu.memory_space<vmem>> -> memref<1x16x1024xf32, #tpu.memory_space<vmem>>
      %parallel_loop3A_733 = tpu.memref_squeeze %parallel_loop3A_732 : memref<1x16x1024xf32, #tpu.memory_space<vmem>> -> memref<16x1024xf32, #tpu.memory_space<vmem>>
      %parallel_loop3A_734 = tpu.vector_load_idx %parallel_loop3A_733[%iota3A, %parallel_loop3A_729] : memref<16x1024xf32, #tpu.memory_space<vmem>>[vector<16xi32>, vector<16xi32>], vector<16xf32>,
      %parallel_loop3A_735 = arith.constant 0 : i32
      %parallel_loop3A_736 = arith.constant 0 : i32
      %parallel_loop3A_737 = tpu.memref_slice %arg8[%parallel_loop3A_254, %parallel_loop3A_735, %parallel_loop3A_736] : memref<2x1024x16xf32, #tpu.memory_space<vmem>> -> memref<1x1024x16xf32, #tpu.memory_space<vmem>>
      %parallel_loop3A_738 = tpu.memref_squeeze %parallel_loop3A_737 : memref<1x1024x16xf32, #tpu.memory_space<vmem>> -> memref<1024x16xf32, #tpu.memory_space<vmem>>
      tpu.vector_store_idx %parallel_loop3A_738[%parallel_loop3A_724, %iota3A], %parallel_loop3A_734 : memref<1024x16xf32, #tpu.memory_space<vmem>>[vector<16xi32>, vector<16xi32>], vector<16xf32>,
    } {sc.loop_unroll_factor = 16 : i64, sc.parallel_access}
    %dma_start3A_255 = arith.constant 0 : i32
    %dma_start3A_256 = arith.constant 0 : i32
    %dma_start3A_257 = arith.constant 0 : i32
    %dma_start3A_258 = tpu.memref_slice %arg8[%dma_start3A_255, %dma_start3A_256, %dma_start3A_257] : memref<2x1024x16xf32, #tpu.memory_space<vmem>> -> memref<1x1024x16xf32, #tpu.memory_space<vmem>>
    %dma_start3A_259 = tpu.memref_squeeze %dma_start3A_258 : memref<1x1024x16xf32, #tpu.memory_space<vmem>> -> memref<1024x16xf32, #tpu.memory_space<vmem>>
    %dma_start3A_260 = arith.constant 0 : i32
    %dma_start3A_261 = tpu.memref_slice %arg5[%dma_start3A_260, %add3A_179] : memref<1024x4096xf32, #tpu.memory_space<hbm>> -> memref<1024x16xf32, #tpu.memory_space<hbm>>
    %dma_start3A_262 = arith.constant 0 : i32
    %dma_start3A_263 = tpu.memref_slice %arg5[%dma_start3A_262, %add3A_179] : memref<1024x4096xf32, #tpu.memory_space<hbm>> -> memref<1024x16xf32, #tpu.memory_space<hbm>>
    %dma_start3A_264 = arith.constant 0 : i32
    %dma_start3A_265 = arith.constant 0 : i32
    %dma_start3A_266 = tpu.memref_slice %arg8[%dma_start3A_255, %dma_start3A_264, %dma_start3A_265] : memref<2x1024x16xf32, #tpu.memory_space<vmem>> -> memref<1x1024x16xf32, #tpu.memory_space<vmem>>
    %dma_start3A_267 = tpu.memref_squeeze %dma_start3A_266 : memref<1x1024x16xf32, #tpu.memory_space<vmem>> -> memref<1024x16xf32, #tpu.memory_space<vmem>>
    tpu.enqueue_dma source(%dma_start3A_267 : memref<1024x16xf32, #tpu.memory_space<vmem>>) target(%dma_start3A_263 : memref<1024x16xf32, #tpu.memory_space<hbm>>) target_semaphore(%arg12 : memref<!tpu.dma_semaphore, #tpu.memory_space<semaphore_mem>>)
    %add3A_268 = arith.constant 48 : i32
    %add3A_269 = arith.addi %mul3A_2, %add3A_268 : i32
    %add3A_270 = arith.constant 64 : i32
    %add3A_271 = arith.addi %mul3A_2, %add3A_270 : i32
    %dma_start3A_272 = arith.constant 0 : i32
    %dma_start3A_273 = arith.constant 0 : i32
    %dma_start3A_274 = arith.constant 0 : i32
    %dma_start3A_275 = tpu.memref_slice %arg6[%dma_start3A_272, %dma_start3A_273, %dma_start3A_274] : memref<2x16x1024xf32, #tpu.memory_space<vmem>> -> memref<1x16x1024xf32, #tpu.memory_space<vmem>>
    %dma_start3A_276 = tpu.memref_squeeze %dma_start3A_275 : memref<1x16x1024xf32, #tpu.memory_space<vmem>> -> memref<16x1024xf32, #tpu.memory_space<vmem>>
    %dma_start3A_277 = arith.constant 0 : i32
    %dma_start3A_278 = tpu.memref_slice %arg2[%add3A_271, %dma_start3A_277] : memref<4096x1024xf32, #tpu.memory_space<hbm>> -> memref<16x1024xf32, #tpu.memory_space<hbm>>
    %dma_start3A_279 = arith.constant 0 : i32
    %dma_start3A_280 = arith.constant 0 : i32
    %dma_start3A_281 = tpu.memref_slice %arg6[%dma_start3A_272, %dma_start3A_279, %dma_start3A_280] : memref<2x16x1024xf32, #tpu.memory_space<vmem>> -> memref<1x16x1024xf32, #tpu.memory_space<vmem>>
    %dma_start3A_282 = tpu.memref_squeeze %dma_start3A_281 : memref<1x16x1024xf32, #tpu.memory_space<vmem>> -> memref<16x1024xf32, #tpu.memory_space<vmem>>
    %dma_start3A_283 = arith.constant 0 : i32
    %dma_start3A_284 = tpu.memref_slice %arg2[%add3A_271, %dma_start3A_283] : memref<4096x1024xf32, #tpu.memory_space<hbm>> -> memref<16x1024xf32, #tpu.memory_space<hbm>>
    tpu.enqueue_dma source(%dma_start3A_284 : memref<16x1024xf32, #tpu.memory_space<hbm>>) target(%dma_start3A_282 : memref<16x1024xf32, #tpu.memory_space<vmem>>) target_semaphore(%arg10 : memref<!tpu.dma_semaphore, #tpu.memory_space<semaphore_mem>>)
    %dma_start3A_285 = arith.constant 0 : i32
    %dma_start3A_286 = arith.constant 0 : i32
    %dma_start3A_287 = arith.constant 0 : i32
    %dma_start3A_288 = tpu.memref_slice %arg7[%dma_start3A_285, %dma_start3A_286, %dma_start3A_287] : memref<2x1024x16xi32, #tpu.memory_space<vmem>> -> memref<1x1024x16xi32, #tpu.memory_space<vmem>>
    %dma_start3A_289 = tpu.memref_squeeze %dma_start3A_288 : memref<1x1024x16xi32, #tpu.memory_space<vmem>> -> memref<1024x16xi32, #tpu.memory_space<vmem>>
    %dma_start3A_290 = arith.constant 0 : i32
    %dma_start3A_291 = tpu.memref_slice %arg3[%dma_start3A_290, %add3A_271] : memref<1024x4096xi32, #tpu.memory_space<hbm>> -> memref<1024x16xi32, #tpu.memory_space<hbm>>
    %dma_start3A_292 = arith.constant 0 : i32
    %dma_start3A_293 = arith.constant 0 : i32
    %dma_start3A_294 = tpu.memref_slice %arg7[%dma_start3A_285, %dma_start3A_292, %dma_start3A_293] : memref<2x1024x16xi32, #tpu.memory_space<vmem>> -> memref<1x1024x16xi32, #tpu.memory_space<vmem>>
    %dma_start3A_295 = tpu.memref_squeeze %dma_start3A_294 : memref<1x1024x16xi32, #tpu.memory_space<vmem>> -> memref<1024x16xi32, #tpu.memory_space<vmem>>
    %dma_start3A_296 = arith.constant 0 : i32
    %dma_start3A_297 = tpu.memref_slice %arg3[%dma_start3A_296, %add3A_271] : memref<1024x4096xi32, #tpu.memory_space<hbm>> -> memref<1024x16xi32, #tpu.memory_space<hbm>>
    tpu.enqueue_dma source(%dma_start3A_297 : memref<1024x16xi32, #tpu.memory_space<hbm>>) target(%dma_start3A_295 : memref<1024x16xi32, #tpu.memory_space<vmem>>) target_semaphore(%arg11 : memref<!tpu.dma_semaphore, #tpu.memory_space<semaphore_mem>>)
    %dma_wait3A_298 = arith.constant 1 : i32
    %dma_wait3A_299 = arith.constant 0 : i32
    %dma_wait3A_300 = arith.constant 0 : i32
    %dma_wait3A_301 = tpu.memref_slice %arg6[%dma_wait3A_298, %dma_wait3A_299, %dma_wait3A_300] : memref<2x16x1024xf32, #tpu.memory_space<vmem>> -> memref<1x16x1024xf32, #tpu.memory_space<vmem>>
    %dma_wait3A_302 = tpu.memref_squeeze %dma_wait3A_301 : memref<1x16x1024xf32, #tpu.memory_space<vmem>> -> memref<16x1024xf32, #tpu.memory_space<vmem>>
    %dma_wait3A_303 = arith.constant 0 : i32
    %dma_wait3A_304 = tpu.memref_slice %arg2[%add3A_269, %dma_wait3A_303] : memref<4096x1024xf32, #tpu.memory_space<hbm>> -> memref<16x1024xf32, #tpu.memory_space<hbm>>
    %dma_wait3A_305 = arith.constant 0 : i32
    %dma_wait3A_306 = arith.constant 0 : i32
    %dma_wait3A_307 = tpu.memref_slice %arg6[%dma_wait3A_298, %dma_wait3A_305, %dma_wait3A_306] : memref<2x16x1024xf32, #tpu.memory_space<vmem>> -> memref<1x16x1024xf32, #tpu.memory_space<vmem>>
    %dma_wait3A_308 = tpu.memref_squeeze %dma_wait3A_307 : memref<1x16x1024xf32, #tpu.memory_space<vmem>> -> memref<16x1024xf32, #tpu.memory_space<vmem>>
    %dma_wait3A_309 = arith.constant 0 : i32
    %dma_wait3A_310 = tpu.memref_slice %arg2[%add3A_269, %dma_wait3A_309] : memref<4096x1024xf32, #tpu.memory_space<hbm>> -> memref<16x1024xf32, #tpu.memory_space<hbm>>
    tpu.wait_dma2 semaphore(%arg10 : memref<!tpu.dma_semaphore, #tpu.memory_space<semaphore_mem>>) src(%dma_wait3A_310 : memref<16x1024xf32, #tpu.memory_space<hbm>>) dst(%dma_wait3A_308 : memref<16x1024xf32, #tpu.memory_space<vmem>>)
    %dma_wait3A_311 = arith.constant 1 : i32
    %dma_wait3A_312 = arith.constant 0 : i32
    %dma_wait3A_313 = arith.constant 0 : i32
    %dma_wait3A_314 = tpu.memref_slice %arg7[%dma_wait3A_311, %dma_wait3A_312, %dma_wait3A_313] : memref<2x1024x16xi32, #tpu.memory_space<vmem>> -> memref<1x1024x16xi32, #tpu.memory_space<vmem>>
    %dma_wait3A_315 = tpu.memref_squeeze %dma_wait3A_314 : memref<1x1024x16xi32, #tpu.memory_space<vmem>> -> memref<1024x16xi32, #tpu.memory_space<vmem>>
    %dma_wait3A_316 = arith.constant 0 : i32
    %dma_wait3A_317 = tpu.memref_slice %arg3[%dma_wait3A_316, %add3A_269] : memref<1024x4096xi32, #tpu.memory_space<hbm>> -> memref<1024x16xi32, #tpu.memory_space<hbm>>
    %dma_wait3A_318 = arith.constant 0 : i32
    %dma_wait3A_319 = arith.constant 0 : i32
    %dma_wait3A_320 = tpu.memref_slice %arg7[%dma_wait3A_311, %dma_wait3A_318, %dma_wait3A_319] : memref<2x1024x16xi32, #tpu.memory_space<vmem>> -> memref<1x1024x16xi32, #tpu.memory_space<vmem>>
    %dma_wait3A_321 = tpu.memref_squeeze %dma_wait3A_320 : memref<1x1024x16xi32, #tpu.memory_space<vmem>> -> memref<1024x16xi32, #tpu.memory_space<vmem>>
    %dma_wait3A_322 = arith.constant 0 : i32
    %dma_wait3A_323 = tpu.memref_slice %arg3[%dma_wait3A_322, %add3A_269] : memref<1024x4096xi32, #tpu.memory_space<hbm>> -> memref<1024x16xi32, #tpu.memory_space<hbm>>
    tpu.wait_dma2 semaphore(%arg11 : memref<!tpu.dma_semaphore, #tpu.memory_space<semaphore_mem>>) src(%dma_wait3A_323 : memref<1024x16xi32, #tpu.memory_space<hbm>>) dst(%dma_wait3A_321 : memref<1024x16xi32, #tpu.memory_space<vmem>>)
    %add3A_324 = arith.constant 16 : i32
    %add3A_325 = arith.addi %mul3A_2, %add3A_324 : i32
    %dma_wait3A_326 = arith.constant 1 : i32
    %dma_wait3A_327 = arith.constant 0 : i32
    %dma_wait3A_328 = arith.constant 0 : i32
    %dma_wait3A_329 = tpu.memref_slice %arg8[%dma_wait3A_326, %dma_wait3A_327, %dma_wait3A_328] : memref<2x1024x16xf32, #tpu.memory_space<vmem>> -> memref<1x1024x16xf32, #tpu.memory_space<vmem>>
    %dma_wait3A_330 = tpu.memref_squeeze %dma_wait3A_329 : memref<1x1024x16xf32, #tpu.memory_space<vmem>> -> memref<1024x16xf32, #tpu.memory_space<vmem>>
    %dma_wait3A_331 = arith.constant 0 : i32
    %dma_wait3A_332 = tpu.memref_slice %arg5[%dma_wait3A_331, %add3A_325] : memref<1024x4096xf32, #tpu.memory_space<hbm>> -> memref<1024x16xf32, #tpu.memory_space<hbm>>
    %dma_wait3A_333 = arith.constant 0 : i32
    %dma_wait3A_334 = tpu.memref_slice %arg5[%dma_wait3A_333, %add3A_325] : memref<1024x4096xf32, #tpu.memory_space<hbm>> -> memref<1024x16xf32, #tpu.memory_space<hbm>>
    %dma_wait3A_335 = arith.constant 0 : i32
    %dma_wait3A_336 = arith.constant 0 : i32
    %dma_wait3A_337 = tpu.memref_slice %arg8[%dma_wait3A_326, %dma_wait3A_335, %dma_wait3A_336] : memref<2x1024x16xf32, #tpu.memory_space<vmem>> -> memref<1x1024x16xf32, #tpu.memory_space<vmem>>
    %dma_wait3A_338 = tpu.memref_squeeze %dma_wait3A_337 : memref<1x1024x16xf32, #tpu.memory_space<vmem>> -> memref<1024x16xf32, #tpu.memory_space<vmem>>
    tpu.wait_dma2 semaphore(%arg12 : memref<!tpu.dma_semaphore, #tpu.memory_space<semaphore_mem>>) src(%dma_wait3A_338 : memref<1024x16xf32, #tpu.memory_space<vmem>>) dst(%dma_wait3A_334 : memref<1024x16xf32, #tpu.memory_space<hbm>>)
    %parallel_loop3A_339 = arith.constant 0 : i32
    %parallel_loop3A_340 = arith.constant 1024 : i32
    %parallel_loop3A_341 = arith.constant 1 : i32
    %parallel_loop3A_342 = arith.constant 1 : i32
    %parallel_loop3A_343 = arith.constant 1 : i32
    %parallel_loop3A_344 = arith.constant 1 : i32
    scf.for %parallel_loop3A_720 = %parallel_loop3A_339 to %parallel_loop3A_340 step %parallel_loop3A_341  : i32 {
      %parallel_loop3A_721 = arith.constant 0 : i32
      %parallel_loop3A_722 = vector.broadcast %parallel_loop3A_721 : i32 to vector<16xi32>
      %parallel_loop3A_723 = vector.broadcast %parallel_loop3A_720 : i32 to vector<16xi32>
      %parallel_loop3A_724 = arith.addi %parallel_loop3A_722, %parallel_loop3A_723 : vector<16xi32>
      %parallel_loop3A_725 = arith.constant 0 : i32
      %parallel_loop3A_726 = arith.constant 0 : i32
      %parallel_loop3A_727 = tpu.memref_slice %arg7[%parallel_loop3A_342, %parallel_loop3A_725, %parallel_loop3A_726] : memref<2x1024x16xi32, #tpu.memory_space<vmem>> -> memref<1x1024x16xi32, #tpu.memory_space<vmem>>
      %parallel_loop3A_728 = tpu.memref_squeeze %parallel_loop3A_727 : memref<1x1024x16xi32, #tpu.memory_space<vmem>> -> memref<1024x16xi32, #tpu.memory_space<vmem>>
      %parallel_loop3A_729 = tpu.vector_load_idx %parallel_loop3A_728[%parallel_loop3A_724, %iota3A] : memref<1024x16xi32, #tpu.memory_space<vmem>>[vector<16xi32>, vector<16xi32>], vector<16xi32>,
      %parallel_loop3A_730 = arith.constant 0 : i32
      %parallel_loop3A_731 = arith.constant 0 : i32
      %parallel_loop3A_732 = tpu.memref_slice %arg6[%parallel_loop3A_343, %parallel_loop3A_730, %parallel_loop3A_731] : memref<2x16x1024xf32, #tpu.memory_space<vmem>> -> memref<1x16x1024xf32, #tpu.memory_space<vmem>>
      %parallel_loop3A_733 = tpu.memref_squeeze %parallel_loop3A_732 : memref<1x16x1024xf32, #tpu.memory_space<vmem>> -> memref<16x1024xf32, #tpu.memory_space<vmem>>
      %parallel_loop3A_734 = tpu.vector_load_idx %parallel_loop3A_733[%iota3A, %parallel_loop3A_729] : memref<16x1024xf32, #tpu.memory_space<vmem>>[vector<16xi32>, vector<16xi32>], vector<16xf32>,
      %parallel_loop3A_735 = arith.constant 0 : i32
      %parallel_loop3A_736 = arith.constant 0 : i32
      %parallel_loop3A_737 = tpu.memref_slice %arg8[%parallel_loop3A_344, %parallel_loop3A_735, %parallel_loop3A_736] : memref<2x1024x16xf32, #tpu.memory_space<vmem>> -> memref<1x1024x16xf32, #tpu.memory_space<vmem>>
      %parallel_loop3A_738 = tpu.memref_squeeze %parallel_loop3A_737 : memref<1x1024x16xf32, #tpu.memory_space<vmem>> -> memref<1024x16xf32, #tpu.memory_space<vmem>>
      tpu.vector_store_idx %parallel_loop3A_738[%parallel_loop3A_724, %iota3A], %parallel_loop3A_734 : memref<1024x16xf32, #tpu.memory_space<vmem>>[vector<16xi32>, vector<16xi32>], vector<16xf32>,
    } {sc.loop_unroll_factor = 16 : i64, sc.parallel_access}
    %dma_start3A_345 = arith.constant 1 : i32
    %dma_start3A_346 = arith.constant 0 : i32
    %dma_start3A_347 = arith.constant 0 : i32
    %dma_start3A_348 = tpu.memref_slice %arg8[%dma_start3A_345, %dma_start3A_346, %dma_start3A_347] : memref<2x1024x16xf32, #tpu.memory_space<vmem>> -> memref<1x1024x16xf32, #tpu.memory_space<vmem>>
    %dma_start3A_349 = tpu.memref_squeeze %dma_start3A_348 : memref<1x1024x16xf32, #tpu.memory_space<vmem>> -> memref<1024x16xf32, #tpu.memory_space<vmem>>
    %dma_start3A_350 = arith.constant 0 : i32
    %dma_start3A_351 = tpu.memref_slice %arg5[%dma_start3A_350, %add3A_269] : memref<1024x4096xf32, #tpu.memory_space<hbm>> -> memref<1024x16xf32, #tpu.memory_space<hbm>>
    %dma_start3A_352 = arith.constant 0 : i32
    %dma_start3A_353 = tpu.memref_slice %arg5[%dma_start3A_352, %add3A_269] : memref<1024x4096xf32, #tpu.memory_space<hbm>> -> memref<1024x16xf32, #tpu.memory_space<hbm>>
    %dma_start3A_354 = arith.constant 0 : i32
    %dma_start3A_355 = arith.constant 0 : i32
    %dma_start3A_356 = tpu.memref_slice %arg8[%dma_start3A_345, %dma_start3A_354, %dma_start3A_355] : memref<2x1024x16xf32, #tpu.memory_space<vmem>> -> memref<1x1024x16xf32, #tpu.memory_space<vmem>>
    %dma_start3A_357 = tpu.memref_squeeze %dma_start3A_356 : memref<1x1024x16xf32, #tpu.memory_space<vmem>> -> memref<1024x16xf32, #tpu.memory_space<vmem>>
    tpu.enqueue_dma source(%dma_start3A_357 : memref<1024x16xf32, #tpu.memory_space<vmem>>) target(%dma_start3A_353 : memref<1024x16xf32, #tpu.memory_space<hbm>>) target_semaphore(%arg12 : memref<!tpu.dma_semaphore, #tpu.memory_space<semaphore_mem>>)
    %add3A_358 = arith.constant 64 : i32
    %add3A_359 = arith.addi %mul3A_2, %add3A_358 : i32
    %add3A_360 = arith.constant 80 : i32
    %add3A_361 = arith.addi %mul3A_2, %add3A_360 : i32
    %dma_start3A_362 = arith.constant 1 : i32
    %dma_start3A_363 = arith.constant 0 : i32
    %dma_start3A_364 = arith.constant 0 : i32
    %dma_start3A_365 = tpu.memref_slice %arg6[%dma_start3A_362, %dma_start3A_363, %dma_start3A_364] : memref<2x16x1024xf32, #tpu.memory_space<vmem>> -> memref<1x16x1024xf32, #tpu.memory_space<vmem>>
    %dma_start3A_366 = tpu.memref_squeeze %dma_start3A_365 : memref<1x16x1024xf32, #tpu.memory_space<vmem>> -> memref<16x1024xf32, #tpu.memory_space<vmem>>
    %dma_start3A_367 = arith.constant 0 : i32
    %dma_start3A_368 = tpu.memref_slice %arg2[%add3A_361, %dma_start3A_367] : memref<4096x1024xf32, #tpu.memory_space<hbm>> -> memref<16x1024xf32, #tpu.memory_space<hbm>>
    %dma_start3A_369 = arith.constant 0 : i32
    %dma_start3A_370 = arith.constant 0 : i32
    %dma_start3A_371 = tpu.memref_slice %arg6[%dma_start3A_362, %dma_start3A_369, %dma_start3A_370] : memref<2x16x1024xf32, #tpu.memory_space<vmem>> -> memref<1x16x1024xf32, #tpu.memory_space<vmem>>
    %dma_start3A_372 = tpu.memref_squeeze %dma_start3A_371 : memref<1x16x1024xf32, #tpu.memory_space<vmem>> -> memref<16x1024xf32, #tpu.memory_space<vmem>>
    %dma_start3A_373 = arith.constant 0 : i32
    %dma_start3A_374 = tpu.memref_slice %arg2[%add3A_361, %dma_start3A_373] : memref<4096x1024xf32, #tpu.memory_space<hbm>> -> memref<16x1024xf32, #tpu.memory_space<hbm>>
    tpu.enqueue_dma source(%dma_start3A_374 : memref<16x1024xf32, #tpu.memory_space<hbm>>) target(%dma_start3A_372 : memref<16x1024xf32, #tpu.memory_space<vmem>>) target_semaphore(%arg10 : memref<!tpu.dma_semaphore, #tpu.memory_space<semaphore_mem>>)
    %dma_start3A_375 = arith.constant 1 : i32
    %dma_start3A_376 = arith.constant 0 : i32
    %dma_start3A_377 = arith.constant 0 : i32
    %dma_start3A_378 = tpu.memref_slice %arg7[%dma_start3A_375, %dma_start3A_376, %dma_start3A_377] : memref<2x1024x16xi32, #tpu.memory_space<vmem>> -> memref<1x1024x16xi32, #tpu.memory_space<vmem>>
    %dma_start3A_379 = tpu.memref_squeeze %dma_start3A_378 : memref<1x1024x16xi32, #tpu.memory_space<vmem>> -> memref<1024x16xi32, #tpu.memory_space<vmem>>
    %dma_start3A_380 = arith.constant 0 : i32
    %dma_start3A_381 = tpu.memref_slice %arg3[%dma_start3A_380, %add3A_361] : memref<1024x4096xi32, #tpu.memory_space<hbm>> -> memref<1024x16xi32, #tpu.memory_space<hbm>>
    %dma_start3A_382 = arith.constant 0 : i32
    %dma_start3A_383 = arith.constant 0 : i32
    %dma_start3A_384 = tpu.memref_slice %arg7[%dma_start3A_375, %dma_start3A_382, %dma_start3A_383] : memref<2x1024x16xi32, #tpu.memory_space<vmem>> -> memref<1x1024x16xi32, #tpu.memory_space<vmem>>
    %dma_start3A_385 = tpu.memref_squeeze %dma_start3A_384 : memref<1x1024x16xi32, #tpu.memory_space<vmem>> -> memref<1024x16xi32, #tpu.memory_space<vmem>>
    %dma_start3A_386 = arith.constant 0 : i32
    %dma_start3A_387 = tpu.memref_slice %arg3[%dma_start3A_386, %add3A_361] : memref<1024x4096xi32, #tpu.memory_space<hbm>> -> memref<1024x16xi32, #tpu.memory_space<hbm>>
    tpu.enqueue_dma source(%dma_start3A_387 : memref<1024x16xi32, #tpu.memory_space<hbm>>) target(%dma_start3A_385 : memref<1024x16xi32, #tpu.memory_space<vmem>>) target_semaphore(%arg11 : memref<!tpu.dma_semaphore, #tpu.memory_space<semaphore_mem>>)
    %dma_wait3A_388 = arith.constant 0 : i32
    %dma_wait3A_389 = arith.constant 0 : i32
    %dma_wait3A_390 = arith.constant 0 : i32
    %dma_wait3A_391 = tpu.memref_slice %arg6[%dma_wait3A_388, %dma_wait3A_389, %dma_wait3A_390] : memref<2x16x1024xf32, #tpu.memory_space<vmem>> -> memref<1x16x1024xf32, #tpu.memory_space<vmem>>
    %dma_wait3A_392 = tpu.memref_squeeze %dma_wait3A_391 : memref<1x16x1024xf32, #tpu.memory_space<vmem>> -> memref<16x1024xf32, #tpu.memory_space<vmem>>
    %dma_wait3A_393 = arith.constant 0 : i32
    %dma_wait3A_394 = tpu.memref_slice %arg2[%add3A_359, %dma_wait3A_393] : memref<4096x1024xf32, #tpu.memory_space<hbm>> -> memref<16x1024xf32, #tpu.memory_space<hbm>>
    %dma_wait3A_395 = arith.constant 0 : i32
    %dma_wait3A_396 = arith.constant 0 : i32
    %dma_wait3A_397 = tpu.memref_slice %arg6[%dma_wait3A_388, %dma_wait3A_395, %dma_wait3A_396] : memref<2x16x1024xf32, #tpu.memory_space<vmem>> -> memref<1x16x1024xf32, #tpu.memory_space<vmem>>
    %dma_wait3A_398 = tpu.memref_squeeze %dma_wait3A_397 : memref<1x16x1024xf32, #tpu.memory_space<vmem>> -> memref<16x1024xf32, #tpu.memory_space<vmem>>
    %dma_wait3A_399 = arith.constant 0 : i32
    %dma_wait3A_400 = tpu.memref_slice %arg2[%add3A_359, %dma_wait3A_399] : memref<4096x1024xf32, #tpu.memory_space<hbm>> -> memref<16x1024xf32, #tpu.memory_space<hbm>>
    tpu.wait_dma2 semaphore(%arg10 : memref<!tpu.dma_semaphore, #tpu.memory_space<semaphore_mem>>) src(%dma_wait3A_400 : memref<16x1024xf32, #tpu.memory_space<hbm>>) dst(%dma_wait3A_398 : memref<16x1024xf32, #tpu.memory_space<vmem>>)
    %dma_wait3A_401 = arith.constant 0 : i32
    %dma_wait3A_402 = arith.constant 0 : i32
    %dma_wait3A_403 = arith.constant 0 : i32
    %dma_wait3A_404 = tpu.memref_slice %arg7[%dma_wait3A_401, %dma_wait3A_402, %dma_wait3A_403] : memref<2x1024x16xi32, #tpu.memory_space<vmem>> -> memref<1x1024x16xi32, #tpu.memory_space<vmem>>
    %dma_wait3A_405 = tpu.memref_squeeze %dma_wait3A_404 : memref<1x1024x16xi32, #tpu.memory_space<vmem>> -> memref<1024x16xi32, #tpu.memory_space<vmem>>
    %dma_wait3A_406 = arith.constant 0 : i32
    %dma_wait3A_407 = tpu.memref_slice %arg3[%dma_wait3A_406, %add3A_359] : memref<1024x4096xi32, #tpu.memory_space<hbm>> -> memref<1024x16xi32, #tpu.memory_space<hbm>>
    %dma_wait3A_408 = arith.constant 0 : i32
    %dma_wait3A_409 = arith.constant 0 : i32
    %dma_wait3A_410 = tpu.memref_slice %arg7[%dma_wait3A_401, %dma_wait3A_408, %dma_wait3A_409] : memref<2x1024x16xi32, #tpu.memory_space<vmem>> -> memref<1x1024x16xi32, #tpu.memory_space<vmem>>
    %dma_wait3A_411 = tpu.memref_squeeze %dma_wait3A_410 : memref<1x1024x16xi32, #tpu.memory_space<vmem>> -> memref<1024x16xi32, #tpu.memory_space<vmem>>
    %dma_wait3A_412 = arith.constant 0 : i32
    %dma_wait3A_413 = tpu.memref_slice %arg3[%dma_wait3A_412, %add3A_359] : memref<1024x4096xi32, #tpu.memory_space<hbm>> -> memref<1024x16xi32, #tpu.memory_space<hbm>>
    tpu.wait_dma2 semaphore(%arg11 : memref<!tpu.dma_semaphore, #tpu.memory_space<semaphore_mem>>) src(%dma_wait3A_413 : memref<1024x16xi32, #tpu.memory_space<hbm>>) dst(%dma_wait3A_411 : memref<1024x16xi32, #tpu.memory_space<vmem>>)
    %add3A_414 = arith.constant 32 : i32
    %add3A_415 = arith.addi %mul3A_2, %add3A_414 : i32
    %dma_wait3A_416 = arith.constant 0 : i32
    %dma_wait3A_417 = arith.constant 0 : i32
    %dma_wait3A_418 = arith.constant 0 : i32
    %dma_wait3A_419 = tpu.memref_slice %arg8[%dma_wait3A_416, %dma_wait3A_417, %dma_wait3A_418] : memref<2x1024x16xf32, #tpu.memory_space<vmem>> -> memref<1x1024x16xf32, #tpu.memory_space<vmem>>
    %dma_wait3A_420 = tpu.memref_squeeze %dma_wait3A_419 : memref<1x1024x16xf32, #tpu.memory_space<vmem>> -> memref<1024x16xf32, #tpu.memory_space<vmem>>
    %dma_wait3A_421 = arith.constant 0 : i32
    %dma_wait3A_422 = tpu.memref_slice %arg5[%dma_wait3A_421, %add3A_415] : memref<1024x4096xf32, #tpu.memory_space<hbm>> -> memref<1024x16xf32, #tpu.memory_space<hbm>>
    %dma_wait3A_423 = arith.constant 0 : i32
    %dma_wait3A_424 = tpu.memref_slice %arg5[%dma_wait3A_423, %add3A_415] : memref<1024x4096xf32, #tpu.memory_space<hbm>> -> memref<1024x16xf32, #tpu.memory_space<hbm>>
    %dma_wait3A_425 = arith.constant 0 : i32
    %dma_wait3A_426 = arith.constant 0 : i32
    %dma_wait3A_427 = tpu.memref_slice %arg8[%dma_wait3A_416, %dma_wait3A_425, %dma_wait3A_426] : memref<2x1024x16xf32, #tpu.memory_space<vmem>> -> memref<1x1024x16xf32, #tpu.memory_space<vmem>>
    %dma_wait3A_428 = tpu.memref_squeeze %dma_wait3A_427 : memref<1x1024x16xf32, #tpu.memory_space<vmem>> -> memref<1024x16xf32, #tpu.memory_space<vmem>>
    tpu.wait_dma2 semaphore(%arg12 : memref<!tpu.dma_semaphore, #tpu.memory_space<semaphore_mem>>) src(%dma_wait3A_428 : memref<1024x16xf32, #tpu.memory_space<vmem>>) dst(%dma_wait3A_424 : memref<1024x16xf32, #tpu.memory_space<hbm>>)
    %parallel_loop3A_429 = arith.constant 0 : i32
    %parallel_loop3A_430 = arith.constant 1024 : i32
    %parallel_loop3A_431 = arith.constant 1 : i32
    %parallel_loop3A_432 = arith.constant 0 : i32
    %parallel_loop3A_433 = arith.constant 0 : i32
    %parallel_loop3A_434 = arith.constant 0 : i32
    scf.for %parallel_loop3A_720 = %parallel_loop3A_429 to %parallel_loop3A_430 step %parallel_loop3A_431  : i32 {
      %parallel_loop3A_721 = arith.constant 0 : i32
      %parallel_loop3A_722 = vector.broadcast %parallel_loop3A_721 : i32 to vector<16xi32>
      %parallel_loop3A_723 = vector.broadcast %parallel_loop3A_720 : i32 to vector<16xi32>
      %parallel_loop3A_724 = arith.addi %parallel_loop3A_722, %parallel_loop3A_723 : vector<16xi32>
      %parallel_loop3A_725 = arith.constant 0 : i32
      %parallel_loop3A_726 = arith.constant 0 : i32
      %parallel_loop3A_727 = tpu.memref_slice %arg7[%parallel_loop3A_432, %parallel_loop3A_725, %parallel_loop3A_726] : memref<2x1024x16xi32, #tpu.memory_space<vmem>> -> memref<1x1024x16xi32, #tpu.memory_space<vmem>>
      %parallel_loop3A_728 = tpu.memref_squeeze %parallel_loop3A_727 : memref<1x1024x16xi32, #tpu.memory_space<vmem>> -> memref<1024x16xi32, #tpu.memory_space<vmem>>
      %parallel_loop3A_729 = tpu.vector_load_idx %parallel_loop3A_728[%parallel_loop3A_724, %iota3A] : memref<1024x16xi32, #tpu.memory_space<vmem>>[vector<16xi32>, vector<16xi32>], vector<16xi32>,
      %parallel_loop3A_730 = arith.constant 0 : i32
      %parallel_loop3A_731 = arith.constant 0 : i32
      %parallel_loop3A_732 = tpu.memref_slice %arg6[%parallel_loop3A_433, %parallel_loop3A_730, %parallel_loop3A_731] : memref<2x16x1024xf32, #tpu.memory_space<vmem>> -> memref<1x16x1024xf32, #tpu.memory_space<vmem>>
      %parallel_loop3A_733 = tpu.memref_squeeze %parallel_loop3A_732 : memref<1x16x1024xf32, #tpu.memory_space<vmem>> -> memref<16x1024xf32, #tpu.memory_space<vmem>>
      %parallel_loop3A_734 = tpu.vector_load_idx %parallel_loop3A_733[%iota3A, %parallel_loop3A_729] : memref<16x1024xf32, #tpu.memory_space<vmem>>[vector<16xi32>, vector<16xi32>], vector<16xf32>,
      %parallel_loop3A_735 = arith.constant 0 : i32
      %parallel_loop3A_736 = arith.constant 0 : i32
      %parallel_loop3A_737 = tpu.memref_slice %arg8[%parallel_loop3A_434, %parallel_loop3A_735, %parallel_loop3A_736] : memref<2x1024x16xf32, #tpu.memory_space<vmem>> -> memref<1x1024x16xf32, #tpu.memory_space<vmem>>
      %parallel_loop3A_738 = tpu.memref_squeeze %parallel_loop3A_737 : memref<1x1024x16xf32, #tpu.memory_space<vmem>> -> memref<1024x16xf32, #tpu.memory_space<vmem>>
      tpu.vector_store_idx %parallel_loop3A_738[%parallel_loop3A_724, %iota3A], %parallel_loop3A_734 : memref<1024x16xf32, #tpu.memory_space<vmem>>[vector<16xi32>, vector<16xi32>], vector<16xf32>,
    } {sc.loop_unroll_factor = 16 : i64, sc.parallel_access}
    %dma_start3A_435 = arith.constant 0 : i32
    %dma_start3A_436 = arith.constant 0 : i32
    %dma_start3A_437 = arith.constant 0 : i32
    %dma_start3A_438 = tpu.memref_slice %arg8[%dma_start3A_435, %dma_start3A_436, %dma_start3A_437] : memref<2x1024x16xf32, #tpu.memory_space<vmem>> -> memref<1x1024x16xf32, #tpu.memory_space<vmem>>
    %dma_start3A_439 = tpu.memref_squeeze %dma_start3A_438 : memref<1x1024x16xf32, #tpu.memory_space<vmem>> -> memref<1024x16xf32, #tpu.memory_space<vmem>>
    %dma_start3A_440 = arith.constant 0 : i32
    %dma_start3A_441 = tpu.memref_slice %arg5[%dma_start3A_440, %add3A_359] : memref<1024x4096xf32, #tpu.memory_space<hbm>> -> memref<1024x16xf32, #tpu.memory_space<hbm>>
    %dma_start3A_442 = arith.constant 0 : i32
    %dma_start3A_443 = tpu.memref_slice %arg5[%dma_start3A_442, %add3A_359] : memref<1024x4096xf32, #tpu.memory_space<hbm>> -> memref<1024x16xf32, #tpu.memory_space<hbm>>
    %dma_start3A_444 = arith.constant 0 : i32
    %dma_start3A_445 = arith.constant 0 : i32
    %dma_start3A_446 = tpu.memref_slice %arg8[%dma_start3A_435, %dma_start3A_444, %dma_start3A_445] : memref<2x1024x16xf32, #tpu.memory_space<vmem>> -> memref<1x1024x16xf32, #tpu.memory_space<vmem>>
    %dma_start3A_447 = tpu.memref_squeeze %dma_start3A_446 : memref<1x1024x16xf32, #tpu.memory_space<vmem>> -> memref<1024x16xf32, #tpu.memory_space<vmem>>
    tpu.enqueue_dma source(%dma_start3A_447 : memref<1024x16xf32, #tpu.memory_space<vmem>>) target(%dma_start3A_443 : memref<1024x16xf32, #tpu.memory_space<hbm>>) target_semaphore(%arg12 : memref<!tpu.dma_semaphore, #tpu.memory_space<semaphore_mem>>)
    %add3A_448 = arith.constant 80 : i32
    %add3A_449 = arith.addi %mul3A_2, %add3A_448 : i32
    %add3A_450 = arith.constant 96 : i32
    %add3A_451 = arith.addi %mul3A_2, %add3A_450 : i32
    %dma_start3A_452 = arith.constant 0 : i32
    %dma_start3A_453 = arith.constant 0 : i32
    %dma_start3A_454 = arith.constant 0 : i32
    %dma_start3A_455 = tpu.memref_slice %arg6[%dma_start3A_452, %dma_start3A_453, %dma_start3A_454] : memref<2x16x1024xf32, #tpu.memory_space<vmem>> -> memref<1x16x1024xf32, #tpu.memory_space<vmem>>
    %dma_start3A_456 = tpu.memref_squeeze %dma_start3A_455 : memref<1x16x1024xf32, #tpu.memory_space<vmem>> -> memref<16x1024xf32, #tpu.memory_space<vmem>>
    %dma_start3A_457 = arith.constant 0 : i32
    %dma_start3A_458 = tpu.memref_slice %arg2[%add3A_451, %dma_start3A_457] : memref<4096x1024xf32, #tpu.memory_space<hbm>> -> memref<16x1024xf32, #tpu.memory_space<hbm>>
    %dma_start3A_459 = arith.constant 0 : i32
    %dma_start3A_460 = arith.constant 0 : i32
    %dma_start3A_461 = tpu.memref_slice %arg6[%dma_start3A_452, %dma_start3A_459, %dma_start3A_460] : memref<2x16x1024xf32, #tpu.memory_space<vmem>> -> memref<1x16x1024xf32, #tpu.memory_space<vmem>>
    %dma_start3A_462 = tpu.memref_squeeze %dma_start3A_461 : memref<1x16x1024xf32, #tpu.memory_space<vmem>> -> memref<16x1024xf32, #tpu.memory_space<vmem>>
    %dma_start3A_463 = arith.constant 0 : i32
    %dma_start3A_464 = tpu.memref_slice %arg2[%add3A_451, %dma_start3A_463] : memref<4096x1024xf32, #tpu.memory_space<hbm>> -> memref<16x1024xf32, #tpu.memory_space<hbm>>
    tpu.enqueue_dma source(%dma_start3A_464 : memref<16x1024xf32, #tpu.memory_space<hbm>>) target(%dma_start3A_462 : memref<16x1024xf32, #tpu.memory_space<vmem>>) target_semaphore(%arg10 : memref<!tpu.dma_semaphore, #tpu.memory_space<semaphore_mem>>)
    %dma_start3A_465 = arith.constant 0 : i32
    %dma_start3A_466 = arith.constant 0 : i32
    %dma_start3A_467 = arith.constant 0 : i32
    %dma_start3A_468 = tpu.memref_slice %arg7[%dma_start3A_465, %dma_start3A_466, %dma_start3A_467] : memref<2x1024x16xi32, #tpu.memory_space<vmem>> -> memref<1x1024x16xi32, #tpu.memory_space<vmem>>
    %dma_start3A_469 = tpu.memref_squeeze %dma_start3A_468 : memref<1x1024x16xi32, #tpu.memory_space<vmem>> -> memref<1024x16xi32, #tpu.memory_space<vmem>>
    %dma_start3A_470 = arith.constant 0 : i32
    %dma_start3A_471 = tpu.memref_slice %arg3[%dma_start3A_470, %add3A_451] : memref<1024x4096xi32, #tpu.memory_space<hbm>> -> memref<1024x16xi32, #tpu.memory_space<hbm>>
    %dma_start3A_472 = arith.constant 0 : i32
    %dma_start3A_473 = arith.constant 0 : i32
    %dma_start3A_474 = tpu.memref_slice %arg7[%dma_start3A_465, %dma_start3A_472, %dma_start3A_473] : memref<2x1024x16xi32, #tpu.memory_space<vmem>> -> memref<1x1024x16xi32, #tpu.memory_space<vmem>>
    %dma_start3A_475 = tpu.memref_squeeze %dma_start3A_474 : memref<1x1024x16xi32, #tpu.memory_space<vmem>> -> memref<1024x16xi32, #tpu.memory_space<vmem>>
    %dma_start3A_476 = arith.constant 0 : i32
    %dma_start3A_477 = tpu.memref_slice %arg3[%dma_start3A_476, %add3A_451] : memref<1024x4096xi32, #tpu.memory_space<hbm>> -> memref<1024x16xi32, #tpu.memory_space<hbm>>
    tpu.enqueue_dma source(%dma_start3A_477 : memref<1024x16xi32, #tpu.memory_space<hbm>>) target(%dma_start3A_475 : memref<1024x16xi32, #tpu.memory_space<vmem>>) target_semaphore(%arg11 : memref<!tpu.dma_semaphore, #tpu.memory_space<semaphore_mem>>)
    %dma_wait3A_478 = arith.constant 1 : i32
    %dma_wait3A_479 = arith.constant 0 : i32
    %dma_wait3A_480 = arith.constant 0 : i32
    %dma_wait3A_481 = tpu.memref_slice %arg6[%dma_wait3A_478, %dma_wait3A_479, %dma_wait3A_480] : memref<2x16x1024xf32, #tpu.memory_space<vmem>> -> memref<1x16x1024xf32, #tpu.memory_space<vmem>>
    %dma_wait3A_482 = tpu.memref_squeeze %dma_wait3A_481 : memref<1x16x1024xf32, #tpu.memory_space<vmem>> -> memref<16x1024xf32, #tpu.memory_space<vmem>>
    %dma_wait3A_483 = arith.constant 0 : i32
    %dma_wait3A_484 = tpu.memref_slice %arg2[%add3A_449, %dma_wait3A_483] : memref<4096x1024xf32, #tpu.memory_space<hbm>> -> memref<16x1024xf32, #tpu.memory_space<hbm>>
    %dma_wait3A_485 = arith.constant 0 : i32
    %dma_wait3A_486 = arith.constant 0 : i32
    %dma_wait3A_487 = tpu.memref_slice %arg6[%dma_wait3A_478, %dma_wait3A_485, %dma_wait3A_486] : memref<2x16x1024xf32, #tpu.memory_space<vmem>> -> memref<1x16x1024xf32, #tpu.memory_space<vmem>>
    %dma_wait3A_488 = tpu.memref_squeeze %dma_wait3A_487 : memref<1x16x1024xf32, #tpu.memory_space<vmem>> -> memref<16x1024xf32, #tpu.memory_space<vmem>>
    %dma_wait3A_489 = arith.constant 0 : i32
    %dma_wait3A_490 = tpu.memref_slice %arg2[%add3A_449, %dma_wait3A_489] : memref<4096x1024xf32, #tpu.memory_space<hbm>> -> memref<16x1024xf32, #tpu.memory_space<hbm>>
    tpu.wait_dma2 semaphore(%arg10 : memref<!tpu.dma_semaphore, #tpu.memory_space<semaphore_mem>>) src(%dma_wait3A_490 : memref<16x1024xf32, #tpu.memory_space<hbm>>) dst(%dma_wait3A_488 : memref<16x1024xf32, #tpu.memory_space<vmem>>)
    %dma_wait3A_491 = arith.constant 1 : i32
    %dma_wait3A_492 = arith.constant 0 : i32
    %dma_wait3A_493 = arith.constant 0 : i32
    %dma_wait3A_494 = tpu.memref_slice %arg7[%dma_wait3A_491, %dma_wait3A_492, %dma_wait3A_493] : memref<2x1024x16xi32, #tpu.memory_space<vmem>> -> memref<1x1024x16xi32, #tpu.memory_space<vmem>>
    %dma_wait3A_495 = tpu.memref_squeeze %dma_wait3A_494 : memref<1x1024x16xi32, #tpu.memory_space<vmem>> -> memref<1024x16xi32, #tpu.memory_space<vmem>>
    %dma_wait3A_496 = arith.constant 0 : i32
    %dma_wait3A_497 = tpu.memref_slice %arg3[%dma_wait3A_496, %add3A_449] : memref<1024x4096xi32, #tpu.memory_space<hbm>> -> memref<1024x16xi32, #tpu.memory_space<hbm>>
    %dma_wait3A_498 = arith.constant 0 : i32
    %dma_wait3A_499 = arith.constant 0 : i32
    %dma_wait3A_500 = tpu.memref_slice %arg7[%dma_wait3A_491, %dma_wait3A_498, %dma_wait3A_499] : memref<2x1024x16xi32, #tpu.memory_space<vmem>> -> memref<1x1024x16xi32, #tpu.memory_space<vmem>>
    %dma_wait3A_501 = tpu.memref_squeeze %dma_wait3A_500 : memref<1x1024x16xi32, #tpu.memory_space<vmem>> -> memref<1024x16xi32, #tpu.memory_space<vmem>>
    %dma_wait3A_502 = arith.constant 0 : i32
    %dma_wait3A_503 = tpu.memref_slice %arg3[%dma_wait3A_502, %add3A_449] : memref<1024x4096xi32, #tpu.memory_space<hbm>> -> memref<1024x16xi32, #tpu.memory_space<hbm>>
    tpu.wait_dma2 semaphore(%arg11 : memref<!tpu.dma_semaphore, #tpu.memory_space<semaphore_mem>>) src(%dma_wait3A_503 : memref<1024x16xi32, #tpu.memory_space<hbm>>) dst(%dma_wait3A_501 : memref<1024x16xi32, #tpu.memory_space<vmem>>)
    %add3A_504 = arith.constant 48 : i32
    %add3A_505 = arith.addi %mul3A_2, %add3A_504 : i32
    %dma_wait3A_506 = arith.constant 1 : i32
    %dma_wait3A_507 = arith.constant 0 : i32
    %dma_wait3A_508 = arith.constant 0 : i32
    %dma_wait3A_509 = tpu.memref_slice %arg8[%dma_wait3A_506, %dma_wait3A_507, %dma_wait3A_508] : memref<2x1024x16xf32, #tpu.memory_space<vmem>> -> memref<1x1024x16xf32, #tpu.memory_space<vmem>>
    %dma_wait3A_510 = tpu.memref_squeeze %dma_wait3A_509 : memref<1x1024x16xf32, #tpu.memory_space<vmem>> -> memref<1024x16xf32, #tpu.memory_space<vmem>>
    %dma_wait3A_511 = arith.constant 0 : i32
    %dma_wait3A_512 = tpu.memref_slice %arg5[%dma_wait3A_511, %add3A_505] : memref<1024x4096xf32, #tpu.memory_space<hbm>> -> memref<1024x16xf32, #tpu.memory_space<hbm>>
    %dma_wait3A_513 = arith.constant 0 : i32
    %dma_wait3A_514 = tpu.memref_slice %arg5[%dma_wait3A_513, %add3A_505] : memref<1024x4096xf32, #tpu.memory_space<hbm>> -> memref<1024x16xf32, #tpu.memory_space<hbm>>
    %dma_wait3A_515 = arith.constant 0 : i32
    %dma_wait3A_516 = arith.constant 0 : i32
    %dma_wait3A_517 = tpu.memref_slice %arg8[%dma_wait3A_506, %dma_wait3A_515, %dma_wait3A_516] : memref<2x1024x16xf32, #tpu.memory_space<vmem>> -> memref<1x1024x16xf32, #tpu.memory_space<vmem>>
    %dma_wait3A_518 = tpu.memref_squeeze %dma_wait3A_517 : memref<1x1024x16xf32, #tpu.memory_space<vmem>> -> memref<1024x16xf32, #tpu.memory_space<vmem>>
    tpu.wait_dma2 semaphore(%arg12 : memref<!tpu.dma_semaphore, #tpu.memory_space<semaphore_mem>>) src(%dma_wait3A_518 : memref<1024x16xf32, #tpu.memory_space<vmem>>) dst(%dma_wait3A_514 : memref<1024x16xf32, #tpu.memory_space<hbm>>)
    %parallel_loop3A_519 = arith.constant 0 : i32
    %parallel_loop3A_520 = arith.constant 1024 : i32
    %parallel_loop3A_521 = arith.constant 1 : i32
    %parallel_loop3A_522 = arith.constant 1 : i32
    %parallel_loop3A_523 = arith.constant 1 : i32
    %parallel_loop3A_524 = arith.constant 1 : i32
    scf.for %parallel_loop3A_720 = %parallel_loop3A_519 to %parallel_loop3A_520 step %parallel_loop3A_521  : i32 {
      %parallel_loop3A_721 = arith.constant 0 : i32
      %parallel_loop3A_722 = vector.broadcast %parallel_loop3A_721 : i32 to vector<16xi32>
      %parallel_loop3A_723 = vector.broadcast %parallel_loop3A_720 : i32 to vector<16xi32>
      %parallel_loop3A_724 = arith.addi %parallel_loop3A_722, %parallel_loop3A_723 : vector<16xi32>
      %parallel_loop3A_725 = arith.constant 0 : i32
      %parallel_loop3A_726 = arith.constant 0 : i32
      %parallel_loop3A_727 = tpu.memref_slice %arg7[%parallel_loop3A_522, %parallel_loop3A_725, %parallel_loop3A_726] : memref<2x1024x16xi32, #tpu.memory_space<vmem>> -> memref<1x1024x16xi32, #tpu.memory_space<vmem>>
      %parallel_loop3A_728 = tpu.memref_squeeze %parallel_loop3A_727 : memref<1x1024x16xi32, #tpu.memory_space<vmem>> -> memref<1024x16xi32, #tpu.memory_space<vmem>>
      %parallel_loop3A_729 = tpu.vector_load_idx %parallel_loop3A_728[%parallel_loop3A_724, %iota3A] : memref<1024x16xi32, #tpu.memory_space<vmem>>[vector<16xi32>, vector<16xi32>], vector<16xi32>,
      %parallel_loop3A_730 = arith.constant 0 : i32
      %parallel_loop3A_731 = arith.constant 0 : i32
      %parallel_loop3A_732 = tpu.memref_slice %arg6[%parallel_loop3A_523, %parallel_loop3A_730, %parallel_loop3A_731] : memref<2x16x1024xf32, #tpu.memory_space<vmem>> -> memref<1x16x1024xf32, #tpu.memory_space<vmem>>
      %parallel_loop3A_733 = tpu.memref_squeeze %parallel_loop3A_732 : memref<1x16x1024xf32, #tpu.memory_space<vmem>> -> memref<16x1024xf32, #tpu.memory_space<vmem>>
      %parallel_loop3A_734 = tpu.vector_load_idx %parallel_loop3A_733[%iota3A, %parallel_loop3A_729] : memref<16x1024xf32, #tpu.memory_space<vmem>>[vector<16xi32>, vector<16xi32>], vector<16xf32>,
      %parallel_loop3A_735 = arith.constant 0 : i32
      %parallel_loop3A_736 = arith.constant 0 : i32
      %parallel_loop3A_737 = tpu.memref_slice %arg8[%parallel_loop3A_524, %parallel_loop3A_735, %parallel_loop3A_736] : memref<2x1024x16xf32, #tpu.memory_space<vmem>> -> memref<1x1024x16xf32, #tpu.memory_space<vmem>>
      %parallel_loop3A_738 = tpu.memref_squeeze %parallel_loop3A_737 : memref<1x1024x16xf32, #tpu.memory_space<vmem>> -> memref<1024x16xf32, #tpu.memory_space<vmem>>
      tpu.vector_store_idx %parallel_loop3A_738[%parallel_loop3A_724, %iota3A], %parallel_loop3A_734 : memref<1024x16xf32, #tpu.memory_space<vmem>>[vector<16xi32>, vector<16xi32>], vector<16xf32>,
    } {sc.loop_unroll_factor = 16 : i64, sc.parallel_access}
    %dma_start3A_525 = arith.constant 1 : i32
    %dma_start3A_526 = arith.constant 0 : i32
    %dma_start3A_527 = arith.constant 0 : i32
    %dma_start3A_528 = tpu.memref_slice %arg8[%dma_start3A_525, %dma_start3A_526, %dma_start3A_527] : memref<2x1024x16xf32, #tpu.memory_space<vmem>> -> memref<1x1024x16xf32, #tpu.memory_space<vmem>>
    %dma_start3A_529 = tpu.memref_squeeze %dma_start3A_528 : memref<1x1024x16xf32, #tpu.memory_space<vmem>> -> memref<1024x16xf32, #tpu.memory_space<vmem>>
    %dma_start3A_530 = arith.constant 0 : i32
    %dma_start3A_531 = tpu.memref_slice %arg5[%dma_start3A_530, %add3A_449] : memref<1024x4096xf32, #tpu.memory_space<hbm>> -> memref<1024x16xf32, #tpu.memory_space<hbm>>
    %dma_start3A_532 = arith.constant 0 : i32
    %dma_start3A_533 = tpu.memref_slice %arg5[%dma_start3A_532, %add3A_449] : memref<1024x4096xf32, #tpu.memory_space<hbm>> -> memref<1024x16xf32, #tpu.memory_space<hbm>>
    %dma_start3A_534 = arith.constant 0 : i32
    %dma_start3A_535 = arith.constant 0 : i32
    %dma_start3A_536 = tpu.memref_slice %arg8[%dma_start3A_525, %dma_start3A_534, %dma_start3A_535] : memref<2x1024x16xf32, #tpu.memory_space<vmem>> -> memref<1x1024x16xf32, #tpu.memory_space<vmem>>
    %dma_start3A_537 = tpu.memref_squeeze %dma_start3A_536 : memref<1x1024x16xf32, #tpu.memory_space<vmem>> -> memref<1024x16xf32, #tpu.memory_space<vmem>>
    tpu.enqueue_dma source(%dma_start3A_537 : memref<1024x16xf32, #tpu.memory_space<vmem>>) target(%dma_start3A_533 : memref<1024x16xf32, #tpu.memory_space<hbm>>) target_semaphore(%arg12 : memref<!tpu.dma_semaphore, #tpu.memory_space<semaphore_mem>>)
    %add3A_538 = arith.constant 96 : i32
    %add3A_539 = arith.addi %mul3A_2, %add3A_538 : i32
    %add3A_540 = arith.constant 112 : i32
    %add3A_541 = arith.addi %mul3A_2, %add3A_540 : i32
    %dma_start3A_542 = arith.constant 1 : i32
    %dma_start3A_543 = arith.constant 0 : i32
    %dma_start3A_544 = arith.constant 0 : i32
    %dma_start3A_545 = tpu.memref_slice %arg6[%dma_start3A_542, %dma_start3A_543, %dma_start3A_544] : memref<2x16x1024xf32, #tpu.memory_space<vmem>> -> memref<1x16x1024xf32, #tpu.memory_space<vmem>>
    %dma_start3A_546 = tpu.memref_squeeze %dma_start3A_545 : memref<1x16x1024xf32, #tpu.memory_space<vmem>> -> memref<16x1024xf32, #tpu.memory_space<vmem>>
    %dma_start3A_547 = arith.constant 0 : i32
    %dma_start3A_548 = tpu.memref_slice %arg2[%add3A_541, %dma_start3A_547] : memref<4096x1024xf32, #tpu.memory_space<hbm>> -> memref<16x1024xf32, #tpu.memory_space<hbm>>
    %dma_start3A_549 = arith.constant 0 : i32
    %dma_start3A_550 = arith.constant 0 : i32
    %dma_start3A_551 = tpu.memref_slice %arg6[%dma_start3A_542, %dma_start3A_549, %dma_start3A_550] : memref<2x16x1024xf32, #tpu.memory_space<vmem>> -> memref<1x16x1024xf32, #tpu.memory_space<vmem>>
    %dma_start3A_552 = tpu.memref_squeeze %dma_start3A_551 : memref<1x16x1024xf32, #tpu.memory_space<vmem>> -> memref<16x1024xf32, #tpu.memory_space<vmem>>
    %dma_start3A_553 = arith.constant 0 : i32
    %dma_start3A_554 = tpu.memref_slice %arg2[%add3A_541, %dma_start3A_553] : memref<4096x1024xf32, #tpu.memory_space<hbm>> -> memref<16x1024xf32, #tpu.memory_space<hbm>>
    tpu.enqueue_dma source(%dma_start3A_554 : memref<16x1024xf32, #tpu.memory_space<hbm>>) target(%dma_start3A_552 : memref<16x1024xf32, #tpu.memory_space<vmem>>) target_semaphore(%arg10 : memref<!tpu.dma_semaphore, #tpu.memory_space<semaphore_mem>>)
    %dma_start3A_555 = arith.constant 1 : i32
    %dma_start3A_556 = arith.constant 0 : i32
    %dma_start3A_557 = arith.constant 0 : i32
    %dma_start3A_558 = tpu.memref_slice %arg7[%dma_start3A_555, %dma_start3A_556, %dma_start3A_557] : memref<2x1024x16xi32, #tpu.memory_space<vmem>> -> memref<1x1024x16xi32, #tpu.memory_space<vmem>>
    %dma_start3A_559 = tpu.memref_squeeze %dma_start3A_558 : memref<1x1024x16xi32, #tpu.memory_space<vmem>> -> memref<1024x16xi32, #tpu.memory_space<vmem>>
    %dma_start3A_560 = arith.constant 0 : i32
    %dma_start3A_561 = tpu.memref_slice %arg3[%dma_start3A_560, %add3A_541] : memref<1024x4096xi32, #tpu.memory_space<hbm>> -> memref<1024x16xi32, #tpu.memory_space<hbm>>
    %dma_start3A_562 = arith.constant 0 : i32
    %dma_start3A_563 = arith.constant 0 : i32
    %dma_start3A_564 = tpu.memref_slice %arg7[%dma_start3A_555, %dma_start3A_562, %dma_start3A_563] : memref<2x1024x16xi32, #tpu.memory_space<vmem>> -> memref<1x1024x16xi32, #tpu.memory_space<vmem>>
    %dma_start3A_565 = tpu.memref_squeeze %dma_start3A_564 : memref<1x1024x16xi32, #tpu.memory_space<vmem>> -> memref<1024x16xi32, #tpu.memory_space<vmem>>
    %dma_start3A_566 = arith.constant 0 : i32
    %dma_start3A_567 = tpu.memref_slice %arg3[%dma_start3A_566, %add3A_541] : memref<1024x4096xi32, #tpu.memory_space<hbm>> -> memref<1024x16xi32, #tpu.memory_space<hbm>>
    tpu.enqueue_dma source(%dma_start3A_567 : memref<1024x16xi32, #tpu.memory_space<hbm>>) target(%dma_start3A_565 : memref<1024x16xi32, #tpu.memory_space<vmem>>) target_semaphore(%arg11 : memref<!tpu.dma_semaphore, #tpu.memory_space<semaphore_mem>>)
    %dma_wait3A_568 = arith.constant 0 : i32
    %dma_wait3A_569 = arith.constant 0 : i32
    %dma_wait3A_570 = arith.constant 0 : i32
    %dma_wait3A_571 = tpu.memref_slice %arg6[%dma_wait3A_568, %dma_wait3A_569, %dma_wait3A_570] : memref<2x16x1024xf32, #tpu.memory_space<vmem>> -> memref<1x16x1024xf32, #tpu.memory_space<vmem>>
    %dma_wait3A_572 = tpu.memref_squeeze %dma_wait3A_571 : memref<1x16x1024xf32, #tpu.memory_space<vmem>> -> memref<16x1024xf32, #tpu.memory_space<vmem>>
    %dma_wait3A_573 = arith.constant 0 : i32
    %dma_wait3A_574 = tpu.memref_slice %arg2[%add3A_539, %dma_wait3A_573] : memref<4096x1024xf32, #tpu.memory_space<hbm>> -> memref<16x1024xf32, #tpu.memory_space<hbm>>
    %dma_wait3A_575 = arith.constant 0 : i32
    %dma_wait3A_576 = arith.constant 0 : i32
    %dma_wait3A_577 = tpu.memref_slice %arg6[%dma_wait3A_568, %dma_wait3A_575, %dma_wait3A_576] : memref<2x16x1024xf32, #tpu.memory_space<vmem>> -> memref<1x16x1024xf32, #tpu.memory_space<vmem>>
    %dma_wait3A_578 = tpu.memref_squeeze %dma_wait3A_577 : memref<1x16x1024xf32, #tpu.memory_space<vmem>> -> memref<16x1024xf32, #tpu.memory_space<vmem>>
    %dma_wait3A_579 = arith.constant 0 : i32
    %dma_wait3A_580 = tpu.memref_slice %arg2[%add3A_539, %dma_wait3A_579] : memref<4096x1024xf32, #tpu.memory_space<hbm>> -> memref<16x1024xf32, #tpu.memory_space<hbm>>
    tpu.wait_dma2 semaphore(%arg10 : memref<!tpu.dma_semaphore, #tpu.memory_space<semaphore_mem>>) src(%dma_wait3A_580 : memref<16x1024xf32, #tpu.memory_space<hbm>>) dst(%dma_wait3A_578 : memref<16x1024xf32, #tpu.memory_space<vmem>>)
    %dma_wait3A_581 = arith.constant 0 : i32
    %dma_wait3A_582 = arith.constant 0 : i32
    %dma_wait3A_583 = arith.constant 0 : i32
    %dma_wait3A_584 = tpu.memref_slice %arg7[%dma_wait3A_581, %dma_wait3A_582, %dma_wait3A_583] : memref<2x1024x16xi32, #tpu.memory_space<vmem>> -> memref<1x1024x16xi32, #tpu.memory_space<vmem>>
    %dma_wait3A_585 = tpu.memref_squeeze %dma_wait3A_584 : memref<1x1024x16xi32, #tpu.memory_space<vmem>> -> memref<1024x16xi32, #tpu.memory_space<vmem>>
    %dma_wait3A_586 = arith.constant 0 : i32
    %dma_wait3A_587 = tpu.memref_slice %arg3[%dma_wait3A_586, %add3A_539] : memref<1024x4096xi32, #tpu.memory_space<hbm>> -> memref<1024x16xi32, #tpu.memory_space<hbm>>
    %dma_wait3A_588 = arith.constant 0 : i32
    %dma_wait3A_589 = arith.constant 0 : i32
    %dma_wait3A_590 = tpu.memref_slice %arg7[%dma_wait3A_581, %dma_wait3A_588, %dma_wait3A_589] : memref<2x1024x16xi32, #tpu.memory_space<vmem>> -> memref<1x1024x16xi32, #tpu.memory_space<vmem>>
    %dma_wait3A_591 = tpu.memref_squeeze %dma_wait3A_590 : memref<1x1024x16xi32, #tpu.memory_space<vmem>> -> memref<1024x16xi32, #tpu.memory_space<vmem>>
    %dma_wait3A_592 = arith.constant 0 : i32
    %dma_wait3A_593 = tpu.memref_slice %arg3[%dma_wait3A_592, %add3A_539] : memref<1024x4096xi32, #tpu.memory_space<hbm>> -> memref<1024x16xi32, #tpu.memory_space<hbm>>
    tpu.wait_dma2 semaphore(%arg11 : memref<!tpu.dma_semaphore, #tpu.memory_space<semaphore_mem>>) src(%dma_wait3A_593 : memref<1024x16xi32, #tpu.memory_space<hbm>>) dst(%dma_wait3A_591 : memref<1024x16xi32, #tpu.memory_space<vmem>>)
    %add3A_594 = arith.constant 64 : i32
    %add3A_595 = arith.addi %mul3A_2, %add3A_594 : i32
    %dma_wait3A_596 = arith.constant 0 : i32
    %dma_wait3A_597 = arith.constant 0 : i32
    %dma_wait3A_598 = arith.constant 0 : i32
    %dma_wait3A_599 = tpu.memref_slice %arg8[%dma_wait3A_596, %dma_wait3A_597, %dma_wait3A_598] : memref<2x1024x16xf32, #tpu.memory_space<vmem>> -> memref<1x1024x16xf32, #tpu.memory_space<vmem>>
    %dma_wait3A_600 = tpu.memref_squeeze %dma_wait3A_599 : memref<1x1024x16xf32, #tpu.memory_space<vmem>> -> memref<1024x16xf32, #tpu.memory_space<vmem>>
    %dma_wait3A_601 = arith.constant 0 : i32
    %dma_wait3A_602 = tpu.memref_slice %arg5[%dma_wait3A_601, %add3A_595] : memref<1024x4096xf32, #tpu.memory_space<hbm>> -> memref<1024x16xf32, #tpu.memory_space<hbm>>
    %dma_wait3A_603 = arith.constant 0 : i32
    %dma_wait3A_604 = tpu.memref_slice %arg5[%dma_wait3A_603, %add3A_595] : memref<1024x4096xf32, #tpu.memory_space<hbm>> -> memref<1024x16xf32, #tpu.memory_space<hbm>>
    %dma_wait3A_605 = arith.constant 0 : i32
    %dma_wait3A_606 = arith.constant 0 : i32
    %dma_wait3A_607 = tpu.memref_slice %arg8[%dma_wait3A_596, %dma_wait3A_605, %dma_wait3A_606] : memref<2x1024x16xf32, #tpu.memory_space<vmem>> -> memref<1x1024x16xf32, #tpu.memory_space<vmem>>
    %dma_wait3A_608 = tpu.memref_squeeze %dma_wait3A_607 : memref<1x1024x16xf32, #tpu.memory_space<vmem>> -> memref<1024x16xf32, #tpu.memory_space<vmem>>
    tpu.wait_dma2 semaphore(%arg12 : memref<!tpu.dma_semaphore, #tpu.memory_space<semaphore_mem>>) src(%dma_wait3A_608 : memref<1024x16xf32, #tpu.memory_space<vmem>>) dst(%dma_wait3A_604 : memref<1024x16xf32, #tpu.memory_space<hbm>>)
    %parallel_loop3A_609 = arith.constant 0 : i32
    %parallel_loop3A_610 = arith.constant 1024 : i32
    %parallel_loop3A_611 = arith.constant 1 : i32
    %parallel_loop3A_612 = arith.constant 0 : i32
    %parallel_loop3A_613 = arith.constant 0 : i32
    %parallel_loop3A_614 = arith.constant 0 : i32
    scf.for %parallel_loop3A_720 = %parallel_loop3A_609 to %parallel_loop3A_610 step %parallel_loop3A_611  : i32 {
      %parallel_loop3A_721 = arith.constant 0 : i32
      %parallel_loop3A_722 = vector.broadcast %parallel_loop3A_721 : i32 to vector<16xi32>
      %parallel_loop3A_723 = vector.broadcast %parallel_loop3A_720 : i32 to vector<16xi32>
      %parallel_loop3A_724 = arith.addi %parallel_loop3A_722, %parallel_loop3A_723 : vector<16xi32>
      %parallel_loop3A_725 = arith.constant 0 : i32
      %parallel_loop3A_726 = arith.constant 0 : i32
      %parallel_loop3A_727 = tpu.memref_slice %arg7[%parallel_loop3A_612, %parallel_loop3A_725, %parallel_loop3A_726] : memref<2x1024x16xi32, #tpu.memory_space<vmem>> -> memref<1x1024x16xi32, #tpu.memory_space<vmem>>
      %parallel_loop3A_728 = tpu.memref_squeeze %parallel_loop3A_727 : memref<1x1024x16xi32, #tpu.memory_space<vmem>> -> memref<1024x16xi32, #tpu.memory_space<vmem>>
      %parallel_loop3A_729 = tpu.vector_load_idx %parallel_loop3A_728[%parallel_loop3A_724, %iota3A] : memref<1024x16xi32, #tpu.memory_space<vmem>>[vector<16xi32>, vector<16xi32>], vector<16xi32>,
      %parallel_loop3A_730 = arith.constant 0 : i32
      %parallel_loop3A_731 = arith.constant 0 : i32
      %parallel_loop3A_732 = tpu.memref_slice %arg6[%parallel_loop3A_613, %parallel_loop3A_730, %parallel_loop3A_731] : memref<2x16x1024xf32, #tpu.memory_space<vmem>> -> memref<1x16x1024xf32, #tpu.memory_space<vmem>>
      %parallel_loop3A_733 = tpu.memref_squeeze %parallel_loop3A_732 : memref<1x16x1024xf32, #tpu.memory_space<vmem>> -> memref<16x1024xf32, #tpu.memory_space<vmem>>
      %parallel_loop3A_734 = tpu.vector_load_idx %parallel_loop3A_733[%iota3A, %parallel_loop3A_729] : memref<16x1024xf32, #tpu.memory_space<vmem>>[vector<16xi32>, vector<16xi32>], vector<16xf32>,
      %parallel_loop3A_735 = arith.constant 0 : i32
      %parallel_loop3A_736 = arith.constant 0 : i32
      %parallel_loop3A_737 = tpu.memref_slice %arg8[%parallel_loop3A_614, %parallel_loop3A_735, %parallel_loop3A_736] : memref<2x1024x16xf32, #tpu.memory_space<vmem>> -> memref<1x1024x16xf32, #tpu.memory_space<vmem>>
      %parallel_loop3A_738 = tpu.memref_squeeze %parallel_loop3A_737 : memref<1x1024x16xf32, #tpu.memory_space<vmem>> -> memref<1024x16xf32, #tpu.memory_space<vmem>>
      tpu.vector_store_idx %parallel_loop3A_738[%parallel_loop3A_724, %iota3A], %parallel_loop3A_734 : memref<1024x16xf32, #tpu.memory_space<vmem>>[vector<16xi32>, vector<16xi32>], vector<16xf32>,
    } {sc.loop_unroll_factor = 16 : i64, sc.parallel_access}
    %dma_start3A_615 = arith.constant 0 : i32
    %dma_start3A_616 = arith.constant 0 : i32
    %dma_start3A_617 = arith.constant 0 : i32
    %dma_start3A_618 = tpu.memref_slice %arg8[%dma_start3A_615, %dma_start3A_616, %dma_start3A_617] : memref<2x1024x16xf32, #tpu.memory_space<vmem>> -> memref<1x1024x16xf32, #tpu.memory_space<vmem>>
    %dma_start3A_619 = tpu.memref_squeeze %dma_start3A_618 : memref<1x1024x16xf32, #tpu.memory_space<vmem>> -> memref<1024x16xf32, #tpu.memory_space<vmem>>
    %dma_start3A_620 = arith.constant 0 : i32
    %dma_start3A_621 = tpu.memref_slice %arg5[%dma_start3A_620, %add3A_539] : memref<1024x4096xf32, #tpu.memory_space<hbm>> -> memref<1024x16xf32, #tpu.memory_space<hbm>>
    %dma_start3A_622 = arith.constant 0 : i32
    %dma_start3A_623 = tpu.memref_slice %arg5[%dma_start3A_622, %add3A_539] : memref<1024x4096xf32, #tpu.memory_space<hbm>> -> memref<1024x16xf32, #tpu.memory_space<hbm>>
    %dma_start3A_624 = arith.constant 0 : i32
    %dma_start3A_625 = arith.constant 0 : i32
    %dma_start3A_626 = tpu.memref_slice %arg8[%dma_start3A_615, %dma_start3A_624, %dma_start3A_625] : memref<2x1024x16xf32, #tpu.memory_space<vmem>> -> memref<1x1024x16xf32, #tpu.memory_space<vmem>>
    %dma_start3A_627 = tpu.memref_squeeze %dma_start3A_626 : memref<1x1024x16xf32, #tpu.memory_space<vmem>> -> memref<1024x16xf32, #tpu.memory_space<vmem>>
    tpu.enqueue_dma source(%dma_start3A_627 : memref<1024x16xf32, #tpu.memory_space<vmem>>) target(%dma_start3A_623 : memref<1024x16xf32, #tpu.memory_space<hbm>>) target_semaphore(%arg12 : memref<!tpu.dma_semaphore, #tpu.memory_space<semaphore_mem>>)
    %add3A_628 = arith.constant 112 : i32
    %add3A_629 = arith.addi %mul3A_2, %add3A_628 : i32
    %dma_wait3A_630 = arith.constant 1 : i32
    %dma_wait3A_631 = arith.constant 0 : i32
    %dma_wait3A_632 = arith.constant 0 : i32
    %dma_wait3A_633 = tpu.memref_slice %arg6[%dma_wait3A_630, %dma_wait3A_631, %dma_wait3A_632] : memref<2x16x1024xf32, #tpu.memory_space<vmem>> -> memref<1x16x1024xf32, #tpu.memory_space<vmem>>
    %dma_wait3A_634 = tpu.memref_squeeze %dma_wait3A_633 : memref<1x16x1024xf32, #tpu.memory_space<vmem>> -> memref<16x1024xf32, #tpu.memory_space<vmem>>
    %dma_wait3A_635 = arith.constant 0 : i32
    %dma_wait3A_636 = tpu.memref_slice %arg2[%add3A_629, %dma_wait3A_635] : memref<4096x1024xf32, #tpu.memory_space<hbm>> -> memref<16x1024xf32, #tpu.memory_space<hbm>>
    %dma_wait3A_637 = arith.constant 0 : i32
    %dma_wait3A_638 = arith.constant 0 : i32
    %dma_wait3A_639 = tpu.memref_slice %arg6[%dma_wait3A_630, %dma_wait3A_637, %dma_wait3A_638] : memref<2x16x1024xf32, #tpu.memory_space<vmem>> -> memref<1x16x1024xf32, #tpu.memory_space<vmem>>
    %dma_wait3A_640 = tpu.memref_squeeze %dma_wait3A_639 : memref<1x16x1024xf32, #tpu.memory_space<vmem>> -> memref<16x1024xf32, #tpu.memory_space<vmem>>
    %dma_wait3A_641 = arith.constant 0 : i32
    %dma_wait3A_642 = tpu.memref_slice %arg2[%add3A_629, %dma_wait3A_641] : memref<4096x1024xf32, #tpu.memory_space<hbm>> -> memref<16x1024xf32, #tpu.memory_space<hbm>>
    tpu.wait_dma2 semaphore(%arg10 : memref<!tpu.dma_semaphore, #tpu.memory_space<semaphore_mem>>) src(%dma_wait3A_642 : memref<16x1024xf32, #tpu.memory_space<hbm>>) dst(%dma_wait3A_640 : memref<16x1024xf32, #tpu.memory_space<vmem>>)
    %dma_wait3A_643 = arith.constant 1 : i32
    %dma_wait3A_644 = arith.constant 0 : i32
    %dma_wait3A_645 = arith.constant 0 : i32
    %dma_wait3A_646 = tpu.memref_slice %arg7[%dma_wait3A_643, %dma_wait3A_644, %dma_wait3A_645] : memref<2x1024x16xi32, #tpu.memory_space<vmem>> -> memref<1x1024x16xi32, #tpu.memory_space<vmem>>
    %dma_wait3A_647 = tpu.memref_squeeze %dma_wait3A_646 : memref<1x1024x16xi32, #tpu.memory_space<vmem>> -> memref<1024x16xi32, #tpu.memory_space<vmem>>
    %dma_wait3A_648 = arith.constant 0 : i32
    %dma_wait3A_649 = tpu.memref_slice %arg3[%dma_wait3A_648, %add3A_629] : memref<1024x4096xi32, #tpu.memory_space<hbm>> -> memref<1024x16xi32, #tpu.memory_space<hbm>>
    %dma_wait3A_650 = arith.constant 0 : i32
    %dma_wait3A_651 = arith.constant 0 : i32
    %dma_wait3A_652 = tpu.memref_slice %arg7[%dma_wait3A_643, %dma_wait3A_650, %dma_wait3A_651] : memref<2x1024x16xi32, #tpu.memory_space<vmem>> -> memref<1x1024x16xi32, #tpu.memory_space<vmem>>
    %dma_wait3A_653 = tpu.memref_squeeze %dma_wait3A_652 : memref<1x1024x16xi32, #tpu.memory_space<vmem>> -> memref<1024x16xi32, #tpu.memory_space<vmem>>
    %dma_wait3A_654 = arith.constant 0 : i32
    %dma_wait3A_655 = tpu.memref_slice %arg3[%dma_wait3A_654, %add3A_629] : memref<1024x4096xi32, #tpu.memory_space<hbm>> -> memref<1024x16xi32, #tpu.memory_space<hbm>>
    tpu.wait_dma2 semaphore(%arg11 : memref<!tpu.dma_semaphore, #tpu.memory_space<semaphore_mem>>) src(%dma_wait3A_655 : memref<1024x16xi32, #tpu.memory_space<hbm>>) dst(%dma_wait3A_653 : memref<1024x16xi32, #tpu.memory_space<vmem>>)
    %add3A_656 = arith.constant 80 : i32
    %add3A_657 = arith.addi %mul3A_2, %add3A_656 : i32
    %dma_wait3A_658 = arith.constant 1 : i32
    %dma_wait3A_659 = arith.constant 0 : i32
    %dma_wait3A_660 = arith.constant 0 : i32
    %dma_wait3A_661 = tpu.memref_slice %arg8[%dma_wait3A_658, %dma_wait3A_659, %dma_wait3A_660] : memref<2x1024x16xf32, #tpu.memory_space<vmem>> -> memref<1x1024x16xf32, #tpu.memory_space<vmem>>
    %dma_wait3A_662 = tpu.memref_squeeze %dma_wait3A_661 : memref<1x1024x16xf32, #tpu.memory_space<vmem>> -> memref<1024x16xf32, #tpu.memory_space<vmem>>
    %dma_wait3A_663 = arith.constant 0 : i32
    %dma_wait3A_664 = tpu.memref_slice %arg5[%dma_wait3A_663, %add3A_657] : memref<1024x4096xf32, #tpu.memory_space<hbm>> -> memref<1024x16xf32, #tpu.memory_space<hbm>>
    %dma_wait3A_665 = arith.constant 0 : i32
    %dma_wait3A_666 = tpu.memref_slice %arg5[%dma_wait3A_665, %add3A_657] : memref<1024x4096xf32, #tpu.memory_space<hbm>> -> memref<1024x16xf32, #tpu.memory_space<hbm>>
    %dma_wait3A_667 = arith.constant 0 : i32
    %dma_wait3A_668 = arith.constant 0 : i32
    %dma_wait3A_669 = tpu.memref_slice %arg8[%dma_wait3A_658, %dma_wait3A_667, %dma_wait3A_668] : memref<2x1024x16xf32, #tpu.memory_space<vmem>> -> memref<1x1024x16xf32, #tpu.memory_space<vmem>>
    %dma_wait3A_670 = tpu.memref_squeeze %dma_wait3A_669 : memref<1x1024x16xf32, #tpu.memory_space<vmem>> -> memref<1024x16xf32, #tpu.memory_space<vmem>>
    tpu.wait_dma2 semaphore(%arg12 : memref<!tpu.dma_semaphore, #tpu.memory_space<semaphore_mem>>) src(%dma_wait3A_670 : memref<1024x16xf32, #tpu.memory_space<vmem>>) dst(%dma_wait3A_666 : memref<1024x16xf32, #tpu.memory_space<hbm>>)
    %parallel_loop3A_671 = arith.constant 0 : i32
    %parallel_loop3A_672 = arith.constant 1024 : i32
    %parallel_loop3A_673 = arith.constant 1 : i32
    %parallel_loop3A_674 = arith.constant 1 : i32
    %parallel_loop3A_675 = arith.constant 1 : i32
    %parallel_loop3A_676 = arith.constant 1 : i32
    scf.for %parallel_loop3A_720 = %parallel_loop3A_671 to %parallel_loop3A_672 step %parallel_loop3A_673  : i32 {
      %parallel_loop3A_721 = arith.constant 0 : i32
      %parallel_loop3A_722 = vector.broadcast %parallel_loop3A_721 : i32 to vector<16xi32>
      %parallel_loop3A_723 = vector.broadcast %parallel_loop3A_720 : i32 to vector<16xi32>
      %parallel_loop3A_724 = arith.addi %parallel_loop3A_722, %parallel_loop3A_723 : vector<16xi32>
      %parallel_loop3A_725 = arith.constant 0 : i32
      %parallel_loop3A_726 = arith.constant 0 : i32
      %parallel_loop3A_727 = tpu.memref_slice %arg7[%parallel_loop3A_674, %parallel_loop3A_725, %parallel_loop3A_726] : memref<2x1024x16xi32, #tpu.memory_space<vmem>> -> memref<1x1024x16xi32, #tpu.memory_space<vmem>>
      %parallel_loop3A_728 = tpu.memref_squeeze %parallel_loop3A_727 : memref<1x1024x16xi32, #tpu.memory_space<vmem>> -> memref<1024x16xi32, #tpu.memory_space<vmem>>
      %parallel_loop3A_729 = tpu.vector_load_idx %parallel_loop3A_728[%parallel_loop3A_724, %iota3A] : memref<1024x16xi32, #tpu.memory_space<vmem>>[vector<16xi32>, vector<16xi32>], vector<16xi32>,
      %parallel_loop3A_730 = arith.constant 0 : i32
      %parallel_loop3A_731 = arith.constant 0 : i32
      %parallel_loop3A_732 = tpu.memref_slice %arg6[%parallel_loop3A_675, %parallel_loop3A_730, %parallel_loop3A_731] : memref<2x16x1024xf32, #tpu.memory_space<vmem>> -> memref<1x16x1024xf32, #tpu.memory_space<vmem>>
      %parallel_loop3A_733 = tpu.memref_squeeze %parallel_loop3A_732 : memref<1x16x1024xf32, #tpu.memory_space<vmem>> -> memref<16x1024xf32, #tpu.memory_space<vmem>>
      %parallel_loop3A_734 = tpu.vector_load_idx %parallel_loop3A_733[%iota3A, %parallel_loop3A_729] : memref<16x1024xf32, #tpu.memory_space<vmem>>[vector<16xi32>, vector<16xi32>], vector<16xf32>,
      %parallel_loop3A_735 = arith.constant 0 : i32
      %parallel_loop3A_736 = arith.constant 0 : i32
      %parallel_loop3A_737 = tpu.memref_slice %arg8[%parallel_loop3A_676, %parallel_loop3A_735, %parallel_loop3A_736] : memref<2x1024x16xf32, #tpu.memory_space<vmem>> -> memref<1x1024x16xf32, #tpu.memory_space<vmem>>
      %parallel_loop3A_738 = tpu.memref_squeeze %parallel_loop3A_737 : memref<1x1024x16xf32, #tpu.memory_space<vmem>> -> memref<1024x16xf32, #tpu.memory_space<vmem>>
      tpu.vector_store_idx %parallel_loop3A_738[%parallel_loop3A_724, %iota3A], %parallel_loop3A_734 : memref<1024x16xf32, #tpu.memory_space<vmem>>[vector<16xi32>, vector<16xi32>], vector<16xf32>,
    } {sc.loop_unroll_factor = 16 : i64, sc.parallel_access}
    %dma_start3A_677 = arith.constant 1 : i32
    %dma_start3A_678 = arith.constant 0 : i32
    %dma_start3A_679 = arith.constant 0 : i32
    %dma_start3A_680 = tpu.memref_slice %arg8[%dma_start3A_677, %dma_start3A_678, %dma_start3A_679] : memref<2x1024x16xf32, #tpu.memory_space<vmem>> -> memref<1x1024x16xf32, #tpu.memory_space<vmem>>
    %dma_start3A_681 = tpu.memref_squeeze %dma_start3A_680 : memref<1x1024x16xf32, #tpu.memory_space<vmem>> -> memref<1024x16xf32, #tpu.memory_space<vmem>>
    %dma_start3A_682 = arith.constant 0 : i32
    %dma_start3A_683 = tpu.memref_slice %arg5[%dma_start3A_682, %add3A_629] : memref<1024x4096xf32, #tpu.memory_space<hbm>> -> memref<1024x16xf32, #tpu.memory_space<hbm>>
    %dma_start3A_684 = arith.constant 0 : i32
    %dma_start3A_685 = tpu.memref_slice %arg5[%dma_start3A_684, %add3A_629] : memref<1024x4096xf32, #tpu.memory_space<hbm>> -> memref<1024x16xf32, #tpu.memory_space<hbm>>
    %dma_start3A_686 = arith.constant 0 : i32
    %dma_start3A_687 = arith.constant 0 : i32
    %dma_start3A_688 = tpu.memref_slice %arg8[%dma_start3A_677, %dma_start3A_686, %dma_start3A_687] : memref<2x1024x16xf32, #tpu.memory_space<vmem>> -> memref<1x1024x16xf32, #tpu.memory_space<vmem>>
    %dma_start3A_689 = tpu.memref_squeeze %dma_start3A_688 : memref<1x1024x16xf32, #tpu.memory_space<vmem>> -> memref<1024x16xf32, #tpu.memory_space<vmem>>
    tpu.enqueue_dma source(%dma_start3A_689 : memref<1024x16xf32, #tpu.memory_space<vmem>>) target(%dma_start3A_685 : memref<1024x16xf32, #tpu.memory_space<hbm>>) target_semaphore(%arg12 : memref<!tpu.dma_semaphore, #tpu.memory_space<semaphore_mem>>)
    %add3A_690 = arith.constant 96 : i32
    %add3A_691 = arith.addi %mul3A_2, %add3A_690 : i32
    %dma_wait3A_692 = arith.constant 0 : i32
    %dma_wait3A_693 = arith.constant 0 : i32
    %dma_wait3A_694 = arith.constant 0 : i32
    %dma_wait3A_695 = tpu.memref_slice %arg8[%dma_wait3A_692, %dma_wait3A_693, %dma_wait3A_694] : memref<2x1024x16xf32, #tpu.memory_space<vmem>> -> memref<1x1024x16xf32, #tpu.memory_space<vmem>>
    %dma_wait3A_696 = tpu.memref_squeeze %dma_wait3A_695 : memref<1x1024x16xf32, #tpu.memory_space<vmem>> -> memref<1024x16xf32, #tpu.memory_space<vmem>>
    %dma_wait3A_697 = arith.constant 0 : i32
    %dma_wait3A_698 = tpu.memref_slice %arg5[%dma_wait3A_697, %add3A_691] : memref<1024x4096xf32, #tpu.memory_space<hbm>> -> memref<1024x16xf32, #tpu.memory_space<hbm>>
    %dma_wait3A_699 = arith.constant 0 : i32
    %dma_wait3A_700 = tpu.memref_slice %arg5[%dma_wait3A_699, %add3A_691] : memref<1024x4096xf32, #tpu.memory_space<hbm>> -> memref<1024x16xf32, #tpu.memory_space<hbm>>
    %dma_wait3A_701 = arith.constant 0 : i32
    %dma_wait3A_702 = arith.constant 0 : i32
    %dma_wait3A_703 = tpu.memref_slice %arg8[%dma_wait3A_692, %dma_wait3A_701, %dma_wait3A_702] : memref<2x1024x16xf32, #tpu.memory_space<vmem>> -> memref<1x1024x16xf32, #tpu.memory_space<vmem>>
    %dma_wait3A_704 = tpu.memref_squeeze %dma_wait3A_703 : memref<1x1024x16xf32, #tpu.memory_space<vmem>> -> memref<1024x16xf32, #tpu.memory_space<vmem>>
    tpu.wait_dma2 semaphore(%arg12 : memref<!tpu.dma_semaphore, #tpu.memory_space<semaphore_mem>>) src(%dma_wait3A_704 : memref<1024x16xf32, #tpu.memory_space<vmem>>) dst(%dma_wait3A_700 : memref<1024x16xf32, #tpu.memory_space<hbm>>)
    %add3A_705 = arith.constant 112 : i32
    %add3A_706 = arith.addi %mul3A_2, %add3A_705 : i32
    %dma_wait3A_707 = arith.constant 1 : i32
    %dma_wait3A_708 = arith.constant 0 : i32
    %dma_wait3A_709 = arith.constant 0 : i32
    %dma_wait3A_710 = tpu.memref_slice %arg8[%dma_wait3A_707, %dma_wait3A_708, %dma_wait3A_709] : memref<2x1024x16xf32, #tpu.memory_space<vmem>> -> memref<1x1024x16xf32, #tpu.memory_space<vmem>>
    %dma_wait3A_711 = tpu.memref_squeeze %dma_wait3A_710 : memref<1x1024x16xf32, #tpu.memory_space<vmem>> -> memref<1024x16xf32, #tpu.memory_space<vmem>>
    %dma_wait3A_712 = arith.constant 0 : i32
    %dma_wait3A_713 = tpu.memref_slice %arg5[%dma_wait3A_712, %add3A_706] : memref<1024x4096xf32, #tpu.memory_space<hbm>> -> memref<1024x16xf32, #tpu.memory_space<hbm>>
    %dma_wait3A_714 = arith.constant 0 : i32
    %dma_wait3A_715 = tpu.memref_slice %arg5[%dma_wait3A_714, %add3A_706] : memref<1024x4096xf32, #tpu.memory_space<hbm>> -> memref<1024x16xf32, #tpu.memory_space<hbm>>
    %dma_wait3A_716 = arith.constant 0 : i32
    %dma_wait3A_717 = arith.constant 0 : i32
    %dma_wait3A_718 = tpu.memref_slice %arg8[%dma_wait3A_707, %dma_wait3A_716, %dma_wait3A_717] : memref<2x1024x16xf32, #tpu.memory_space<vmem>> -> memref<1x1024x16xf32, #tpu.memory_space<vmem>>
    %dma_wait3A_719 = tpu.memref_squeeze %dma_wait3A_718 : memref<1x1024x16xf32, #tpu.memory_space<vmem>> -> memref<1024x16xf32, #tpu.memory_space<vmem>>
    tpu.wait_dma2 semaphore(%arg12 : memref<!tpu.dma_semaphore, #tpu.memory_space<semaphore_mem>>) src(%dma_wait3A_719 : memref<1024x16xf32, #tpu.memory_space<vmem>>) dst(%dma_wait3A_715 : memref<1024x16xf32, #tpu.memory_space<hbm>>)
    "tpu.region"() ({
      %run_scoped3A_720 = tpu.sem_alloc : memref<!tpu.dma_semaphore, #tpu.memory_space<semaphore_mem>>
      %dma_start3A_721 = tpu.memref_slice %arg4[%mul3A_2] : memref<4096xf32, #tpu.memory_space<hbm>> -> memref<128xf32, #tpu.memory_space<hbm>>
      %dma_start3A_722 = tpu.memref_slice %arg4[%mul3A_2] : memref<4096xf32, #tpu.memory_space<hbm>> -> memref<128xf32, #tpu.memory_space<hbm>>
      tpu.enqueue_dma source(%dma_start3A_722 : memref<128xf32, #tpu.memory_space<hbm>>) target(%arg9 : memref<128xf32, #tpu.memory_space<vmem>>) target_semaphore(%run_scoped3A_720 : memref<!tpu.dma_semaphore, #tpu.memory_space<semaphore_mem>>)
      %dma_wait3A_723 = tpu.memref_slice %arg4[%mul3A_2] : memref<4096xf32, #tpu.memory_space<hbm>> -> memref<128xf32, #tpu.memory_space<hbm>>
      %dma_wait3A_724 = tpu.memref_slice %arg4[%mul3A_2] : memref<4096xf32, #tpu.memory_space<hbm>> -> memref<128xf32, #tpu.memory_space<hbm>>
      tpu.wait_dma2 semaphore(%run_scoped3A_720 : memref<!tpu.dma_semaphore, #tpu.memory_space<semaphore_mem>>) src(%dma_wait3A_724 : memref<128xf32, #tpu.memory_space<hbm>>) dst(%arg9 : memref<128xf32, #tpu.memory_space<vmem>>)
      tpu.yield
    }) : () -> ()
    %run_scoped3A = arith.constant 0 : i32
    "tpu.region"() ({
      %run_scoped3A_720 = tpu.sem_alloc : memref<!tpu.dma_semaphore, #tpu.memory_space<semaphore_mem>>
      %dma_start3A_721 = tpu.memref_slice %arg5[%run_scoped3A, %mul3A_2] : memref<1024x4096xf32, #tpu.memory_space<hbm>> -> memref<1x128xf32, #tpu.memory_space<hbm>>
      %dma_start3A_722 = tpu.memref_squeeze %dma_start3A_721 : memref<1x128xf32, #tpu.memory_space<hbm>> -> memref<128xf32, #tpu.memory_space<hbm>>
      %dma_start3A_723 = tpu.memref_slice %arg5[%run_scoped3A, %mul3A_2] : memref<1024x4096xf32, #tpu.memory_space<hbm>> -> memref<1x128xf32, #tpu.memory_space<hbm>>
      %dma_start3A_724 = tpu.memref_squeeze %dma_start3A_723 : memref<1x128xf32, #tpu.memory_space<hbm>> -> memref<128xf32, #tpu.memory_space<hbm>>
      tpu.enqueue_dma source(%arg9 : memref<128xf32, #tpu.memory_space<vmem>>) target(%dma_start3A_724 : memref<128xf32, #tpu.memory_space<hbm>>) target_semaphore(%run_scoped3A_720 : memref<!tpu.dma_semaphore, #tpu.memory_space<semaphore_mem>>)
      %dma_wait3A_725 = tpu.memref_slice %arg5[%run_scoped3A, %mul3A_2] : memref<1024x4096xf32, #tpu.memory_space<hbm>> -> memref<1x128xf32, #tpu.memory_space<hbm>>
      %dma_wait3A_726 = tpu.memref_squeeze %dma_wait3A_725 : memref<1x128xf32, #tpu.memory_space<hbm>> -> memref<128xf32, #tpu.memory_space<hbm>>
      %dma_wait3A_727 = tpu.memref_slice %arg5[%run_scoped3A, %mul3A_2] : memref<1024x4096xf32, #tpu.memory_space<hbm>> -> memref<1x128xf32, #tpu.memory_space<hbm>>
      %dma_wait3A_728 = tpu.memref_squeeze %dma_wait3A_727 : memref<1x128xf32, #tpu.memory_space<hbm>> -> memref<128xf32, #tpu.memory_space<hbm>>
      tpu.wait_dma2 semaphore(%run_scoped3A_720 : memref<!tpu.dma_semaphore, #tpu.memory_space<semaphore_mem>>) src(%arg9 : memref<128xf32, #tpu.memory_space<vmem>>) dst(%dma_wait3A_728 : memref<128xf32, #tpu.memory_space<hbm>>)
      tpu.yield
    }) : () -> ()
    return
  }
}

</mosaic_0001>

<sc_bundles>
// kernel: kernel.4.cloned.1.call-start
scs
__scs_entry_jumppad:
0x0: {  	(pc) =	sbr.rel $0x88, $3  }
0x1: {  	(tag) =	ssettag $0x0;
	lr =	simm.s32 $0x1  }
0x2: {  	[smem:$0x3F9D] =	sst lr;
	_ =	strace $0xD0000000  }
0x3: {  	_ = 	snop  }
0x4: {  	_ = 	snop  }
0x5: {  	_ = 	snop  }
0x6: {  	_ = 	snop  }
0x7: {  	_ = 	snop  }
__scs_overlays_trampoline_lowered:
0x8: {  	[smem:$0x3FAC] =	sst s0  }
0x9: {  	[smem:$0x3FAD] =	sst s1  }
0xa: {  	[smem:$0x3FAE] =	sst s2  }
0xb: {  	[smem:$0x3FAF] =	sst s3  }
0xc: {  	[smem:$0x3FB0] =	sst s4  }
0xd: {  	[smem:$0x3FB1] =	sst s5  }
0xe: {  	[smem:$0x3FB2] =	sst s6  }
0xf: {  	[smem:$0x3FB3] =	sst s7  }
0x10: {  	[smem:$0x3FB4] =	sst s8  }
0x11: {  	[smem:$0x3FB5] =	sst s9;
	s0 =	simm.s32 @!p0 $0x0  }
0x12: {  	s1 =	sld [smem:$0x3F9B];
	s0 =	simm.s32 @p0 $0x1  }
0x13: {  	[smem:$0x3FB6] =	sst s0;
	s0 =	simm.s32 @!p1 $0x0  }
0x14: {  	s2 =	sld [smem:$0x3F9A];
	s0 =	simm.s32 @p1 $0x1  }
0x15: {  	[smem:$0x3FB7] =	sst s0;
	s0 =	simm.s32 @!p2 $0x0  }
0x16: {  	s3 =	sld [smem:$0x3FDB];
	s0 =	simm.s32 @p2 $0x1  }
0x17: {  	s4 =	simm.s32 $0x1BF5;
	[smem:$0x3FB9] =	sst s0  }
0x18: {  	s0 =	sld [smem:$0x3F9C];
	_ =	swait.ge [sflag:s4], $0x0  }
0x19: {  	s7 =	sld [smem:$0x3F9D]  }
0x1a: {  	s8 =	sadd.s32 $0xFFFFE003, lr  }
0x1b: {  	s9 =	sadd.s32 $0xFFFFFEF7, lr;
	s5 =	simm.s32 $0xFFFFFFFF;
	p2 =	slt.u32 s8, $0xFFFFF086  }
0x1c: {  	p1 =	slt.u32 s9, $0xF7A;
	s5 =	simm.s32 @!p2 $0x0  }
0x1d: {  	s5 =	simm.s32 @p1 $0x1;
	p0 =	seq.s32 s7, s2  }
0x1e: {  	s7 =	smul.u32 @!p0 $0xF7A, s2;
	p2 =	seq.s32 @!p0 s5, $0x0  }
0x1f: {  	s9 =	smul.u32 $0xF7A, s1;
	s8 =	simm.s32 @!p0 $0x1BF5;
	p2 =	por !p2, p0  }
0x20: {  	[sflag:s8] =	ssyncset.s32 @!p0 $0xFFFFF086;
	s6 =	sadd.s32 @!p0 s3, s7;
	s7 =	simm.s32 @!p0 $0x108  }
0x21: {  	s3 =	sadd.s32 s3, s9;
	s6 =	sadd.s32 @!p0 $0x88, s6;
	s7 =	simm.s32 @p2 $0x1082  }
0x22: {  	[simem:s7], [sflag:s8] =	dma.local @!p0 [hbm:s6], $0xF7A  }
0x23: {  	s9 =	sor.u32 $0xD0000000, s2;
	s6 =	simm.s32 $0x108;
	_ =	swait.ge @!p0 [sflag:s8], $0x0  }
0x24: {  	s3 =	sadd.s32 $0x88, s3;
	s6 =	simm.s32 @!p1 $0x1082;
	[sflag:s4] =	ssyncset.s32 $0xFFFFF086  }
0x25: {  	[simem:s6], [sflag:s4] =	dma.local [hbm:s3], $0xF7A  }
0x26: {  	[smem:$0x3F9D] =	sst s1;
	(tag) =	ssettag s2;
	_ =	strace s9  }
0x27: {  	s1 =	sld [smem:$0x3FAD]  }
0x28: {  	s2 =	sld [smem:$0x3FAE]  }
0x29: {  	s4 =	sld [smem:$0x3FB0]  }
0x2a: {  	p0 =	seq.s32 s5, $0x0;
	s5 =	sld [smem:$0x3FB1]  }
0x2b: {  	s6 =	sld [smem:$0x3FB2]  }
0x2c: {  	s7 =	sld [smem:$0x3FB3]  }
0x2d: {  	s3 =	simm.s32 $0x108;
	s8 =	sld [smem:$0x3FB4]  }
0x2e: {  	s3 =	simm.s32 @!p0 $0x1082;
	s9 =	sld [smem:$0x3FB5]  }
0x2f: {  	lr =	sadd.s32 s0, s3;
	s0 =	sld [smem:$0x3FAC]  }
0x30: {  	s3 =	sld [smem:$0x3FAF]  }
0x31: {  	[smem:$0x3FB8] =	sst s10  }
0x32: {  	s10 =	sld [smem:$0x3FB6];
	_ =	sdelay $0x3  }
0x33: {  	p0 =	seq.s32 s10, $0x1;
	s10 =	sld [smem:$0x3FB8];
	_ =	sdelay $0x3  }
0x34: {  	[smem:$0x3FB8] =	sst s10  }
0x35: {  	s10 =	sld [smem:$0x3FB7];
	_ =	sdelay $0x3  }
0x36: {  	p1 =	seq.s32 s10, $0x1;
	s10 =	sld [smem:$0x3FB8];
	_ =	sdelay $0x3  }
0x37: {  	[smem:$0x3FB8] =	sst s10  }
0x38: {  	s10 =	sld [smem:$0x3FB9]  }
0x39: {  	_ = 	snop;
	(pc) =	sbr.ind lr, $3  }
0x3a: {  	_ = 	snop  }
0x3b: {  	_ = 	snop  }
0x3c: {  	p2 =	seq.s32 s10, $0x1;
	s10 =	sld [smem:$0x3FB8]  }
0x3d: {  	_ =	shalt  }
0x3e: {  	_ =	shalt  }
0x3f: {  	_ =	shalt  }
0x40: {  	_ =	shalt  }
0x41: {  	_ =	shalt  }
0x42: {  	_ =	shalt  }
0x43: {  	_ =	shalt  }
0x44: {  	_ =	shalt  }
0x45: {  	_ =	shalt  }
0x46: {  	_ =	shalt  }
0x47: {  	_ =	shalt  }
0x48: {  	_ =	shalt  }
0x49: {  	_ =	shalt  }
0x4a: {  	_ =	shalt  }
0x4b: {  	_ =	shalt  }
0x4c: {  	_ =	shalt  }
0x4d: {  	_ =	shalt  }
0x4e: {  	_ =	shalt  }
0x4f: {  	_ =	shalt  }
0x50: {  	_ =	shalt  }
0x51: {  	_ =	shalt  }
0x52: {  	_ =	shalt  }
0x53: {  	_ =	shalt  }
0x54: {  	_ =	shalt  }
0x55: {  	_ =	shalt  }
0x56: {  	_ =	shalt  }
0x57: {  	_ =	shalt  }
0x58: {  	_ =	shalt  }
0x59: {  	_ =	shalt  }
0x5a: {  	_ =	shalt  }
0x5b: {  	_ =	shalt  }
0x5c: {  	_ =	shalt  }
0x5d: {  	_ =	shalt  }
0x5e: {  	_ =	shalt  }
0x5f: {  	_ =	shalt  }
0x60: {  	_ =	shalt  }
0x61: {  	_ =	shalt  }
0x62: {  	_ =	shalt  }
0x63: {  	_ =	shalt  }
0x64: {  	_ =	shalt  }
0x65: {  	_ =	shalt  }
0x66: {  	_ =	shalt  }
0x67: {  	_ =	shalt  }
0x68: {  	_ =	shalt  }
0x69: {  	_ =	shalt  }
0x6a: {  	_ =	shalt  }
0x6b: {  	_ =	shalt  }
0x6c: {  	_ =	shalt  }
0x6d: {  	_ =	shalt  }
0x6e: {  	_ =	shalt  }
0x6f: {  	_ =	shalt  }
0x70: {  	_ =	shalt  }
0x71: {  	_ =	shalt  }
0x72: {  	_ =	shalt  }
0x73: {  	_ =	shalt  }
0x74: {  	_ =	shalt  }
0x75: {  	_ =	shalt  }
0x76: {  	_ =	shalt  }
0x77: {  	_ =	shalt  }
0x78: {  	_ =	shalt  }
0x79: {  	_ =	shalt  }
0x7a: {  	_ =	shalt  }
0x7b: {  	_ =	shalt  }
0x7c: {  	_ =	shalt  }
0x7d: {  	_ =	shalt  }
0x7e: {  	_ =	shalt  }
0x7f: {  	_ =	shalt  }
0x80: {  	_ =	shalt  }
0x81: {  	_ =	shalt  }
0x82: {  	_ =	shalt  }
0x83: {  	_ =	shalt  }
0x84: {  	_ =	shalt  }
0x85: {  	_ =	shalt  }
0x86: {  	_ =	shalt  }
0x87: {  	_ =	shalt  }
.Lfunc_end0:
.L_simem_size_0:
called_computation_lowered:
.L_overlay_start_0:
0x88: {  	s0 =	sld [smem:$0x3FD9]  }
0x89: {  	s1 =	sld [smem:$0x3FFE];
	_ =	sdelay $0x3  }
0x8a: {  	s0 =	sadd.s32 s1, s0  }
0x8b: {  	[smem:$0x3FC4] =	sst s0  }
0x8c: {  	_ = 	snop  }
0x8d: {  	(tm) =	ssettm $0x1  }
0x8e: {  	s15 =	sld [smem:$0x3FFB];
	_ =	sdelay $0x3  }
0x8f: {  	_ =	strace s15  }
0x90: {  	s0 =	sld [smem:$0x3FFC];
	_ =	sdelay $0x3  }
0x91: {  	_ =	strace s0  }
0x92: {  	s0 =	sld [smem:$0x3FFD];
	_ =	sdelay $0x3  }
0x93: {  	_ =	strace s0  }
0x94: {  	_ =	strace $0x8FFFFFFF  }
0x95: {  	s16 =	sld [smem:$0x3FDB];
	_ =	sdelay $0x1  }
0x96: {  	s17 =	simm.s32 $_scs_section_size  }
0x97: {  	s2 =	simm.s32 $_size__tile_overlayer_lowered;
	s3 =	simm.s32 $_tile_overlayer_lowered  }
0x98: {  	s20 =	simm.s32 $0x1BFF;
	s19 =	sshll.u32 s3, $0x1;
	s0 =	sadd.s32 s17, s16  }
0x99: {  	s4 =	simm.s32 $0x0;
	s18 =	sshll.u32 s2, $0x1;
	s2 =	sadd.s32 s19, s0  }
0x9a: {  	[timem:s4], [sflag:s20] =	dma.local [hbm:s2], s18  }
0x9b: {  	_ =	swait.ge [sflag:s20], s18  }
0x9c: {  	s1 =	ssub.s32 $0x0, s18;
	[sflag:s20] =	ssyncset.done $0x0  }
0x9d: {  	[sflag:s20] =	ssyncadd.s32 s1;
	_ =	sdelay $0x1  }
0x9e: {  	s21 =	simm.s32 $0x1B8B  }
0x9f: {  	_ =	swait.ge [sflag:s21], $0x1  }
0xa0: {  	[sflag:s21] =	ssyncset.done $0x0  }
0xa1: {  	s23 =	simm.s32 $0x1B8E;
	s22 =	sld [smem:$0x3FFE];
	[sflag:s21] =	ssyncadd.s32 $0xFFFFFFFF  }
0xa2: {  	s24 =	simm.s32 $execute0_lowered;
	[smem:$0x3FD2] =	sst s23  }
0xa3: {  	s2 =	sshll.u32 s24, $0x1;
	_ =	strace $0x80000046;
	[dreg:$0x1] =	wrdreg $0xFFFFFFFF  }
0xa4: {  	s25 =	simm.s32 $_size_execute0_lowered;
	s0 =	sadd.s32 s0, s2;
	[dreg:$0x0] =	wrdreg $0x0  }
0xa5: {  	s2 =	sshll.u32 s25, $0x1;
	[dreg:$0x2] =	wrdreg s0  }
0xa6: {  	[dreg:$0x3] =	wrdreg s2  }
0xa7: {  	[dreg:$0x4] =	wrdreg $0xC0  }
0xa8: {  	_ =	task [dreg:s4], $0x5FFFF  }
0xa9: {  	[dreg:$0x1] =	wrdreg $0xFFFFFFFF  }
0xaa: {  	[dreg:$0x0] =	wrdreg $0x60  }
0xab: {  	[dreg:$0x2] =	wrdreg s22  }
0xac: {  	[dreg:$0x3] =	wrdreg $0x83100  }
0xad: {  	[dreg:$0x4] =	wrdreg $0x9  }
0xae: {  	_ =	task.clear_ibuf [dreg:s4], $0x5FFFF;
	_ =	strace $0x90000046  }
0xaf: {  	s26 =	simm.s32 $0x9;
	_ =	strace $0x80000048  }
0xb0: {  	_ =	swait.ge [sflag:s26], $0x1  }
0xb1: {  	[sflag:s26] =	ssyncadd.s32 $0xFFFFFFFF  }
0xb2: {  	_ =	strace $0x90000048  }
0xb3: {  	_ =	sfence  }
0xb4: {  	s28 =	sld [smem:$0x0];
	_ =	sdelay $0x1  }
0xb5: {  	s29 =	srdreg.scid  }
0xb6: {  	s30 =	sshll.u32 s29, $0xD;
	s31 =	sshrl.u32 s29, $0x2  }
0xb7: {  	s1 =	sand.u32 $0x1, s29;
	s2 =	sand.u32 $0x4000, s30;
	s0 =	sadd.s32 s31, s28  }
0xb8: {  	s1 =	sor.u32 s2, s1;
	s0 =	sshll.u32 s0, $0x11  }
0xb9: {  	s0 =	sor.u32 s0, s1  }
0xba: {  	s0 =	sadd.s32 $0x8F2B, s0  }
0xbb: {  	[sflag:s0] =	ssyncadd.remote.s32 $0x1  }
0xbc: {  	_ =	sfence.sel $0xFFFF  }
0xbd: {  	[dreg:$0x0] =	wrdreg $0xFFFFFFFF;
	(pc) =	sbr.abs _section_cstart, $3  }
0xbe: {  	[dreg:$0x1] =	wrdreg $0xFFFFFFFF  }
0xbf: {  	_ =	task.clear_ibuf [dreg:s4], $0x2FFFF;
	_ =	strace $0x9FFFFFFF  }
0xc0: {  	(tm) =	ssettm $0x7FFFFFFF  }
0xc1: {  	_ =	shalt  }
tec
execute0_lowered:
.L_overlay_start_1:
0x0: {  	(tag) =	ssettag $0x1  }
0x1: {  	s7 =	rddreg [dreg:$0x0]  }
0x2: {  	s2 =	rddreg [dreg:$0x1]  }
0x3: {  	s1 =	stileid.u32;
	s0 =	rddreg [dreg:$0x2]  }
0x4: {  	s3 =	simm.s32 $0x0;
	s6 =	simm.s32 $0x1000;
	s4 =	sshll.u32 s1, $0x5  }
0x5: {  	s8 =	simm.s32 $0x1010;
	[smem:$0x7FF] =	sst s3;
	s4 =	sadd.s32 s4, s7  }
0x6: {  	_ =	strace $0x80000047;
	s5 =	sadd.s32 $0x1A00, s4;
	s4 =	simm.s32 $0x100  }
0x7: {  	[tilespmem:s8], [sflag:$0x3] =	stream.strided.gather [hbm4b:s5+s4], $0xA00, s6, s4, $0x38;
	[tilespmem:$0x8510] =	vst v63  }
0x8: {  	s5 =	simm.s32 $0x3  }
0x9: {  	s28 =	sshll.u32 s1, $0xA;
	_ =	swait.ge [sflag:s5], $0xA00  }
0xa: {  	s6 =	sadd.s32 s28, s7;
	[sflag:s5] =	ssyncset.done $0x0  }
0xb: {  	s29 =	sadd.s32 $0x3600, s6;
	s6 =	simm.s32 $0x1A10;
	[sflag:s5] =	ssyncadd.s32 $0xFFFFF600  }
0xc: {  	[tilespmem:s6], [sflag:$0x3] =	stream.linear.gather [hbm4b:s29+s3], $0x2000, $0x38;
	[tilespmem:$0x8510] =	vst v63  }
0xd: {  	_ =	swait.ge [sflag:s5], $0x2000  }
0xe: {  	[sflag:s5] =	ssyncset.done $0x0  }
0xf: {  	s9 =	simm.s32 $0x3A10;
	s30 =	sadd.s32 $0x2E00, s7;
	[sflag:s5] =	ssyncadd.s32 $0xFFFFE000  }
0x10: {  	[tilespmem:s9], [sflag:$0x3] =	stream.linear.gather [hbm4b:s30+s3], $0x4000, $0x38;
	[tilespmem:$0x8510] =	vst v63  }
0x11: {  	_ =	swait.ge [sflag:s5], $0x4000  }
0x12: {  	v0 =	vlaneseq.u32;
	[sflag:s5] =	ssyncset.done $0x0  }
0x13: {  	s31 =	sadd.s32 $0x1800, s7;
	v0 =	vmul.u32 $0x20, v0;
	[sflag:s5] =	ssyncadd.s32 $0xFFFFC000  }
0x14: {  	[tilespmem:s3], [sflag:$0x3] =	stream.linear.gather [hbm4b:s31+s3], $0x1000, $0x38;
	[tilespmem:$0x8510] =	vst v63  }
0x15: {  	v2 =	vor.u32 $0x200, v0;
	_ =	swait.ge [sflag:s5], $0x1000  }
0x16: {  	v51 =	vor.u32 $0x400, v0;
	[tilespmem:$0x1FF00] =	vst v2  }
0x17: {  	v52 =	vor.u32 $0x600, v0;
	[tilespmem:$0x1FF10] =	vst v51  }
0x18: {  	v53 =	vor.u32 $0x800, v0;
	[tilespmem:$0x1FF20] =	vst v52  }
0x19: {  	v54 =	vor.u32 $0xA00, v0;
	[tilespmem:$0x1FF30] =	vst v53  }
0x1a: {  	v55 =	vor.u32 $0xC00, v0;
	[tilespmem:$0x1FF40] =	vst v54  }
0x1b: {  	v56 =	vor.u32 $0xE00, v0;
	[tilespmem:$0x1FF50] =	vst v55  }
0x1c: {  	v57 =	vor.u32 $0x1000, v0;
	[tilespmem:$0x1FF60] =	vst v56  }
0x1d: {  	v58 =	vor.u32 $0x1200, v0;
	[tilespmem:$0x1FF70] =	vst v57  }
0x1e: {  	v59 =	vor.u32 $0x1400, v0;
	[tilespmem:$0x1FF80] =	vst v58  }
0x1f: {  	v60 =	vor.u32 $0x1600, v0;
	[tilespmem:$0x1FF90] =	vst v59  }
0x20: {  	v61 =	vor.u32 $0x1800, v0;
	[tilespmem:$0x1FFA0] =	vst v60  }
0x21: {  	v62 =	vor.u32 $0x1A00, v0;
	[tilespmem:$0x1FFB0] =	vst v61  }
0x22: {  	v63 =	vor.u32 $0x1C00, v0;
	[tilespmem:$0x1FFC0] =	vst v62  }
0x23: {  	[tilespmem:$0x1FFD0] =	vst v63  }
0x24: {  	[sflag:s5] =	ssyncset.done $0x0;
	[tilespmem:$0x1FFE0] =	vst v0;
	v0 =	vor.u32 $0x1E00, v0  }
0x25: {  	v1 =	vimm.s32 $0x0;
	[sflag:s5] =	ssyncadd.s32 $0xFFFFF000;
	[tilespmem:$0x1FFF0] =	vst v0  }
0x26: {  	[tilespmem:$0x7A10] =	vst v1  }
0x27: {  	[tilespmem:$0x7A20] =	vst v1  }
0x28: {  	[tilespmem:$0x7A30] =	vst v1  }
0x29: {  	[tilespmem:$0x7A40] =	vst v1  }
0x2a: {  	[tilespmem:$0x7A50] =	vst v1  }
0x2b: {  	[tilespmem:$0x7A60] =	vst v1  }
0x2c: {  	[tilespmem:$0x7A70] =	vst v1  }
0x2d: {  	[tilespmem:$0x7A80] =	vst v1  }
0x2e: {  	[tilespmem:$0x7A90] =	vst v1  }
0x2f: {  	[tilespmem:$0x7AA0] =	vst v1  }
0x30: {  	[tilespmem:$0x7AB0] =	vst v1  }
.Ltmp0:
0x31: {  	[tilespmem:$0x7AC0] =	vst v1;
	(pc) =	sbr.rel .LBB2_1-.Ltmp0, $4  }
0x32: {  	[tilespmem:$0x7AD0] =	vst v1  }
0x33: {  	s10 =	simm.s32 $0xFFFFE000;
	s11 =	simm.s32 $0x3A20;
	[tilespmem:$0x7AE0] =	vst v1  }
0x34: {  	s12 =	simm.s32 $0x8210;
	s13 =	simm.s32 $0x2;
	s14 =	simm.s32 $0x1;
	[tilespmem:$0x7AF0] =	vst v1  }
0x35: {  	s7 =	sadd.s32 $0x7600, s7;
	s8 =	sshll.u32 s1, $0x8;
	s9 =	simm.s32 $0x1;
	[tilespmem:$0x7B00] =	vst v1  }
.LBB2_3:
0x36: {  	p0 =	sne.s32 s15, $0x3  }
0x37: {  	s15 =	sadd.s32 @!p0 s10, s8  }
0x38: {  	s15 =	sshrl.u32 @!p0 s15, $0x3  }
0x39: {  	s17 =	simm.s32 @!p0 $0x100;
	s19 =	simm.s32 @!p0 $0x1000;
	s15 =	sadd.s32 @!p0 s7, s15  }
0x3a: {  	[hbm4b:s15+s17] =	stream.strided.scatter @!p0 [tilespmem:s16], [sflag:$0x1], $0x400, s19, s17, $0x38;
	[tilespmem:$0x8510] =	vst v63  }
.LBB2_4:
0x3b: {  	_ =	swait.ge [sflag:s13], $0x100  }
0x3c: {  	s4 =	sadd.s32 $0x100, s4;
	[sflag:s13] =	ssyncset.done $0x0  }
0x3d: {  	p0 =	sne.s32 s4, $0x40000;
	[sflag:s13] =	ssyncadd.s32 $0xFFFFFF00  }
.Ltmp1:
0x3e: {  	[bflag:$0x0] =	sbarrier.arrive $0xFFFF;
	(pc) =	sbr.rel @!p0 .LBB2_5-.Ltmp1, $4  }
0x3f: {  	[tilespmem:s3], [sflag:$0x3] =	stream.linear.gather [spmem:s18], $0x1000, $0x38;
	[tilespmem:$0x8510] =	vst v63  }
0x40: {  	_ =	swait.ge [sflag:s5], $0x1000  }
0x41: {  	s14 =	sadd.s32 $0x1, s14;
	[sflag:s5] =	ssyncset.done $0x0  }
0x42: {  	s10 =	sadd.s32 $0x1000, s10;
	s11 =	sadd.s32 $0x10, s11;
	[sflag:s5] =	ssyncadd.s32 $0xFFFFF000  }
.LBB2_1:
0x43: {  	v1 =	vld [tilespmem:s11+$0x0]  }
0x44: {  	v2 =	vld [tilespmem:$0x1010]  }
0x45: {  	v3 =	vld [tilespmem:$0x1110]  }
0x46: {  	v4 =	vld [tilespmem:$0x1210]  }
0x47: {  	v5 =	vld [tilespmem:$0x1310]  }
0x48: {  	v42 =	vld [tilespmem:$0x1410]  }
0x49: {  	v43 =	vld [tilespmem:$0x1510]  }
0x4a: {  	v44 =	vld [tilespmem:$0x1610]  }
0x4b: {  	v45 =	vld [tilespmem:$0x1710]  }
0x4c: {  	v46 =	vld [tilespmem:$0x1810]  }
0x4d: {  	v6 =	vld [tilespmem:$0x1910]  }
0x4e: {  	v7 =	vld [tilespmem:$0x1020]  }
0x4f: {  	v8 =	vld [tilespmem:$0x1120]  }
0x50: {  	v47 =	vld [tilespmem:$0x1220]  }
0x51: {  	v48 =	vld [tilespmem:$0x1320]  }
0x52: {  	v49 =	vld [tilespmem:$0x1420]  }
0x53: {  	v50 =	vld [tilespmem:$0x1520]  }
0x54: {  	v51 =	vld [tilespmem:$0x1620]  }
0x55: {  	v52 =	vld [tilespmem:$0x1720]  }
0x56: {  	v53 =	vld [tilespmem:$0x1820]  }
0x57: {  	v18 =	vld [tilespmem:$0x1920]  }
0x58: {  	v54 =	vld [tilespmem:$0x1030]  }
0x59: {  	v55 =	vld [tilespmem:$0x1130]  }
0x5a: {  	v56 =	vld [tilespmem:$0x1230]  }
0x5b: {  	v57 =	vld [tilespmem:$0x1330]  }
0x5c: {  	v19 =	vld [tilespmem:$0x1430]  }
0x5d: {  	v20 =	vld [tilespmem:$0x1530]  }
0x5e: {  	v21 =	vld [tilespmem:$0x1630]  }
0x5f: {  	v22 =	vld [tilespmem:$0x1730]  }
0x60: {  	v58 =	vld [tilespmem:$0x1830]  }
0x61: {  	v59 =	vld [tilespmem:$0x1930]  }
0x62: {  	v0 =	vld [tilespmem:$0x1040]  }
0x63: {  	v24 =	vld [tilespmem:$0x1240]  }
0x64: {  	v29 =	vld [tilespmem:$0x1340]  }
0x65: {  	v30 =	vld [tilespmem:$0x1440]  }
0x66: {  	v31 =	vld [tilespmem:$0x1540]  }
0x67: {  	v15 =	vld [tilespmem:$0x1840]  }
0x68: {  	v40 =	vld [tilespmem:$0x1940]  }
0x69: {  	v32 =	vld [tilespmem:$0x1350]  }
0x6a: {  	v35 =	vld [tilespmem:$0x1060]  }
0x6b: {  	[tilespmem:$0x1000] =	vst v1;
	v1 =	vld [tilespmem:$0x1140]  }
0x6c: {  	v23 =	vld.idx.msk [tilespmem:v2+s3+$0x0], $0xffff  }
0x6d: {  	v33 =	vld.idx.msk [tilespmem:v3+s3+$0x0], $0xffff  }
0x6e: {  	v36 =	vld.idx.msk [tilespmem:v4+s3+$0x0], $0xffff  }
0x6f: {  	v37 =	vld.idx.msk [tilespmem:v5+s3+$0x0], $0xffff  }
0x70: {  	v38 =	vld.idx.msk [tilespmem:v42+s3+$0x0], $0xffff  }
0x71: {  	v39 =	vld.idx.msk [tilespmem:v43+s3+$0x0], $0xffff  }
0x72: {  	v41 =	vld.idx.msk [tilespmem:v44+s3+$0x0], $0xffff  }
0x73: {  	v10 =	vld.idx.msk [tilespmem:v45+s3+$0x0], $0xffff  }
0x74: {  	v11 =	vld.idx.msk [tilespmem:v46+s3+$0x0], $0xffff  }
0x75: {  	v16 =	vld.idx.msk [tilespmem:v6+s3+$0x0], $0xffff  }
0x76: {  	v25 =	vld.idx.msk [tilespmem:v7+s3+$0x0], $0xffff  }
0x77: {  	v12 =	vld.idx.msk [tilespmem:v8+s3+$0x0], $0xffff  }
0x78: {  	v13 =	vld.idx.msk [tilespmem:v47+s3+$0x0], $0xffff  }
0x79: {  	v14 =	vld.idx.msk [tilespmem:v48+s3+$0x0], $0xffff  }
0x7a: {  	v9 =	vld.idx.msk [tilespmem:v49+s3+$0x0], $0xffff  }
0x7b: {  	v8 =	vld.idx.msk [tilespmem:v50+s3+$0x0], $0xffff  }
0x7c: {  	v26 =	vld.idx.msk [tilespmem:v51+s3+$0x0], $0xffff  }
0x7d: {  	v4 =	vld.idx.msk [tilespmem:v52+s3+$0x0], $0xffff  }
0x7e: {  	v17 =	vld.idx.msk [tilespmem:v53+s3+$0x0], $0xffff  }
0x7f: {  	v27 =	vld.idx.msk [tilespmem:v18+s3+$0x0], $0xffff  }
0x80: {  	v5 =	vld.idx.msk [tilespmem:v54+s3+$0x0], $0xffff  }
0x81: {  	v7 =	vld.idx.msk [tilespmem:v55+s3+$0x0], $0xffff  }
0x82: {  	v6 =	vld.idx.msk [tilespmem:v56+s3+$0x0], $0xffff  }
0x83: {  	v28 =	vld.idx.msk [tilespmem:v57+s3+$0x0], $0xffff  }
0x84: {  	v18 =	vld.idx.msk [tilespmem:v19+s3+$0x0], $0xffff  }
0x85: {  	v34 =	vld.idx.msk [tilespmem:v20+s3+$0x0], $0xffff  }
0x86: {  	v42 =	vld.idx.msk [tilespmem:v21+s3+$0x0], $0xffff  }
0x87: {  	v44 =	vld.idx.msk [tilespmem:v22+s3+$0x0], $0xffff  }
0x88: {  	v63 =	vld.idx.msk [tilespmem:v58+s3+$0x0], $0xffff  }
0x89: {  	v61 =	vld.idx.msk [tilespmem:v59+s3+$0x0], $0xffff  }
0x8a: {  	v59 =	vld.idx.msk [tilespmem:v0+s3+$0x0], $0xffff  }
0x8b: {  	v60 =	vld.idx.msk [tilespmem:v24+s3+$0x0], $0xffff  }
0x8c: {  	v58 =	vld.idx.msk [tilespmem:v29+s3+$0x0], $0xffff  }
0x8d: {  	v29 =	vld.idx.msk [tilespmem:v30+s3+$0x0], $0xffff  }
0x8e: {  	v46 =	vld.idx.msk [tilespmem:v31+s3+$0x0], $0xffff  }
0x8f: {  	v2 =	vld [tilespmem:$0x1640]  }
0x90: {  	v3 =	vld [tilespmem:$0x1740]  }
0x91: {  	v43 =	vld [tilespmem:$0x1050]  }
0x92: {  	v45 =	vld [tilespmem:$0x1150]  }
0x93: {  	v47 =	vld [tilespmem:$0x1250]  }
0x94: {  	v55 =	vld.idx.msk [tilespmem:v15+s3+$0x0], $0xffff  }
0x95: {  	v19 =	vld.idx.msk [tilespmem:v40+s3+$0x0], $0xffff  }
0x96: {  	v30 =	vld.idx.msk [tilespmem:v32+s3+$0x0], $0xffff  }
0x97: {  	v53 =	vld [tilespmem:$0x1450]  }
0x98: {  	v0 =	vld [tilespmem:$0x1550]  }
0x99: {  	v15 =	vld [tilespmem:$0x1950]  }
0x9a: {  	v40 =	vld [tilespmem:$0x1160]  }
0x9b: {  	v48 =	vld [tilespmem:$0x1260]  }
0x9c: {  	v22 =	vld [tilespmem:$0x1360]  }
0x9d: {  	v24 =	vld [tilespmem:$0x1460]  }
0x9e: {  	v32 =	vld [tilespmem:$0x1560]  }
0x9f: {  	v62 =	vld.idx.msk [tilespmem:v1+s3+$0x0], $0xffff  }
0xa0: {  	v1 =	vld [tilespmem:$0x1650];
	v33 =	vshll.u32 v33, $0x1  }
0xa1: {  	v12 =	vshll.u32 v12, $0x1;
	v23 =	vadd.s32 v23, v33;
	v33 =	vshll.u32 v36, $0x2;
	v36 =	vld [tilespmem:$0x1770]  }
0xa2: {  	v12 =	vadd.s32 v25, v12;
	v25 =	vshll.u32 v14, $0x3;
	v14 =	vld [tilespmem:$0x1380]  }
0xa3: {  	v57 =	vld.idx.msk [tilespmem:v2+s3+$0x0], $0xffff  }
0xa4: {  	v56 =	vld.idx.msk [tilespmem:v3+s3+$0x0], $0xffff  }
0xa5: {  	v50 =	vld.idx.msk [tilespmem:v43+s3+$0x0], $0xffff  }
0xa6: {  	v54 =	vld.idx.msk [tilespmem:v45+s3+$0x0], $0xffff  }
0xa7: {  	v52 =	vld.idx.msk [tilespmem:v47+s3+$0x0], $0xffff  }
0xa8: {  	v2 =	vld [tilespmem:$0x1750]  }
0xa9: {  	v3 =	vld [tilespmem:$0x1850]  }
0xaa: {  	v53 =	vld.idx.msk [tilespmem:v53+s3+$0x0], $0xffff  }
0xab: {  	v51 =	vld.idx.msk [tilespmem:v0+s3+$0x0], $0xffff  }
0xac: {  	v0 =	vld.idx.msk [tilespmem:v15+s3+$0x0], $0xffff  }
0xad: {  	v45 =	vld.idx.msk [tilespmem:v35+s3+$0x0], $0xffff  }
0xae: {  	v35 =	vld.idx.msk [tilespmem:v40+s3+$0x0], $0xffff  }
0xaf: {  	v43 =	vld [tilespmem:$0x1660]  }
0xb0: {  	v15 =	vld [tilespmem:$0x1860]  }
0xb1: {  	v48 =	vld.idx.msk [tilespmem:v48+s3+$0x0], $0xffff  }
0xb2: {  	v20 =	vld.idx.msk [tilespmem:v22+s3+$0x0], $0xffff  }
0xb3: {  	[tilespmem:$0x1FE90] =	vst v0;
	v0 =	vld [tilespmem:$0x1960]  }
0xb4: {  	v40 =	vld.idx.msk [tilespmem:v24+s3+$0x0], $0xffff  }
0xb5: {  	v21 =	vld.idx.msk [tilespmem:v32+s3+$0x0], $0xffff  }
0xb6: {  	v49 =	vld.idx.msk [tilespmem:v1+s3+$0x0], $0xffff  }
0xb7: {  	[tilespmem:$0x1FEA0] =	vst v45;
	v45 =	vld [tilespmem:$0x1760]  }
0xb8: {  	v37 =	vshll.u32 v37, $0x3;
	v23 =	vadd.s32 v33, v23;
	v1 =	vld [tilespmem:$0x1470]  }
0xb9: {  	v23 =	vadd.s32 v37, v23;
	v37 =	vshll.u32 v38, $0x4;
	v38 =	vld.idx.msk [tilespmem:v36+s3+$0x0], $0xffff  }
0xba: {  	v36 =	vshll.u32 v9, $0x4;
	v9 =	vld [tilespmem:$0x1970]  }
0xbb: {  	v0 =	vld.idx.msk [tilespmem:v0+s3+$0x0], $0xffff  }
0xbc: {  	v32 =	vld.idx.msk [tilespmem:v43+s3+$0x0], $0xffff  }
0xbd: {  	v22 =	vld.idx.msk [tilespmem:v15+s3+$0x0], $0xffff  }
0xbe: {  	v15 =	vld [tilespmem:$0x1170]  }
0xbf: {  	v43 =	vld [tilespmem:$0x1270]  }
0xc0: {  	[tilespmem:$0x1FEB0] =	vst v0;
	v0 =	vld [tilespmem:$0x1070]  }
0xc1: {  	v24 =	vld.idx.msk [tilespmem:v45+s3+$0x0], $0xffff  }
0xc2: {  	v45 =	vld [tilespmem:$0x1370]  }
0xc3: {  	v31 =	vld.idx.msk [tilespmem:v3+s3+$0x0], $0xffff  }
0xc4: {  	v3 =	vld [tilespmem:$0x1670]  }
0xc5: {  	v47 =	vld.idx.msk [tilespmem:v2+s3+$0x0], $0xffff  }
0xc6: {  	v2 =	vld [tilespmem:$0x1570]  }
0xc7: {  	v43 =	vld.idx.msk [tilespmem:v43+s3+$0x0], $0xffff  }
0xc8: {  	v39 =	vshll.u32 v39, $0x5;
	v23 =	vadd.s32 v37, v23;
	v33 =	vld.idx.msk [tilespmem:v0+s3+$0x0], $0xffff  }
0xc9: {  	v37 =	vshll.u32 v41, $0x6;
	v0 =	vld.idx.msk [tilespmem:v15+s3+$0x0], $0xffff;
	v15 =	vadd.s32 v23, v39  }
0xca: {  	v10 =	vshll.u32 v10, $0x7;
	v41 =	vld.idx.msk [tilespmem:v45+s3+$0x0], $0xffff;
	v15 =	vadd.s32 v37, v15  }
0xcb: {  	v11 =	vshll.u32 v11, $0x8;
	v39 =	vld.idx.msk [tilespmem:v1+s3+$0x0], $0xffff;
	v1 =	vadd.s32 v10, v15  }
0xcc: {  	v16 =	vshll.u32 v16, $0x9;
	v37 =	vld.idx.msk [tilespmem:v3+s3+$0x0], $0xffff;
	v45 =	vadd.s32 v1, v11  }
0xcd: {  	v45 =	vadd.s32 v16, v45;
	v16 =	vshll.u32 v13, $0x2;
	v13 =	vld [tilespmem:$0x1180]  }
0xce: {  	v10 =	vld.idx.msk [tilespmem:v2+s3+$0x0], $0xffff;
	v15 =	vshll.u32 v8, $0x5;
	v2 =	vadd.s32 v16, v12  }
0xcf: {  	v3 =	vld.idx.msk [tilespmem:v9+s3+$0x0], $0xffff;
	v1 =	vshrl.u32 v1, $0x5;
	[tilespmem:$0x1FEC0] =	vst v45;
	v45 =	vshrl.u32 v45, $0x5;
	v2 =	vadd.s32 v25, v2  }
0xd0: {  	v11 =	vld [tilespmem:$0x1870];
	v1 =	vand.u32 $0x7, v1;
	v16 =	vand.u32 $0x7FFFFF8, v45;
	v25 =	vadd.s32 v36, v2  }
0xd1: {  	v1 =	vor.u32 v1, v16;
	v2 =	vadd.s32 v25, v15;
	v15 =	vld [tilespmem:$0x1FFE0]  }
0xd2: {  	v16 =	vshll.u32 v17, $0x8;
	v17 =	vshll.u32 v27, $0x9;
	v27 =	vshll.u32 v7, $0x1;
	v7 =	vld [tilespmem:$0x1480]  }
0xd3: {  	v8 =	vld [tilespmem:$0x1080]  }
0xd4: {  	v12 =	vld [tilespmem:$0x1280];
	v36 =	vshll.u32 v26, $0x6  }
0xd5: {  	v45 =	vshll.u32 v4, $0x7;
	v2 =	vadd.s32 v36, v2;
	v4 =	vld.idx.msk [tilespmem:v13+s3+$0x0], $0xffff  }
0xd6: {  	v13 =	vld [tilespmem:$0x1090];
	v26 =	vadd.s32 v15, v1;
	v1 =	vadd.s32 v45, v2  }
0xd7: {  	v2 =	vadd.s32 v1, v16;
	v16 =	vshll.u32 v6, $0x2;
	v6 =	vld [tilespmem:$0x1580]  }
0xd8: {  	v45 =	vadd.s32 v5, v27;
	v36 =	vadd.s32 v17, v2;
	v17 =	vshrl.u32 v1, $0x5;
	v1 =	vld.idx.msk [tilespmem:v11+s3+$0x0], $0xffff  }
0xd9: {  	v27 =	vshll.u32 v28, $0x3;
	v2 =	vadd.s32 v16, v45;
	v45 =	vshll.u32 v34, $0x5;
	v34 =	vld [tilespmem:$0x1FF00]  }
0xda: {  	v28 =	vshll.u32 v18, $0x4;
	v18 =	vshll.u32 v44, $0x7;
	v44 =	vshll.u32 v61, $0x9;
	v61 =	vld.idx.msk [tilespmem:v7+s3+$0x0], $0xffff  }
0xdb: {  	v11 =	vld [tilespmem:$0x1780];
	v5 =	vand.u32 $0x7, v17  }
0xdc: {  	v2 =	vadd.s32 v27, v2;
	v17 =	vshll.u32 v42, $0x6;
	v42 =	vshll.u32 v63, $0x8;
	v63 =	vld.idx.msk [tilespmem:v14+s3+$0x0], $0xffff  }
0xdd: {  	[tilespmem:$0x1FED0] =	vst v36;
	v36 =	vshrl.u32 v36, $0x5;
	v14 =	vld [tilespmem:$0x1980];
	v28 =	vadd.s32 v28, v2  }
0xde: {  	v2 =	vld.idx.msk [tilespmem:v8+s3+$0x0], $0xffff;
	v15 =	vand.u32 $0x7FFFFF8, v36;
	v16 =	vadd.s32 v28, v45  }
0xdf: {  	v8 =	vor.u32 v5, v15;
	v5 =	vld.idx.msk [tilespmem:v12+s3+$0x0], $0xffff;
	v9 =	vadd.s32 v17, v16  }
0xe0: {  	v17 =	vshll.u32 v60, $0x2;
	v60 =	vshll.u32 v19, $0x9;
	v19 =	vshll.u32 v31, $0x8;
	v31 =	vld [tilespmem:$0x1FE90]  }
0xe1: {  	v45 =	vshll.u32 v62, $0x1;
	v27 =	vadd.s32 v34, v8;
	v8 =	vld [tilespmem:$0x1880]  }
0xe2: {  	v16 =	vadd.s32 v59, v45;
	v13 =	vld.idx.msk [tilespmem:v13+s3+$0x0], $0xffff  }
0xe3: {  	v36 =	vadd.s32 v18, v9;
	v7 =	vadd.s32 v17, v16;
	v17 =	vld [tilespmem:$0x14A0]  }
0xe4: {  	v9 =	vadd.s32 v36, v42;
	v59 =	vld.idx.msk [tilespmem:v6+s3+$0x0], $0xffff  }
0xe5: {  	v34 =	vshll.u32 v58, $0x3;
	v62 =	vadd.s32 v44, v9;
	v9 =	vld [tilespmem:$0x1680]  }
0xe6: {  	v18 =	vshrl.u32 v36, $0x5;
	v44 =	vshll.u32 v46, $0x5;
	v46 =	vshll.u32 v56, $0x7;
	v56 =	vld [tilespmem:$0x1FF10]  }
0xe7: {  	v7 =	vadd.s32 v34, v7;
	v36 =	vshll.u32 v29, $0x4;
	v6 =	vand.u32 $0x7, v18;
	v18 =	vld [tilespmem:$0x15A0]  }
0xe8: {  	v45 =	vshll.u32 v57, $0x6;
	v29 =	vadd.s32 v36, v7;
	v42 =	vshrl.u32 v62, $0x5;
	v11 =	vld.idx.msk [tilespmem:v11+s3+$0x0], $0xffff  }
0xe9: {  	[tilespmem:$0x1FEE0] =	vst v62;
	v7 =	vadd.s32 v29, v44;
	v62 =	vshll.u32 v54, $0x1;
	v12 =	vand.u32 $0x7FFFFF8, v42;
	v42 =	vld [tilespmem:$0x1290]  }
0xea: {  	v7 =	vadd.s32 v45, v7;
	v45 =	vadd.s32 v50, v62;
	v50 =	vld [tilespmem:$0x1390]  }
0xeb: {  	v14 =	vld.idx.msk [tilespmem:v14+s3+$0x0], $0xffff  }
0xec: {  	v58 =	vshll.u32 v55, $0x8;
	v62 =	vld [tilespmem:$0x1FF20]  }
0xed: {  	v6 =	vor.u32 v6, v12;
	v57 =	vadd.s32 v46, v7;
	v12 =	vld [tilespmem:$0x1190];
	v46 =	vshll.u32 v52, $0x2  }
0xee: {  	v7 =	vadd.s32 v57, v58;
	v58 =	vshll.u32 v49, $0x6;
	v49 =	vshll.u32 v48, $0x2;
	v48 =	vld [tilespmem:$0x11A0]  }
0xef: {  	v52 =	vshll.u32 v30, $0x3;
	v44 =	vadd.s32 v60, v7;
	v7 =	vadd.s32 v46, v45;
	v45 =	vld [tilespmem:$0x1FEA0]  }
0xf0: {  	v54 =	vshll.u32 v53, $0x4;
	v7 =	vadd.s32 v52, v7;
	v8 =	vld.idx.msk [tilespmem:v8+s3+$0x0], $0xffff  }
0xf1: {  	v55 =	vshrl.u32 v44, $0x5;
	v30 =	vadd.s32 v54, v7;
	v54 =	vshll.u32 v24, $0x7;
	v24 =	vld [tilespmem:$0x1890]  }
0xf2: {  	v34 =	vadd.s32 v56, v6;
	v6 =	vshrl.u32 v57, $0x5;
	v57 =	vand.u32 $0x7FFFFF8, v55;
	v55 =	vld [tilespmem:$0x1FF30]  }
0xf3: {  	v6 =	vand.u32 $0x7, v6;
	v9 =	vld.idx.msk [tilespmem:v9+s3+$0x0], $0xffff  }
0xf4: {  	v56 =	vshll.u32 v51, $0x5;
	v6 =	vor.u32 v6, v57;
	v57 =	vld [tilespmem:$0x1990]  }
0xf5: {  	v16 =	vshll.u32 v59, $0x5;
	v7 =	vadd.s32 v30, v56;
	v59 =	vld.idx.msk [tilespmem:v18+s3+$0x0], $0xffff  }
0xf6: {  	v7 =	vadd.s32 v58, v7;
	v58 =	vld [tilespmem:$0x1FEB0]  }
0xf7: {  	v60 =	vshll.u32 v47, $0x7;
	v47 =	vadd.s32 v62, v6;
	v62 =	vld [tilespmem:$0x10A0]  }
0xf8: {  	[tilespmem:$0x1FEF0] =	vst v44;
	v44 =	vshll.u32 v35, $0x1;
	v35 =	vld.idx.msk [tilespmem:v42+s3+$0x0], $0xffff  }
0xf9: {  	v36 =	vld.idx.msk [tilespmem:v50+s3+$0x0], $0xffff  }
0xfa: {  	v20 =	vshll.u32 v20, $0x3;
	v42 =	vld [tilespmem:$0x1490]  }
0xfb: {  	v32 =	vshll.u32 v32, $0x6;
	v0 =	vshll.u32 v0, $0x1;
	v50 =	vshll.u32 v40, $0x4;
	v40 =	vld [tilespmem:$0x1590]  }
0xfc: {  	v0 =	vadd.s32 v33, v0;
	v7 =	vadd.s32 v60, v7;
	v46 =	vadd.s32 v45, v44;
	v44 =	vld [tilespmem:$0x1790]  }
0xfd: {  	v15 =	vshll.u32 v31, $0x9;
	v52 =	vshll.u32 v21, $0x5;
	v45 =	vld [tilespmem:$0x15B0];
	v6 =	vadd.s32 v7, v19  }
0xfe: {  	v12 =	vld.idx.msk [tilespmem:v12+s3+$0x0], $0xffff;
	v7 =	vshrl.u32 v7, $0x5;
	v19 =	vadd.s32 v15, v6;
	v15 =	vadd.s32 v49, v46  }
0xff: {  	v7 =	vand.u32 $0x7, v7;
	v46 =	vshll.u32 v43, $0x2;
	v49 =	vshll.u32 v41, $0x3;
	v43 =	vld [tilespmem:$0x13B0]  }
0x100: {  	v15 =	vadd.s32 v20, v15;
	v51 =	vshrl.u32 v19, $0x5;
	v20 =	vld [tilespmem:$0x1690];
	v0 =	vadd.s32 v46, v0  }
0x101: {  	v53 =	vand.u32 $0x7FFFFF8, v51;
	v60 =	vshll.u32 v58, $0x9;
	v58 =	vshll.u32 v63, $0x3;
	v63 =	vld [tilespmem:$0x13A0]  }
0x102: {  	v31 =	vadd.s32 v50, v15;
	v0 =	vadd.s32 v49, v0;
	v49 =	vld [tilespmem:$0x1FF50];
	v7 =	vor.u32 v7, v53  }
0x103: {  	v50 =	vshll.u32 v39, $0x4;
	v15 =	vadd.s32 v31, v52;
	v7 =	vadd.s32 v55, v7;
	v55 =	vld [tilespmem:$0x1FF40]  }
0x104: {  	v15 =	vadd.s32 v32, v15;
	v32 =	vadd.s32 v50, v0;
	v50 =	vld [tilespmem:$0x17A0]  }
0x105: {  	v52 =	vshll.u32 v10, $0x5;
	v15 =	vadd.s32 v54, v15;
	v54 =	vshll.u32 v38, $0x7;
	v38 =	vld.idx.msk [tilespmem:v24+s3+$0x0], $0xffff  }
0x106: {  	v0 =	vadd.s32 v32, v52;
	v52 =	vshll.u32 v12, $0x1;
	v12 =	vld.idx.msk [tilespmem:v27+s6+$0x0], $0xffff  }
0x107: {  	v41 =	vld.idx.msk [tilespmem:v42+s3+$0x0], $0xffff  }
0x108: {  	v39 =	vld.idx.msk [tilespmem:v40+s3+$0x0], $0xffff  }
0x109: {  	v40 =	vld.idx.msk [tilespmem:v44+s3+$0x0], $0xffff  }
0x10a: {  	v4 =	vshll.u32 v4, $0x1;
	v56 =	vshll.u32 v22, $0x8;
	v42 =	vld.idx.msk [tilespmem:v62+s3+$0x0], $0xffff  }
0x10b: {  	v21 =	vadd.s32 v15, v56;
	v56 =	vadd.s32 v2, v4;
	v2 =	vld.idx.msk [tilespmem:v17+s3+$0x0], $0xffff  }
0x10c: {  	v44 =	vld [tilespmem:$0x14B0]  }
0x10d: {  	v37 =	vshll.u32 v37, $0x6;
	v17 =	vshll.u32 v59, $0x5;
	v59 =	vld [tilespmem:$0x19C0]  }
0x10e: {  	v0 =	vadd.s32 v37, v0;
	v21 =	vadd.s32 v60, v21;
	v60 =	vld [tilespmem:$0x12A0]  }
0x10f: {  	v1 =	vshll.u32 v1, $0x8;
	v0 =	vadd.s32 v54, v0;
	v10 =	vld.idx.msk [tilespmem:v20+s3+$0x0], $0xffff  }
0x110: {  	v3 =	vshll.u32 v3, $0x9;
	v1 =	vadd.s32 v0, v1;
	v20 =	vld.idx.msk [tilespmem:v57+s3+$0x0], $0xffff  }
0x111: {  	v22 =	vadd.s32 v3, v1;
	v3 =	vld.idx.msk [tilespmem:v48+s3+$0x0], $0xffff  }
0x112: {  	v51 =	vshrl.u32 v21, $0x5;
	v48 =	vld [tilespmem:$0x16A0]  }
0x113: {  	v15 =	vshrl.u32 v15, $0x5;
	v53 =	vand.u32 $0x7FFFFF8, v51;
	v51 =	vld [tilespmem:$0x18A0]  }
0x114: {  	v15 =	vand.u32 $0x7, v15;
	v7 =	vld.idx.msk [tilespmem:v7+s6+$0x0], $0xffff  }
0x115: {  	v15 =	vor.u32 v15, v53;
	v53 =	vld [tilespmem:$0x19A0]  }
0x116: {  	v57 =	vshll.u32 v5, $0x2;
	v5 =	vld.idx.msk [tilespmem:v63+s3+$0x0], $0xffff  }
0x117: {  	v1 =	vadd.s32 v57, v56;
	v6 =	vshrl.u32 v22, $0x5;
	v57 =	vld [tilespmem:$0x1FF60]  }
0x118: {  	v62 =	vshll.u32 v61, $0x4;
	v24 =	vand.u32 $0x7FFFFF8, v6;
	v6 =	vld.idx.msk [tilespmem:v26+s6+$0x0], $0xffff  }
0x119: {  	v0 =	vshrl.u32 v0, $0x5;
	v15 =	vadd.s32 v55, v15;
	v55 =	vshll.u32 v36, $0x3;
	v36 =	vld [tilespmem:$0x10B0]  }
0x11a: {  	v0 =	vand.u32 $0x7, v0;
	v1 =	vadd.s32 v58, v1;
	v58 =	vshll.u32 v39, $0x5;
	v39 =	vld [tilespmem:$0x1FF70]  }
0x11b: {  	v56 =	vshll.u32 v41, $0x4;
	v41 =	vld [tilespmem:$0x1FF80];
	v33 =	vadd.s32 v62, v1;
	v0 =	vor.u32 v0, v24  }
0x11c: {  	v9 =	vshll.u32 v9, $0x6;
	v1 =	vadd.s32 v33, v16;
	v0 =	vadd.s32 v49, v0;
	v49 =	vld [tilespmem:$0x19B0]  }
0x11d: {  	v1 =	vadd.s32 v9, v1;
	v9 =	vld.idx.msk [tilespmem:v50+s3+$0x0], $0xffff  }
0x11e: {  	v50 =	vld [tilespmem:$0x10C0]  }
0x11f: {  	v4 =	vld.idx.msk [tilespmem:v60+s3+$0x0], $0xffff  }
0x120: {  	v3 =	vshll.u32 v3, $0x1;
	v60 =	vshll.u32 v40, $0x7;
	v40 =	vld [tilespmem:$0x11B0]  }
0x121: {  	v46 =	vshll.u32 v11, $0x7;
	v3 =	vadd.s32 v42, v3;
	v42 =	vld [tilespmem:$0x12B0]  }
0x122: {  	v1 =	vadd.s32 v46, v1;
	v46 =	vld [tilespmem:$0x16B0]  }
0x123: {  	v11 =	vld.idx.msk [tilespmem:v48+s3+$0x0], $0xffff  }
0x124: {  	v62 =	vld.idx.msk [tilespmem:v51+s3+$0x0], $0xffff  }
0x125: {  	v8 =	vshll.u32 v8, $0x8;
	v48 =	vld [tilespmem:$0x18B0]  }
0x126: {  	v14 =	vshll.u32 v14, $0x9;
	v8 =	vadd.s32 v1, v8;
	v51 =	vld [tilespmem:$0x11C0]  }
0x127: {  	v24 =	vadd.s32 v14, v8;
	v8 =	vadd.s32 v13, v52;
	v52 =	vld [tilespmem:$0x12C0]  }
0x128: {  	v63 =	vld.idx.msk [tilespmem:v53+s3+$0x0], $0xffff  }
0x129: {  	v54 =	vshll.u32 v35, $0x2;
	v53 =	vld [tilespmem:$0x13C0]  }
0x12a: {  	v1 =	vshrl.u32 v1, $0x5;
	v14 =	vshrl.u32 v24, $0x5;
	v8 =	vadd.s32 v54, v8;
	v54 =	vld [tilespmem:$0x14C0]  }
0x12b: {  	v1 =	vand.u32 $0x7, v1;
	v14 =	vand.u32 $0x7FFFFF8, v14;
	v8 =	vadd.s32 v55, v8;
	v55 =	vld [tilespmem:$0x15C0]  }
0x12c: {  	v1 =	vor.u32 v1, v14;
	v14 =	vld.idx.msk [tilespmem:v43+s3+$0x0], $0xffff  }
0x12d: {  	v37 =	vadd.s32 v56, v8;
	v56 =	vld [tilespmem:$0x16C0]  }
0x12e: {  	v4 =	vshll.u32 v4, $0x2;
	v1 =	vadd.s32 v57, v1;
	v57 =	vld [tilespmem:$0x17C0]  }
0x12f: {  	v61 =	vshll.u32 v5, $0x3;
	v8 =	vadd.s32 v37, v58;
	v3 =	vadd.s32 v4, v3;
	v58 =	vld [tilespmem:$0x18C0]  }
0x130: {  	v3 =	vadd.s32 v61, v3;
	v61 =	vld [tilespmem:$0x11D0]  }
0x131: {  	v2 =	vshll.u32 v2, $0x4;
	v5 =	vshll.u32 v62, $0x8;
	v62 =	vld [tilespmem:$0x12D0]  }
0x132: {  	v16 =	vshll.u32 v38, $0x8;
	v38 =	vadd.s32 v2, v3;
	v3 =	vld.idx.msk [tilespmem:v0+s6+$0x0], $0xffff  }
0x133: {  	v13 =	vld.idx.msk [tilespmem:v42+s3+$0x0], $0xffff  }
0x134: {  	v42 =	vld.idx.msk [tilespmem:v45+s3+$0x0], $0xffff  }
0x135: {  	v10 =	vshll.u32 v10, $0x6;
	v43 =	vld.idx.msk [tilespmem:v46+s3+$0x0], $0xffff  }
0x136: {  	v8 =	vadd.s32 v10, v8;
	v46 =	vld.idx.msk [tilespmem:v50+s3+$0x0], $0xffff  }
0x137: {  	v8 =	vadd.s32 v60, v8;
	v60 =	vld [tilespmem:$0x10D0]  }
0x138: {  	v4 =	vshll.u32 v63, $0x9;
	v63 =	vld [tilespmem:$0x13D0]  }
0x139: {  	v0 =	vld [tilespmem:$0x14E0]  }
0x13a: {  	v10 =	vadd.s32 v8, v16;
	v16 =	vld [tilespmem:$0x16D0]  }
0x13b: {  	v11 =	vshll.u32 v11, $0x6;
	v2 =	vadd.s32 v38, v17;
	v17 =	vld [tilespmem:$0x17D0]  }
0x13c: {  	v2 =	vadd.s32 v11, v2;
	v11 =	vld.idx.msk [tilespmem:v34+s6+$0x0], $0xffff  }
0x13d: {  	v45 =	vld.idx.msk [tilespmem:v48+s3+$0x0], $0xffff  }
0x13e: {  	v18 =	vshll.u32 v20, $0x9;
	v48 =	vld.idx.msk [tilespmem:v52+s3+$0x0], $0xffff  }
0x13f: {  	v9 =	vshll.u32 v9, $0x7;
	v26 =	vadd.s32 v18, v10;
	v18 =	vld [tilespmem:$0x15D0]  }
0x140: {  	v2 =	vadd.s32 v9, v2;
	v9 =	vld.idx.msk [tilespmem:v47+s6+$0x0], $0xffff  }
0x141: {  	v47 =	vld [tilespmem:$0x17B0]  }
0x142: {  	v10 =	vshrl.u32 v26, $0x5;
	v50 =	vld.idx.msk [tilespmem:v53+s3+$0x0], $0xffff  }
0x143: {  	v20 =	vand.u32 $0x7FFFFF8, v10;
	v10 =	vld.idx.msk [tilespmem:v36+s3+$0x0], $0xffff  }
0x144: {  	v52 =	vld.idx.msk [tilespmem:v55+s3+$0x0], $0xffff  }
0x145: {  	v5 =	vadd.s32 v2, v5;
	v36 =	vld [tilespmem:$0x14D0]  }
0x146: {  	v8 =	vshrl.u32 v8, $0x5;
	v27 =	vadd.s32 v4, v5;
	v4 =	vld.idx.msk [tilespmem:v15+s6+$0x0], $0xffff  }
0x147: {  	v8 =	vand.u32 $0x7, v8;
	v15 =	vld.idx.msk [tilespmem:v1+s6+$0x0], $0xffff  }
0x148: {  	v5 =	vor.u32 v8, v20;
	v8 =	vld.idx.msk [tilespmem:v40+s3+$0x0], $0xffff  }
0x149: {  	v40 =	vld.idx.msk [tilespmem:v44+s3+$0x0], $0xffff  }
0x14a: {  	v53 =	vld.idx.msk [tilespmem:v56+s3+$0x0], $0xffff  }
0x14b: {  	v1 =	vld [tilespmem:$0x19D0]  }
0x14c: {  	v5 =	vadd.s32 v39, v5;
	v39 =	vld.idx.msk [tilespmem:v49+s3+$0x0], $0xffff  }
0x14d: {  	v49 =	vld.idx.msk [tilespmem:v59+s3+$0x0], $0xffff  }
0x14e: {  	v34 =	vshrl.u32 v27, $0x5;
	v59 =	vld.idx.msk [tilespmem:v62+s3+$0x0], $0xffff  }
0x14f: {  	v35 =	vand.u32 $0x7FFFFF8, v34;
	v34 =	vld [tilespmem:$0x10E0]  }
0x150: {  	v2 =	vshrl.u32 v2, $0x5;
	v56 =	vld.idx.msk [tilespmem:v60+s3+$0x0], $0xffff  }
0x151: {  	v2 =	vand.u32 $0x7, v2;
	v60 =	vld.idx.msk [tilespmem:v63+s3+$0x0], $0xffff  }
0x152: {  	v2 =	vor.u32 v2, v35;
	v35 =	vld [tilespmem:$0x11E0]  }
0x153: {  	v63 =	vld [tilespmem:$0x13E0]  }
0x154: {  	v0 =	vld.idx.msk [tilespmem:v0+s3+$0x0], $0xffff  }
0x155: {  	v2 =	vadd.s32 v41, v2;
	v41 =	vld.idx.msk [tilespmem:v51+s3+$0x0], $0xffff  }
0x156: {  	v51 =	vld.idx.msk [tilespmem:v54+s3+$0x0], $0xffff  }
0x157: {  	v54 =	vld.idx.msk [tilespmem:v58+s3+$0x0], $0xffff  }
0x158: {  	v58 =	vld.idx.msk [tilespmem:v61+s3+$0x0], $0xffff  }
0x159: {  	v62 =	vld.idx.msk [tilespmem:v16+s3+$0x0], $0xffff  }
0x15a: {  	v55 =	vld.idx.msk [tilespmem:v18+s3+$0x0], $0xffff  }
0x15b: {  	v18 =	vld [tilespmem:$0x18D0]  }
0x15c: {  	v5 =	vld.idx.msk [tilespmem:v5+s6+$0x0], $0xffff  }
0x15d: {  	v44 =	vld.idx.msk [tilespmem:v47+s3+$0x0], $0xffff  }
0x15e: {  	v47 =	vld.idx.msk [tilespmem:v57+s3+$0x0], $0xffff  }
0x15f: {  	v57 =	vld.idx.msk [tilespmem:v17+s3+$0x0], $0xffff  }
0x160: {  	v61 =	vld.idx.msk [tilespmem:v36+s3+$0x0], $0xffff  }
0x161: {  	v36 =	vld [tilespmem:$0x12E0]  }
0x162: {  	v1 =	vld.idx.msk [tilespmem:v1+s3+$0x0], $0xffff  }
0x163: {  	v20 =	vld.idx.msk [tilespmem:v2+s6+$0x0], $0xffff  }
0x164: {  	v2 =	vld [tilespmem:$0x15E0]  }
0x165: {  	v17 =	vld.idx.msk [tilespmem:v34+s3+$0x0], $0xffff  }
0x166: {  	v34 =	vld.idx.msk [tilespmem:v35+s3+$0x0], $0xffff  }
0x167: {  	v16 =	vld.idx.msk [tilespmem:v18+s3+$0x0], $0xffff  }
0x168: {  	v23 =	vand.u32 $0x1F, v23;
	v18 =	vld.idx.msk [tilespmem:v63+s3+$0x0], $0xffff  }
0x169: {  	v63 =	vshrl.u32 v6, v23;
	v23 =	vand.u32 $0x1F, v25;
	v25 =	vld [tilespmem:$0x17E0]  }
0x16a: {  	v6 =	vand.u32 $0x1F, v28;
	v28 =	vld [tilespmem:$0x18E0]  }
0x16b: {  	v12 =	vshrl.u32 v12, v23;
	v23 =	vand.u32 $0x1F, v29;
	v29 =	vld [tilespmem:$0x19E0]  }
0x16c: {  	v35 =	vld.idx.msk [tilespmem:v36+s3+$0x0], $0xffff  }
0x16d: {  	v11 =	vshrl.u32 v11, v6;
	v36 =	vld [tilespmem:$0x16E0]  }
0x16e: {  	v6 =	vshrl.u32 v9, v23;
	v23 =	vand.u32 $0x1F, v30;
	v9 =	vand.u32 $0x1F, v31;
	v31 =	vld [tilespmem:$0x10F0]  }
0x16f: {  	v7 =	vshrl.u32 v7, v23;
	v23 =	vshll.u32 v8, $0x1;
	v8 =	vshrl.u32 v4, v9;
	v9 =	vld [tilespmem:$0x12F0]  }
0x170: {  	v30 =	vshll.u32 v13, $0x2;
	v2 =	vld.idx.msk [tilespmem:v2+s3+$0x0], $0xffff;
	v23 =	vadd.s32 v10, v23  }
0x171: {  	v10 =	vld [tilespmem:$0x11F0];
	v4 =	vadd.s32 v30, v23;
	v23 =	vshll.u32 v14, $0x3  }
0x172: {  	v23 =	vadd.s32 v23, v4;
	v4 =	vld [tilespmem:$0x13F0]  }
0x173: {  	v32 =	vand.u32 $0x1F, v32;
	v13 =	vld.idx.msk [tilespmem:v29+s3+$0x0], $0xffff  }
0x174: {  	v30 =	vshrl.u32 v3, v32;
	v32 =	vshll.u32 v40, $0x4;
	v29 =	vld [tilespmem:$0x14F0]  }
0x175: {  	v40 =	vshll.u32 v42, $0x5;
	v23 =	vadd.s32 v32, v23;
	v14 =	vld.idx.msk [tilespmem:v36+s3+$0x0], $0xffff  }
0x176: {  	v38 =	vand.u32 $0x1F, v38;
	v3 =	vadd.s32 v23, v40;
	v36 =	vand.u32 $0x1F, v33;
	v40 =	vld.idx.msk [tilespmem:v31+s3+$0x0], $0xffff  }
0x177: {  	v44 =	vshll.u32 v44, $0x7;
	v42 =	vshll.u32 v43, $0x6;
	v32 =	vshrl.u32 v15, v36;
	v15 =	vld.idx.msk [tilespmem:v25+s3+$0x0], $0xffff  }
0x178: {  	v43 =	vand.u32 $0x1F, v37;
	v37 =	vshll.u32 v45, $0x8;
	v3 =	vadd.s32 v42, v3;
	v36 =	vld.idx.msk [tilespmem:v28+s3+$0x0], $0xffff  }
0x179: {  	v45 =	vshll.u32 v41, $0x1;
	v33 =	vshrl.u32 v5, v43;
	v3 =	vadd.s32 v44, v3;
	v9 =	vld.idx.msk [tilespmem:v9+s3+$0x0], $0xffff  }
0x17a: {  	v44 =	vshll.u32 v39, $0x9;
	v5 =	vadd.s32 v3, v37;
	v28 =	vshrl.u32 v20, v38;
	v20 =	vld [tilespmem:$0x15F0]  }
0x17b: {  	v25 =	vadd.s32 v44, v5;
	v10 =	vld.idx.msk [tilespmem:v10+s3+$0x0], $0xffff;
	v5 =	vadd.s32 v46, v45;
	v46 =	vshll.u32 v58, $0x1  }
0x17c: {  	v48 =	vshll.u32 v48, $0x2;
	v45 =	vshll.u32 v47, $0x7;
	v47 =	vadd.s32 v56, v46;
	v56 =	vld [tilespmem:$0x1100]  }
0x17d: {  	v5 =	vadd.s32 v48, v5;
	v48 =	vshll.u32 v59, $0x2;
	v59 =	vld [tilespmem:$0x1200]  }
0x17e: {  	v3 =	vshrl.u32 v3, $0x5;
	v37 =	vshrl.u32 v25, $0x5;
	v46 =	vld [tilespmem:$0x1800]  }
0x17f: {  	v31 =	vshll.u32 v50, $0x3;
	v3 =	vand.u32 $0x7, v3;
	v41 =	vld.idx.msk [tilespmem:v4+s3+$0x0], $0xffff;
	v39 =	vand.u32 $0x7FFFFF8, v37  }
0x180: {  	v38 =	vshll.u32 v51, $0x4;
	v5 =	vadd.s32 v31, v5;
	v4 =	vor.u32 v3, v39;
	v39 =	vld [tilespmem:$0x16F0]  }
0x181: {  	v34 =	vshll.u32 v34, $0x1;
	v31 =	vadd.s32 v38, v5;
	v5 =	vadd.s32 v48, v47;
	v47 =	vld [tilespmem:$0x1900]  }
0x182: {  	v42 =	vshll.u32 v52, $0x5;
	v48 =	vadd.s32 v17, v34;
	v34 =	vld [tilespmem:$0x1FF90]  }
0x183: {  	v44 =	vshll.u32 v53, $0x6;
	v43 =	vadd.s32 v31, v42;
	v42 =	vld [tilespmem:$0x17F0]  }
0x184: {  	v51 =	vshll.u32 v60, $0x3;
	v3 =	vadd.s32 v44, v43;
	v43 =	vld [tilespmem:$0x18F0]  }
0x185: {  	v55 =	vshll.u32 v55, $0x5;
	v53 =	vshll.u32 v61, $0x4;
	v5 =	vadd.s32 v51, v5;
	v44 =	vld [tilespmem:$0x19F0]  }
0x186: {  	v50 =	vshll.u32 v54, $0x8;
	v54 =	vshll.u32 v49, $0x9;
	v29 =	vld.idx.msk [tilespmem:v29+s3+$0x0], $0xffff;
	v38 =	vadd.s32 v53, v5  }
0x187: {  	v58 =	vshll.u32 v62, $0x6;
	v3 =	vadd.s32 v45, v3;
	v5 =	vadd.s32 v38, v55;
	v20 =	vld.idx.msk [tilespmem:v20+s3+$0x0], $0xffff  }
0x188: {  	v10 =	vshll.u32 v10, $0x1;
	v52 =	vadd.s32 v3, v50;
	v5 =	vadd.s32 v58, v5;
	v58 =	vld [tilespmem:$0x1400]  }
0x189: {  	v9 =	vshll.u32 v9, $0x2;
	v10 =	vadd.s32 v40, v10;
	v37 =	vadd.s32 v54, v52;
	v52 =	vld [tilespmem:$0x1300]  }
0x18a: {  	v9 =	vadd.s32 v9, v10;
	v10 =	vld.idx.msk [tilespmem:v46+s3+$0x0], $0xffff  }
0x18b: {  	v0 =	vshll.u32 v0, $0x4;
	v1 =	vshll.u32 v1, $0x9;
	v60 =	vshrl.u32 v37, $0x5;
	v46 =	vld [tilespmem:$0x1FFB0]  }
0x18c: {  	v12 =	vand.u32 $0x1, v12;
	v61 =	vshll.u32 v57, $0x7;
	v45 =	vand.u32 $0x7FFFFF8, v60;
	v60 =	vld [tilespmem:$0x1600]  }
0x18d: {  	v13 =	vshll.u32 v13, $0x9;
	v14 =	vshll.u32 v14, $0x6;
	v3 =	vshrl.u32 v3, $0x5;
	v49 =	vld.idx.msk [tilespmem:v39+s3+$0x0], $0xffff  }
0x18e: {  	v3 =	vand.u32 $0x7, v3;
	v62 =	vadd.s32 v61, v5;
	v39 =	vshll.u32 v16, $0x8;
	v16 =	vld.idx.msk [tilespmem:v42+s3+$0x0], $0xffff  }
0x18f: {  	v45 =	vor.u32 v3, v45;
	v3 =	vshrl.u32 v62, $0x5;
	v5 =	vadd.s32 v62, v39;
	v62 =	vld [tilespmem:$0x1700]  }
0x190: {  	v51 =	vshll.u32 v18, $0x3;
	v15 =	vshll.u32 v15, $0x7;
	v36 =	vshll.u32 v36, $0x8;
	v42 =	vld.idx.msk [tilespmem:v43+s3+$0x0], $0xffff  }
0x191: {  	v55 =	vshll.u32 v2, $0x5;
	v61 =	vshll.u32 v41, $0x3;
	v4 =	vadd.s32 v34, v4;
	v17 =	vld.idx.msk [tilespmem:v44+s3+$0x0], $0xffff  }
0x192: {  	v9 =	vadd.s32 v61, v9;
	v29 =	vshll.u32 v29, $0x4;
	v39 =	vadd.s32 v1, v5;
	v5 =	vld.idx.msk [tilespmem:v56+s3+$0x0], $0xffff  }
0x193: {  	v40 =	vand.u32 $0x1, v8;
	v50 =	vshll.u32 v35, $0x2;
	v9 =	vadd.s32 v29, v9;
	v56 =	vld.idx.msk [tilespmem:v59+s3+$0x0], $0xffff  }
0x194: {  	v53 =	vand.u32 $0x7, v3;
	v20 =	vshll.u32 v20, $0x5;
	v1 =	vadd.s32 v50, v48;
	v59 =	vld [tilespmem:$0x1500]  }
0x195: {  	v44 =	vand.u32 $0x1, v63;
	v20 =	vadd.s32 v9, v20;
	v63 =	vld.idx.msk [tilespmem:v47+s3+$0x0], $0xffff;
	v1 =	vadd.s32 v51, v1  }
0x196: {  	v43 =	vld [tilespmem:$0x1FFA0];
	v54 =	vshrl.u32 v39, $0x5;
	v41 =	vshll.u32 v10, $0x7;
	v3 =	vadd.s32 v0, v1  }
0x197: {  	v4 =	vld.idx.msk [tilespmem:v4+s6+$0x0], $0xffff;
	[tilespmem:$0x8210] =	vst v44;
	v44 =	vand.u32 $0x1, v32;
	v57 =	vand.u32 $0x7FFFFF8, v54;
	v0 =	vadd.s32 v3, v55  }
0x198: {  	v51 =	vld [tilespmem:$0x1FEC0];
	v2 =	vor.u32 v53, v57;
	v48 =	vshll.u32 v49, $0x6;
	v55 =	vand.u32 $0x1, v11  }
0x199: {  	v35 =	vld.idx.msk [tilespmem:v58+s3+$0x0], $0xffff;
	v57 =	vand.u32 $0x1, v6;
	v0 =	vadd.s32 v14, v0;
	v20 =	vadd.s32 v48, v20  }
0x19a: {  	v49 =	vld [tilespmem:$0x1A00];
	v16 =	vshll.u32 v16, $0x7;
	[tilespmem:$0x8230] =	vst v55;
	v2 =	vadd.s32 v46, v2;
	v55 =	vand.u32 $0x1F, v23  }
0x19b: {  	s15 =	sand.u32 $0x3, s14;
	s16 =	sand.u32 $0x400, s4;
	v18 =	vld.idx.msk [tilespmem:v52+s3+$0x0], $0xffff;
	v0 =	vadd.s32 v15, v0;
	v52 =	vadd.s32 v16, v20;
	v1 =	vshll.u32 v56, $0x1  }
0x19c: {  	s16 =	sor.u32 $0x7A10, s16;
	s17 =	sshll.u32 s15, $0x8;
	[tilespmem:$0x8220] =	vst v12;
	v53 =	vld.idx.msk [tilespmem:v60+s3+$0x0], $0xffff;
	v58 =	vshll.u32 v42, $0x8;
	v60 =	vshll.u32 v17, $0x9;
	v42 =	vand.u32 $0x1, v30  }
0x19d: {  	s17 =	sadd.s32 s17, s16;
	[tilespmem:$0x8260] =	vst v40;
	v8 =	vadd.s32 v43, v45;
	v45 =	vand.u32 $0x1, v33;
	v11 =	vshll.u32 v63, $0x8;
	v14 =	vld.idx.msk [tilespmem:v59+s3+$0x0], $0xffff  }
0x19e: {  	[tilespmem:s17+$0x50] =	vst v21;
	v4 =	vshrl.u32 v4, v55;
	v36 =	vadd.s32 v0, v36;
	v0 =	vshrl.u32 v0, $0x5  }
0x19f: {  	[tilespmem:$0x8280] =	vst v44;
	v1 =	vadd.s32 v5, v1;
	v6 =	vadd.s32 v52, v58;
	v12 =	vshrl.u32 v52, $0x5;
	v15 =	vld.idx.msk [tilespmem:v62+s3+$0x0], $0xffff  }
0x1a0: {  	v54 =	vld [tilespmem:$0x1FED0];
	[tilespmem:s17+$0x70] =	vst v24;
	v4 =	vand.u32 $0x1, v4;
	v13 =	vadd.s32 v13, v36;
	v56 =	vshll.u32 v18, $0x2  }
0x1a1: {  	[tilespmem:$0x8240] =	vst v57;
	v0 =	vand.u32 $0x7, v0;
	v61 =	vshll.u32 v35, $0x3;
	v1 =	vadd.s32 v56, v1  }
0x1a2: {  	[tilespmem:s17+$0x0] =	vst v51;
	v50 =	vshrl.u32 v13, $0x5;
	v1 =	vadd.s32 v61, v1;
	v29 =	vld.idx.msk [tilespmem:v49+s3+$0x0], $0xffff;
	v62 =	vshll.u32 v14, $0x4  }
0x1a3: {  	[tilespmem:$0x8270] =	vst v42;
	v36 =	vand.u32 $0x7FFFFF8, v50;
	v50 =	vld [tilespmem:$0x1FFC0];
	v20 =	vshll.u32 v53, $0x5;
	v1 =	vadd.s32 v62, v1  }
0x1a4: {  	[tilespmem:$0x8290] =	vst v45;
	v0 =	vor.u32 v0, v36;
	v36 =	vshll.u32 v15, $0x6;
	v35 =	vadd.s32 v1, v20  }
0x1a5: {  	[tilespmem:s17+$0x10] =	vst v54;
	v5 =	vadd.s32 v60, v6;
	v51 =	vand.u32 $0x7, v12;
	v53 =	vld [tilespmem:$0x1FFD0];
	v6 =	vadd.s32 v36, v35  }
0x1a6: {  	v17 =	vld [tilespmem:$0x1FEF0];
	[tilespmem:s17+$0x60] =	vst v22;
	v54 =	vand.u32 $0x1, v28;
	v18 =	vand.u32 $0x1, v7;
	v6 =	vadd.s32 v41, v6  }
0x1a7: {  	[tilespmem:s17+$0x80] =	vst v26;
	v56 =	vld [tilespmem:$0x1FFF0];
	v49 =	vshrl.u32 v5, $0x5;
	v48 =	vshll.u32 v29, $0x9;
	v47 =	vadd.s32 v6, v11  }
0x1a8: {  	[tilespmem:$0x82B0] =	vst v4;
	v59 =	vld [tilespmem:$0x1FEE0];
	v0 =	vadd.s32 v50, v0;
	v11 =	vand.u32 $0x7FFFFF8, v49;
	v7 =	vadd.s32 v48, v47  }
0x1a9: {  	[tilespmem:$0x82A0] =	vst v54;
	v2 =	vld.idx.msk [tilespmem:v2+s6+$0x0], $0xffff;
	v6 =	vshrl.u32 v6, $0x5;
	v10 =	vor.u32 v51, v11;
	v52 =	vshrl.u32 v7, $0x5  }
0x1aa: {  	[tilespmem:s17+$0xA0] =	vst v25;
	v8 =	vld.idx.msk [tilespmem:v8+s6+$0x0], $0xffff;
	v6 =	vand.u32 $0x7, v6;
	v10 =	vadd.s32 v53, v10;
	v11 =	vand.u32 $0x7FFFFF8, v52  }
0x1ab: {  	[tilespmem:$0x8250] =	vst v18;
	v6 =	vor.u32 v6, v11  }
0x1ac: {  	[tilespmem:s17+$0x90] =	vst v27;
	v6 =	vadd.s32 v56, v6  }
0x1ad: {  	[tilespmem:s17+$0x20] =	vst v59;
	v59 =	vand.u32 $0x1F, v38;
	v0 =	vld.idx.msk [tilespmem:v0+s6+$0x0], $0xffff  }
0x1ae: {  	v57 =	vand.u32 $0x1F, v31;
	[tilespmem:s17+$0x30] =	vst v17;
	v2 =	vshrl.u32 v2, v59  }
0x1af: {  	[tilespmem:s17+$0x40] =	vst v19;
	v58 =	vshrl.u32 v8, v57;
	v2 =	vand.u32 $0x1, v2;
	v10 =	vld.idx.msk [tilespmem:v10+s6+$0x0], $0xffff  }
0x1b0: {  	v4 =	vand.u32 $0x1, v58;
	[tilespmem:$0x82D0] =	vst v2  }
0x1b1: {  	v3 =	vand.u32 $0x1F, v3;
	[tilespmem:$0x82C0] =	vst v4;
	v60 =	vld.idx.msk [tilespmem:v6+s6+$0x0], $0xffff  }
0x1b2: {  	[tilespmem:s17+$0xC0] =	vst v39;
	v0 =	vshrl.u32 v0, v3  }
0x1b3: {  	p0 =	slt.u32 s14, $0x8;
	v61 =	vand.u32 $0x1F, v9;
	[tilespmem:s17+$0xB0] =	vst v37;
	v0 =	vand.u32 $0x1, v0  }
0x1b4: {  	p1 =	sne.s32 @!p0 s15, $0x0;
	[tilespmem:$0x82E0] =	vst v0;
	v62 =	vshrl.u32 v10, v61  }
0x1b5: {  	p0 =	por p0, p1;
	v1 =	vand.u32 $0x1F, v1;
	[tilespmem:s17+$0xD0] =	vst v13;
	v0 =	vand.u32 $0x1, v62  }
.Ltmp2:
0x1b6: {  	s18 =	sadd.s32 $0x3000, s10;
	[tilespmem:$0x82F0] =	vst v0;
	v63 =	vshrl.u32 v60, v1;
	(pc) =	sbr.rel @p0 .LBB2_3-.Ltmp2, $4  }
0x1b7: {  	s18 =	sand.u32 $0x1000, s18;
	[tilespmem:s17+$0xE0] =	vst v5;
	v0 =	vand.u32 $0x1, v63  }
0x1b8: {  	s18 =	sadd.s32 s18, s2;
	[tilespmem:$0x8300] =	vst v0  }
0x1b9: {  	s31 =	sadd.s32 s8, s18;
	[tilespmem:s17+$0xF0] =	vst v7  }
0x1ba: {  	[spmem:s31] =	stream.linear.scatter [tilespmem:s12], [sflag:$0x2], $0x100, $0x38;
	[tilespmem:$0x8510] =	vst v63  }
.Ltmp3:
0x1bb: {  	(pc) =	sbr.rel .LBB2_4-.Ltmp3, $4  }
0x1bc: {  	_ = 	snop  }
0x1bd: {  	_ =	swait.ge [sflag:s9], $0x400  }
0x1be: {  	[sflag:s9] =	ssyncset.done $0x0  }
0x1bf: {  	[sflag:s9] =	ssyncadd.s32 $0xFFFFFC00  }
.LBB2_5:
0x1c0: {  	s2 =	simm.s32 $0x1  }
0x1c1: {  	_ =	swait.ge [sflag:s2], $0x400  }
0x1c2: {  	[sflag:s2] =	ssyncset.done $0x0  }
0x1c3: {  	[sflag:s2] =	ssyncadd.s32 $0xFFFFFC00  }
0x1c4: {  	_ =	swait.ge [sflag:s2], $0x400  }
0x1c5: {  	[sflag:s2] =	ssyncset.done $0x0  }
0x1c6: {  	[sflag:s2] =	ssyncadd.s32 $0xFFFFFC00  }
0x1c7: {  	_ =	sfence.sel $0x180000  }
0x1c8: {  	[bflag:$0x0] =	sbarrier.arrive $0xFFFF  }
0x1c9: {  	p0 =	sne.s32 s1, $0x0;
	_ =	strace $0x90000047  }
0x1ca: {  	s0 =	sadd.s32 @!p0 $0x100000, s0;
	[bflag:$0x2] =	sbarrier.arrive $0xFFFF  }
0x1cb: {  	[sflag:s0] =	ssyncadd.tile.s32 @!p0 $0x1;
	_ =	shalt  }
.Lfunc_end2:
_tile_overlayer_lowered:
.L_overlay_start_2:
0x1cc: {  	(tag) =	ssettag $0x2  }
0x1cd: {  	s0 =	rddreg [dreg:$0x0];
	s2 =	stileid.u32  }
0x1ce: {  	s1 =	rddreg [dreg:$0x1];
	p0 =	sne.s32 s2, $0x0  }
0x1cf: {  	s3 =	rddreg [dreg:$0x2];
	[bflag:$0x3] =	sbarrier.arrive $0xFFFF;
	s2 =	simm.s32 @!p0 $0x1C03  }
0x1d0: {  	[timem:s3], [sflag:s2] =	dma.local @!p0 [hbm:s0], s1  }
0x1d1: {  	s0 =	simm.s32 @!p0 $0x3  }
0x1d2: {  	_ =	swait.ge @!p0 [sflag:s0], s1  }
0x1d3: {  	s1 =	ssub.s32 @!p0 $0x0, s1;
	[sflag:s0] =	ssyncset.done @!p0 $0x0  }
0x1d4: {  	[sflag:s0] =	ssyncadd.s32 @!p0 s1  }
0x1d5: {  	[bflag:$0x3] =	sbarrier.arrive $0xFFFF  }
0x1d6: {  	_ =	shalt  }

// kernel: kernel.7.cloned.1.call-start
scs
__scs_entry_jumppad:
0x0: {  	(pc) =	sbr.rel $0x88, $3  }
0x1: {  	(tag) =	ssettag $0x0;
	lr =	simm.s32 $0x1  }
0x2: {  	[smem:$0x3F9D] =	sst lr;
	_ =	strace $0xD0000000  }
0x3: {  	_ = 	snop  }
0x4: {  	_ = 	snop  }
0x5: {  	_ = 	snop  }
0x6: {  	_ = 	snop  }
0x7: {  	_ = 	snop  }
__scs_overlays_trampoline_lowered:
0x8: {  	[smem:$0x3FAC] =	sst s0  }
0x9: {  	[smem:$0x3FAD] =	sst s1  }
0xa: {  	[smem:$0x3FAE] =	sst s2  }
0xb: {  	[smem:$0x3FAF] =	sst s3  }
0xc: {  	[smem:$0x3FB0] =	sst s4  }
0xd: {  	[smem:$0x3FB1] =	sst s5  }
0xe: {  	[smem:$0x3FB2] =	sst s6  }
0xf: {  	[smem:$0x3FB3] =	sst s7  }
0x10: {  	[smem:$0x3FB4] =	sst s8  }
0x11: {  	[smem:$0x3FB5] =	sst s9;
	s0 =	simm.s32 @!p0 $0x0  }
0x12: {  	s1 =	sld [smem:$0x3F9B];
	s0 =	simm.s32 @p0 $0x1  }
0x13: {  	[smem:$0x3FB6] =	sst s0;
	s0 =	simm.s32 @!p1 $0x0  }
0x14: {  	s2 =	sld [smem:$0x3F9A];
	s0 =	simm.s32 @p1 $0x1  }
0x15: {  	[smem:$0x3FB7] =	sst s0;
	s0 =	simm.s32 @!p2 $0x0  }
0x16: {  	s3 =	sld [smem:$0x3FDB];
	s0 =	simm.s32 @p2 $0x1  }
0x17: {  	s4 =	simm.s32 $0x1BF5;
	[smem:$0x3FB9] =	sst s0  }
0x18: {  	s0 =	sld [smem:$0x3F9C];
	_ =	swait.ge [sflag:s4], $0x0  }
0x19: {  	s7 =	sld [smem:$0x3F9D]  }
0x1a: {  	s8 =	sadd.s32 $0xFFFFE003, lr  }
0x1b: {  	s9 =	sadd.s32 $0xFFFFFEF7, lr;
	s5 =	simm.s32 $0xFFFFFFFF;
	p2 =	slt.u32 s8, $0xFFFFF086  }
0x1c: {  	p1 =	slt.u32 s9, $0xF7A;
	s5 =	simm.s32 @!p2 $0x0  }
0x1d: {  	s5 =	simm.s32 @p1 $0x1;
	p0 =	seq.s32 s7, s2  }
0x1e: {  	s7 =	smul.u32 @!p0 $0xF7A, s2;
	p2 =	seq.s32 @!p0 s5, $0x0  }
0x1f: {  	s9 =	smul.u32 $0xF7A, s1;
	s8 =	simm.s32 @!p0 $0x1BF5;
	p2 =	por !p2, p0  }
0x20: {  	[sflag:s8] =	ssyncset.s32 @!p0 $0xFFFFF086;
	s6 =	sadd.s32 @!p0 s3, s7;
	s7 =	simm.s32 @!p0 $0x108  }
0x21: {  	s3 =	sadd.s32 s3, s9;
	s6 =	sadd.s32 @!p0 $0x88, s6;
	s7 =	simm.s32 @p2 $0x1082  }
0x22: {  	[simem:s7], [sflag:s8] =	dma.local @!p0 [hbm:s6], $0xF7A  }
0x23: {  	s9 =	sor.u32 $0xD0000000, s2;
	s6 =	simm.s32 $0x108;
	_ =	swait.ge @!p0 [sflag:s8], $0x0  }
0x24: {  	s3 =	sadd.s32 $0x88, s3;
	s6 =	simm.s32 @!p1 $0x1082;
	[sflag:s4] =	ssyncset.s32 $0xFFFFF086  }
0x25: {  	[simem:s6], [sflag:s4] =	dma.local [hbm:s3], $0xF7A  }
0x26: {  	[smem:$0x3F9D] =	sst s1;
	(tag) =	ssettag s2;
	_ =	strace s9  }
0x27: {  	s1 =	sld [smem:$0x3FAD]  }
0x28: {  	s2 =	sld [smem:$0x3FAE]  }
0x29: {  	s4 =	sld [smem:$0x3FB0]  }
0x2a: {  	p0 =	seq.s32 s5, $0x0;
	s5 =	sld [smem:$0x3FB1]  }
0x2b: {  	s6 =	sld [smem:$0x3FB2]  }
0x2c: {  	s7 =	sld [smem:$0x3FB3]  }
0x2d: {  	s3 =	simm.s32 $0x108;
	s8 =	sld [smem:$0x3FB4]  }
0x2e: {  	s3 =	simm.s32 @!p0 $0x1082;
	s9 =	sld [smem:$0x3FB5]  }
0x2f: {  	lr =	sadd.s32 s0, s3;
	s0 =	sld [smem:$0x3FAC]  }
0x30: {  	s3 =	sld [smem:$0x3FAF]  }
0x31: {  	[smem:$0x3FB8] =	sst s10  }
0x32: {  	s10 =	sld [smem:$0x3FB6];
	_ =	sdelay $0x3  }
0x33: {  	p0 =	seq.s32 s10, $0x1;
	s10 =	sld [smem:$0x3FB8];
	_ =	sdelay $0x3  }
0x34: {  	[smem:$0x3FB8] =	sst s10  }
0x35: {  	s10 =	sld [smem:$0x3FB7];
	_ =	sdelay $0x3  }
0x36: {  	p1 =	seq.s32 s10, $0x1;
	s10 =	sld [smem:$0x3FB8];
	_ =	sdelay $0x3  }
0x37: {  	[smem:$0x3FB8] =	sst s10  }
0x38: {  	s10 =	sld [smem:$0x3FB9]  }
0x39: {  	_ = 	snop;
	(pc) =	sbr.ind lr, $3  }
0x3a: {  	_ = 	snop  }
0x3b: {  	_ = 	snop  }
0x3c: {  	p2 =	seq.s32 s10, $0x1;
	s10 =	sld [smem:$0x3FB8]  }
0x3d: {  	_ =	shalt  }
0x3e: {  	_ =	shalt  }
0x3f: {  	_ =	shalt  }
0x40: {  	_ =	shalt  }
0x41: {  	_ =	shalt  }
0x42: {  	_ =	shalt  }
0x43: {  	_ =	shalt  }
0x44: {  	_ =	shalt  }
0x45: {  	_ =	shalt  }
0x46: {  	_ =	shalt  }
0x47: {  	_ =	shalt  }
0x48: {  	_ =	shalt  }
0x49: {  	_ =	shalt  }
0x4a: {  	_ =	shalt  }
0x4b: {  	_ =	shalt  }
0x4c: {  	_ =	shalt  }
0x4d: {  	_ =	shalt  }
0x4e: {  	_ =	shalt  }
0x4f: {  	_ =	shalt  }
0x50: {  	_ =	shalt  }
0x51: {  	_ =	shalt  }
0x52: {  	_ =	shalt  }
0x53: {  	_ =	shalt  }
0x54: {  	_ =	shalt  }
0x55: {  	_ =	shalt  }
0x56: {  	_ =	shalt  }
0x57: {  	_ =	shalt  }
0x58: {  	_ =	shalt  }
0x59: {  	_ =	shalt  }
0x5a: {  	_ =	shalt  }
0x5b: {  	_ =	shalt  }
0x5c: {  	_ =	shalt  }
0x5d: {  	_ =	shalt  }
0x5e: {  	_ =	shalt  }
0x5f: {  	_ =	shalt  }
0x60: {  	_ =	shalt  }
0x61: {  	_ =	shalt  }
0x62: {  	_ =	shalt  }
0x63: {  	_ =	shalt  }
0x64: {  	_ =	shalt  }
0x65: {  	_ =	shalt  }
0x66: {  	_ =	shalt  }
0x67: {  	_ =	shalt  }
0x68: {  	_ =	shalt  }
0x69: {  	_ =	shalt  }
0x6a: {  	_ =	shalt  }
0x6b: {  	_ =	shalt  }
0x6c: {  	_ =	shalt  }
0x6d: {  	_ =	shalt  }
0x6e: {  	_ =	shalt  }
0x6f: {  	_ =	shalt  }
0x70: {  	_ =	shalt  }
0x71: {  	_ =	shalt  }
0x72: {  	_ =	shalt  }
0x73: {  	_ =	shalt  }
0x74: {  	_ =	shalt  }
0x75: {  	_ =	shalt  }
0x76: {  	_ =	shalt  }
0x77: {  	_ =	shalt  }
0x78: {  	_ =	shalt  }
0x79: {  	_ =	shalt  }
0x7a: {  	_ =	shalt  }
0x7b: {  	_ =	shalt  }
0x7c: {  	_ =	shalt  }
0x7d: {  	_ =	shalt  }
0x7e: {  	_ =	shalt  }
0x7f: {  	_ =	shalt  }
0x80: {  	_ =	shalt  }
0x81: {  	_ =	shalt  }
0x82: {  	_ =	shalt  }
0x83: {  	_ =	shalt  }
0x84: {  	_ =	shalt  }
0x85: {  	_ =	shalt  }
0x86: {  	_ =	shalt  }
0x87: {  	_ =	shalt  }
.Lfunc_end0:
.L_simem_size_0:
called_computation.1_lowered:
.L_overlay_start_0:
0x88: {  	s2 =	sld [smem:$0x3FD9]  }
0x89: {  	s3 =	sld [smem:$0x3FFE];
	_ =	sdelay $0x1  }
0x8a: {  	s1 =	srdreg.scid  }
0x8b: {  	s0 =	sand.u32 $0x1, s1  }
0x8c: {  	s17 =	sshll.u32 s0, $0xA;
	s2 =	sadd.s32 s3, s2  }
0x8d: {  	s2 =	sadd.s32 s2, s17  }
0x8e: {  	[smem:$0x3FC4] =	sst s2  }
0x8f: {  	_ = 	snop  }
0x90: {  	s2 =	sld [smem:$0x3FD0];
	(tm) =	ssettm $0x1  }
0x91: {  	s18 =	sld [smem:$0x3FFB];
	_ =	sdelay $0x3  }
0x92: {  	_ =	strace s18  }
0x93: {  	s3 =	sld [smem:$0x3FFC];
	_ =	sdelay $0x3  }
0x94: {  	_ =	strace s3  }
0x95: {  	s3 =	sld [smem:$0x3FFD];
	_ =	sdelay $0x3  }
0x96: {  	_ =	strace s3  }
0x97: {  	_ =	strace $0x8FFFFFFF  }
0x98: {  	s19 =	sld [smem:$0x3FDB];
	_ =	sdelay $0x1  }
0x99: {  	s4 =	simm.s32 $_scs_section_size  }
0x9a: {  	s5 =	simm.s32 $_size__tile_overlayer_lowered;
	s6 =	simm.s32 $_tile_overlayer_lowered  }
0x9b: {  	s22 =	simm.s32 $0x1BFF;
	s21 =	sshll.u32 s6, $0x1;
	s3 =	sadd.s32 s4, s19  }
0x9c: {  	s7 =	simm.s32 $0x0;
	s20 =	sshll.u32 s5, $0x1;
	s5 =	sadd.s32 s21, s3  }
0x9d: {  	[timem:s7], [sflag:s22] =	dma.local [hbm:s5], s20  }
0x9e: {  	_ =	swait.ge [sflag:s22], s20  }
0x9f: {  	s4 =	ssub.s32 $0x0, s20;
	[sflag:s22] =	ssyncset.done $0x0  }
0xa0: {  	[sflag:s22] =	ssyncadd.s32 s4;
	_ =	sdelay $0x1  }
0xa1: {  	s23 =	simm.s32 $0x1B8B  }
0xa2: {  	_ =	swait.ge [sflag:s23], $0x1  }
0xa3: {  	[sflag:s23] =	ssyncset.done $0x0  }
0xa4: {  	s25 =	simm.s32 $0x1B8E;
	s24 =	sld [smem:$0x3FFE];
	[sflag:s23] =	ssyncadd.s32 $0xFFFFFFFF  }
0xa5: {  	s26 =	simm.s32 $execute0_lowered;
	[smem:$0x3FD2] =	sst s25  }
0xa6: {  	s5 =	sshll.u32 s26, $0x1;
	_ =	strace $0x80000049;
	[dreg:$0x1] =	wrdreg $0xFFFFFFFF  }
0xa7: {  	s28 =	simm.s32 $_size_execute0_lowered;
	s3 =	sadd.s32 s3, s5;
	[dreg:$0x0] =	wrdreg $0x0  }
0xa8: {  	s5 =	sshll.u32 s28, $0x1;
	[dreg:$0x2] =	wrdreg s3  }
0xa9: {  	[dreg:$0x3] =	wrdreg s5  }
0xaa: {  	[dreg:$0x4] =	wrdreg $0xC0  }
0xab: {  	_ =	task [dreg:s7], $0x5FFFF  }
0xac: {  	[dreg:$0x1] =	wrdreg $0xFFFFFFFF  }
0xad: {  	[dreg:$0x0] =	wrdreg $0x60  }
0xae: {  	[dreg:$0x2] =	wrdreg s2  }
0xaf: {  	[dreg:$0x3] =	wrdreg s24  }
0xb0: {  	[dreg:$0x4] =	wrdreg $0x9  }
0xb1: {  	_ =	task.clear_ibuf [dreg:s7], $0x5FFFF;
	_ =	strace $0x90000049  }
0xb2: {  	s29 =	simm.s32 $0x9;
	_ =	strace $0x8000004B  }
0xb3: {  	_ =	swait.ge [sflag:s29], $0x1  }
0xb4: {  	[sflag:s29] =	ssyncadd.s32 $0xFFFFFFFF  }
0xb5: {  	_ =	strace $0x9000004B  }
0xb6: {  	_ =	sfence  }
0xb7: {  	s30 =	sld [smem:$0x0];
	_ =	sdelay $0x2  }
0xb8: {  	s31 =	sshll.u32 s1, $0xD;
	s1 =	sshrl.u32 s1, $0x2  }
0xb9: {  	s3 =	sand.u32 $0x4000, s31;
	s1 =	sadd.s32 s1, s30  }
0xba: {  	s0 =	sor.u32 s3, s0;
	s1 =	sshll.u32 s1, $0x11  }
0xbb: {  	s0 =	sor.u32 s1, s0  }
0xbc: {  	s0 =	sadd.s32 $0x8F2B, s0  }
0xbd: {  	[sflag:s0] =	ssyncadd.remote.s32 $0x1  }
0xbe: {  	_ =	sfence.sel $0xFFFF  }
0xbf: {  	[dreg:$0x0] =	wrdreg $0xFFFFFFFF;
	(pc) =	sbr.abs _section_cstart, $3  }
0xc0: {  	[dreg:$0x1] =	wrdreg $0xFFFFFFFF  }
0xc1: {  	_ =	task.clear_ibuf [dreg:s7], $0x2FFFF;
	_ =	strace $0x9FFFFFFF  }
0xc2: {  	(tm) =	ssettm $0x7FFFFFFF  }
0xc3: {  	_ =	shalt  }
tec
execute0_lowered:
.L_overlay_start_1:
0x0: {  	(tag) =	ssettag $0x1  }
0x1: {  	s0 =	srdreg.scid;
	s2 =	rddreg [dreg:$0x0]  }
0x2: {  	s1 =	stileid.u32;
	s5 =	rddreg [dreg:$0x1];
	s30 =	simm.s32 $0x10  }
0x3: {  	s31 =	simm.s32 $0x1000;
	s0 =	sand.u32 $0x1, s0;
	s4 =	sshll.u32 s1, $0x7  }
0x4: {  	s1 =	simm.s32 $0x0;
	s7 =	sadd.s32 $0x7600, s5;
	s3 =	sshll.u32 s0, $0xB  }
0x5: {  	[smem:$0x7FF] =	sst s1;
	s0 =	ssub.s32 $0x2, s0;
	s3 =	sor.u32 s4, s3  }
0x6: {  	s6 =	sshrl.u32 s0, $0x1;
	s4 =	sshrl.u32 s3, $0x3;
	s9 =	sshll.u32 s3, $0x7  }
0x7: {  	s0 =	ssub.s32 s0, s6;
	s24 =	sor.u32 $0x10, s3;
	s13 =	sor.u32 $0x20, s3  }
0x8: {  	s16 =	sor.u32 $0x30, s3;
	s19 =	sor.u32 $0x50, s3;
	s8 =	sadd.s32 s4, s5  }
0x9: {  	s5 =	sadd.s32 $0x87600, s5;
	s23 =	sadd.s32 s2, s9;
	s25 =	sadd.s32 s7, s4  }
0xa: {  	s26 =	sshll.u32 s24, $0x7;
	s10 =	sshrl.u32 s24, $0x3;
	s14 =	sshll.u32 s13, $0x7  }
0xb: {  	s9 =	sshrl.u32 s13, $0x3;
	s17 =	sshll.u32 s16, $0x7;
	s13 =	sshll.u32 s19, $0x7  }
0xc: {  	s29 =	smax.u32 s0, $0x1;
	s0 =	simm.s32 $0x4000;
	[dreg:$0x3] =	wrdreg s23  }
0xd: {  	[dreg:$0x4] =	wrdreg s25;
	s11 =	sadd.s32 s2, s26;
	s12 =	sadd.s32 s7, s10  }
0xe: {  	s6 =	sadd.s32 s5, s4;
	s4 =	sadd.s32 s2, s14;
	[dreg:$0x5] =	wrdreg s11  }
0xf: {  	s15 =	sadd.s32 s7, s9;
	s10 =	sadd.s32 s5, s10;
	[dreg:$0x6] =	wrdreg s12  }
0x10: {  	s13 =	sadd.s32 s2, s13;
	s23 =	sadd.s32 s5, s9;
	[dreg:$0x7] =	wrdreg s4  }
0x11: {  	s25 =	sshrl.u32 s19, $0x3;
	s28 =	sadd.s32 $0x1600, s8;
	[dreg:$0x8] =	wrdreg s15  }
0x12: {  	s8 =	simm.s32 $0x3;
	s9 =	simm.s32 $0x0;
	[dreg:$0x9] =	wrdreg s10  }
0x13: {  	s11 =	sor.u32 $0x40, s3;
	s10 =	sadd.s32 s2, s17;
	[dreg:$0xc] =	wrdreg s13  }
0x14: {  	s4 =	sshrl.u32 s16, $0x3;
	s12 =	sor.u32 $0x60, s3;
	[dreg:$0x10] =	wrdreg s23  }
0x15: {  	s3 =	sor.u32 $0x70, s3;
	[dreg:$0xa] =	wrdreg s10;
	s18 =	sshll.u32 s11, $0x7  }
0x16: {  	s14 =	sshll.u32 s12, $0x7;
	s21 =	sshll.u32 s3, $0x7;
	s22 =	sadd.s32 s7, s4  }
0x17: {  	s24 =	sshrl.u32 s11, $0x3;
	s17 =	sadd.s32 s5, s4;
	s26 =	sshrl.u32 s12, $0x3  }
0x18: {  	s3 =	sshrl.u32 s3, $0x3;
	s4 =	simm.s32 $0x2;
	s10 =	sadd.s32 s2, s18  }
0x19: {  	s20 =	sadd.s32 s2, s14;
	s2 =	sadd.s32 s2, s21;
	[dreg:$0xf] =	wrdreg s22  }
0x1a: {  	s18 =	sadd.s32 s7, s24;
	s19 =	sadd.s32 s5, s24;
	s21 =	sadd.s32 s7, s25  }
0x1b: {  	s22 =	sadd.s32 s5, s25;
	s23 =	sadd.s32 s7, s26;
	s24 =	sadd.s32 s7, s3  }
0x1c: {  	s25 =	sadd.s32 s5, s26;
	s26 =	sadd.s32 s5, s3;
	[dreg:$0xb] =	wrdreg s10  }
0x1d: {  	s3 =	simm.s32 $0x1;
	s5 =	simm.s32 $0x10000;
	[dreg:$0xd] =	wrdreg s20  }
0x1e: {  	v0 =	vlaneseq.u32;
	s7 =	simm.s32 $0x14000;
	[dreg:$0xe] =	wrdreg s2;
	s20 =	simm.s32 $0x8000  }
0x1f: {  	v1 =	vmul.u32 $0x400, v0;
	s2 =	simm.s32 $0xC000;
	s10 =	simm.s32 $0x4;
	_ =	strace $0x8000004A  }
.LBB2_1:
0x20: {  	s11 =	rddreg [dreg:$0x3]  }
0x21: {  	[tilespmem:s1], [sflag:$0x1] =	stream.linear.gather [hbm4b:s11+s1], $0x4000, $0x38;
	[tilespmem:$0x18080] =	vst v63  }
0x22: {  	s12 =	rddreg [dreg:$0x4]  }
0x23: {  	[tilespmem:s20], [sflag:$0x2] =	stream.strided.gather [hbm4b:s12+s30], $0x4000, s31, s30, $0x38;
	[tilespmem:$0x18080] =	vst v63  }
0x24: {  	s13 =	rddreg [dreg:$0x5]  }
0x25: {  	[tilespmem:s0], [sflag:$0x1] =	stream.linear.gather [hbm4b:s13+s1], $0x4000, $0x38;
	[tilespmem:$0x18080] =	vst v63  }
0x26: {  	s14 =	rddreg [dreg:$0x6]  }
0x27: {  	[tilespmem:s2], [sflag:$0x2] =	stream.strided.gather [hbm4b:s14+s30], $0x4000, s31, s30, $0x38;
	[tilespmem:$0x18080] =	vst v63  }
0x28: {  	s15 =	simm.s32 $0x0;
	_ =	swait.ge [sflag:s3], $0x4000  }
0x29: {  	s16 =	simm.s32 $0xF0;
	v2 =	vor.u32 s15, v0;
	[sflag:s3] =	ssyncset.done $0x0  }
0x2a: {  	v13 =	vor.u32 s16, v0;
	s12 =	simm.s32 $0x10;
	[sflag:s3] =	ssyncadd.s32 $0xFFFFC000  }
0x2b: {  	v14 =	vor.u32 s12, v0;
	s12 =	simm.s32 $0x20;
	_ =	swait.ge [sflag:s4], $0x4000  }
0x2c: {  	s13 =	simm.s32 $0x30;
	v15 =	vor.u32 s12, v0;
	[sflag:s4] =	ssyncset.done $0x0  }
0x2d: {  	v17 =	vor.u32 s13, v0;
	s14 =	simm.s32 $0x40;
	[sflag:s4] =	ssyncadd.s32 $0xFFFFC000  }
0x2e: {  	s15 =	simm.s32 $0x50;
	v24 =	vor.u32 s14, v0;
	v20 =	vld.idx.msk [tilespmem:v2+s20+$0x0], $0xffff  }
0x2f: {  	s16 =	simm.s32 $0x60;
	v12 =	vor.u32 s15, v0;
	v7 =	vld.idx.msk [tilespmem:v13+s20+$0x0], $0xffff  }
0x30: {  	v11 =	vor.u32 s16, v0;
	s13 =	simm.s32 $0x70;
	v16 =	vld.idx.msk [tilespmem:v14+s20+$0x0], $0xffff  }
0x31: {  	v3 =	vor.u32 s13, v0;
	s14 =	simm.s32 $0x80;
	v18 =	vld.idx.msk [tilespmem:v15+s20+$0x0], $0xffff  }
0x32: {  	s15 =	simm.s32 $0x90;
	v5 =	vor.u32 s14, v0;
	v19 =	vld.idx.msk [tilespmem:v17+s20+$0x0], $0xffff  }
0x33: {  	s16 =	simm.s32 $0xA0;
	v6 =	vor.u32 s15, v0;
	v21 =	vld.idx.msk [tilespmem:v24+s20+$0x0], $0xffff  }
0x34: {  	v4 =	vor.u32 s16, v0;
	s13 =	simm.s32 $0xB0;
	v22 =	vld.idx.msk [tilespmem:v12+s20+$0x0], $0xffff  }
0x35: {  	s16 =	simm.s32 $0xE0;
	v9 =	vor.u32 s13, v0;
	v23 =	vld.idx.msk [tilespmem:v11+s20+$0x0], $0xffff  }
0x36: {  	v8 =	vor.u32 s16, v0;
	s14 =	simm.s32 $0xC0;
	v26 =	vld.idx.msk [tilespmem:v3+s20+$0x0], $0xffff  }
0x37: {  	v10 =	vor.u32 s14, v0;
	v27 =	vld.idx.msk [tilespmem:v5+s20+$0x0], $0xffff  }
0x38: {  	s15 =	simm.s32 $0xD0;
	v28 =	vld.idx.msk [tilespmem:v6+s20+$0x0], $0xffff;
	v25 =	vadd.s32 v1, v7  }
0x39: {  	v29 =	vld.idx.msk [tilespmem:v4+s20+$0x0], $0xffff;
	v7 =	vor.u32 s15, v0  }
0x3a: {  	v30 =	vld.idx.msk [tilespmem:v9+s20+$0x0], $0xffff;
	v16 =	vadd.s32 v1, v16  }
0x3b: {  	v33 =	vld.idx.msk [tilespmem:v8+s20+$0x0], $0xffff;
	v18 =	vadd.s32 v1, v18  }
0x3c: {  	v31 =	vld.idx.msk [tilespmem:v10+s20+$0x0], $0xffff;
	v19 =	vadd.s32 v1, v19  }
0x3d: {  	v21 =	vadd.s32 v1, v21;
	v25 =	vld.idx.msk [tilespmem:v25+s1+$0x0], $0xffff  }
0x3e: {  	v22 =	vadd.s32 v1, v22;
	v32 =	vld.idx.msk [tilespmem:v7+s20+$0x0], $0xffff  }
0x3f: {  	v23 =	vadd.s32 v1, v23;
	v16 =	vld.idx.msk [tilespmem:v16+s1+$0x0], $0xffff  }
0x40: {  	v26 =	vadd.s32 v1, v26;
	v34 =	vld.idx.msk [tilespmem:v18+s1+$0x0], $0xffff  }
0x41: {  	v27 =	vadd.s32 v1, v27;
	v35 =	vld.idx.msk [tilespmem:v19+s1+$0x0], $0xffff  }
0x42: {  	v28 =	vadd.s32 v1, v28;
	v36 =	vld.idx.msk [tilespmem:v21+s1+$0x0], $0xffff  }
0x43: {  	v29 =	vadd.s32 v1, v29;
	v19 =	vld.idx.msk [tilespmem:v22+s1+$0x0], $0xffff  }
0x44: {  	v18 =	vld.idx.msk [tilespmem:v23+s1+$0x0], $0xffff;
	v23 =	vadd.s32 v1, v30;
	[tilespmem:v13+s5+$0x0] =	vst.idx.msk $0xffff, v25  }
0x45: {  	v22 =	vadd.s32 v1, v31;
	[tilespmem:v14+s5+$0x0] =	vst.idx.msk $0xffff, v16;
	v16 =	vld.idx.msk [tilespmem:v26+s1+$0x0], $0xffff  }
0x46: {  	[tilespmem:v15+s5+$0x0] =	vst.idx.msk $0xffff, v34;
	v14 =	vld.idx.msk [tilespmem:v27+s1+$0x0], $0xffff;
	v21 =	vadd.s32 v1, v32  }
0x47: {  	v13 =	vadd.s32 v1, v20;
	[tilespmem:v17+s5+$0x0] =	vst.idx.msk $0xffff, v35;
	v15 =	vld.idx.msk [tilespmem:v28+s1+$0x0], $0xffff;
	v20 =	vadd.s32 v1, v33  }
0x48: {  	s11 =	simm.s32 $0x20;
	s12 =	simm.s32 $0x100;
	[tilespmem:v24+s5+$0x0] =	vst.idx.msk $0xffff, v36;
	v17 =	vld.idx.msk [tilespmem:v29+s1+$0x0], $0xffff  }
.LBB2_2:
0x49: {  	p0 =	slt.u32 s11, $0x3F0;
	v24 =	vor.u32 s12, v0;
	s13 =	sadd.s32 $0x10, s12;
	s14 =	sadd.s32 $0xF0, s12;
	[tilespmem:v12+s5+$0x0] =	vst.idx.msk $0xffff, v19;
	v19 =	vld.idx.msk [tilespmem:v23+s1+$0x0], $0xffff  }
0x4a: {  	s15 =	sadd.s32 $0x30, s12;
	s16 =	sadd.s32 $0x40, s12;
	v25 =	vor.u32 s13, v0;
	s13 =	sadd.s32 $0x20, s12;
	v23 =	vor.u32 s14, v0;
	[tilespmem:v11+s5+$0x0] =	vst.idx.msk $0xffff, v18;
	v18 =	vld.idx.msk [tilespmem:v22+s1+$0x0], $0xffff  }
0x4b: {  	v27 =	vor.u32 s15, v0;
	v28 =	vor.u32 s16, v0;
	s14 =	sadd.s32 $0x60, s12;
	s15 =	sadd.s32 $0x70, s12;
	v26 =	vor.u32 s13, v0;
	s13 =	sadd.s32 $0x50, s12;
	v21 =	vld.idx.msk [tilespmem:v21+s1+$0x0], $0xffff  }
0x4c: {  	v11 =	vor.u32 s14, v0;
	v22 =	vor.u32 s15, v0;
	s14 =	sadd.s32 $0x90, s12;
	s15 =	sadd.s32 $0xA0, s12;
	v12 =	vor.u32 s13, v0;
	s13 =	sadd.s32 $0x80, s12;
	v20 =	vld.idx.msk [tilespmem:v20+s1+$0x0], $0xffff  }
0x4d: {  	v30 =	vor.u32 s14, v0;
	v31 =	vor.u32 s15, v0;
	s14 =	sadd.s32 $0xC0, s12;
	s15 =	sadd.s32 $0xD0, s12;
	v29 =	vor.u32 s13, v0;
	s13 =	sadd.s32 $0xB0, s12;
	v32 =	vld.idx.msk [tilespmem:v13+s1+$0x0], $0xffff  }
0x4e: {  	v34 =	vor.u32 s14, v0;
	v35 =	vor.u32 s15, v0;
	s12 =	sadd.s32 $0xE0, s12;
	v13 =	vld.idx.msk [tilespmem:v24+s20+$0x0], $0xffff;
	v33 =	vor.u32 s13, v0  }
0x4f: {  	v36 =	vor.u32 s12, v0;
	v37 =	vld.idx.msk [tilespmem:v23+s20+$0x0], $0xffff;
	[tilespmem:v3+s5+$0x0] =	vst.idx.msk $0xffff, v16;
	v3 =	vmov v22  }
0x50: {  	v16 =	vld.idx.msk [tilespmem:v25+s20+$0x0], $0xffff;
	[tilespmem:v5+s5+$0x0] =	vst.idx.msk $0xffff, v14;
	v5 =	vmov v29  }
0x51: {  	v14 =	vld.idx.msk [tilespmem:v26+s20+$0x0], $0xffff;
	[tilespmem:v6+s5+$0x0] =	vst.idx.msk $0xffff, v15;
	v6 =	vmov v30  }
0x52: {  	v15 =	vld.idx.msk [tilespmem:v27+s20+$0x0], $0xffff;
	[tilespmem:v4+s5+$0x0] =	vst.idx.msk $0xffff, v17;
	v4 =	vmov v31  }
0x53: {  	v17 =	vld.idx.msk [tilespmem:v28+s20+$0x0], $0xffff;
	[tilespmem:v9+s5+$0x0] =	vst.idx.msk $0xffff, v19;
	v9 =	vmov v33  }
0x54: {  	v13 =	vadd.s32 v1, v13;
	v19 =	vld.idx.msk [tilespmem:v12+s20+$0x0], $0xffff;
	[tilespmem:v10+s5+$0x0] =	vst.idx.msk $0xffff, v18;
	v10 =	vmov v34  }
0x55: {  	v22 =	vadd.s32 v1, v37;
	v18 =	vld.idx.msk [tilespmem:v11+s20+$0x0], $0xffff;
	[tilespmem:v7+s5+$0x0] =	vst.idx.msk $0xffff, v21;
	v7 =	vmov v35  }
0x56: {  	v16 =	vadd.s32 v1, v16;
	v21 =	vld.idx.msk [tilespmem:v3+s20+$0x0], $0xffff;
	[tilespmem:v8+s5+$0x0] =	vst.idx.msk $0xffff, v20;
	v8 =	vmov v36  }
0x57: {  	v14 =	vadd.s32 v1, v14;
	v20 =	vld.idx.msk [tilespmem:v29+s20+$0x0], $0xffff;
	[tilespmem:v2+s5+$0x0] =	vst.idx.msk $0xffff, v32;
	v2 =	vmov v24  }
0x58: {  	v15 =	vadd.s32 v1, v15;
	v24 =	vld.idx.msk [tilespmem:v30+s20+$0x0], $0xffff  }
0x59: {  	v17 =	vadd.s32 v1, v17;
	v29 =	vld.idx.msk [tilespmem:v31+s20+$0x0], $0xffff  }
0x5a: {  	v19 =	vadd.s32 v1, v19;
	v22 =	vld.idx.msk [tilespmem:v22+s1+$0x0], $0xffff  }
0x5b: {  	v18 =	vadd.s32 v1, v18;
	v30 =	vld.idx.msk [tilespmem:v33+s20+$0x0], $0xffff  }
0x5c: {  	v31 =	vadd.s32 v1, v21;
	v21 =	vld.idx.msk [tilespmem:v34+s20+$0x0], $0xffff  }
0x5d: {  	v32 =	vadd.s32 v1, v20;
	v20 =	vld.idx.msk [tilespmem:v35+s20+$0x0], $0xffff  }
0x5e: {  	v24 =	vadd.s32 v1, v24;
	v33 =	vld.idx.msk [tilespmem:v36+s20+$0x0], $0xffff  }
0x5f: {  	v29 =	vadd.s32 v1, v29;
	v16 =	vld.idx.msk [tilespmem:v16+s1+$0x0], $0xffff  }
0x60: {  	v14 =	vld.idx.msk [tilespmem:v14+s1+$0x0], $0xffff;
	[tilespmem:v23+s5+$0x0] =	vst.idx.msk $0xffff, v22  }
0x61: {  	v23 =	vadd.s32 v1, v30;
	v15 =	vld.idx.msk [tilespmem:v15+s1+$0x0], $0xffff  }
0x62: {  	v22 =	vadd.s32 v1, v21;
	v17 =	vld.idx.msk [tilespmem:v17+s1+$0x0], $0xffff  }
0x63: {  	v21 =	vadd.s32 v1, v20;
	v19 =	vld.idx.msk [tilespmem:v19+s1+$0x0], $0xffff  }
.Ltmp0:
0x64: {  	v20 =	vadd.s32 v1, v33;
	v18 =	vld.idx.msk [tilespmem:v18+s1+$0x0], $0xffff;
	(pc) =	sbr.rel @p0 .LBB2_2-.Ltmp0, $4  }
0x65: {  	[tilespmem:v25+s5+$0x0] =	vst.idx.msk $0xffff, v16;
	v16 =	vld.idx.msk [tilespmem:v31+s1+$0x0], $0xffff  }
0x66: {  	[tilespmem:v26+s5+$0x0] =	vst.idx.msk $0xffff, v14;
	v14 =	vld.idx.msk [tilespmem:v32+s1+$0x0], $0xffff  }
0x67: {  	[tilespmem:v27+s5+$0x0] =	vst.idx.msk $0xffff, v15;
	v15 =	vld.idx.msk [tilespmem:v24+s1+$0x0], $0xffff  }
0x68: {  	s12 =	sshll.u32 s11, $0x4;
	s11 =	sadd.s32 $0x10, s11;
	[tilespmem:v28+s5+$0x0] =	vst.idx.msk $0xffff, v17;
	v17 =	vld.idx.msk [tilespmem:v29+s1+$0x0], $0xffff  }
0x69: {  	_ =	sdelay $0x3  }
0x6a: {  	v24 =	vor.u32 s12, v0;
	s11 =	sadd.s32 $0xF0, s12;
	v23 =	vld.idx.msk [tilespmem:v23+s1+$0x0], $0xffff  }
0x6b: {  	s13 =	sadd.s32 $0x10, s12;
	v22 =	vld.idx.msk [tilespmem:v22+s1+$0x0], $0xffff;
	v25 =	vor.u32 s11, v0  }
0x6c: {  	s14 =	sadd.s32 $0x20, s12;
	v21 =	vld.idx.msk [tilespmem:v21+s1+$0x0], $0xffff;
	v26 =	vor.u32 s13, v0  }
0x6d: {  	s15 =	sadd.s32 $0x30, s12;
	v20 =	vld.idx.msk [tilespmem:v20+s1+$0x0], $0xffff;
	v27 =	vor.u32 s14, v0  }
0x6e: {  	s16 =	sadd.s32 $0x40, s12;
	v13 =	vld.idx.msk [tilespmem:v13+s1+$0x0], $0xffff;
	v28 =	vor.u32 s15, v0  }
0x6f: {  	v29 =	vor.u32 s16, v0;
	s14 =	sadd.s32 $0x50, s12;
	v30 =	vld.idx.msk [tilespmem:v24+s20+$0x0], $0xffff  }
0x70: {  	s15 =	sadd.s32 $0x60, s12;
	v31 =	vor.u32 s14, v0;
	v32 =	vld.idx.msk [tilespmem:v25+s20+$0x0], $0xffff  }
0x71: {  	s16 =	sadd.s32 $0x70, s12;
	v33 =	vor.u32 s15, v0;
	v34 =	vld.idx.msk [tilespmem:v26+s20+$0x0], $0xffff  }
0x72: {  	v35 =	vor.u32 s16, v0;
	s14 =	sadd.s32 $0x80, s12;
	v36 =	vld.idx.msk [tilespmem:v27+s20+$0x0], $0xffff  }
0x73: {  	s15 =	sadd.s32 $0x90, s12;
	v37 =	vor.u32 s14, v0;
	v38 =	vld.idx.msk [tilespmem:v28+s20+$0x0], $0xffff  }
0x74: {  	s16 =	sadd.s32 $0xA0, s12;
	v39 =	vor.u32 s15, v0;
	v40 =	vld.idx.msk [tilespmem:v29+s20+$0x0], $0xffff  }
0x75: {  	v41 =	vor.u32 s16, v0;
	s14 =	sadd.s32 $0xB0, s12;
	v42 =	vld.idx.msk [tilespmem:v31+s20+$0x0], $0xffff  }
0x76: {  	s15 =	sadd.s32 $0xC0, s12;
	v44 =	vor.u32 s14, v0;
	v43 =	vld.idx.msk [tilespmem:v33+s20+$0x0], $0xffff  }
0x77: {  	s16 =	sadd.s32 $0xD0, s12;
	v46 =	vor.u32 s15, v0;
	v45 =	vld.idx.msk [tilespmem:v35+s20+$0x0], $0xffff  }
0x78: {  	[tilespmem:v12+s5+$0x0] =	vst.idx.msk $0xffff, v19;
	v12 =	vor.u32 s16, v0;
	s14 =	sadd.s32 $0xE0, s12;
	v47 =	vld.idx.msk [tilespmem:v37+s20+$0x0], $0xffff  }
0x79: {  	[tilespmem:v11+s5+$0x0] =	vst.idx.msk $0xffff, v18;
	v11 =	vor.u32 s14, v0;
	v19 =	vld.idx.msk [tilespmem:v39+s20+$0x0], $0xffff  }
0x7a: {  	[tilespmem:v3+s5+$0x0] =	vst.idx.msk $0xffff, v16;
	v18 =	vld.idx.msk [tilespmem:v41+s20+$0x0], $0xffff;
	v32 =	vadd.s32 v1, v32  }
0x7b: {  	[tilespmem:v5+s5+$0x0] =	vst.idx.msk $0xffff, v14;
	v14 =	vld.idx.msk [tilespmem:v44+s20+$0x0], $0xffff;
	v3 =	vadd.s32 v1, v34  }
0x7c: {  	[tilespmem:v6+s5+$0x0] =	vst.idx.msk $0xffff, v15;
	v15 =	vld.idx.msk [tilespmem:v46+s20+$0x0], $0xffff;
	v5 =	vadd.s32 v1, v36  }
0x7d: {  	[tilespmem:v4+s5+$0x0] =	vst.idx.msk $0xffff, v17;
	v17 =	vld.idx.msk [tilespmem:v12+s20+$0x0], $0xffff;
	v6 =	vadd.s32 v1, v38  }
0x7e: {  	[tilespmem:v9+s5+$0x0] =	vst.idx.msk $0xffff, v23;
	v23 =	vld.idx.msk [tilespmem:v11+s20+$0x0], $0xffff;
	v4 =	vadd.s32 v1, v40  }
0x7f: {  	v9 =	vadd.s32 v1, v42;
	v16 =	vld.idx.msk [tilespmem:v32+s1+$0x0], $0xffff  }
0x80: {  	[tilespmem:v10+s5+$0x0] =	vst.idx.msk $0xffff, v22;
	v10 =	vadd.s32 v1, v43;
	v3 =	vld.idx.msk [tilespmem:v3+s1+$0x0], $0xffff  }
0x81: {  	[tilespmem:v7+s5+$0x0] =	vst.idx.msk $0xffff, v21;
	v7 =	vadd.s32 v1, v45;
	v5 =	vld.idx.msk [tilespmem:v5+s1+$0x0], $0xffff  }
0x82: {  	[tilespmem:v8+s5+$0x0] =	vst.idx.msk $0xffff, v20;
	v8 =	vadd.s32 v1, v47;
	v6 =	vld.idx.msk [tilespmem:v6+s1+$0x0], $0xffff  }
0x83: {  	[tilespmem:v2+s5+$0x0] =	vst.idx.msk $0xffff, v13;
	v2 =	vadd.s32 v1, v19;
	v4 =	vld.idx.msk [tilespmem:v4+s1+$0x0], $0xffff  }
0x84: {  	v13 =	vadd.s32 v1, v18;
	v9 =	vld.idx.msk [tilespmem:v9+s1+$0x0], $0xffff;
	[tilespmem:v25+s5+$0x0] =	vst.idx.msk $0xffff, v16  }
0x85: {  	v14 =	vadd.s32 v1, v14;
	v10 =	vld.idx.msk [tilespmem:v10+s1+$0x0], $0xffff;
	[tilespmem:v26+s5+$0x0] =	vst.idx.msk $0xffff, v3  }
0x86: {  	v7 =	vld.idx.msk [tilespmem:v7+s1+$0x0], $0xffff;
	v3 =	vadd.s32 v1, v15;
	[tilespmem:v27+s5+$0x0] =	vst.idx.msk $0xffff, v5  }
0x87: {  	v8 =	vld.idx.msk [tilespmem:v8+s1+$0x0], $0xffff;
	v5 =	vadd.s32 v1, v17;
	[tilespmem:v28+s5+$0x0] =	vst.idx.msk $0xffff, v6  }
0x88: {  	v2 =	vld.idx.msk [tilespmem:v2+s1+$0x0], $0xffff;
	v6 =	vadd.s32 v1, v23;
	[tilespmem:v29+s5+$0x0] =	vst.idx.msk $0xffff, v4  }
0x89: {  	v13 =	vld.idx.msk [tilespmem:v13+s1+$0x0], $0xffff;
	v4 =	vadd.s32 v1, v30;
	[tilespmem:v31+s5+$0x0] =	vst.idx.msk $0xffff, v9  }
0x8a: {  	v9 =	vld.idx.msk [tilespmem:v14+s1+$0x0], $0xffff;
	[tilespmem:v33+s5+$0x0] =	vst.idx.msk $0xffff, v10  }
0x8b: {  	[tilespmem:v35+s5+$0x0] =	vst.idx.msk $0xffff, v7;
	v3 =	vld.idx.msk [tilespmem:v3+s1+$0x0], $0xffff  }
0x8c: {  	[tilespmem:v37+s5+$0x0] =	vst.idx.msk $0xffff, v8;
	v5 =	vld.idx.msk [tilespmem:v5+s1+$0x0], $0xffff  }
0x8d: {  	[tilespmem:v39+s5+$0x0] =	vst.idx.msk $0xffff, v2;
	v6 =	vld.idx.msk [tilespmem:v6+s1+$0x0], $0xffff  }
0x8e: {  	[tilespmem:v41+s5+$0x0] =	vst.idx.msk $0xffff, v13;
	v2 =	vld.idx.msk [tilespmem:v4+s1+$0x0], $0xffff  }
0x8f: {  	[tilespmem:v44+s5+$0x0] =	vst.idx.msk $0xffff, v9  }
0x90: {  	[tilespmem:v46+s5+$0x0] =	vst.idx.msk $0xffff, v3  }
0x91: {  	[tilespmem:v12+s5+$0x0] =	vst.idx.msk $0xffff, v5  }
0x92: {  	[tilespmem:v11+s5+$0x0] =	vst.idx.msk $0xffff, v6  }
0x93: {  	[tilespmem:v24+s5+$0x0] =	vst.idx.msk $0xffff, v2  }
0x94: {  	[hbm4b:s6+s30] =	stream.strided.scatter [tilespmem:s5], [sflag:$0x3], $0x4000, s31, s30, $0x38;
	[tilespmem:$0x18080] =	vst v63  }
0x95: {  	s15 =	simm.s32 $0x0;
	s16 =	rddreg [dreg:$0x7]  }
0x96: {  	[tilespmem:s15], [sflag:$0x1] =	stream.linear.gather [hbm4b:s16+s15], $0x4000, $0x38;
	[tilespmem:$0x18080] =	vst v63  }
0x97: {  	s13 =	rddreg [dreg:$0x8]  }
0x98: {  	[tilespmem:s20], [sflag:$0x2] =	stream.strided.gather [hbm4b:s13+s30], $0x4000, s31, s30, $0x38;
	[tilespmem:$0x18080] =	vst v63  }
0x99: {  	s14 =	simm.s32 $0x0;
	_ =	swait.ge [sflag:s3], $0x4000  }
0x9a: {  	v2 =	vor.u32 s14, v0;
	s15 =	simm.s32 $0xF0;
	[sflag:s3] =	ssyncset.done $0x0  }
0x9b: {  	s16 =	simm.s32 $0x10;
	v13 =	vor.u32 s15, v0;
	[sflag:s3] =	ssyncadd.s32 $0xFFFFC000  }
0x9c: {  	s12 =	simm.s32 $0x20;
	v14 =	vor.u32 s16, v0;
	_ =	swait.ge [sflag:s4], $0x4000  }
0x9d: {  	v15 =	vor.u32 s12, v0;
	s13 =	simm.s32 $0x30;
	[sflag:s4] =	ssyncset.done $0x0  }
0x9e: {  	s14 =	simm.s32 $0x40;
	v17 =	vor.u32 s13, v0;
	[sflag:s4] =	ssyncadd.s32 $0xFFFFC000  }
0x9f: {  	v51 =	vor.u32 s14, v0;
	s15 =	simm.s32 $0x50;
	v20 =	vld.idx.msk [tilespmem:v2+s2+$0x0], $0xffff  }
0xa0: {  	s16 =	simm.s32 $0x60;
	v12 =	vor.u32 s15, v0;
	v7 =	vld.idx.msk [tilespmem:v13+s2+$0x0], $0xffff  }
0xa1: {  	v11 =	vor.u32 s16, v0;
	s13 =	simm.s32 $0x70;
	v16 =	vld.idx.msk [tilespmem:v14+s2+$0x0], $0xffff  }
0xa2: {  	s14 =	simm.s32 $0x80;
	v3 =	vor.u32 s13, v0;
	v18 =	vld.idx.msk [tilespmem:v15+s2+$0x0], $0xffff  }
0xa3: {  	v5 =	vor.u32 s14, v0;
	s15 =	simm.s32 $0x90;
	v19 =	vld.idx.msk [tilespmem:v17+s2+$0x0], $0xffff  }
0xa4: {  	s16 =	simm.s32 $0xA0;
	v6 =	vor.u32 s15, v0;
	v21 =	vld.idx.msk [tilespmem:v51+s2+$0x0], $0xffff  }
0xa5: {  	s14 =	simm.s32 $0xC0;
	v4 =	vor.u32 s16, v0;
	v22 =	vld.idx.msk [tilespmem:v12+s2+$0x0], $0xffff  }
0xa6: {  	v10 =	vor.u32 s14, v0;
	s16 =	simm.s32 $0xE0;
	v23 =	vld.idx.msk [tilespmem:v11+s2+$0x0], $0xffff  }
0xa7: {  	s13 =	simm.s32 $0xB0;
	v8 =	vor.u32 s16, v0;
	v53 =	vld.idx.msk [tilespmem:v3+s2+$0x0], $0xffff  }
0xa8: {  	v9 =	vor.u32 s13, v0;
	v54 =	vld.idx.msk [tilespmem:v5+s2+$0x0], $0xffff  }
0xa9: {  	s15 =	simm.s32 $0xD0;
	v55 =	vld.idx.msk [tilespmem:v6+s2+$0x0], $0xffff;
	v52 =	vadd.s32 v1, v7  }
0xaa: {  	v56 =	vld.idx.msk [tilespmem:v4+s2+$0x0], $0xffff;
	v7 =	vor.u32 s15, v0  }
0xab: {  	v58 =	vld.idx.msk [tilespmem:v10+s2+$0x0], $0xffff;
	v16 =	vadd.s32 v1, v16  }
0xac: {  	v60 =	vld.idx.msk [tilespmem:v8+s2+$0x0], $0xffff;
	v18 =	vadd.s32 v1, v18  }
0xad: {  	v57 =	vld.idx.msk [tilespmem:v9+s2+$0x0], $0xffff;
	v19 =	vadd.s32 v1, v19  }
0xae: {  	v21 =	vadd.s32 v1, v21;
	v25 =	vld.idx.msk [tilespmem:v52+s0+$0x0], $0xffff  }
0xaf: {  	v22 =	vadd.s32 v1, v22;
	v59 =	vld.idx.msk [tilespmem:v7+s2+$0x0], $0xffff  }
0xb0: {  	v23 =	vadd.s32 v1, v23;
	v16 =	vld.idx.msk [tilespmem:v16+s0+$0x0], $0xffff  }
0xb1: {  	v26 =	vadd.s32 v1, v53;
	v61 =	vld.idx.msk [tilespmem:v18+s0+$0x0], $0xffff  }
0xb2: {  	v27 =	vadd.s32 v1, v54;
	v62 =	vld.idx.msk [tilespmem:v19+s0+$0x0], $0xffff  }
0xb3: {  	v28 =	vadd.s32 v1, v55;
	v63 =	vld.idx.msk [tilespmem:v21+s0+$0x0], $0xffff  }
0xb4: {  	v29 =	vadd.s32 v1, v56;
	v19 =	vld.idx.msk [tilespmem:v22+s0+$0x0], $0xffff  }
0xb5: {  	v18 =	vld.idx.msk [tilespmem:v23+s0+$0x0], $0xffff;
	v23 =	vadd.s32 v1, v57;
	[tilespmem:v13+s7+$0x0] =	vst.idx.msk $0xffff, v25  }
0xb6: {  	v22 =	vadd.s32 v1, v58;
	[tilespmem:v14+s7+$0x0] =	vst.idx.msk $0xffff, v16;
	v16 =	vld.idx.msk [tilespmem:v26+s0+$0x0], $0xffff  }
0xb7: {  	[tilespmem:v15+s7+$0x0] =	vst.idx.msk $0xffff, v61;
	v14 =	vld.idx.msk [tilespmem:v27+s0+$0x0], $0xffff;
	v21 =	vadd.s32 v1, v59  }
0xb8: {  	v13 =	vadd.s32 v1, v20;
	[tilespmem:v17+s7+$0x0] =	vst.idx.msk $0xffff, v62;
	v15 =	vld.idx.msk [tilespmem:v28+s0+$0x0], $0xffff;
	v20 =	vadd.s32 v1, v60  }
0xb9: {  	s11 =	simm.s32 $0x20;
	s12 =	simm.s32 $0x100;
	[tilespmem:v51+s7+$0x0] =	vst.idx.msk $0xffff, v63;
	v17 =	vld.idx.msk [tilespmem:v29+s0+$0x0], $0xffff  }
.LBB2_4:
0xba: {  	p0 =	slt.u32 s11, $0x3F0;
	v24 =	vor.u32 s12, v0;
	s13 =	sadd.s32 $0x10, s12;
	s14 =	sadd.s32 $0xF0, s12;
	[tilespmem:v12+s7+$0x0] =	vst.idx.msk $0xffff, v19;
	v19 =	vld.idx.msk [tilespmem:v23+s0+$0x0], $0xffff  }
0xbb: {  	s15 =	sadd.s32 $0x30, s12;
	s16 =	sadd.s32 $0x40, s12;
	v25 =	vor.u32 s13, v0;
	s13 =	sadd.s32 $0x20, s12;
	v23 =	vor.u32 s14, v0;
	[tilespmem:v11+s7+$0x0] =	vst.idx.msk $0xffff, v18;
	v18 =	vld.idx.msk [tilespmem:v22+s0+$0x0], $0xffff  }
0xbc: {  	v27 =	vor.u32 s15, v0;
	v28 =	vor.u32 s16, v0;
	s14 =	sadd.s32 $0x60, s12;
	s15 =	sadd.s32 $0x70, s12;
	v26 =	vor.u32 s13, v0;
	s13 =	sadd.s32 $0x50, s12;
	v21 =	vld.idx.msk [tilespmem:v21+s0+$0x0], $0xffff  }
0xbd: {  	v11 =	vor.u32 s14, v0;
	v22 =	vor.u32 s15, v0;
	s14 =	sadd.s32 $0x90, s12;
	s15 =	sadd.s32 $0xA0, s12;
	v12 =	vor.u32 s13, v0;
	s13 =	sadd.s32 $0x80, s12;
	v20 =	vld.idx.msk [tilespmem:v20+s0+$0x0], $0xffff  }
0xbe: {  	v30 =	vor.u32 s14, v0;
	v31 =	vor.u32 s15, v0;
	s14 =	sadd.s32 $0xC0, s12;
	s15 =	sadd.s32 $0xD0, s12;
	v29 =	vor.u32 s13, v0;
	s13 =	sadd.s32 $0xB0, s12;
	v32 =	vld.idx.msk [tilespmem:v13+s0+$0x0], $0xffff  }
0xbf: {  	v34 =	vor.u32 s14, v0;
	v35 =	vor.u32 s15, v0;
	s12 =	sadd.s32 $0xE0, s12;
	v13 =	vld.idx.msk [tilespmem:v24+s2+$0x0], $0xffff;
	v33 =	vor.u32 s13, v0  }
0xc0: {  	v36 =	vor.u32 s12, v0;
	v37 =	vld.idx.msk [tilespmem:v23+s2+$0x0], $0xffff;
	[tilespmem:v3+s7+$0x0] =	vst.idx.msk $0xffff, v16;
	v3 =	vmov v22  }
0xc1: {  	v16 =	vld.idx.msk [tilespmem:v25+s2+$0x0], $0xffff;
	[tilespmem:v5+s7+$0x0] =	vst.idx.msk $0xffff, v14;
	v5 =	vmov v29  }
0xc2: {  	v14 =	vld.idx.msk [tilespmem:v26+s2+$0x0], $0xffff;
	[tilespmem:v6+s7+$0x0] =	vst.idx.msk $0xffff, v15;
	v6 =	vmov v30  }
0xc3: {  	v15 =	vld.idx.msk [tilespmem:v27+s2+$0x0], $0xffff;
	[tilespmem:v4+s7+$0x0] =	vst.idx.msk $0xffff, v17;
	v4 =	vmov v31  }
0xc4: {  	v17 =	vld.idx.msk [tilespmem:v28+s2+$0x0], $0xffff;
	[tilespmem:v9+s7+$0x0] =	vst.idx.msk $0xffff, v19;
	v9 =	vmov v33  }
0xc5: {  	v13 =	vadd.s32 v1, v13;
	v19 =	vld.idx.msk [tilespmem:v12+s2+$0x0], $0xffff;
	[tilespmem:v10+s7+$0x0] =	vst.idx.msk $0xffff, v18;
	v10 =	vmov v34  }
0xc6: {  	v22 =	vadd.s32 v1, v37;
	v18 =	vld.idx.msk [tilespmem:v11+s2+$0x0], $0xffff;
	[tilespmem:v7+s7+$0x0] =	vst.idx.msk $0xffff, v21;
	v7 =	vmov v35  }
0xc7: {  	v16 =	vadd.s32 v1, v16;
	v21 =	vld.idx.msk [tilespmem:v3+s2+$0x0], $0xffff;
	[tilespmem:v8+s7+$0x0] =	vst.idx.msk $0xffff, v20;
	v8 =	vmov v36  }
0xc8: {  	v14 =	vadd.s32 v1, v14;
	v20 =	vld.idx.msk [tilespmem:v29+s2+$0x0], $0xffff;
	[tilespmem:v2+s7+$0x0] =	vst.idx.msk $0xffff, v32;
	v2 =	vmov v24  }
0xc9: {  	v15 =	vadd.s32 v1, v15;
	v24 =	vld.idx.msk [tilespmem:v30+s2+$0x0], $0xffff  }
0xca: {  	v17 =	vadd.s32 v1, v17;
	v29 =	vld.idx.msk [tilespmem:v31+s2+$0x0], $0xffff  }
0xcb: {  	v19 =	vadd.s32 v1, v19;
	v22 =	vld.idx.msk [tilespmem:v22+s0+$0x0], $0xffff  }
0xcc: {  	v18 =	vadd.s32 v1, v18;
	v30 =	vld.idx.msk [tilespmem:v33+s2+$0x0], $0xffff  }
0xcd: {  	v31 =	vadd.s32 v1, v21;
	v21 =	vld.idx.msk [tilespmem:v34+s2+$0x0], $0xffff  }
0xce: {  	v32 =	vadd.s32 v1, v20;
	v20 =	vld.idx.msk [tilespmem:v35+s2+$0x0], $0xffff  }
0xcf: {  	v24 =	vadd.s32 v1, v24;
	v33 =	vld.idx.msk [tilespmem:v36+s2+$0x0], $0xffff  }
0xd0: {  	v29 =	vadd.s32 v1, v29;
	v16 =	vld.idx.msk [tilespmem:v16+s0+$0x0], $0xffff  }
0xd1: {  	v14 =	vld.idx.msk [tilespmem:v14+s0+$0x0], $0xffff;
	[tilespmem:v23+s7+$0x0] =	vst.idx.msk $0xffff, v22  }
0xd2: {  	v23 =	vadd.s32 v1, v30;
	v15 =	vld.idx.msk [tilespmem:v15+s0+$0x0], $0xffff  }
0xd3: {  	v22 =	vadd.s32 v1, v21;
	v17 =	vld.idx.msk [tilespmem:v17+s0+$0x0], $0xffff  }
0xd4: {  	v21 =	vadd.s32 v1, v20;
	v19 =	vld.idx.msk [tilespmem:v19+s0+$0x0], $0xffff  }
.Ltmp1:
0xd5: {  	v20 =	vadd.s32 v1, v33;
	v18 =	vld.idx.msk [tilespmem:v18+s0+$0x0], $0xffff;
	(pc) =	sbr.rel @p0 .LBB2_4-.Ltmp1, $4  }
0xd6: {  	[tilespmem:v25+s7+$0x0] =	vst.idx.msk $0xffff, v16;
	v16 =	vld.idx.msk [tilespmem:v31+s0+$0x0], $0xffff  }
0xd7: {  	[tilespmem:v26+s7+$0x0] =	vst.idx.msk $0xffff, v14;
	v14 =	vld.idx.msk [tilespmem:v32+s0+$0x0], $0xffff  }
0xd8: {  	[tilespmem:v27+s7+$0x0] =	vst.idx.msk $0xffff, v15;
	v15 =	vld.idx.msk [tilespmem:v24+s0+$0x0], $0xffff  }
0xd9: {  	s12 =	sshll.u32 s11, $0x4;
	s11 =	sadd.s32 $0x10, s11;
	[tilespmem:v28+s7+$0x0] =	vst.idx.msk $0xffff, v17;
	v17 =	vld.idx.msk [tilespmem:v29+s0+$0x0], $0xffff  }
0xda: {  	_ =	sdelay $0x3  }
0xdb: {  	v24 =	vor.u32 s12, v0;
	s11 =	sadd.s32 $0xF0, s12;
	v23 =	vld.idx.msk [tilespmem:v23+s0+$0x0], $0xffff  }
0xdc: {  	s13 =	sadd.s32 $0x10, s12;
	v22 =	vld.idx.msk [tilespmem:v22+s0+$0x0], $0xffff;
	v25 =	vor.u32 s11, v0  }
0xdd: {  	s14 =	sadd.s32 $0x20, s12;
	v21 =	vld.idx.msk [tilespmem:v21+s0+$0x0], $0xffff;
	v26 =	vor.u32 s13, v0  }
0xde: {  	s15 =	sadd.s32 $0x30, s12;
	v20 =	vld.idx.msk [tilespmem:v20+s0+$0x0], $0xffff;
	v27 =	vor.u32 s14, v0  }
0xdf: {  	s16 =	sadd.s32 $0x40, s12;
	v13 =	vld.idx.msk [tilespmem:v13+s0+$0x0], $0xffff;
	v28 =	vor.u32 s15, v0  }
0xe0: {  	v29 =	vor.u32 s16, v0;
	s14 =	sadd.s32 $0x50, s12;
	v30 =	vld.idx.msk [tilespmem:v24+s2+$0x0], $0xffff  }
0xe1: {  	s15 =	sadd.s32 $0x60, s12;
	v31 =	vor.u32 s14, v0;
	v32 =	vld.idx.msk [tilespmem:v25+s2+$0x0], $0xffff  }
0xe2: {  	s16 =	sadd.s32 $0x70, s12;
	v33 =	vor.u32 s15, v0;
	v34 =	vld.idx.msk [tilespmem:v26+s2+$0x0], $0xffff  }
0xe3: {  	s13 =	sadd.s32 $0xE0, s12;
	v35 =	vor.u32 s16, v0;
	v36 =	vld.idx.msk [tilespmem:v27+s2+$0x0], $0xffff  }
0xe4: {  	[tilespmem:v11+s7+$0x0] =	vst.idx.msk $0xffff, v18;
	s14 =	sadd.s32 $0x80, s12;
	v11 =	vor.u32 s13, v0;
	v38 =	vld.idx.msk [tilespmem:v28+s2+$0x0], $0xffff  }
0xe5: {  	s15 =	sadd.s32 $0x90, s12;
	v37 =	vor.u32 s14, v0;
	v40 =	vld.idx.msk [tilespmem:v29+s2+$0x0], $0xffff  }
0xe6: {  	s16 =	sadd.s32 $0xA0, s12;
	v39 =	vor.u32 s15, v0;
	v42 =	vld.idx.msk [tilespmem:v31+s2+$0x0], $0xffff  }
0xe7: {  	v41 =	vor.u32 s16, v0;
	s14 =	sadd.s32 $0xB0, s12;
	v43 =	vld.idx.msk [tilespmem:v33+s2+$0x0], $0xffff  }
0xe8: {  	s15 =	sadd.s32 $0xC0, s12;
	v44 =	vor.u32 s14, v0;
	v45 =	vld.idx.msk [tilespmem:v35+s2+$0x0], $0xffff  }
0xe9: {  	s16 =	sadd.s32 $0xD0, s12;
	v46 =	vor.u32 s15, v0;
	[tilespmem:v9+s7+$0x0] =	vst.idx.msk $0xffff, v23;
	v23 =	vld.idx.msk [tilespmem:v11+s2+$0x0], $0xffff  }
0xea: {  	[tilespmem:v12+s7+$0x0] =	vst.idx.msk $0xffff, v19;
	v12 =	vor.u32 s16, v0;
	v47 =	vld.idx.msk [tilespmem:v37+s2+$0x0], $0xffff  }
0xeb: {  	v19 =	vld.idx.msk [tilespmem:v39+s2+$0x0], $0xffff;
	v32 =	vadd.s32 v1, v32  }
0xec: {  	[tilespmem:v3+s7+$0x0] =	vst.idx.msk $0xffff, v16;
	v18 =	vld.idx.msk [tilespmem:v41+s2+$0x0], $0xffff;
	v3 =	vadd.s32 v1, v34  }
0xed: {  	[tilespmem:v5+s7+$0x0] =	vst.idx.msk $0xffff, v14;
	v14 =	vld.idx.msk [tilespmem:v44+s2+$0x0], $0xffff;
	v5 =	vadd.s32 v1, v36  }
0xee: {  	[tilespmem:v6+s7+$0x0] =	vst.idx.msk $0xffff, v15;
	v15 =	vld.idx.msk [tilespmem:v46+s2+$0x0], $0xffff;
	v6 =	vadd.s32 v1, v38  }
0xef: {  	[tilespmem:v4+s7+$0x0] =	vst.idx.msk $0xffff, v17;
	v17 =	vld.idx.msk [tilespmem:v12+s2+$0x0], $0xffff;
	v4 =	vadd.s32 v1, v40  }
0xf0: {  	v9 =	vadd.s32 v1, v42;
	v16 =	vld.idx.msk [tilespmem:v32+s0+$0x0], $0xffff  }
0xf1: {  	[tilespmem:v10+s7+$0x0] =	vst.idx.msk $0xffff, v22;
	v10 =	vadd.s32 v1, v43;
	v3 =	vld.idx.msk [tilespmem:v3+s0+$0x0], $0xffff  }
0xf2: {  	[tilespmem:v7+s7+$0x0] =	vst.idx.msk $0xffff, v21;
	v7 =	vadd.s32 v1, v45;
	v5 =	vld.idx.msk [tilespmem:v5+s0+$0x0], $0xffff  }
0xf3: {  	[tilespmem:v8+s7+$0x0] =	vst.idx.msk $0xffff, v20;
	v8 =	vadd.s32 v1, v47;
	v6 =	vld.idx.msk [tilespmem:v6+s0+$0x0], $0xffff  }
0xf4: {  	[tilespmem:v2+s7+$0x0] =	vst.idx.msk $0xffff, v13;
	v2 =	vadd.s32 v1, v19;
	v4 =	vld.idx.msk [tilespmem:v4+s0+$0x0], $0xffff  }
0xf5: {  	v13 =	vadd.s32 v1, v18;
	v9 =	vld.idx.msk [tilespmem:v9+s0+$0x0], $0xffff;
	[tilespmem:v25+s7+$0x0] =	vst.idx.msk $0xffff, v16  }
0xf6: {  	v14 =	vadd.s32 v1, v14;
	v10 =	vld.idx.msk [tilespmem:v10+s0+$0x0], $0xffff;
	[tilespmem:v26+s7+$0x0] =	vst.idx.msk $0xffff, v3  }
0xf7: {  	v7 =	vld.idx.msk [tilespmem:v7+s0+$0x0], $0xffff;
	v3 =	vadd.s32 v1, v15;
	[tilespmem:v27+s7+$0x0] =	vst.idx.msk $0xffff, v5  }
0xf8: {  	v8 =	vld.idx.msk [tilespmem:v8+s0+$0x0], $0xffff;
	v5 =	vadd.s32 v1, v17;
	[tilespmem:v28+s7+$0x0] =	vst.idx.msk $0xffff, v6  }
0xf9: {  	v2 =	vld.idx.msk [tilespmem:v2+s0+$0x0], $0xffff;
	v6 =	vadd.s32 v1, v23;
	[tilespmem:v29+s7+$0x0] =	vst.idx.msk $0xffff, v4  }
0xfa: {  	v13 =	vld.idx.msk [tilespmem:v13+s0+$0x0], $0xffff;
	v4 =	vadd.s32 v1, v30;
	[tilespmem:v31+s7+$0x0] =	vst.idx.msk $0xffff, v9  }
0xfb: {  	v9 =	vld.idx.msk [tilespmem:v14+s0+$0x0], $0xffff;
	[tilespmem:v33+s7+$0x0] =	vst.idx.msk $0xffff, v10  }
0xfc: {  	[tilespmem:v35+s7+$0x0] =	vst.idx.msk $0xffff, v7;
	v3 =	vld.idx.msk [tilespmem:v3+s0+$0x0], $0xffff  }
0xfd: {  	[tilespmem:v37+s7+$0x0] =	vst.idx.msk $0xffff, v8;
	v5 =	vld.idx.msk [tilespmem:v5+s0+$0x0], $0xffff  }
0xfe: {  	[tilespmem:v39+s7+$0x0] =	vst.idx.msk $0xffff, v2;
	v6 =	vld.idx.msk [tilespmem:v6+s0+$0x0], $0xffff  }
0xff: {  	[tilespmem:v41+s7+$0x0] =	vst.idx.msk $0xffff, v13;
	v2 =	vld.idx.msk [tilespmem:v4+s0+$0x0], $0xffff  }
0x100: {  	[tilespmem:v44+s7+$0x0] =	vst.idx.msk $0xffff, v9  }
0x101: {  	[tilespmem:v46+s7+$0x0] =	vst.idx.msk $0xffff, v3  }
0x102: {  	[tilespmem:v12+s7+$0x0] =	vst.idx.msk $0xffff, v5  }
0x103: {  	[tilespmem:v11+s7+$0x0] =	vst.idx.msk $0xffff, v6  }
0x104: {  	[tilespmem:v24+s7+$0x0] =	vst.idx.msk $0xffff, v2  }
0x105: {  	s14 =	rddreg [dreg:$0x9]  }
0x106: {  	[hbm4b:s14+s30] =	stream.strided.scatter [tilespmem:s7], [sflag:$0x3], $0x4000, s31, s30, $0x38;
	[tilespmem:$0x18080] =	vst v63  }
0x107: {  	s15 =	simm.s32 $0x0;
	s16 =	rddreg [dreg:$0xa]  }
0x108: {  	[tilespmem:s0], [sflag:$0x1] =	stream.linear.gather [hbm4b:s16+s15], $0x4000, $0x38;
	[tilespmem:$0x18080] =	vst v63  }
0x109: {  	s13 =	rddreg [dreg:$0xf]  }
0x10a: {  	[tilespmem:s2], [sflag:$0x2] =	stream.strided.gather [hbm4b:s13+s30], $0x4000, s31, s30, $0x38;
	[tilespmem:$0x18080] =	vst v63  }
0x10b: {  	_ =	swait.ge [sflag:s3], $0x4000  }
0x10c: {  	[sflag:s3] =	ssyncset.done $0x0  }
0x10d: {  	[sflag:s3] =	ssyncadd.s32 $0xFFFFC000  }
0x10e: {  	s14 =	simm.s32 $0x0;
	_ =	swait.ge [sflag:s4], $0x4000  }
0x10f: {  	v2 =	vor.u32 s14, v0;
	s15 =	simm.s32 $0xF0;
	[sflag:s4] =	ssyncset.done $0x0  }
0x110: {  	s16 =	simm.s32 $0x10;
	v13 =	vor.u32 s15, v0;
	[sflag:s4] =	ssyncadd.s32 $0xFFFFC000  }
0x111: {  	s12 =	simm.s32 $0x20;
	v14 =	vor.u32 s16, v0;
	_ =	swait.ge [sflag:s8], $0x4000  }
0x112: {  	v15 =	vor.u32 s12, v0;
	s13 =	simm.s32 $0x30;
	[sflag:s8] =	ssyncset.done $0x0  }
0x113: {  	s14 =	simm.s32 $0x40;
	v17 =	vor.u32 s13, v0;
	[sflag:s8] =	ssyncadd.s32 $0xFFFFC000  }
0x114: {  	v51 =	vor.u32 s14, v0;
	s15 =	simm.s32 $0x50;
	v20 =	vld.idx.msk [tilespmem:v2+s20+$0x0], $0xffff  }
0x115: {  	s16 =	simm.s32 $0x60;
	v12 =	vor.u32 s15, v0;
	v7 =	vld.idx.msk [tilespmem:v13+s20+$0x0], $0xffff  }
0x116: {  	v11 =	vor.u32 s16, v0;
	s13 =	simm.s32 $0x70;
	v16 =	vld.idx.msk [tilespmem:v14+s20+$0x0], $0xffff  }
0x117: {  	s14 =	simm.s32 $0x80;
	v3 =	vor.u32 s13, v0;
	v18 =	vld.idx.msk [tilespmem:v15+s20+$0x0], $0xffff  }
0x118: {  	v5 =	vor.u32 s14, v0;
	s15 =	simm.s32 $0x90;
	v19 =	vld.idx.msk [tilespmem:v17+s20+$0x0], $0xffff  }
0x119: {  	s16 =	simm.s32 $0xA0;
	v6 =	vor.u32 s15, v0;
	v21 =	vld.idx.msk [tilespmem:v51+s20+$0x0], $0xffff  }
0x11a: {  	v4 =	vor.u32 s16, v0;
	s13 =	simm.s32 $0xB0;
	v22 =	vld.idx.msk [tilespmem:v12+s20+$0x0], $0xffff  }
0x11b: {  	s14 =	simm.s32 $0xC0;
	v9 =	vor.u32 s13, v0;
	v23 =	vld.idx.msk [tilespmem:v11+s20+$0x0], $0xffff  }
0x11c: {  	v10 =	vor.u32 s14, v0;
	s16 =	simm.s32 $0xE0;
	v53 =	vld.idx.msk [tilespmem:v3+s20+$0x0], $0xffff  }
0x11d: {  	v8 =	vor.u32 s16, v0;
	v54 =	vld.idx.msk [tilespmem:v5+s20+$0x0], $0xffff  }
0x11e: {  	s15 =	simm.s32 $0xD0;
	v55 =	vld.idx.msk [tilespmem:v6+s20+$0x0], $0xffff;
	v52 =	vadd.s32 v1, v7  }
0x11f: {  	v56 =	vld.idx.msk [tilespmem:v4+s20+$0x0], $0xffff;
	v7 =	vor.u32 s15, v0  }
0x120: {  	v57 =	vld.idx.msk [tilespmem:v9+s20+$0x0], $0xffff;
	v16 =	vadd.s32 v1, v16  }
0x121: {  	v58 =	vld.idx.msk [tilespmem:v10+s20+$0x0], $0xffff;
	v18 =	vadd.s32 v1, v18  }
0x122: {  	v60 =	vld.idx.msk [tilespmem:v8+s20+$0x0], $0xffff;
	v19 =	vadd.s32 v1, v19  }
0x123: {  	v21 =	vadd.s32 v1, v21;
	v25 =	vld.idx.msk [tilespmem:v52+s1+$0x0], $0xffff  }
0x124: {  	v22 =	vadd.s32 v1, v22;
	v59 =	vld.idx.msk [tilespmem:v7+s20+$0x0], $0xffff  }
0x125: {  	v23 =	vadd.s32 v1, v23;
	v16 =	vld.idx.msk [tilespmem:v16+s1+$0x0], $0xffff  }
0x126: {  	v26 =	vadd.s32 v1, v53;
	v61 =	vld.idx.msk [tilespmem:v18+s1+$0x0], $0xffff  }
0x127: {  	v27 =	vadd.s32 v1, v54;
	v62 =	vld.idx.msk [tilespmem:v19+s1+$0x0], $0xffff  }
0x128: {  	v28 =	vadd.s32 v1, v55;
	v63 =	vld.idx.msk [tilespmem:v21+s1+$0x0], $0xffff  }
0x129: {  	v29 =	vadd.s32 v1, v56;
	v19 =	vld.idx.msk [tilespmem:v22+s1+$0x0], $0xffff  }
0x12a: {  	v18 =	vld.idx.msk [tilespmem:v23+s1+$0x0], $0xffff;
	v23 =	vadd.s32 v1, v57;
	[tilespmem:v13+s5+$0x0] =	vst.idx.msk $0xffff, v25  }
0x12b: {  	v22 =	vadd.s32 v1, v58;
	[tilespmem:v14+s5+$0x0] =	vst.idx.msk $0xffff, v16;
	v16 =	vld.idx.msk [tilespmem:v26+s1+$0x0], $0xffff  }
0x12c: {  	[tilespmem:v15+s5+$0x0] =	vst.idx.msk $0xffff, v61;
	v14 =	vld.idx.msk [tilespmem:v27+s1+$0x0], $0xffff;
	v21 =	vadd.s32 v1, v59  }
0x12d: {  	v13 =	vadd.s32 v1, v20;
	[tilespmem:v17+s5+$0x0] =	vst.idx.msk $0xffff, v62;
	v15 =	vld.idx.msk [tilespmem:v28+s1+$0x0], $0xffff;
	v20 =	vadd.s32 v1, v60  }
0x12e: {  	s11 =	simm.s32 $0x20;
	s12 =	simm.s32 $0x100;
	[tilespmem:v51+s5+$0x0] =	vst.idx.msk $0xffff, v63;
	v17 =	vld.idx.msk [tilespmem:v29+s1+$0x0], $0xffff  }
.LBB2_6:
0x12f: {  	p0 =	slt.u32 s11, $0x3F0;
	v24 =	vor.u32 s12, v0;
	s13 =	sadd.s32 $0x10, s12;
	s14 =	sadd.s32 $0xF0, s12;
	[tilespmem:v12+s5+$0x0] =	vst.idx.msk $0xffff, v19;
	v19 =	vld.idx.msk [tilespmem:v23+s1+$0x0], $0xffff  }
0x130: {  	s15 =	sadd.s32 $0x30, s12;
	s16 =	sadd.s32 $0x40, s12;
	v25 =	vor.u32 s13, v0;
	s13 =	sadd.s32 $0x20, s12;
	v23 =	vor.u32 s14, v0;
	[tilespmem:v11+s5+$0x0] =	vst.idx.msk $0xffff, v18;
	v18 =	vld.idx.msk [tilespmem:v22+s1+$0x0], $0xffff  }
0x131: {  	v27 =	vor.u32 s15, v0;
	v28 =	vor.u32 s16, v0;
	s14 =	sadd.s32 $0x60, s12;
	s15 =	sadd.s32 $0x70, s12;
	v26 =	vor.u32 s13, v0;
	s13 =	sadd.s32 $0x50, s12;
	v21 =	vld.idx.msk [tilespmem:v21+s1+$0x0], $0xffff  }
0x132: {  	v11 =	vor.u32 s14, v0;
	v22 =	vor.u32 s15, v0;
	s14 =	sadd.s32 $0x90, s12;
	s15 =	sadd.s32 $0xA0, s12;
	v12 =	vor.u32 s13, v0;
	s13 =	sadd.s32 $0x80, s12;
	v20 =	vld.idx.msk [tilespmem:v20+s1+$0x0], $0xffff  }
0x133: {  	v30 =	vor.u32 s14, v0;
	v31 =	vor.u32 s15, v0;
	s14 =	sadd.s32 $0xC0, s12;
	s15 =	sadd.s32 $0xD0, s12;
	v29 =	vor.u32 s13, v0;
	s13 =	sadd.s32 $0xB0, s12;
	v32 =	vld.idx.msk [tilespmem:v13+s1+$0x0], $0xffff  }
0x134: {  	v34 =	vor.u32 s14, v0;
	v35 =	vor.u32 s15, v0;
	s12 =	sadd.s32 $0xE0, s12;
	v13 =	vld.idx.msk [tilespmem:v24+s20+$0x0], $0xffff;
	v33 =	vor.u32 s13, v0  }
0x135: {  	v36 =	vor.u32 s12, v0;
	v37 =	vld.idx.msk [tilespmem:v23+s20+$0x0], $0xffff;
	[tilespmem:v3+s5+$0x0] =	vst.idx.msk $0xffff, v16;
	v3 =	vmov v22  }
0x136: {  	v16 =	vld.idx.msk [tilespmem:v25+s20+$0x0], $0xffff;
	[tilespmem:v5+s5+$0x0] =	vst.idx.msk $0xffff, v14;
	v5 =	vmov v29  }
0x137: {  	v14 =	vld.idx.msk [tilespmem:v26+s20+$0x0], $0xffff;
	[tilespmem:v6+s5+$0x0] =	vst.idx.msk $0xffff, v15;
	v6 =	vmov v30  }
0x138: {  	v15 =	vld.idx.msk [tilespmem:v27+s20+$0x0], $0xffff;
	[tilespmem:v4+s5+$0x0] =	vst.idx.msk $0xffff, v17;
	v4 =	vmov v31  }
0x139: {  	v17 =	vld.idx.msk [tilespmem:v28+s20+$0x0], $0xffff;
	[tilespmem:v9+s5+$0x0] =	vst.idx.msk $0xffff, v19;
	v9 =	vmov v33  }
0x13a: {  	v13 =	vadd.s32 v1, v13;
	v19 =	vld.idx.msk [tilespmem:v12+s20+$0x0], $0xffff;
	[tilespmem:v10+s5+$0x0] =	vst.idx.msk $0xffff, v18;
	v10 =	vmov v34  }
0x13b: {  	v22 =	vadd.s32 v1, v37;
	v18 =	vld.idx.msk [tilespmem:v11+s20+$0x0], $0xffff;
	[tilespmem:v7+s5+$0x0] =	vst.idx.msk $0xffff, v21;
	v7 =	vmov v35  }
0x13c: {  	v16 =	vadd.s32 v1, v16;
	v21 =	vld.idx.msk [tilespmem:v3+s20+$0x0], $0xffff;
	[tilespmem:v8+s5+$0x0] =	vst.idx.msk $0xffff, v20;
	v8 =	vmov v36  }
0x13d: {  	v14 =	vadd.s32 v1, v14;
	v20 =	vld.idx.msk [tilespmem:v29+s20+$0x0], $0xffff;
	[tilespmem:v2+s5+$0x0] =	vst.idx.msk $0xffff, v32;
	v2 =	vmov v24  }
0x13e: {  	v15 =	vadd.s32 v1, v15;
	v24 =	vld.idx.msk [tilespmem:v30+s20+$0x0], $0xffff  }
0x13f: {  	v17 =	vadd.s32 v1, v17;
	v29 =	vld.idx.msk [tilespmem:v31+s20+$0x0], $0xffff  }
0x140: {  	v19 =	vadd.s32 v1, v19;
	v22 =	vld.idx.msk [tilespmem:v22+s1+$0x0], $0xffff  }
0x141: {  	v18 =	vadd.s32 v1, v18;
	v30 =	vld.idx.msk [tilespmem:v33+s20+$0x0], $0xffff  }
0x142: {  	v31 =	vadd.s32 v1, v21;
	v21 =	vld.idx.msk [tilespmem:v34+s20+$0x0], $0xffff  }
0x143: {  	v32 =	vadd.s32 v1, v20;
	v20 =	vld.idx.msk [tilespmem:v35+s20+$0x0], $0xffff  }
0x144: {  	v24 =	vadd.s32 v1, v24;
	v33 =	vld.idx.msk [tilespmem:v36+s20+$0x0], $0xffff  }
0x145: {  	v29 =	vadd.s32 v1, v29;
	v16 =	vld.idx.msk [tilespmem:v16+s1+$0x0], $0xffff  }
0x146: {  	v14 =	vld.idx.msk [tilespmem:v14+s1+$0x0], $0xffff;
	[tilespmem:v23+s5+$0x0] =	vst.idx.msk $0xffff, v22  }
0x147: {  	v23 =	vadd.s32 v1, v30;
	v15 =	vld.idx.msk [tilespmem:v15+s1+$0x0], $0xffff  }
0x148: {  	v22 =	vadd.s32 v1, v21;
	v17 =	vld.idx.msk [tilespmem:v17+s1+$0x0], $0xffff  }
0x149: {  	v21 =	vadd.s32 v1, v20;
	v19 =	vld.idx.msk [tilespmem:v19+s1+$0x0], $0xffff  }
.Ltmp2:
0x14a: {  	v20 =	vadd.s32 v1, v33;
	v18 =	vld.idx.msk [tilespmem:v18+s1+$0x0], $0xffff;
	(pc) =	sbr.rel @p0 .LBB2_6-.Ltmp2, $4  }
0x14b: {  	[tilespmem:v25+s5+$0x0] =	vst.idx.msk $0xffff, v16;
	v16 =	vld.idx.msk [tilespmem:v31+s1+$0x0], $0xffff  }
0x14c: {  	[tilespmem:v26+s5+$0x0] =	vst.idx.msk $0xffff, v14;
	v14 =	vld.idx.msk [tilespmem:v32+s1+$0x0], $0xffff  }
0x14d: {  	[tilespmem:v27+s5+$0x0] =	vst.idx.msk $0xffff, v15;
	v15 =	vld.idx.msk [tilespmem:v24+s1+$0x0], $0xffff  }
0x14e: {  	s12 =	sshll.u32 s11, $0x4;
	s11 =	sadd.s32 $0x10, s11;
	[tilespmem:v28+s5+$0x0] =	vst.idx.msk $0xffff, v17;
	v17 =	vld.idx.msk [tilespmem:v29+s1+$0x0], $0xffff  }
0x14f: {  	_ =	sdelay $0x3  }
0x150: {  	v24 =	vor.u32 s12, v0;
	s11 =	sadd.s32 $0xF0, s12;
	v23 =	vld.idx.msk [tilespmem:v23+s1+$0x0], $0xffff  }
0x151: {  	s13 =	sadd.s32 $0x10, s12;
	v22 =	vld.idx.msk [tilespmem:v22+s1+$0x0], $0xffff;
	v25 =	vor.u32 s11, v0  }
0x152: {  	s15 =	sadd.s32 $0x20, s12;
	v21 =	vld.idx.msk [tilespmem:v21+s1+$0x0], $0xffff;
	v26 =	vor.u32 s13, v0  }
0x153: {  	s16 =	sadd.s32 $0x30, s12;
	v20 =	vld.idx.msk [tilespmem:v20+s1+$0x0], $0xffff;
	v27 =	vor.u32 s15, v0  }
0x154: {  	s14 =	sadd.s32 $0x40, s12;
	v13 =	vld.idx.msk [tilespmem:v13+s1+$0x0], $0xffff;
	v28 =	vor.u32 s16, v0  }
0x155: {  	v29 =	vor.u32 s14, v0;
	s15 =	sadd.s32 $0x50, s12;
	v30 =	vld.idx.msk [tilespmem:v24+s20+$0x0], $0xffff  }
0x156: {  	s16 =	sadd.s32 $0x60, s12;
	v31 =	vor.u32 s15, v0;
	v32 =	vld.idx.msk [tilespmem:v25+s20+$0x0], $0xffff  }
0x157: {  	s14 =	sadd.s32 $0x70, s12;
	v33 =	vor.u32 s16, v0;
	v34 =	vld.idx.msk [tilespmem:v26+s20+$0x0], $0xffff  }
0x158: {  	v35 =	vor.u32 s14, v0;
	s15 =	sadd.s32 $0x80, s12;
	v36 =	vld.idx.msk [tilespmem:v27+s20+$0x0], $0xffff  }
0x159: {  	s16 =	sadd.s32 $0x90, s12;
	v37 =	vor.u32 s15, v0;
	v38 =	vld.idx.msk [tilespmem:v28+s20+$0x0], $0xffff  }
0x15a: {  	s14 =	sadd.s32 $0xA0, s12;
	v39 =	vor.u32 s16, v0;
	v40 =	vld.idx.msk [tilespmem:v29+s20+$0x0], $0xffff  }
0x15b: {  	v41 =	vor.u32 s14, v0;
	s15 =	sadd.s32 $0xB0, s12;
	v42 =	vld.idx.msk [tilespmem:v31+s20+$0x0], $0xffff  }
0x15c: {  	s16 =	sadd.s32 $0xC0, s12;
	v44 =	vor.u32 s15, v0;
	v43 =	vld.idx.msk [tilespmem:v33+s20+$0x0], $0xffff  }
0x15d: {  	s14 =	sadd.s32 $0xD0, s12;
	v46 =	vor.u32 s16, v0;
	v45 =	vld.idx.msk [tilespmem:v35+s20+$0x0], $0xffff  }
0x15e: {  	[tilespmem:v12+s5+$0x0] =	vst.idx.msk $0xffff, v19;
	v12 =	vor.u32 s14, v0;
	s15 =	sadd.s32 $0xE0, s12;
	v47 =	vld.idx.msk [tilespmem:v37+s20+$0x0], $0xffff  }
0x15f: {  	[tilespmem:v11+s5+$0x0] =	vst.idx.msk $0xffff, v18;
	v11 =	vor.u32 s15, v0;
	v19 =	vld.idx.msk [tilespmem:v39+s20+$0x0], $0xffff  }
0x160: {  	[tilespmem:v3+s5+$0x0] =	vst.idx.msk $0xffff, v16;
	v18 =	vld.idx.msk [tilespmem:v41+s20+$0x0], $0xffff;
	v32 =	vadd.s32 v1, v32  }
0x161: {  	[tilespmem:v5+s5+$0x0] =	vst.idx.msk $0xffff, v14;
	v14 =	vld.idx.msk [tilespmem:v44+s20+$0x0], $0xffff;
	v3 =	vadd.s32 v1, v34  }
0x162: {  	[tilespmem:v6+s5+$0x0] =	vst.idx.msk $0xffff, v15;
	v15 =	vld.idx.msk [tilespmem:v46+s20+$0x0], $0xffff;
	v5 =	vadd.s32 v1, v36  }
0x163: {  	[tilespmem:v4+s5+$0x0] =	vst.idx.msk $0xffff, v17;
	v17 =	vld.idx.msk [tilespmem:v12+s20+$0x0], $0xffff;
	v6 =	vadd.s32 v1, v38  }
0x164: {  	[tilespmem:v9+s5+$0x0] =	vst.idx.msk $0xffff, v23;
	v23 =	vld.idx.msk [tilespmem:v11+s20+$0x0], $0xffff;
	v4 =	vadd.s32 v1, v40  }
0x165: {  	v9 =	vadd.s32 v1, v42;
	v16 =	vld.idx.msk [tilespmem:v32+s1+$0x0], $0xffff  }
0x166: {  	[tilespmem:v10+s5+$0x0] =	vst.idx.msk $0xffff, v22;
	v10 =	vadd.s32 v1, v43;
	v3 =	vld.idx.msk [tilespmem:v3+s1+$0x0], $0xffff  }
0x167: {  	[tilespmem:v7+s5+$0x0] =	vst.idx.msk $0xffff, v21;
	v7 =	vadd.s32 v1, v45;
	v5 =	vld.idx.msk [tilespmem:v5+s1+$0x0], $0xffff  }
0x168: {  	[tilespmem:v8+s5+$0x0] =	vst.idx.msk $0xffff, v20;
	v8 =	vadd.s32 v1, v47;
	v6 =	vld.idx.msk [tilespmem:v6+s1+$0x0], $0xffff  }
0x169: {  	[tilespmem:v2+s5+$0x0] =	vst.idx.msk $0xffff, v13;
	v2 =	vadd.s32 v1, v19;
	v4 =	vld.idx.msk [tilespmem:v4+s1+$0x0], $0xffff  }
0x16a: {  	v13 =	vadd.s32 v1, v18;
	v9 =	vld.idx.msk [tilespmem:v9+s1+$0x0], $0xffff;
	[tilespmem:v25+s5+$0x0] =	vst.idx.msk $0xffff, v16  }
0x16b: {  	v14 =	vadd.s32 v1, v14;
	v10 =	vld.idx.msk [tilespmem:v10+s1+$0x0], $0xffff;
	[tilespmem:v26+s5+$0x0] =	vst.idx.msk $0xffff, v3  }
0x16c: {  	v7 =	vld.idx.msk [tilespmem:v7+s1+$0x0], $0xffff;
	v3 =	vadd.s32 v1, v15;
	[tilespmem:v27+s5+$0x0] =	vst.idx.msk $0xffff, v5  }
0x16d: {  	v8 =	vld.idx.msk [tilespmem:v8+s1+$0x0], $0xffff;
	v5 =	vadd.s32 v1, v17;
	[tilespmem:v28+s5+$0x0] =	vst.idx.msk $0xffff, v6  }
0x16e: {  	v2 =	vld.idx.msk [tilespmem:v2+s1+$0x0], $0xffff;
	v6 =	vadd.s32 v1, v23;
	[tilespmem:v29+s5+$0x0] =	vst.idx.msk $0xffff, v4  }
0x16f: {  	v13 =	vld.idx.msk [tilespmem:v13+s1+$0x0], $0xffff;
	v4 =	vadd.s32 v1, v30;
	[tilespmem:v31+s5+$0x0] =	vst.idx.msk $0xffff, v9  }
0x170: {  	v9 =	vld.idx.msk [tilespmem:v14+s1+$0x0], $0xffff;
	[tilespmem:v33+s5+$0x0] =	vst.idx.msk $0xffff, v10  }
0x171: {  	[tilespmem:v35+s5+$0x0] =	vst.idx.msk $0xffff, v7;
	v3 =	vld.idx.msk [tilespmem:v3+s1+$0x0], $0xffff  }
0x172: {  	[tilespmem:v37+s5+$0x0] =	vst.idx.msk $0xffff, v8;
	v5 =	vld.idx.msk [tilespmem:v5+s1+$0x0], $0xffff  }
0x173: {  	[tilespmem:v39+s5+$0x0] =	vst.idx.msk $0xffff, v2;
	v6 =	vld.idx.msk [tilespmem:v6+s1+$0x0], $0xffff  }
0x174: {  	[tilespmem:v41+s5+$0x0] =	vst.idx.msk $0xffff, v13;
	v2 =	vld.idx.msk [tilespmem:v4+s1+$0x0], $0xffff  }
0x175: {  	[tilespmem:v44+s5+$0x0] =	vst.idx.msk $0xffff, v9  }
0x176: {  	[tilespmem:v46+s5+$0x0] =	vst.idx.msk $0xffff, v3  }
0x177: {  	[tilespmem:v12+s5+$0x0] =	vst.idx.msk $0xffff, v5  }
0x178: {  	[tilespmem:v11+s5+$0x0] =	vst.idx.msk $0xffff, v6  }
0x179: {  	[tilespmem:v24+s5+$0x0] =	vst.idx.msk $0xffff, v2  }
0x17a: {  	s16 =	rddreg [dreg:$0x10]  }
0x17b: {  	[hbm4b:s16+s30] =	stream.strided.scatter [tilespmem:s5], [sflag:$0x3], $0x4000, s31, s30, $0x38;
	[tilespmem:$0x18080] =	vst v63  }
0x17c: {  	s12 =	simm.s32 $0x0;
	s13 =	rddreg [dreg:$0xb]  }
0x17d: {  	[tilespmem:s12], [sflag:$0x1] =	stream.linear.gather [hbm4b:s13+s12], $0x4000, $0x38;
	[tilespmem:$0x18080] =	vst v63  }
0x17e: {  	_ = 	snop  }
0x17f: {  	[tilespmem:s20], [sflag:$0x2] =	stream.strided.gather [hbm4b:s18+s30], $0x4000, s31, s30, $0x38;
	[tilespmem:$0x18080] =	vst v63  }
0x180: {  	_ =	swait.ge [sflag:s3], $0x4000  }
0x181: {  	[sflag:s3] =	ssyncset.done $0x0  }
0x182: {  	[sflag:s3] =	ssyncadd.s32 $0xFFFFC000  }
0x183: {  	s14 =	simm.s32 $0x0;
	_ =	swait.ge [sflag:s4], $0x4000  }
0x184: {  	s15 =	simm.s32 $0xF0;
	v2 =	vor.u32 s14, v0;
	[sflag:s4] =	ssyncset.done $0x0  }
0x185: {  	v13 =	vor.u32 s15, v0;
	s16 =	simm.s32 $0x10;
	[sflag:s4] =	ssyncadd.s32 $0xFFFFC000  }
0x186: {  	v14 =	vor.u32 s16, v0;
	s12 =	simm.s32 $0x20;
	_ =	swait.ge [sflag:s8], $0x4000  }
0x187: {  	s13 =	simm.s32 $0x30;
	v15 =	vor.u32 s12, v0;
	[sflag:s8] =	ssyncset.done $0x0  }
0x188: {  	s14 =	simm.s32 $0x40;
	v17 =	vor.u32 s13, v0;
	[sflag:s8] =	ssyncadd.s32 $0xFFFFC000  }
0x189: {  	s15 =	simm.s32 $0x50;
	v51 =	vor.u32 s14, v0;
	v20 =	vld.idx.msk [tilespmem:v2+s2+$0x0], $0xffff  }
0x18a: {  	v12 =	vor.u32 s15, v0;
	s16 =	simm.s32 $0x60;
	v7 =	vld.idx.msk [tilespmem:v13+s2+$0x0], $0xffff  }
0x18b: {  	v11 =	vor.u32 s16, v0;
	s13 =	simm.s32 $0x70;
	v16 =	vld.idx.msk [tilespmem:v14+s2+$0x0], $0xffff  }
0x18c: {  	s14 =	simm.s32 $0x80;
	v3 =	vor.u32 s13, v0;
	v18 =	vld.idx.msk [tilespmem:v15+s2+$0x0], $0xffff  }
0x18d: {  	s15 =	simm.s32 $0x90;
	v5 =	vor.u32 s14, v0;
	v19 =	vld.idx.msk [tilespmem:v17+s2+$0x0], $0xffff  }
0x18e: {  	v6 =	vor.u32 s15, v0;
	s16 =	simm.s32 $0xA0;
	v21 =	vld.idx.msk [tilespmem:v51+s2+$0x0], $0xffff  }
0x18f: {  	v4 =	vor.u32 s16, v0;
	s13 =	simm.s32 $0xB0;
	v22 =	vld.idx.msk [tilespmem:v12+s2+$0x0], $0xffff  }
0x190: {  	s14 =	simm.s32 $0xC0;
	v9 =	vor.u32 s13, v0;
	v23 =	vld.idx.msk [tilespmem:v11+s2+$0x0], $0xffff  }
0x191: {  	v10 =	vor.u32 s14, v0;
	s16 =	simm.s32 $0xE0;
	v53 =	vld.idx.msk [tilespmem:v3+s2+$0x0], $0xffff  }
0x192: {  	v8 =	vor.u32 s16, v0;
	v54 =	vld.idx.msk [tilespmem:v5+s2+$0x0], $0xffff  }
0x193: {  	s15 =	simm.s32 $0xD0;
	v55 =	vld.idx.msk [tilespmem:v6+s2+$0x0], $0xffff;
	v52 =	vadd.s32 v1, v7  }
0x194: {  	v56 =	vld.idx.msk [tilespmem:v4+s2+$0x0], $0xffff;
	v7 =	vor.u32 s15, v0  }
0x195: {  	v57 =	vld.idx.msk [tilespmem:v9+s2+$0x0], $0xffff;
	v16 =	vadd.s32 v1, v16  }
0x196: {  	v58 =	vld.idx.msk [tilespmem:v10+s2+$0x0], $0xffff;
	v18 =	vadd.s32 v1, v18  }
0x197: {  	v60 =	vld.idx.msk [tilespmem:v8+s2+$0x0], $0xffff;
	v19 =	vadd.s32 v1, v19  }
0x198: {  	v21 =	vadd.s32 v1, v21;
	v25 =	vld.idx.msk [tilespmem:v52+s0+$0x0], $0xffff  }
0x199: {  	v22 =	vadd.s32 v1, v22;
	v59 =	vld.idx.msk [tilespmem:v7+s2+$0x0], $0xffff  }
0x19a: {  	v23 =	vadd.s32 v1, v23;
	v16 =	vld.idx.msk [tilespmem:v16+s0+$0x0], $0xffff  }
0x19b: {  	v26 =	vadd.s32 v1, v53;
	v61 =	vld.idx.msk [tilespmem:v18+s0+$0x0], $0xffff  }
0x19c: {  	v27 =	vadd.s32 v1, v54;
	v62 =	vld.idx.msk [tilespmem:v19+s0+$0x0], $0xffff  }
0x19d: {  	v28 =	vadd.s32 v1, v55;
	v63 =	vld.idx.msk [tilespmem:v21+s0+$0x0], $0xffff  }
0x19e: {  	v29 =	vadd.s32 v1, v56;
	v19 =	vld.idx.msk [tilespmem:v22+s0+$0x0], $0xffff  }
0x19f: {  	v18 =	vld.idx.msk [tilespmem:v23+s0+$0x0], $0xffff;
	v23 =	vadd.s32 v1, v57;
	[tilespmem:v13+s7+$0x0] =	vst.idx.msk $0xffff, v25  }
0x1a0: {  	v22 =	vadd.s32 v1, v58;
	[tilespmem:v14+s7+$0x0] =	vst.idx.msk $0xffff, v16;
	v16 =	vld.idx.msk [tilespmem:v26+s0+$0x0], $0xffff  }
0x1a1: {  	[tilespmem:v15+s7+$0x0] =	vst.idx.msk $0xffff, v61;
	v14 =	vld.idx.msk [tilespmem:v27+s0+$0x0], $0xffff;
	v21 =	vadd.s32 v1, v59  }
0x1a2: {  	v13 =	vadd.s32 v1, v20;
	[tilespmem:v17+s7+$0x0] =	vst.idx.msk $0xffff, v62;
	v15 =	vld.idx.msk [tilespmem:v28+s0+$0x0], $0xffff;
	v20 =	vadd.s32 v1, v60  }
0x1a3: {  	s11 =	simm.s32 $0x20;
	s12 =	simm.s32 $0x100;
	[tilespmem:v51+s7+$0x0] =	vst.idx.msk $0xffff, v63;
	v17 =	vld.idx.msk [tilespmem:v29+s0+$0x0], $0xffff  }
.LBB2_8:
0x1a4: {  	p0 =	slt.u32 s11, $0x3F0;
	v24 =	vor.u32 s12, v0;
	s13 =	sadd.s32 $0x10, s12;
	s14 =	sadd.s32 $0xF0, s12;
	[tilespmem:v12+s7+$0x0] =	vst.idx.msk $0xffff, v19;
	v19 =	vld.idx.msk [tilespmem:v23+s0+$0x0], $0xffff  }
0x1a5: {  	s15 =	sadd.s32 $0x30, s12;
	s16 =	sadd.s32 $0x40, s12;
	v25 =	vor.u32 s13, v0;
	s13 =	sadd.s32 $0x20, s12;
	v23 =	vor.u32 s14, v0;
	[tilespmem:v11+s7+$0x0] =	vst.idx.msk $0xffff, v18;
	v18 =	vld.idx.msk [tilespmem:v22+s0+$0x0], $0xffff  }
0x1a6: {  	v27 =	vor.u32 s15, v0;
	v28 =	vor.u32 s16, v0;
	s14 =	sadd.s32 $0x60, s12;
	s15 =	sadd.s32 $0x70, s12;
	v26 =	vor.u32 s13, v0;
	s13 =	sadd.s32 $0x50, s12;
	v21 =	vld.idx.msk [tilespmem:v21+s0+$0x0], $0xffff  }
0x1a7: {  	v11 =	vor.u32 s14, v0;
	v22 =	vor.u32 s15, v0;
	s14 =	sadd.s32 $0x90, s12;
	s15 =	sadd.s32 $0xA0, s12;
	v12 =	vor.u32 s13, v0;
	s13 =	sadd.s32 $0x80, s12;
	v20 =	vld.idx.msk [tilespmem:v20+s0+$0x0], $0xffff  }
0x1a8: {  	v30 =	vor.u32 s14, v0;
	v31 =	vor.u32 s15, v0;
	s14 =	sadd.s32 $0xC0, s12;
	s15 =	sadd.s32 $0xD0, s12;
	v29 =	vor.u32 s13, v0;
	s13 =	sadd.s32 $0xB0, s12;
	v32 =	vld.idx.msk [tilespmem:v13+s0+$0x0], $0xffff  }
0x1a9: {  	v34 =	vor.u32 s14, v0;
	v35 =	vor.u32 s15, v0;
	s12 =	sadd.s32 $0xE0, s12;
	v13 =	vld.idx.msk [tilespmem:v24+s2+$0x0], $0xffff;
	v33 =	vor.u32 s13, v0  }
0x1aa: {  	v36 =	vor.u32 s12, v0;
	v37 =	vld.idx.msk [tilespmem:v23+s2+$0x0], $0xffff;
	[tilespmem:v3+s7+$0x0] =	vst.idx.msk $0xffff, v16;
	v3 =	vmov v22  }
0x1ab: {  	v16 =	vld.idx.msk [tilespmem:v25+s2+$0x0], $0xffff;
	[tilespmem:v5+s7+$0x0] =	vst.idx.msk $0xffff, v14;
	v5 =	vmov v29  }
0x1ac: {  	v14 =	vld.idx.msk [tilespmem:v26+s2+$0x0], $0xffff;
	[tilespmem:v6+s7+$0x0] =	vst.idx.msk $0xffff, v15;
	v6 =	vmov v30  }
0x1ad: {  	v15 =	vld.idx.msk [tilespmem:v27+s2+$0x0], $0xffff;
	[tilespmem:v4+s7+$0x0] =	vst.idx.msk $0xffff, v17;
	v4 =	vmov v31  }
0x1ae: {  	v17 =	vld.idx.msk [tilespmem:v28+s2+$0x0], $0xffff;
	[tilespmem:v9+s7+$0x0] =	vst.idx.msk $0xffff, v19;
	v9 =	vmov v33  }
0x1af: {  	v13 =	vadd.s32 v1, v13;
	v19 =	vld.idx.msk [tilespmem:v12+s2+$0x0], $0xffff;
	[tilespmem:v10+s7+$0x0] =	vst.idx.msk $0xffff, v18;
	v10 =	vmov v34  }
0x1b0: {  	v22 =	vadd.s32 v1, v37;
	v18 =	vld.idx.msk [tilespmem:v11+s2+$0x0], $0xffff;
	[tilespmem:v7+s7+$0x0] =	vst.idx.msk $0xffff, v21;
	v7 =	vmov v35  }
0x1b1: {  	v16 =	vadd.s32 v1, v16;
	v21 =	vld.idx.msk [tilespmem:v3+s2+$0x0], $0xffff;
	[tilespmem:v8+s7+$0x0] =	vst.idx.msk $0xffff, v20;
	v8 =	vmov v36  }
0x1b2: {  	v14 =	vadd.s32 v1, v14;
	v20 =	vld.idx.msk [tilespmem:v29+s2+$0x0], $0xffff;
	[tilespmem:v2+s7+$0x0] =	vst.idx.msk $0xffff, v32;
	v2 =	vmov v24  }
0x1b3: {  	v15 =	vadd.s32 v1, v15;
	v24 =	vld.idx.msk [tilespmem:v30+s2+$0x0], $0xffff  }
0x1b4: {  	v17 =	vadd.s32 v1, v17;
	v29 =	vld.idx.msk [tilespmem:v31+s2+$0x0], $0xffff  }
0x1b5: {  	v19 =	vadd.s32 v1, v19;
	v22 =	vld.idx.msk [tilespmem:v22+s0+$0x0], $0xffff  }
0x1b6: {  	v18 =	vadd.s32 v1, v18;
	v30 =	vld.idx.msk [tilespmem:v33+s2+$0x0], $0xffff  }
0x1b7: {  	v31 =	vadd.s32 v1, v21;
	v21 =	vld.idx.msk [tilespmem:v34+s2+$0x0], $0xffff  }
0x1b8: {  	v32 =	vadd.s32 v1, v20;
	v20 =	vld.idx.msk [tilespmem:v35+s2+$0x0], $0xffff  }
0x1b9: {  	v24 =	vadd.s32 v1, v24;
	v33 =	vld.idx.msk [tilespmem:v36+s2+$0x0], $0xffff  }
0x1ba: {  	v29 =	vadd.s32 v1, v29;
	v16 =	vld.idx.msk [tilespmem:v16+s0+$0x0], $0xffff  }
0x1bb: {  	v14 =	vld.idx.msk [tilespmem:v14+s0+$0x0], $0xffff;
	[tilespmem:v23+s7+$0x0] =	vst.idx.msk $0xffff, v22  }
0x1bc: {  	v23 =	vadd.s32 v1, v30;
	v15 =	vld.idx.msk [tilespmem:v15+s0+$0x0], $0xffff  }
0x1bd: {  	v22 =	vadd.s32 v1, v21;
	v17 =	vld.idx.msk [tilespmem:v17+s0+$0x0], $0xffff  }
0x1be: {  	v21 =	vadd.s32 v1, v20;
	v19 =	vld.idx.msk [tilespmem:v19+s0+$0x0], $0xffff  }
.Ltmp3:
0x1bf: {  	v20 =	vadd.s32 v1, v33;
	v18 =	vld.idx.msk [tilespmem:v18+s0+$0x0], $0xffff;
	(pc) =	sbr.rel @p0 .LBB2_8-.Ltmp3, $4  }
0x1c0: {  	[tilespmem:v25+s7+$0x0] =	vst.idx.msk $0xffff, v16;
	v16 =	vld.idx.msk [tilespmem:v31+s0+$0x0], $0xffff  }
0x1c1: {  	[tilespmem:v26+s7+$0x0] =	vst.idx.msk $0xffff, v14;
	v14 =	vld.idx.msk [tilespmem:v32+s0+$0x0], $0xffff  }
0x1c2: {  	[tilespmem:v27+s7+$0x0] =	vst.idx.msk $0xffff, v15;
	v15 =	vld.idx.msk [tilespmem:v24+s0+$0x0], $0xffff  }
0x1c3: {  	s12 =	sshll.u32 s11, $0x4;
	s11 =	sadd.s32 $0x10, s11;
	[tilespmem:v28+s7+$0x0] =	vst.idx.msk $0xffff, v17;
	v17 =	vld.idx.msk [tilespmem:v29+s0+$0x0], $0xffff  }
0x1c4: {  	_ =	sdelay $0x3  }
0x1c5: {  	v24 =	vor.u32 s12, v0;
	s11 =	sadd.s32 $0xF0, s12;
	v23 =	vld.idx.msk [tilespmem:v23+s0+$0x0], $0xffff  }
0x1c6: {  	s13 =	sadd.s32 $0x10, s12;
	v22 =	vld.idx.msk [tilespmem:v22+s0+$0x0], $0xffff;
	v25 =	vor.u32 s11, v0  }
0x1c7: {  	s14 =	sadd.s32 $0x20, s12;
	v21 =	vld.idx.msk [tilespmem:v21+s0+$0x0], $0xffff;
	v26 =	vor.u32 s13, v0  }
0x1c8: {  	s15 =	sadd.s32 $0x30, s12;
	v20 =	vld.idx.msk [tilespmem:v20+s0+$0x0], $0xffff;
	v27 =	vor.u32 s14, v0  }
0x1c9: {  	s16 =	sadd.s32 $0x40, s12;
	v13 =	vld.idx.msk [tilespmem:v13+s0+$0x0], $0xffff;
	v28 =	vor.u32 s15, v0  }
0x1ca: {  	v29 =	vor.u32 s16, v0;
	s14 =	sadd.s32 $0x50, s12;
	v30 =	vld.idx.msk [tilespmem:v24+s2+$0x0], $0xffff  }
0x1cb: {  	s15 =	sadd.s32 $0x60, s12;
	v31 =	vor.u32 s14, v0;
	v32 =	vld.idx.msk [tilespmem:v25+s2+$0x0], $0xffff  }
0x1cc: {  	s16 =	sadd.s32 $0x70, s12;
	v33 =	vor.u32 s15, v0;
	v34 =	vld.idx.msk [tilespmem:v26+s2+$0x0], $0xffff  }
0x1cd: {  	s13 =	sadd.s32 $0xB0, s12;
	v35 =	vor.u32 s16, v0;
	v36 =	vld.idx.msk [tilespmem:v27+s2+$0x0], $0xffff  }
0x1ce: {  	s14 =	sadd.s32 $0x80, s12;
	v44 =	vor.u32 s13, v0;
	v38 =	vld.idx.msk [tilespmem:v28+s2+$0x0], $0xffff  }
0x1cf: {  	s15 =	sadd.s32 $0x90, s12;
	v37 =	vor.u32 s14, v0;
	v40 =	vld.idx.msk [tilespmem:v29+s2+$0x0], $0xffff  }
0x1d0: {  	s16 =	sadd.s32 $0xA0, s12;
	v39 =	vor.u32 s15, v0;
	v42 =	vld.idx.msk [tilespmem:v31+s2+$0x0], $0xffff  }
0x1d1: {  	v41 =	vor.u32 s16, v0;
	s14 =	sadd.s32 $0xC0, s12;
	v43 =	vld.idx.msk [tilespmem:v33+s2+$0x0], $0xffff  }
0x1d2: {  	[tilespmem:v12+s7+$0x0] =	vst.idx.msk $0xffff, v19;
	s15 =	sadd.s32 $0xD0, s12;
	v46 =	vor.u32 s14, v0;
	v45 =	vld.idx.msk [tilespmem:v35+s2+$0x0], $0xffff  }
0x1d3: {  	[tilespmem:v5+s7+$0x0] =	vst.idx.msk $0xffff, v14;
	s16 =	sadd.s32 $0xE0, s12;
	v12 =	vor.u32 s15, v0;
	v14 =	vld.idx.msk [tilespmem:v44+s2+$0x0], $0xffff  }
0x1d4: {  	[tilespmem:v11+s7+$0x0] =	vst.idx.msk $0xffff, v18;
	v11 =	vor.u32 s16, v0;
	v47 =	vld.idx.msk [tilespmem:v37+s2+$0x0], $0xffff  }
0x1d5: {  	v19 =	vld.idx.msk [tilespmem:v39+s2+$0x0], $0xffff;
	v32 =	vadd.s32 v1, v32  }
0x1d6: {  	[tilespmem:v3+s7+$0x0] =	vst.idx.msk $0xffff, v16;
	v18 =	vld.idx.msk [tilespmem:v41+s2+$0x0], $0xffff;
	v3 =	vadd.s32 v1, v34  }
0x1d7: {  	[tilespmem:v6+s7+$0x0] =	vst.idx.msk $0xffff, v15;
	v15 =	vld.idx.msk [tilespmem:v46+s2+$0x0], $0xffff;
	v5 =	vadd.s32 v1, v36  }
0x1d8: {  	[tilespmem:v4+s7+$0x0] =	vst.idx.msk $0xffff, v17;
	v17 =	vld.idx.msk [tilespmem:v12+s2+$0x0], $0xffff;
	v6 =	vadd.s32 v1, v38  }
0x1d9: {  	[tilespmem:v9+s7+$0x0] =	vst.idx.msk $0xffff, v23;
	v23 =	vld.idx.msk [tilespmem:v11+s2+$0x0], $0xffff;
	v4 =	vadd.s32 v1, v40  }
0x1da: {  	v9 =	vadd.s32 v1, v42;
	v16 =	vld.idx.msk [tilespmem:v32+s0+$0x0], $0xffff  }
0x1db: {  	[tilespmem:v10+s7+$0x0] =	vst.idx.msk $0xffff, v22;
	v10 =	vadd.s32 v1, v43;
	v3 =	vld.idx.msk [tilespmem:v3+s0+$0x0], $0xffff  }
0x1dc: {  	[tilespmem:v7+s7+$0x0] =	vst.idx.msk $0xffff, v21;
	v7 =	vadd.s32 v1, v45;
	v5 =	vld.idx.msk [tilespmem:v5+s0+$0x0], $0xffff  }
0x1dd: {  	[tilespmem:v8+s7+$0x0] =	vst.idx.msk $0xffff, v20;
	v8 =	vadd.s32 v1, v47;
	v6 =	vld.idx.msk [tilespmem:v6+s0+$0x0], $0xffff  }
0x1de: {  	[tilespmem:v2+s7+$0x0] =	vst.idx.msk $0xffff, v13;
	v2 =	vadd.s32 v1, v19;
	v4 =	vld.idx.msk [tilespmem:v4+s0+$0x0], $0xffff  }
0x1df: {  	v13 =	vadd.s32 v1, v18;
	v9 =	vld.idx.msk [tilespmem:v9+s0+$0x0], $0xffff;
	[tilespmem:v25+s7+$0x0] =	vst.idx.msk $0xffff, v16  }
0x1e0: {  	v14 =	vadd.s32 v1, v14;
	v10 =	vld.idx.msk [tilespmem:v10+s0+$0x0], $0xffff;
	[tilespmem:v26+s7+$0x0] =	vst.idx.msk $0xffff, v3  }
0x1e1: {  	v7 =	vld.idx.msk [tilespmem:v7+s0+$0x0], $0xffff;
	v3 =	vadd.s32 v1, v15;
	[tilespmem:v27+s7+$0x0] =	vst.idx.msk $0xffff, v5  }
0x1e2: {  	v8 =	vld.idx.msk [tilespmem:v8+s0+$0x0], $0xffff;
	v5 =	vadd.s32 v1, v17;
	[tilespmem:v28+s7+$0x0] =	vst.idx.msk $0xffff, v6  }
0x1e3: {  	v2 =	vld.idx.msk [tilespmem:v2+s0+$0x0], $0xffff;
	v6 =	vadd.s32 v1, v23;
	[tilespmem:v29+s7+$0x0] =	vst.idx.msk $0xffff, v4  }
0x1e4: {  	v13 =	vld.idx.msk [tilespmem:v13+s0+$0x0], $0xffff;
	v4 =	vadd.s32 v1, v30;
	[tilespmem:v31+s7+$0x0] =	vst.idx.msk $0xffff, v9  }
0x1e5: {  	v9 =	vld.idx.msk [tilespmem:v14+s0+$0x0], $0xffff;
	[tilespmem:v33+s7+$0x0] =	vst.idx.msk $0xffff, v10  }
0x1e6: {  	[tilespmem:v35+s7+$0x0] =	vst.idx.msk $0xffff, v7;
	v3 =	vld.idx.msk [tilespmem:v3+s0+$0x0], $0xffff  }
0x1e7: {  	[tilespmem:v37+s7+$0x0] =	vst.idx.msk $0xffff, v8;
	v5 =	vld.idx.msk [tilespmem:v5+s0+$0x0], $0xffff  }
0x1e8: {  	[tilespmem:v39+s7+$0x0] =	vst.idx.msk $0xffff, v2;
	v6 =	vld.idx.msk [tilespmem:v6+s0+$0x0], $0xffff  }
0x1e9: {  	[tilespmem:v41+s7+$0x0] =	vst.idx.msk $0xffff, v13;
	v2 =	vld.idx.msk [tilespmem:v4+s0+$0x0], $0xffff  }
0x1ea: {  	[tilespmem:v44+s7+$0x0] =	vst.idx.msk $0xffff, v9  }
0x1eb: {  	[tilespmem:v46+s7+$0x0] =	vst.idx.msk $0xffff, v3  }
0x1ec: {  	[tilespmem:v12+s7+$0x0] =	vst.idx.msk $0xffff, v5  }
0x1ed: {  	[tilespmem:v11+s7+$0x0] =	vst.idx.msk $0xffff, v6  }
0x1ee: {  	[tilespmem:v24+s7+$0x0] =	vst.idx.msk $0xffff, v2  }
0x1ef: {  	[hbm4b:s17+s30] =	stream.strided.scatter [tilespmem:s7], [sflag:$0x3], $0x4000, s31, s30, $0x38;
	[tilespmem:$0x18080] =	vst v63  }
0x1f0: {  	s12 =	simm.s32 $0x0;
	s13 =	rddreg [dreg:$0xc]  }
0x1f1: {  	[tilespmem:s0], [sflag:$0x1] =	stream.linear.gather [hbm4b:s13+s12], $0x4000, $0x38;
	[tilespmem:$0x18080] =	vst v63  }
0x1f2: {  	_ = 	snop  }
0x1f3: {  	[tilespmem:s2], [sflag:$0x2] =	stream.strided.gather [hbm4b:s21+s30], $0x4000, s31, s30, $0x38;
	[tilespmem:$0x18080] =	vst v63  }
0x1f4: {  	_ =	swait.ge [sflag:s3], $0x4000  }
0x1f5: {  	[sflag:s3] =	ssyncset.done $0x0  }
0x1f6: {  	[sflag:s3] =	ssyncadd.s32 $0xFFFFC000  }
0x1f7: {  	s14 =	simm.s32 $0x0;
	_ =	swait.ge [sflag:s4], $0x4000  }
0x1f8: {  	s15 =	simm.s32 $0xF0;
	v2 =	vor.u32 s14, v0;
	[sflag:s4] =	ssyncset.done $0x0  }
0x1f9: {  	s16 =	simm.s32 $0x10;
	v13 =	vor.u32 s15, v0;
	[sflag:s4] =	ssyncadd.s32 $0xFFFFC000  }
0x1fa: {  	v14 =	vor.u32 s16, v0;
	s12 =	simm.s32 $0x20;
	_ =	swait.ge [sflag:s8], $0x4000  }
0x1fb: {  	s13 =	simm.s32 $0x30;
	v15 =	vor.u32 s12, v0;
	[sflag:s8] =	ssyncset.done $0x0  }
0x1fc: {  	s14 =	simm.s32 $0x40;
	v17 =	vor.u32 s13, v0;
	[sflag:s8] =	ssyncadd.s32 $0xFFFFC000  }
0x1fd: {  	s15 =	simm.s32 $0x50;
	v51 =	vor.u32 s14, v0;
	v20 =	vld.idx.msk [tilespmem:v2+s20+$0x0], $0xffff  }
0x1fe: {  	s16 =	simm.s32 $0x60;
	v12 =	vor.u32 s15, v0;
	v7 =	vld.idx.msk [tilespmem:v13+s20+$0x0], $0xffff  }
0x1ff: {  	v11 =	vor.u32 s16, v0;
	s13 =	simm.s32 $0x70;
	v16 =	vld.idx.msk [tilespmem:v14+s20+$0x0], $0xffff  }
0x200: {  	s14 =	simm.s32 $0x80;
	v3 =	vor.u32 s13, v0;
	v18 =	vld.idx.msk [tilespmem:v15+s20+$0x0], $0xffff  }
0x201: {  	s15 =	simm.s32 $0x90;
	v5 =	vor.u32 s14, v0;
	v19 =	vld.idx.msk [tilespmem:v17+s20+$0x0], $0xffff  }
0x202: {  	s16 =	simm.s32 $0xA0;
	v6 =	vor.u32 s15, v0;
	v21 =	vld.idx.msk [tilespmem:v51+s20+$0x0], $0xffff  }
0x203: {  	v4 =	vor.u32 s16, v0;
	s13 =	simm.s32 $0xB0;
	v22 =	vld.idx.msk [tilespmem:v12+s20+$0x0], $0xffff  }
0x204: {  	s14 =	simm.s32 $0xC0;
	v9 =	vor.u32 s13, v0;
	v23 =	vld.idx.msk [tilespmem:v11+s20+$0x0], $0xffff  }
0x205: {  	s16 =	simm.s32 $0xE0;
	v10 =	vor.u32 s14, v0;
	v53 =	vld.idx.msk [tilespmem:v3+s20+$0x0], $0xffff  }
0x206: {  	v8 =	vor.u32 s16, v0;
	v54 =	vld.idx.msk [tilespmem:v5+s20+$0x0], $0xffff  }
0x207: {  	s15 =	simm.s32 $0xD0;
	v55 =	vld.idx.msk [tilespmem:v6+s20+$0x0], $0xffff;
	v52 =	vadd.s32 v1, v7  }
0x208: {  	v56 =	vld.idx.msk [tilespmem:v4+s20+$0x0], $0xffff;
	v7 =	vor.u32 s15, v0  }
0x209: {  	v57 =	vld.idx.msk [tilespmem:v9+s20+$0x0], $0xffff;
	v16 =	vadd.s32 v1, v16  }
0x20a: {  	v58 =	vld.idx.msk [tilespmem:v10+s20+$0x0], $0xffff;
	v18 =	vadd.s32 v1, v18  }
0x20b: {  	v60 =	vld.idx.msk [tilespmem:v8+s20+$0x0], $0xffff;
	v19 =	vadd.s32 v1, v19  }
0x20c: {  	v21 =	vadd.s32 v1, v21;
	v25 =	vld.idx.msk [tilespmem:v52+s1+$0x0], $0xffff  }
0x20d: {  	v22 =	vadd.s32 v1, v22;
	v59 =	vld.idx.msk [tilespmem:v7+s20+$0x0], $0xffff  }
0x20e: {  	v23 =	vadd.s32 v1, v23;
	v16 =	vld.idx.msk [tilespmem:v16+s1+$0x0], $0xffff  }
0x20f: {  	v26 =	vadd.s32 v1, v53;
	v61 =	vld.idx.msk [tilespmem:v18+s1+$0x0], $0xffff  }
0x210: {  	v27 =	vadd.s32 v1, v54;
	v62 =	vld.idx.msk [tilespmem:v19+s1+$0x0], $0xffff  }
0x211: {  	v28 =	vadd.s32 v1, v55;
	v63 =	vld.idx.msk [tilespmem:v21+s1+$0x0], $0xffff  }
0x212: {  	v29 =	vadd.s32 v1, v56;
	v19 =	vld.idx.msk [tilespmem:v22+s1+$0x0], $0xffff  }
0x213: {  	v18 =	vld.idx.msk [tilespmem:v23+s1+$0x0], $0xffff;
	v23 =	vadd.s32 v1, v57;
	[tilespmem:v13+s5+$0x0] =	vst.idx.msk $0xffff, v25  }
0x214: {  	v22 =	vadd.s32 v1, v58;
	[tilespmem:v14+s5+$0x0] =	vst.idx.msk $0xffff, v16;
	v16 =	vld.idx.msk [tilespmem:v26+s1+$0x0], $0xffff  }
0x215: {  	[tilespmem:v15+s5+$0x0] =	vst.idx.msk $0xffff, v61;
	v14 =	vld.idx.msk [tilespmem:v27+s1+$0x0], $0xffff;
	v21 =	vadd.s32 v1, v59  }
0x216: {  	v13 =	vadd.s32 v1, v20;
	[tilespmem:v17+s5+$0x0] =	vst.idx.msk $0xffff, v62;
	v15 =	vld.idx.msk [tilespmem:v28+s1+$0x0], $0xffff;
	v20 =	vadd.s32 v1, v60  }
0x217: {  	s11 =	simm.s32 $0x20;
	s12 =	simm.s32 $0x100;
	[tilespmem:v51+s5+$0x0] =	vst.idx.msk $0xffff, v63;
	v17 =	vld.idx.msk [tilespmem:v29+s1+$0x0], $0xffff  }
.LBB2_10:
0x218: {  	p0 =	slt.u32 s11, $0x3F0;
	v24 =	vor.u32 s12, v0;
	s13 =	sadd.s32 $0x10, s12;
	s14 =	sadd.s32 $0xF0, s12;
	[tilespmem:v12+s5+$0x0] =	vst.idx.msk $0xffff, v19;
	v19 =	vld.idx.msk [tilespmem:v23+s1+$0x0], $0xffff  }
0x219: {  	s15 =	sadd.s32 $0x30, s12;
	s16 =	sadd.s32 $0x40, s12;
	v25 =	vor.u32 s13, v0;
	s13 =	sadd.s32 $0x20, s12;
	v23 =	vor.u32 s14, v0;
	[tilespmem:v11+s5+$0x0] =	vst.idx.msk $0xffff, v18;
	v18 =	vld.idx.msk [tilespmem:v22+s1+$0x0], $0xffff  }
0x21a: {  	v27 =	vor.u32 s15, v0;
	v28 =	vor.u32 s16, v0;
	s14 =	sadd.s32 $0x60, s12;
	s15 =	sadd.s32 $0x70, s12;
	v26 =	vor.u32 s13, v0;
	s13 =	sadd.s32 $0x50, s12;
	v21 =	vld.idx.msk [tilespmem:v21+s1+$0x0], $0xffff  }
0x21b: {  	v11 =	vor.u32 s14, v0;
	v22 =	vor.u32 s15, v0;
	s14 =	sadd.s32 $0x90, s12;
	s15 =	sadd.s32 $0xA0, s12;
	v12 =	vor.u32 s13, v0;
	s13 =	sadd.s32 $0x80, s12;
	v20 =	vld.idx.msk [tilespmem:v20+s1+$0x0], $0xffff  }
0x21c: {  	v30 =	vor.u32 s14, v0;
	v31 =	vor.u32 s15, v0;
	s14 =	sadd.s32 $0xC0, s12;
	s15 =	sadd.s32 $0xD0, s12;
	v29 =	vor.u32 s13, v0;
	s13 =	sadd.s32 $0xB0, s12;
	v32 =	vld.idx.msk [tilespmem:v13+s1+$0x0], $0xffff  }
0x21d: {  	v34 =	vor.u32 s14, v0;
	v35 =	vor.u32 s15, v0;
	s12 =	sadd.s32 $0xE0, s12;
	v13 =	vld.idx.msk [tilespmem:v24+s20+$0x0], $0xffff;
	v33 =	vor.u32 s13, v0  }
0x21e: {  	v36 =	vor.u32 s12, v0;
	v37 =	vld.idx.msk [tilespmem:v23+s20+$0x0], $0xffff;
	[tilespmem:v3+s5+$0x0] =	vst.idx.msk $0xffff, v16;
	v3 =	vmov v22  }
0x21f: {  	v16 =	vld.idx.msk [tilespmem:v25+s20+$0x0], $0xffff;
	[tilespmem:v5+s5+$0x0] =	vst.idx.msk $0xffff, v14;
	v5 =	vmov v29  }
0x220: {  	v14 =	vld.idx.msk [tilespmem:v26+s20+$0x0], $0xffff;
	[tilespmem:v6+s5+$0x0] =	vst.idx.msk $0xffff, v15;
	v6 =	vmov v30  }
0x221: {  	v15 =	vld.idx.msk [tilespmem:v27+s20+$0x0], $0xffff;
	[tilespmem:v4+s5+$0x0] =	vst.idx.msk $0xffff, v17;
	v4 =	vmov v31  }
0x222: {  	v17 =	vld.idx.msk [tilespmem:v28+s20+$0x0], $0xffff;
	[tilespmem:v9+s5+$0x0] =	vst.idx.msk $0xffff, v19;
	v9 =	vmov v33  }
0x223: {  	v13 =	vadd.s32 v1, v13;
	v19 =	vld.idx.msk [tilespmem:v12+s20+$0x0], $0xffff;
	[tilespmem:v10+s5+$0x0] =	vst.idx.msk $0xffff, v18;
	v10 =	vmov v34  }
0x224: {  	v22 =	vadd.s32 v1, v37;
	v18 =	vld.idx.msk [tilespmem:v11+s20+$0x0], $0xffff;
	[tilespmem:v7+s5+$0x0] =	vst.idx.msk $0xffff, v21;
	v7 =	vmov v35  }
0x225: {  	v16 =	vadd.s32 v1, v16;
	v21 =	vld.idx.msk [tilespmem:v3+s20+$0x0], $0xffff;
	[tilespmem:v8+s5+$0x0] =	vst.idx.msk $0xffff, v20;
	v8 =	vmov v36  }
0x226: {  	v14 =	vadd.s32 v1, v14;
	v20 =	vld.idx.msk [tilespmem:v29+s20+$0x0], $0xffff;
	[tilespmem:v2+s5+$0x0] =	vst.idx.msk $0xffff, v32;
	v2 =	vmov v24  }
0x227: {  	v15 =	vadd.s32 v1, v15;
	v24 =	vld.idx.msk [tilespmem:v30+s20+$0x0], $0xffff  }
0x228: {  	v17 =	vadd.s32 v1, v17;
	v29 =	vld.idx.msk [tilespmem:v31+s20+$0x0], $0xffff  }
0x229: {  	v19 =	vadd.s32 v1, v19;
	v22 =	vld.idx.msk [tilespmem:v22+s1+$0x0], $0xffff  }
0x22a: {  	v18 =	vadd.s32 v1, v18;
	v30 =	vld.idx.msk [tilespmem:v33+s20+$0x0], $0xffff  }
0x22b: {  	v31 =	vadd.s32 v1, v21;
	v21 =	vld.idx.msk [tilespmem:v34+s20+$0x0], $0xffff  }
0x22c: {  	v32 =	vadd.s32 v1, v20;
	v20 =	vld.idx.msk [tilespmem:v35+s20+$0x0], $0xffff  }
0x22d: {  	v24 =	vadd.s32 v1, v24;
	v33 =	vld.idx.msk [tilespmem:v36+s20+$0x0], $0xffff  }
0x22e: {  	v29 =	vadd.s32 v1, v29;
	v16 =	vld.idx.msk [tilespmem:v16+s1+$0x0], $0xffff  }
0x22f: {  	v14 =	vld.idx.msk [tilespmem:v14+s1+$0x0], $0xffff;
	[tilespmem:v23+s5+$0x0] =	vst.idx.msk $0xffff, v22  }
0x230: {  	v23 =	vadd.s32 v1, v30;
	v15 =	vld.idx.msk [tilespmem:v15+s1+$0x0], $0xffff  }
0x231: {  	v22 =	vadd.s32 v1, v21;
	v17 =	vld.idx.msk [tilespmem:v17+s1+$0x0], $0xffff  }
0x232: {  	v21 =	vadd.s32 v1, v20;
	v19 =	vld.idx.msk [tilespmem:v19+s1+$0x0], $0xffff  }
.Ltmp4:
0x233: {  	v20 =	vadd.s32 v1, v33;
	v18 =	vld.idx.msk [tilespmem:v18+s1+$0x0], $0xffff;
	(pc) =	sbr.rel @p0 .LBB2_10-.Ltmp4, $4  }
0x234: {  	[tilespmem:v25+s5+$0x0] =	vst.idx.msk $0xffff, v16;
	v16 =	vld.idx.msk [tilespmem:v31+s1+$0x0], $0xffff  }
0x235: {  	[tilespmem:v26+s5+$0x0] =	vst.idx.msk $0xffff, v14;
	v14 =	vld.idx.msk [tilespmem:v32+s1+$0x0], $0xffff  }
0x236: {  	[tilespmem:v27+s5+$0x0] =	vst.idx.msk $0xffff, v15;
	v15 =	vld.idx.msk [tilespmem:v24+s1+$0x0], $0xffff  }
0x237: {  	s12 =	sshll.u32 s11, $0x4;
	s11 =	sadd.s32 $0x10, s11;
	[tilespmem:v28+s5+$0x0] =	vst.idx.msk $0xffff, v17;
	v17 =	vld.idx.msk [tilespmem:v29+s1+$0x0], $0xffff  }
0x238: {  	_ =	sdelay $0x3  }
0x239: {  	v24 =	vor.u32 s12, v0;
	s11 =	sadd.s32 $0xF0, s12;
	v23 =	vld.idx.msk [tilespmem:v23+s1+$0x0], $0xffff  }
0x23a: {  	s13 =	sadd.s32 $0x10, s12;
	v22 =	vld.idx.msk [tilespmem:v22+s1+$0x0], $0xffff;
	v25 =	vor.u32 s11, v0  }
0x23b: {  	s14 =	sadd.s32 $0x20, s12;
	v21 =	vld.idx.msk [tilespmem:v21+s1+$0x0], $0xffff;
	v26 =	vor.u32 s13, v0  }
0x23c: {  	s15 =	sadd.s32 $0x30, s12;
	v20 =	vld.idx.msk [tilespmem:v20+s1+$0x0], $0xffff;
	v27 =	vor.u32 s14, v0  }
0x23d: {  	s16 =	sadd.s32 $0x40, s12;
	v13 =	vld.idx.msk [tilespmem:v13+s1+$0x0], $0xffff;
	v28 =	vor.u32 s15, v0  }
0x23e: {  	v29 =	vor.u32 s16, v0;
	s14 =	sadd.s32 $0x50, s12;
	v30 =	vld.idx.msk [tilespmem:v24+s20+$0x0], $0xffff  }
0x23f: {  	s15 =	sadd.s32 $0x60, s12;
	v31 =	vor.u32 s14, v0;
	v32 =	vld.idx.msk [tilespmem:v25+s20+$0x0], $0xffff  }
0x240: {  	s16 =	sadd.s32 $0x70, s12;
	v33 =	vor.u32 s15, v0;
	v34 =	vld.idx.msk [tilespmem:v26+s20+$0x0], $0xffff  }
0x241: {  	s13 =	sadd.s32 $0xB0, s12;
	v35 =	vor.u32 s16, v0;
	v36 =	vld.idx.msk [tilespmem:v27+s20+$0x0], $0xffff  }
0x242: {  	s14 =	sadd.s32 $0x80, s12;
	v44 =	vor.u32 s13, v0;
	v38 =	vld.idx.msk [tilespmem:v28+s20+$0x0], $0xffff  }
0x243: {  	s15 =	sadd.s32 $0x90, s12;
	v37 =	vor.u32 s14, v0;
	v40 =	vld.idx.msk [tilespmem:v29+s20+$0x0], $0xffff  }
0x244: {  	s16 =	sadd.s32 $0xA0, s12;
	v39 =	vor.u32 s15, v0;
	v42 =	vld.idx.msk [tilespmem:v31+s20+$0x0], $0xffff  }
0x245: {  	v41 =	vor.u32 s16, v0;
	s14 =	sadd.s32 $0xC0, s12;
	v43 =	vld.idx.msk [tilespmem:v33+s20+$0x0], $0xffff  }
0x246: {  	[tilespmem:v12+s5+$0x0] =	vst.idx.msk $0xffff, v19;
	s15 =	sadd.s32 $0xD0, s12;
	v46 =	vor.u32 s14, v0;
	v45 =	vld.idx.msk [tilespmem:v35+s20+$0x0], $0xffff  }
0x247: {  	[tilespmem:v5+s5+$0x0] =	vst.idx.msk $0xffff, v14;
	s16 =	sadd.s32 $0xE0, s12;
	v12 =	vor.u32 s15, v0;
	v14 =	vld.idx.msk [tilespmem:v44+s20+$0x0], $0xffff  }
0x248: {  	[tilespmem:v11+s5+$0x0] =	vst.idx.msk $0xffff, v18;
	v11 =	vor.u32 s16, v0;
	v47 =	vld.idx.msk [tilespmem:v37+s20+$0x0], $0xffff  }
0x249: {  	v19 =	vld.idx.msk [tilespmem:v39+s20+$0x0], $0xffff;
	v32 =	vadd.s32 v1, v32  }
0x24a: {  	[tilespmem:v3+s5+$0x0] =	vst.idx.msk $0xffff, v16;
	v18 =	vld.idx.msk [tilespmem:v41+s20+$0x0], $0xffff;
	v3 =	vadd.s32 v1, v34  }
0x24b: {  	[tilespmem:v6+s5+$0x0] =	vst.idx.msk $0xffff, v15;
	v15 =	vld.idx.msk [tilespmem:v46+s20+$0x0], $0xffff;
	v5 =	vadd.s32 v1, v36  }
0x24c: {  	[tilespmem:v4+s5+$0x0] =	vst.idx.msk $0xffff, v17;
	v17 =	vld.idx.msk [tilespmem:v12+s20+$0x0], $0xffff;
	v6 =	vadd.s32 v1, v38  }
0x24d: {  	[tilespmem:v9+s5+$0x0] =	vst.idx.msk $0xffff, v23;
	v23 =	vld.idx.msk [tilespmem:v11+s20+$0x0], $0xffff;
	v4 =	vadd.s32 v1, v40  }
0x24e: {  	v9 =	vadd.s32 v1, v42;
	v16 =	vld.idx.msk [tilespmem:v32+s1+$0x0], $0xffff  }
0x24f: {  	[tilespmem:v10+s5+$0x0] =	vst.idx.msk $0xffff, v22;
	v10 =	vadd.s32 v1, v43;
	v3 =	vld.idx.msk [tilespmem:v3+s1+$0x0], $0xffff  }
0x250: {  	[tilespmem:v7+s5+$0x0] =	vst.idx.msk $0xffff, v21;
	v7 =	vadd.s32 v1, v45;
	v5 =	vld.idx.msk [tilespmem:v5+s1+$0x0], $0xffff  }
0x251: {  	[tilespmem:v8+s5+$0x0] =	vst.idx.msk $0xffff, v20;
	v8 =	vadd.s32 v1, v47;
	v6 =	vld.idx.msk [tilespmem:v6+s1+$0x0], $0xffff  }
0x252: {  	[tilespmem:v2+s5+$0x0] =	vst.idx.msk $0xffff, v13;
	v2 =	vadd.s32 v1, v19;
	v4 =	vld.idx.msk [tilespmem:v4+s1+$0x0], $0xffff  }
0x253: {  	v13 =	vadd.s32 v1, v18;
	v9 =	vld.idx.msk [tilespmem:v9+s1+$0x0], $0xffff;
	[tilespmem:v25+s5+$0x0] =	vst.idx.msk $0xffff, v16  }
0x254: {  	v14 =	vadd.s32 v1, v14;
	v10 =	vld.idx.msk [tilespmem:v10+s1+$0x0], $0xffff;
	[tilespmem:v26+s5+$0x0] =	vst.idx.msk $0xffff, v3  }
0x255: {  	v7 =	vld.idx.msk [tilespmem:v7+s1+$0x0], $0xffff;
	v3 =	vadd.s32 v1, v15;
	[tilespmem:v27+s5+$0x0] =	vst.idx.msk $0xffff, v5  }
0x256: {  	v8 =	vld.idx.msk [tilespmem:v8+s1+$0x0], $0xffff;
	v5 =	vadd.s32 v1, v17;
	[tilespmem:v28+s5+$0x0] =	vst.idx.msk $0xffff, v6  }
0x257: {  	v2 =	vld.idx.msk [tilespmem:v2+s1+$0x0], $0xffff;
	v6 =	vadd.s32 v1, v23;
	[tilespmem:v29+s5+$0x0] =	vst.idx.msk $0xffff, v4  }
0x258: {  	v13 =	vld.idx.msk [tilespmem:v13+s1+$0x0], $0xffff;
	v4 =	vadd.s32 v1, v30;
	[tilespmem:v31+s5+$0x0] =	vst.idx.msk $0xffff, v9  }
0x259: {  	v9 =	vld.idx.msk [tilespmem:v14+s1+$0x0], $0xffff;
	[tilespmem:v33+s5+$0x0] =	vst.idx.msk $0xffff, v10  }
0x25a: {  	[tilespmem:v35+s5+$0x0] =	vst.idx.msk $0xffff, v7;
	v3 =	vld.idx.msk [tilespmem:v3+s1+$0x0], $0xffff  }
0x25b: {  	[tilespmem:v37+s5+$0x0] =	vst.idx.msk $0xffff, v8;
	v5 =	vld.idx.msk [tilespmem:v5+s1+$0x0], $0xffff  }
0x25c: {  	[tilespmem:v39+s5+$0x0] =	vst.idx.msk $0xffff, v2;
	v6 =	vld.idx.msk [tilespmem:v6+s1+$0x0], $0xffff  }
0x25d: {  	[tilespmem:v41+s5+$0x0] =	vst.idx.msk $0xffff, v13;
	v2 =	vld.idx.msk [tilespmem:v4+s1+$0x0], $0xffff  }
0x25e: {  	[tilespmem:v44+s5+$0x0] =	vst.idx.msk $0xffff, v9  }
0x25f: {  	[tilespmem:v46+s5+$0x0] =	vst.idx.msk $0xffff, v3  }
0x260: {  	[tilespmem:v12+s5+$0x0] =	vst.idx.msk $0xffff, v5  }
0x261: {  	[tilespmem:v11+s5+$0x0] =	vst.idx.msk $0xffff, v6  }
0x262: {  	[tilespmem:v24+s5+$0x0] =	vst.idx.msk $0xffff, v2  }
0x263: {  	[hbm4b:s19+s30] =	stream.strided.scatter [tilespmem:s5], [sflag:$0x3], $0x4000, s31, s30, $0x38;
	[tilespmem:$0x18080] =	vst v63  }
0x264: {  	s12 =	simm.s32 $0x0;
	s13 =	rddreg [dreg:$0xd]  }
0x265: {  	[tilespmem:s12], [sflag:$0x1] =	stream.linear.gather [hbm4b:s13+s12], $0x4000, $0x38;
	[tilespmem:$0x18080] =	vst v63  }
0x266: {  	_ = 	snop  }
0x267: {  	[tilespmem:s20], [sflag:$0x2] =	stream.strided.gather [hbm4b:s23+s30], $0x4000, s31, s30, $0x38;
	[tilespmem:$0x18080] =	vst v63  }
0x268: {  	_ =	swait.ge [sflag:s3], $0x4000  }
0x269: {  	[sflag:s3] =	ssyncset.done $0x0  }
0x26a: {  	[sflag:s3] =	ssyncadd.s32 $0xFFFFC000  }
0x26b: {  	s14 =	simm.s32 $0x0;
	_ =	swait.ge [sflag:s4], $0x4000  }
0x26c: {  	s15 =	simm.s32 $0xF0;
	v2 =	vor.u32 s14, v0;
	[sflag:s4] =	ssyncset.done $0x0  }
0x26d: {  	s16 =	simm.s32 $0x10;
	v13 =	vor.u32 s15, v0;
	[sflag:s4] =	ssyncadd.s32 $0xFFFFC000  }
0x26e: {  	v14 =	vor.u32 s16, v0;
	s12 =	simm.s32 $0x20;
	_ =	swait.ge [sflag:s8], $0x4000  }
0x26f: {  	s13 =	simm.s32 $0x30;
	v15 =	vor.u32 s12, v0;
	[sflag:s8] =	ssyncset.done $0x0  }
0x270: {  	s14 =	simm.s32 $0x40;
	v17 =	vor.u32 s13, v0;
	[sflag:s8] =	ssyncadd.s32 $0xFFFFC000  }
0x271: {  	s15 =	simm.s32 $0x50;
	v51 =	vor.u32 s14, v0;
	v20 =	vld.idx.msk [tilespmem:v2+s2+$0x0], $0xffff  }
0x272: {  	s16 =	simm.s32 $0x60;
	v12 =	vor.u32 s15, v0;
	v7 =	vld.idx.msk [tilespmem:v13+s2+$0x0], $0xffff  }
0x273: {  	v11 =	vor.u32 s16, v0;
	s13 =	simm.s32 $0x70;
	v16 =	vld.idx.msk [tilespmem:v14+s2+$0x0], $0xffff  }
0x274: {  	s14 =	simm.s32 $0x80;
	v3 =	vor.u32 s13, v0;
	v18 =	vld.idx.msk [tilespmem:v15+s2+$0x0], $0xffff  }
0x275: {  	s15 =	simm.s32 $0x90;
	v5 =	vor.u32 s14, v0;
	v19 =	vld.idx.msk [tilespmem:v17+s2+$0x0], $0xffff  }
0x276: {  	s16 =	simm.s32 $0xA0;
	v6 =	vor.u32 s15, v0;
	v21 =	vld.idx.msk [tilespmem:v51+s2+$0x0], $0xffff  }
0x277: {  	v4 =	vor.u32 s16, v0;
	s13 =	simm.s32 $0xB0;
	v22 =	vld.idx.msk [tilespmem:v12+s2+$0x0], $0xffff  }
0x278: {  	s14 =	simm.s32 $0xC0;
	v9 =	vor.u32 s13, v0;
	v23 =	vld.idx.msk [tilespmem:v11+s2+$0x0], $0xffff  }
0x279: {  	s16 =	simm.s32 $0xE0;
	v10 =	vor.u32 s14, v0;
	v53 =	vld.idx.msk [tilespmem:v3+s2+$0x0], $0xffff  }
0x27a: {  	v8 =	vor.u32 s16, v0;
	v54 =	vld.idx.msk [tilespmem:v5+s2+$0x0], $0xffff  }
0x27b: {  	s15 =	simm.s32 $0xD0;
	v55 =	vld.idx.msk [tilespmem:v6+s2+$0x0], $0xffff;
	v52 =	vadd.s32 v1, v7  }
0x27c: {  	v56 =	vld.idx.msk [tilespmem:v4+s2+$0x0], $0xffff;
	v7 =	vor.u32 s15, v0  }
0x27d: {  	v57 =	vld.idx.msk [tilespmem:v9+s2+$0x0], $0xffff;
	v16 =	vadd.s32 v1, v16  }
0x27e: {  	v58 =	vld.idx.msk [tilespmem:v10+s2+$0x0], $0xffff;
	v18 =	vadd.s32 v1, v18  }
0x27f: {  	v60 =	vld.idx.msk [tilespmem:v8+s2+$0x0], $0xffff;
	v19 =	vadd.s32 v1, v19  }
0x280: {  	v21 =	vadd.s32 v1, v21;
	v25 =	vld.idx.msk [tilespmem:v52+s0+$0x0], $0xffff  }
0x281: {  	v22 =	vadd.s32 v1, v22;
	v59 =	vld.idx.msk [tilespmem:v7+s2+$0x0], $0xffff  }
0x282: {  	v23 =	vadd.s32 v1, v23;
	v16 =	vld.idx.msk [tilespmem:v16+s0+$0x0], $0xffff  }
0x283: {  	v26 =	vadd.s32 v1, v53;
	v61 =	vld.idx.msk [tilespmem:v18+s0+$0x0], $0xffff  }
0x284: {  	v27 =	vadd.s32 v1, v54;
	v62 =	vld.idx.msk [tilespmem:v19+s0+$0x0], $0xffff  }
0x285: {  	v28 =	vadd.s32 v1, v55;
	v63 =	vld.idx.msk [tilespmem:v21+s0+$0x0], $0xffff  }
0x286: {  	v29 =	vadd.s32 v1, v56;
	v19 =	vld.idx.msk [tilespmem:v22+s0+$0x0], $0xffff  }
0x287: {  	v18 =	vld.idx.msk [tilespmem:v23+s0+$0x0], $0xffff;
	v23 =	vadd.s32 v1, v57;
	[tilespmem:v13+s7+$0x0] =	vst.idx.msk $0xffff, v25  }
0x288: {  	v22 =	vadd.s32 v1, v58;
	[tilespmem:v14+s7+$0x0] =	vst.idx.msk $0xffff, v16;
	v16 =	vld.idx.msk [tilespmem:v26+s0+$0x0], $0xffff  }
0x289: {  	[tilespmem:v15+s7+$0x0] =	vst.idx.msk $0xffff, v61;
	v14 =	vld.idx.msk [tilespmem:v27+s0+$0x0], $0xffff;
	v21 =	vadd.s32 v1, v59  }
0x28a: {  	v13 =	vadd.s32 v1, v20;
	[tilespmem:v17+s7+$0x0] =	vst.idx.msk $0xffff, v62;
	v15 =	vld.idx.msk [tilespmem:v28+s0+$0x0], $0xffff;
	v20 =	vadd.s32 v1, v60  }
0x28b: {  	s11 =	simm.s32 $0x20;
	s12 =	simm.s32 $0x100;
	[tilespmem:v51+s7+$0x0] =	vst.idx.msk $0xffff, v63;
	v17 =	vld.idx.msk [tilespmem:v29+s0+$0x0], $0xffff  }
.LBB2_12:
0x28c: {  	p0 =	slt.u32 s11, $0x3F0;
	v24 =	vor.u32 s12, v0;
	s13 =	sadd.s32 $0x10, s12;
	s14 =	sadd.s32 $0xF0, s12;
	[tilespmem:v12+s7+$0x0] =	vst.idx.msk $0xffff, v19;
	v19 =	vld.idx.msk [tilespmem:v23+s0+$0x0], $0xffff  }
0x28d: {  	s15 =	sadd.s32 $0x30, s12;
	s16 =	sadd.s32 $0x40, s12;
	v25 =	vor.u32 s13, v0;
	s13 =	sadd.s32 $0x20, s12;
	v23 =	vor.u32 s14, v0;
	[tilespmem:v11+s7+$0x0] =	vst.idx.msk $0xffff, v18;
	v18 =	vld.idx.msk [tilespmem:v22+s0+$0x0], $0xffff  }
0x28e: {  	v27 =	vor.u32 s15, v0;
	v28 =	vor.u32 s16, v0;
	s14 =	sadd.s32 $0x60, s12;
	s15 =	sadd.s32 $0x70, s12;
	v26 =	vor.u32 s13, v0;
	s13 =	sadd.s32 $0x50, s12;
	v21 =	vld.idx.msk [tilespmem:v21+s0+$0x0], $0xffff  }
0x28f: {  	v11 =	vor.u32 s14, v0;
	v22 =	vor.u32 s15, v0;
	s14 =	sadd.s32 $0x90, s12;
	s15 =	sadd.s32 $0xA0, s12;
	v12 =	vor.u32 s13, v0;
	s13 =	sadd.s32 $0x80, s12;
	v20 =	vld.idx.msk [tilespmem:v20+s0+$0x0], $0xffff  }
0x290: {  	v30 =	vor.u32 s14, v0;
	v31 =	vor.u32 s15, v0;
	s14 =	sadd.s32 $0xC0, s12;
	s15 =	sadd.s32 $0xD0, s12;
	v29 =	vor.u32 s13, v0;
	s13 =	sadd.s32 $0xB0, s12;
	v32 =	vld.idx.msk [tilespmem:v13+s0+$0x0], $0xffff  }
0x291: {  	v34 =	vor.u32 s14, v0;
	v35 =	vor.u32 s15, v0;
	s12 =	sadd.s32 $0xE0, s12;
	v13 =	vld.idx.msk [tilespmem:v24+s2+$0x0], $0xffff;
	v33 =	vor.u32 s13, v0  }
0x292: {  	v36 =	vor.u32 s12, v0;
	v37 =	vld.idx.msk [tilespmem:v23+s2+$0x0], $0xffff;
	[tilespmem:v3+s7+$0x0] =	vst.idx.msk $0xffff, v16;
	v3 =	vmov v22  }
0x293: {  	v16 =	vld.idx.msk [tilespmem:v25+s2+$0x0], $0xffff;
	[tilespmem:v5+s7+$0x0] =	vst.idx.msk $0xffff, v14;
	v5 =	vmov v29  }
0x294: {  	v14 =	vld.idx.msk [tilespmem:v26+s2+$0x0], $0xffff;
	[tilespmem:v6+s7+$0x0] =	vst.idx.msk $0xffff, v15;
	v6 =	vmov v30  }
0x295: {  	v15 =	vld.idx.msk [tilespmem:v27+s2+$0x0], $0xffff;
	[tilespmem:v4+s7+$0x0] =	vst.idx.msk $0xffff, v17;
	v4 =	vmov v31  }
0x296: {  	v17 =	vld.idx.msk [tilespmem:v28+s2+$0x0], $0xffff;
	[tilespmem:v9+s7+$0x0] =	vst.idx.msk $0xffff, v19;
	v9 =	vmov v33  }
0x297: {  	v13 =	vadd.s32 v1, v13;
	v19 =	vld.idx.msk [tilespmem:v12+s2+$0x0], $0xffff;
	[tilespmem:v10+s7+$0x0] =	vst.idx.msk $0xffff, v18;
	v10 =	vmov v34  }
0x298: {  	v22 =	vadd.s32 v1, v37;
	v18 =	vld.idx.msk [tilespmem:v11+s2+$0x0], $0xffff;
	[tilespmem:v7+s7+$0x0] =	vst.idx.msk $0xffff, v21;
	v7 =	vmov v35  }
0x299: {  	v16 =	vadd.s32 v1, v16;
	v21 =	vld.idx.msk [tilespmem:v3+s2+$0x0], $0xffff;
	[tilespmem:v8+s7+$0x0] =	vst.idx.msk $0xffff, v20;
	v8 =	vmov v36  }
0x29a: {  	v14 =	vadd.s32 v1, v14;
	v20 =	vld.idx.msk [tilespmem:v29+s2+$0x0], $0xffff;
	[tilespmem:v2+s7+$0x0] =	vst.idx.msk $0xffff, v32;
	v2 =	vmov v24  }
0x29b: {  	v15 =	vadd.s32 v1, v15;
	v24 =	vld.idx.msk [tilespmem:v30+s2+$0x0], $0xffff  }
0x29c: {  	v17 =	vadd.s32 v1, v17;
	v29 =	vld.idx.msk [tilespmem:v31+s2+$0x0], $0xffff  }
0x29d: {  	v19 =	vadd.s32 v1, v19;
	v22 =	vld.idx.msk [tilespmem:v22+s0+$0x0], $0xffff  }
0x29e: {  	v18 =	vadd.s32 v1, v18;
	v30 =	vld.idx.msk [tilespmem:v33+s2+$0x0], $0xffff  }
0x29f: {  	v31 =	vadd.s32 v1, v21;
	v21 =	vld.idx.msk [tilespmem:v34+s2+$0x0], $0xffff  }
0x2a0: {  	v32 =	vadd.s32 v1, v20;
	v20 =	vld.idx.msk [tilespmem:v35+s2+$0x0], $0xffff  }
0x2a1: {  	v24 =	vadd.s32 v1, v24;
	v33 =	vld.idx.msk [tilespmem:v36+s2+$0x0], $0xffff  }
0x2a2: {  	v29 =	vadd.s32 v1, v29;
	v16 =	vld.idx.msk [tilespmem:v16+s0+$0x0], $0xffff  }
0x2a3: {  	v14 =	vld.idx.msk [tilespmem:v14+s0+$0x0], $0xffff;
	[tilespmem:v23+s7+$0x0] =	vst.idx.msk $0xffff, v22  }
0x2a4: {  	v23 =	vadd.s32 v1, v30;
	v15 =	vld.idx.msk [tilespmem:v15+s0+$0x0], $0xffff  }
0x2a5: {  	v22 =	vadd.s32 v1, v21;
	v17 =	vld.idx.msk [tilespmem:v17+s0+$0x0], $0xffff  }
0x2a6: {  	v21 =	vadd.s32 v1, v20;
	v19 =	vld.idx.msk [tilespmem:v19+s0+$0x0], $0xffff  }
.Ltmp5:
0x2a7: {  	v20 =	vadd.s32 v1, v33;
	v18 =	vld.idx.msk [tilespmem:v18+s0+$0x0], $0xffff;
	(pc) =	sbr.rel @p0 .LBB2_12-.Ltmp5, $4  }
0x2a8: {  	[tilespmem:v25+s7+$0x0] =	vst.idx.msk $0xffff, v16;
	v16 =	vld.idx.msk [tilespmem:v31+s0+$0x0], $0xffff  }
0x2a9: {  	[tilespmem:v26+s7+$0x0] =	vst.idx.msk $0xffff, v14;
	v14 =	vld.idx.msk [tilespmem:v32+s0+$0x0], $0xffff  }
0x2aa: {  	[tilespmem:v27+s7+$0x0] =	vst.idx.msk $0xffff, v15;
	v15 =	vld.idx.msk [tilespmem:v24+s0+$0x0], $0xffff  }
0x2ab: {  	s12 =	sshll.u32 s11, $0x4;
	s11 =	sadd.s32 $0x10, s11;
	[tilespmem:v28+s7+$0x0] =	vst.idx.msk $0xffff, v17;
	v17 =	vld.idx.msk [tilespmem:v29+s0+$0x0], $0xffff  }
0x2ac: {  	_ =	sdelay $0x3  }
0x2ad: {  	v24 =	vor.u32 s12, v0;
	s11 =	sadd.s32 $0xF0, s12;
	v23 =	vld.idx.msk [tilespmem:v23+s0+$0x0], $0xffff  }
0x2ae: {  	s13 =	sadd.s32 $0x10, s12;
	v22 =	vld.idx.msk [tilespmem:v22+s0+$0x0], $0xffff;
	v25 =	vor.u32 s11, v0  }
0x2af: {  	s14 =	sadd.s32 $0x20, s12;
	v21 =	vld.idx.msk [tilespmem:v21+s0+$0x0], $0xffff;
	v26 =	vor.u32 s13, v0  }
0x2b0: {  	s15 =	sadd.s32 $0x30, s12;
	v20 =	vld.idx.msk [tilespmem:v20+s0+$0x0], $0xffff;
	v27 =	vor.u32 s14, v0  }
0x2b1: {  	s16 =	sadd.s32 $0x40, s12;
	v13 =	vld.idx.msk [tilespmem:v13+s0+$0x0], $0xffff;
	v28 =	vor.u32 s15, v0  }
0x2b2: {  	v29 =	vor.u32 s16, v0;
	s14 =	sadd.s32 $0x50, s12;
	v30 =	vld.idx.msk [tilespmem:v24+s2+$0x0], $0xffff  }
0x2b3: {  	s15 =	sadd.s32 $0x60, s12;
	v31 =	vor.u32 s14, v0;
	v32 =	vld.idx.msk [tilespmem:v25+s2+$0x0], $0xffff  }
0x2b4: {  	s16 =	sadd.s32 $0x70, s12;
	v33 =	vor.u32 s15, v0;
	v34 =	vld.idx.msk [tilespmem:v26+s2+$0x0], $0xffff  }
0x2b5: {  	s13 =	sadd.s32 $0xB0, s12;
	v35 =	vor.u32 s16, v0;
	v36 =	vld.idx.msk [tilespmem:v27+s2+$0x0], $0xffff  }
0x2b6: {  	s14 =	sadd.s32 $0x80, s12;
	v44 =	vor.u32 s13, v0;
	v38 =	vld.idx.msk [tilespmem:v28+s2+$0x0], $0xffff  }
0x2b7: {  	s15 =	sadd.s32 $0x90, s12;
	v37 =	vor.u32 s14, v0;
	v40 =	vld.idx.msk [tilespmem:v29+s2+$0x0], $0xffff  }
0x2b8: {  	s16 =	sadd.s32 $0xA0, s12;
	v39 =	vor.u32 s15, v0;
	v42 =	vld.idx.msk [tilespmem:v31+s2+$0x0], $0xffff  }
0x2b9: {  	v41 =	vor.u32 s16, v0;
	s14 =	sadd.s32 $0xC0, s12;
	v43 =	vld.idx.msk [tilespmem:v33+s2+$0x0], $0xffff  }
0x2ba: {  	[tilespmem:v12+s7+$0x0] =	vst.idx.msk $0xffff, v19;
	s15 =	sadd.s32 $0xD0, s12;
	v46 =	vor.u32 s14, v0;
	v45 =	vld.idx.msk [tilespmem:v35+s2+$0x0], $0xffff  }
0x2bb: {  	[tilespmem:v5+s7+$0x0] =	vst.idx.msk $0xffff, v14;
	s16 =	sadd.s32 $0xE0, s12;
	v12 =	vor.u32 s15, v0;
	v14 =	vld.idx.msk [tilespmem:v44+s2+$0x0], $0xffff  }
0x2bc: {  	[tilespmem:v11+s7+$0x0] =	vst.idx.msk $0xffff, v18;
	v11 =	vor.u32 s16, v0;
	v47 =	vld.idx.msk [tilespmem:v37+s2+$0x0], $0xffff  }
0x2bd: {  	v19 =	vld.idx.msk [tilespmem:v39+s2+$0x0], $0xffff;
	v32 =	vadd.s32 v1, v32  }
0x2be: {  	[tilespmem:v3+s7+$0x0] =	vst.idx.msk $0xffff, v16;
	v18 =	vld.idx.msk [tilespmem:v41+s2+$0x0], $0xffff;
	v3 =	vadd.s32 v1, v34  }
0x2bf: {  	[tilespmem:v6+s7+$0x0] =	vst.idx.msk $0xffff, v15;
	v15 =	vld.idx.msk [tilespmem:v46+s2+$0x0], $0xffff;
	v5 =	vadd.s32 v1, v36  }
0x2c0: {  	[tilespmem:v4+s7+$0x0] =	vst.idx.msk $0xffff, v17;
	v17 =	vld.idx.msk [tilespmem:v12+s2+$0x0], $0xffff;
	v6 =	vadd.s32 v1, v38  }
0x2c1: {  	[tilespmem:v9+s7+$0x0] =	vst.idx.msk $0xffff, v23;
	v23 =	vld.idx.msk [tilespmem:v11+s2+$0x0], $0xffff;
	v4 =	vadd.s32 v1, v40  }
0x2c2: {  	v9 =	vadd.s32 v1, v42;
	v16 =	vld.idx.msk [tilespmem:v32+s0+$0x0], $0xffff  }
0x2c3: {  	[tilespmem:v10+s7+$0x0] =	vst.idx.msk $0xffff, v22;
	v10 =	vadd.s32 v1, v43;
	v3 =	vld.idx.msk [tilespmem:v3+s0+$0x0], $0xffff  }
0x2c4: {  	[tilespmem:v7+s7+$0x0] =	vst.idx.msk $0xffff, v21;
	v7 =	vadd.s32 v1, v45;
	v5 =	vld.idx.msk [tilespmem:v5+s0+$0x0], $0xffff  }
0x2c5: {  	[tilespmem:v8+s7+$0x0] =	vst.idx.msk $0xffff, v20;
	v8 =	vadd.s32 v1, v47;
	v6 =	vld.idx.msk [tilespmem:v6+s0+$0x0], $0xffff  }
0x2c6: {  	[tilespmem:v2+s7+$0x0] =	vst.idx.msk $0xffff, v13;
	v2 =	vadd.s32 v1, v19;
	v4 =	vld.idx.msk [tilespmem:v4+s0+$0x0], $0xffff  }
0x2c7: {  	v13 =	vadd.s32 v1, v18;
	v9 =	vld.idx.msk [tilespmem:v9+s0+$0x0], $0xffff;
	[tilespmem:v25+s7+$0x0] =	vst.idx.msk $0xffff, v16  }
0x2c8: {  	v14 =	vadd.s32 v1, v14;
	v10 =	vld.idx.msk [tilespmem:v10+s0+$0x0], $0xffff;
	[tilespmem:v26+s7+$0x0] =	vst.idx.msk $0xffff, v3  }
0x2c9: {  	v7 =	vld.idx.msk [tilespmem:v7+s0+$0x0], $0xffff;
	v3 =	vadd.s32 v1, v15;
	[tilespmem:v27+s7+$0x0] =	vst.idx.msk $0xffff, v5  }
0x2ca: {  	v8 =	vld.idx.msk [tilespmem:v8+s0+$0x0], $0xffff;
	v5 =	vadd.s32 v1, v17;
	[tilespmem:v28+s7+$0x0] =	vst.idx.msk $0xffff, v6  }
0x2cb: {  	v2 =	vld.idx.msk [tilespmem:v2+s0+$0x0], $0xffff;
	v6 =	vadd.s32 v1, v23;
	[tilespmem:v29+s7+$0x0] =	vst.idx.msk $0xffff, v4  }
0x2cc: {  	v13 =	vld.idx.msk [tilespmem:v13+s0+$0x0], $0xffff;
	v4 =	vadd.s32 v1, v30;
	[tilespmem:v31+s7+$0x0] =	vst.idx.msk $0xffff, v9  }
0x2cd: {  	v9 =	vld.idx.msk [tilespmem:v14+s0+$0x0], $0xffff;
	[tilespmem:v33+s7+$0x0] =	vst.idx.msk $0xffff, v10  }
0x2ce: {  	[tilespmem:v35+s7+$0x0] =	vst.idx.msk $0xffff, v7;
	v3 =	vld.idx.msk [tilespmem:v3+s0+$0x0], $0xffff  }
0x2cf: {  	[tilespmem:v37+s7+$0x0] =	vst.idx.msk $0xffff, v8;
	v5 =	vld.idx.msk [tilespmem:v5+s0+$0x0], $0xffff  }
0x2d0: {  	[tilespmem:v39+s7+$0x0] =	vst.idx.msk $0xffff, v2;
	v6 =	vld.idx.msk [tilespmem:v6+s0+$0x0], $0xffff  }
0x2d1: {  	[tilespmem:v41+s7+$0x0] =	vst.idx.msk $0xffff, v13;
	v2 =	vld.idx.msk [tilespmem:v4+s0+$0x0], $0xffff  }
0x2d2: {  	[tilespmem:v44+s7+$0x0] =	vst.idx.msk $0xffff, v9  }
0x2d3: {  	[tilespmem:v46+s7+$0x0] =	vst.idx.msk $0xffff, v3  }
0x2d4: {  	[tilespmem:v12+s7+$0x0] =	vst.idx.msk $0xffff, v5  }
0x2d5: {  	[tilespmem:v11+s7+$0x0] =	vst.idx.msk $0xffff, v6  }
0x2d6: {  	[tilespmem:v24+s7+$0x0] =	vst.idx.msk $0xffff, v2  }
0x2d7: {  	[hbm4b:s22+s30] =	stream.strided.scatter [tilespmem:s7], [sflag:$0x3], $0x4000, s31, s30, $0x38;
	[tilespmem:$0x18080] =	vst v63  }
0x2d8: {  	s12 =	simm.s32 $0x0;
	s13 =	rddreg [dreg:$0xe]  }
0x2d9: {  	[tilespmem:s0], [sflag:$0x1] =	stream.linear.gather [hbm4b:s13+s12], $0x4000, $0x38;
	[tilespmem:$0x18080] =	vst v63  }
0x2da: {  	_ = 	snop  }
0x2db: {  	[tilespmem:s2], [sflag:$0x2] =	stream.strided.gather [hbm4b:s24+s30], $0x4000, s31, s30, $0x38;
	[tilespmem:$0x18080] =	vst v63  }
0x2dc: {  	_ =	swait.ge [sflag:s3], $0x4000  }
0x2dd: {  	[sflag:s3] =	ssyncset.done $0x0  }
0x2de: {  	[sflag:s3] =	ssyncadd.s32 $0xFFFFC000  }
0x2df: {  	s14 =	simm.s32 $0x0;
	_ =	swait.ge [sflag:s4], $0x4000  }
0x2e0: {  	s15 =	simm.s32 $0xF0;
	v2 =	vor.u32 s14, v0;
	[sflag:s4] =	ssyncset.done $0x0  }
0x2e1: {  	s16 =	simm.s32 $0x10;
	v13 =	vor.u32 s15, v0;
	[sflag:s4] =	ssyncadd.s32 $0xFFFFC000  }
0x2e2: {  	v14 =	vor.u32 s16, v0;
	s12 =	simm.s32 $0x20;
	_ =	swait.ge [sflag:s8], $0x4000  }
0x2e3: {  	s13 =	simm.s32 $0x30;
	v15 =	vor.u32 s12, v0;
	[sflag:s8] =	ssyncset.done $0x0  }
0x2e4: {  	s14 =	simm.s32 $0x40;
	v17 =	vor.u32 s13, v0;
	[sflag:s8] =	ssyncadd.s32 $0xFFFFC000  }
0x2e5: {  	s15 =	simm.s32 $0x50;
	v51 =	vor.u32 s14, v0;
	v20 =	vld.idx.msk [tilespmem:v2+s20+$0x0], $0xffff  }
0x2e6: {  	s16 =	simm.s32 $0x60;
	v12 =	vor.u32 s15, v0;
	v7 =	vld.idx.msk [tilespmem:v13+s20+$0x0], $0xffff  }
0x2e7: {  	v11 =	vor.u32 s16, v0;
	s13 =	simm.s32 $0x70;
	v16 =	vld.idx.msk [tilespmem:v14+s20+$0x0], $0xffff  }
0x2e8: {  	s14 =	simm.s32 $0x80;
	v3 =	vor.u32 s13, v0;
	v18 =	vld.idx.msk [tilespmem:v15+s20+$0x0], $0xffff  }
0x2e9: {  	s15 =	simm.s32 $0x90;
	v5 =	vor.u32 s14, v0;
	v19 =	vld.idx.msk [tilespmem:v17+s20+$0x0], $0xffff  }
0x2ea: {  	s16 =	simm.s32 $0xA0;
	v6 =	vor.u32 s15, v0;
	v21 =	vld.idx.msk [tilespmem:v51+s20+$0x0], $0xffff  }
0x2eb: {  	v4 =	vor.u32 s16, v0;
	s13 =	simm.s32 $0xB0;
	v22 =	vld.idx.msk [tilespmem:v12+s20+$0x0], $0xffff  }
0x2ec: {  	s14 =	simm.s32 $0xC0;
	v9 =	vor.u32 s13, v0;
	v23 =	vld.idx.msk [tilespmem:v11+s20+$0x0], $0xffff  }
0x2ed: {  	s16 =	simm.s32 $0xE0;
	v10 =	vor.u32 s14, v0;
	v53 =	vld.idx.msk [tilespmem:v3+s20+$0x0], $0xffff  }
0x2ee: {  	v8 =	vor.u32 s16, v0;
	v54 =	vld.idx.msk [tilespmem:v5+s20+$0x0], $0xffff  }
0x2ef: {  	s15 =	simm.s32 $0xD0;
	v55 =	vld.idx.msk [tilespmem:v6+s20+$0x0], $0xffff;
	v52 =	vadd.s32 v1, v7  }
0x2f0: {  	v56 =	vld.idx.msk [tilespmem:v4+s20+$0x0], $0xffff;
	v7 =	vor.u32 s15, v0  }
0x2f1: {  	v57 =	vld.idx.msk [tilespmem:v9+s20+$0x0], $0xffff;
	v16 =	vadd.s32 v1, v16  }
0x2f2: {  	v58 =	vld.idx.msk [tilespmem:v10+s20+$0x0], $0xffff;
	v18 =	vadd.s32 v1, v18  }
0x2f3: {  	v60 =	vld.idx.msk [tilespmem:v8+s20+$0x0], $0xffff;
	v19 =	vadd.s32 v1, v19  }
0x2f4: {  	v21 =	vadd.s32 v1, v21;
	v25 =	vld.idx.msk [tilespmem:v52+s1+$0x0], $0xffff  }
0x2f5: {  	v22 =	vadd.s32 v1, v22;
	v59 =	vld.idx.msk [tilespmem:v7+s20+$0x0], $0xffff  }
0x2f6: {  	v23 =	vadd.s32 v1, v23;
	v16 =	vld.idx.msk [tilespmem:v16+s1+$0x0], $0xffff  }
0x2f7: {  	v26 =	vadd.s32 v1, v53;
	v61 =	vld.idx.msk [tilespmem:v18+s1+$0x0], $0xffff  }
0x2f8: {  	v27 =	vadd.s32 v1, v54;
	v62 =	vld.idx.msk [tilespmem:v19+s1+$0x0], $0xffff  }
0x2f9: {  	v28 =	vadd.s32 v1, v55;
	v63 =	vld.idx.msk [tilespmem:v21+s1+$0x0], $0xffff  }
0x2fa: {  	v29 =	vadd.s32 v1, v56;
	v19 =	vld.idx.msk [tilespmem:v22+s1+$0x0], $0xffff  }
0x2fb: {  	v18 =	vld.idx.msk [tilespmem:v23+s1+$0x0], $0xffff;
	v23 =	vadd.s32 v1, v57;
	[tilespmem:v13+s5+$0x0] =	vst.idx.msk $0xffff, v25  }
0x2fc: {  	v22 =	vadd.s32 v1, v58;
	[tilespmem:v14+s5+$0x0] =	vst.idx.msk $0xffff, v16;
	v16 =	vld.idx.msk [tilespmem:v26+s1+$0x0], $0xffff  }
0x2fd: {  	[tilespmem:v15+s5+$0x0] =	vst.idx.msk $0xffff, v61;
	v14 =	vld.idx.msk [tilespmem:v27+s1+$0x0], $0xffff;
	v21 =	vadd.s32 v1, v59  }
0x2fe: {  	v13 =	vadd.s32 v1, v20;
	[tilespmem:v17+s5+$0x0] =	vst.idx.msk $0xffff, v62;
	v15 =	vld.idx.msk [tilespmem:v28+s1+$0x0], $0xffff;
	v20 =	vadd.s32 v1, v60  }
0x2ff: {  	s11 =	simm.s32 $0x20;
	s12 =	simm.s32 $0x100;
	[tilespmem:v51+s5+$0x0] =	vst.idx.msk $0xffff, v63;
	v17 =	vld.idx.msk [tilespmem:v29+s1+$0x0], $0xffff  }
.LBB2_14:
0x300: {  	p0 =	slt.u32 s11, $0x3F0;
	v24 =	vor.u32 s12, v0;
	s13 =	sadd.s32 $0x10, s12;
	s14 =	sadd.s32 $0xF0, s12;
	[tilespmem:v12+s5+$0x0] =	vst.idx.msk $0xffff, v19;
	v19 =	vld.idx.msk [tilespmem:v23+s1+$0x0], $0xffff  }
0x301: {  	s15 =	sadd.s32 $0x30, s12;
	s16 =	sadd.s32 $0x40, s12;
	v25 =	vor.u32 s13, v0;
	s13 =	sadd.s32 $0x20, s12;
	v23 =	vor.u32 s14, v0;
	[tilespmem:v11+s5+$0x0] =	vst.idx.msk $0xffff, v18;
	v18 =	vld.idx.msk [tilespmem:v22+s1+$0x0], $0xffff  }
0x302: {  	v27 =	vor.u32 s15, v0;
	v28 =	vor.u32 s16, v0;
	s14 =	sadd.s32 $0x60, s12;
	s15 =	sadd.s32 $0x70, s12;
	v26 =	vor.u32 s13, v0;
	s13 =	sadd.s32 $0x50, s12;
	v21 =	vld.idx.msk [tilespmem:v21+s1+$0x0], $0xffff  }
0x303: {  	v11 =	vor.u32 s14, v0;
	v22 =	vor.u32 s15, v0;
	s14 =	sadd.s32 $0x90, s12;
	s15 =	sadd.s32 $0xA0, s12;
	v12 =	vor.u32 s13, v0;
	s13 =	sadd.s32 $0x80, s12;
	v20 =	vld.idx.msk [tilespmem:v20+s1+$0x0], $0xffff  }
0x304: {  	v30 =	vor.u32 s14, v0;
	v31 =	vor.u32 s15, v0;
	s14 =	sadd.s32 $0xC0, s12;
	s15 =	sadd.s32 $0xD0, s12;
	v29 =	vor.u32 s13, v0;
	s13 =	sadd.s32 $0xB0, s12;
	v32 =	vld.idx.msk [tilespmem:v13+s1+$0x0], $0xffff  }
0x305: {  	v34 =	vor.u32 s14, v0;
	v35 =	vor.u32 s15, v0;
	s12 =	sadd.s32 $0xE0, s12;
	v13 =	vld.idx.msk [tilespmem:v24+s20+$0x0], $0xffff;
	v33 =	vor.u32 s13, v0  }
0x306: {  	v36 =	vor.u32 s12, v0;
	v37 =	vld.idx.msk [tilespmem:v23+s20+$0x0], $0xffff;
	[tilespmem:v3+s5+$0x0] =	vst.idx.msk $0xffff, v16;
	v3 =	vmov v22  }
0x307: {  	v16 =	vld.idx.msk [tilespmem:v25+s20+$0x0], $0xffff;
	[tilespmem:v5+s5+$0x0] =	vst.idx.msk $0xffff, v14;
	v5 =	vmov v29  }
0x308: {  	v14 =	vld.idx.msk [tilespmem:v26+s20+$0x0], $0xffff;
	[tilespmem:v6+s5+$0x0] =	vst.idx.msk $0xffff, v15;
	v6 =	vmov v30  }
0x309: {  	v15 =	vld.idx.msk [tilespmem:v27+s20+$0x0], $0xffff;
	[tilespmem:v4+s5+$0x0] =	vst.idx.msk $0xffff, v17;
	v4 =	vmov v31  }
0x30a: {  	v17 =	vld.idx.msk [tilespmem:v28+s20+$0x0], $0xffff;
	[tilespmem:v9+s5+$0x0] =	vst.idx.msk $0xffff, v19;
	v9 =	vmov v33  }
0x30b: {  	v13 =	vadd.s32 v1, v13;
	v19 =	vld.idx.msk [tilespmem:v12+s20+$0x0], $0xffff;
	[tilespmem:v10+s5+$0x0] =	vst.idx.msk $0xffff, v18;
	v10 =	vmov v34  }
0x30c: {  	v22 =	vadd.s32 v1, v37;
	v18 =	vld.idx.msk [tilespmem:v11+s20+$0x0], $0xffff;
	[tilespmem:v7+s5+$0x0] =	vst.idx.msk $0xffff, v21;
	v7 =	vmov v35  }
0x30d: {  	v16 =	vadd.s32 v1, v16;
	v21 =	vld.idx.msk [tilespmem:v3+s20+$0x0], $0xffff;
	[tilespmem:v8+s5+$0x0] =	vst.idx.msk $0xffff, v20;
	v8 =	vmov v36  }
0x30e: {  	v14 =	vadd.s32 v1, v14;
	v20 =	vld.idx.msk [tilespmem:v29+s20+$0x0], $0xffff;
	[tilespmem:v2+s5+$0x0] =	vst.idx.msk $0xffff, v32;
	v2 =	vmov v24  }
0x30f: {  	v15 =	vadd.s32 v1, v15;
	v24 =	vld.idx.msk [tilespmem:v30+s20+$0x0], $0xffff  }
0x310: {  	v17 =	vadd.s32 v1, v17;
	v29 =	vld.idx.msk [tilespmem:v31+s20+$0x0], $0xffff  }
0x311: {  	v19 =	vadd.s32 v1, v19;
	v22 =	vld.idx.msk [tilespmem:v22+s1+$0x0], $0xffff  }
0x312: {  	v18 =	vadd.s32 v1, v18;
	v30 =	vld.idx.msk [tilespmem:v33+s20+$0x0], $0xffff  }
0x313: {  	v31 =	vadd.s32 v1, v21;
	v21 =	vld.idx.msk [tilespmem:v34+s20+$0x0], $0xffff  }
0x314: {  	v32 =	vadd.s32 v1, v20;
	v20 =	vld.idx.msk [tilespmem:v35+s20+$0x0], $0xffff  }
0x315: {  	v24 =	vadd.s32 v1, v24;
	v33 =	vld.idx.msk [tilespmem:v36+s20+$0x0], $0xffff  }
0x316: {  	v29 =	vadd.s32 v1, v29;
	v16 =	vld.idx.msk [tilespmem:v16+s1+$0x0], $0xffff  }
0x317: {  	v14 =	vld.idx.msk [tilespmem:v14+s1+$0x0], $0xffff;
	[tilespmem:v23+s5+$0x0] =	vst.idx.msk $0xffff, v22  }
0x318: {  	v23 =	vadd.s32 v1, v30;
	v15 =	vld.idx.msk [tilespmem:v15+s1+$0x0], $0xffff  }
0x319: {  	v22 =	vadd.s32 v1, v21;
	v17 =	vld.idx.msk [tilespmem:v17+s1+$0x0], $0xffff  }
0x31a: {  	v21 =	vadd.s32 v1, v20;
	v19 =	vld.idx.msk [tilespmem:v19+s1+$0x0], $0xffff  }
.Ltmp6:
0x31b: {  	v20 =	vadd.s32 v1, v33;
	v18 =	vld.idx.msk [tilespmem:v18+s1+$0x0], $0xffff;
	(pc) =	sbr.rel @p0 .LBB2_14-.Ltmp6, $4  }
0x31c: {  	[tilespmem:v25+s5+$0x0] =	vst.idx.msk $0xffff, v16;
	v16 =	vld.idx.msk [tilespmem:v31+s1+$0x0], $0xffff  }
0x31d: {  	[tilespmem:v26+s5+$0x0] =	vst.idx.msk $0xffff, v14;
	v14 =	vld.idx.msk [tilespmem:v32+s1+$0x0], $0xffff  }
0x31e: {  	[tilespmem:v27+s5+$0x0] =	vst.idx.msk $0xffff, v15;
	v15 =	vld.idx.msk [tilespmem:v24+s1+$0x0], $0xffff  }
0x31f: {  	s12 =	sshll.u32 s11, $0x4;
	s11 =	sadd.s32 $0x10, s11;
	[tilespmem:v28+s5+$0x0] =	vst.idx.msk $0xffff, v17;
	v17 =	vld.idx.msk [tilespmem:v29+s1+$0x0], $0xffff  }
0x320: {  	_ =	sdelay $0x3  }
0x321: {  	v24 =	vor.u32 s12, v0;
	s11 =	sadd.s32 $0xF0, s12;
	v23 =	vld.idx.msk [tilespmem:v23+s1+$0x0], $0xffff  }
0x322: {  	s13 =	sadd.s32 $0x10, s12;
	v22 =	vld.idx.msk [tilespmem:v22+s1+$0x0], $0xffff;
	v25 =	vor.u32 s11, v0  }
0x323: {  	s14 =	sadd.s32 $0x20, s12;
	v21 =	vld.idx.msk [tilespmem:v21+s1+$0x0], $0xffff;
	v26 =	vor.u32 s13, v0  }
0x324: {  	s15 =	sadd.s32 $0x30, s12;
	v20 =	vld.idx.msk [tilespmem:v20+s1+$0x0], $0xffff;
	v27 =	vor.u32 s14, v0  }
0x325: {  	s16 =	sadd.s32 $0x40, s12;
	v13 =	vld.idx.msk [tilespmem:v13+s1+$0x0], $0xffff;
	v28 =	vor.u32 s15, v0  }
0x326: {  	v29 =	vor.u32 s16, v0;
	s14 =	sadd.s32 $0x50, s12;
	v30 =	vld.idx.msk [tilespmem:v24+s20+$0x0], $0xffff  }
0x327: {  	s15 =	sadd.s32 $0x60, s12;
	v31 =	vor.u32 s14, v0;
	v32 =	vld.idx.msk [tilespmem:v25+s20+$0x0], $0xffff  }
0x328: {  	s16 =	sadd.s32 $0x70, s12;
	v33 =	vor.u32 s15, v0;
	v34 =	vld.idx.msk [tilespmem:v26+s20+$0x0], $0xffff  }
0x329: {  	s13 =	sadd.s32 $0xE0, s12;
	v35 =	vor.u32 s16, v0;
	v36 =	vld.idx.msk [tilespmem:v27+s20+$0x0], $0xffff  }
0x32a: {  	[tilespmem:v11+s5+$0x0] =	vst.idx.msk $0xffff, v18;
	s14 =	sadd.s32 $0x80, s12;
	v11 =	vor.u32 s13, v0;
	v38 =	vld.idx.msk [tilespmem:v28+s20+$0x0], $0xffff  }
0x32b: {  	s15 =	sadd.s32 $0x90, s12;
	v37 =	vor.u32 s14, v0;
	v40 =	vld.idx.msk [tilespmem:v29+s20+$0x0], $0xffff  }
0x32c: {  	s16 =	sadd.s32 $0xA0, s12;
	v39 =	vor.u32 s15, v0;
	v42 =	vld.idx.msk [tilespmem:v31+s20+$0x0], $0xffff  }
0x32d: {  	v41 =	vor.u32 s16, v0;
	s14 =	sadd.s32 $0xB0, s12;
	v43 =	vld.idx.msk [tilespmem:v33+s20+$0x0], $0xffff  }
0x32e: {  	s15 =	sadd.s32 $0xC0, s12;
	v44 =	vor.u32 s14, v0;
	v45 =	vld.idx.msk [tilespmem:v35+s20+$0x0], $0xffff  }
0x32f: {  	s16 =	sadd.s32 $0xD0, s12;
	v46 =	vor.u32 s15, v0;
	[tilespmem:v9+s5+$0x0] =	vst.idx.msk $0xffff, v23;
	v23 =	vld.idx.msk [tilespmem:v11+s20+$0x0], $0xffff  }
0x330: {  	[tilespmem:v12+s5+$0x0] =	vst.idx.msk $0xffff, v19;
	v12 =	vor.u32 s16, v0;
	v47 =	vld.idx.msk [tilespmem:v37+s20+$0x0], $0xffff  }
0x331: {  	v19 =	vld.idx.msk [tilespmem:v39+s20+$0x0], $0xffff;
	v32 =	vadd.s32 v1, v32  }
0x332: {  	[tilespmem:v3+s5+$0x0] =	vst.idx.msk $0xffff, v16;
	v18 =	vld.idx.msk [tilespmem:v41+s20+$0x0], $0xffff;
	v3 =	vadd.s32 v1, v34  }
0x333: {  	[tilespmem:v5+s5+$0x0] =	vst.idx.msk $0xffff, v14;
	v14 =	vld.idx.msk [tilespmem:v44+s20+$0x0], $0xffff;
	v5 =	vadd.s32 v1, v36  }
0x334: {  	[tilespmem:v6+s5+$0x0] =	vst.idx.msk $0xffff, v15;
	v15 =	vld.idx.msk [tilespmem:v46+s20+$0x0], $0xffff;
	v6 =	vadd.s32 v1, v38  }
0x335: {  	[tilespmem:v4+s5+$0x0] =	vst.idx.msk $0xffff, v17;
	v17 =	vld.idx.msk [tilespmem:v12+s20+$0x0], $0xffff;
	v4 =	vadd.s32 v1, v40  }
0x336: {  	v9 =	vadd.s32 v1, v42;
	v16 =	vld.idx.msk [tilespmem:v32+s1+$0x0], $0xffff  }
0x337: {  	[tilespmem:v10+s5+$0x0] =	vst.idx.msk $0xffff, v22;
	v10 =	vadd.s32 v1, v43;
	v3 =	vld.idx.msk [tilespmem:v3+s1+$0x0], $0xffff  }
0x338: {  	[tilespmem:v7+s5+$0x0] =	vst.idx.msk $0xffff, v21;
	v7 =	vadd.s32 v1, v45;
	v5 =	vld.idx.msk [tilespmem:v5+s1+$0x0], $0xffff  }
0x339: {  	[tilespmem:v8+s5+$0x0] =	vst.idx.msk $0xffff, v20;
	v8 =	vadd.s32 v1, v47;
	v6 =	vld.idx.msk [tilespmem:v6+s1+$0x0], $0xffff  }
0x33a: {  	[tilespmem:v2+s5+$0x0] =	vst.idx.msk $0xffff, v13;
	v2 =	vadd.s32 v1, v19;
	v4 =	vld.idx.msk [tilespmem:v4+s1+$0x0], $0xffff  }
0x33b: {  	v13 =	vadd.s32 v1, v18;
	v9 =	vld.idx.msk [tilespmem:v9+s1+$0x0], $0xffff;
	[tilespmem:v25+s5+$0x0] =	vst.idx.msk $0xffff, v16  }
0x33c: {  	v14 =	vadd.s32 v1, v14;
	v10 =	vld.idx.msk [tilespmem:v10+s1+$0x0], $0xffff;
	[tilespmem:v26+s5+$0x0] =	vst.idx.msk $0xffff, v3  }
0x33d: {  	v7 =	vld.idx.msk [tilespmem:v7+s1+$0x0], $0xffff;
	v3 =	vadd.s32 v1, v15;
	[tilespmem:v27+s5+$0x0] =	vst.idx.msk $0xffff, v5  }
0x33e: {  	v8 =	vld.idx.msk [tilespmem:v8+s1+$0x0], $0xffff;
	v5 =	vadd.s32 v1, v17;
	[tilespmem:v28+s5+$0x0] =	vst.idx.msk $0xffff, v6  }
0x33f: {  	v2 =	vld.idx.msk [tilespmem:v2+s1+$0x0], $0xffff;
	v6 =	vadd.s32 v1, v23;
	[tilespmem:v29+s5+$0x0] =	vst.idx.msk $0xffff, v4  }
0x340: {  	v13 =	vld.idx.msk [tilespmem:v13+s1+$0x0], $0xffff;
	v4 =	vadd.s32 v1, v30;
	[tilespmem:v31+s5+$0x0] =	vst.idx.msk $0xffff, v9  }
0x341: {  	v9 =	vld.idx.msk [tilespmem:v14+s1+$0x0], $0xffff;
	[tilespmem:v33+s5+$0x0] =	vst.idx.msk $0xffff, v10  }
0x342: {  	[tilespmem:v35+s5+$0x0] =	vst.idx.msk $0xffff, v7;
	v3 =	vld.idx.msk [tilespmem:v3+s1+$0x0], $0xffff  }
0x343: {  	[tilespmem:v37+s5+$0x0] =	vst.idx.msk $0xffff, v8;
	v5 =	vld.idx.msk [tilespmem:v5+s1+$0x0], $0xffff  }
0x344: {  	[tilespmem:v39+s5+$0x0] =	vst.idx.msk $0xffff, v2;
	v6 =	vld.idx.msk [tilespmem:v6+s1+$0x0], $0xffff  }
0x345: {  	[tilespmem:v41+s5+$0x0] =	vst.idx.msk $0xffff, v13;
	v2 =	vld.idx.msk [tilespmem:v4+s1+$0x0], $0xffff  }
0x346: {  	[tilespmem:v44+s5+$0x0] =	vst.idx.msk $0xffff, v9  }
0x347: {  	[tilespmem:v46+s5+$0x0] =	vst.idx.msk $0xffff, v3  }
0x348: {  	[tilespmem:v12+s5+$0x0] =	vst.idx.msk $0xffff, v5  }
0x349: {  	[tilespmem:v11+s5+$0x0] =	vst.idx.msk $0xffff, v6  }
0x34a: {  	[tilespmem:v24+s5+$0x0] =	vst.idx.msk $0xffff, v2  }
0x34b: {  	[hbm4b:s25+s30] =	stream.strided.scatter [tilespmem:s5], [sflag:$0x3], $0x4000, s31, s30, $0x38;
	[tilespmem:$0x18080] =	vst v63  }
0x34c: {  	_ =	swait.ge [sflag:s3], $0x4000  }
0x34d: {  	[sflag:s3] =	ssyncset.done $0x0  }
0x34e: {  	[sflag:s3] =	ssyncadd.s32 $0xFFFFC000  }
0x34f: {  	s14 =	simm.s32 $0x0;
	_ =	swait.ge [sflag:s4], $0x4000  }
0x350: {  	s15 =	simm.s32 $0xF0;
	v2 =	vor.u32 s14, v0;
	[sflag:s4] =	ssyncset.done $0x0  }
0x351: {  	s16 =	simm.s32 $0x10;
	v13 =	vor.u32 s15, v0;
	[sflag:s4] =	ssyncadd.s32 $0xFFFFC000  }
0x352: {  	s12 =	simm.s32 $0x20;
	v14 =	vor.u32 s16, v0;
	_ =	swait.ge [sflag:s8], $0x4000  }
0x353: {  	s13 =	simm.s32 $0x30;
	v15 =	vor.u32 s12, v0;
	[sflag:s8] =	ssyncset.done $0x0  }
0x354: {  	v17 =	vor.u32 s13, v0;
	s14 =	simm.s32 $0x40;
	[sflag:s8] =	ssyncadd.s32 $0xFFFFC000  }
0x355: {  	s15 =	simm.s32 $0x50;
	v51 =	vor.u32 s14, v0;
	v20 =	vld.idx.msk [tilespmem:v2+s2+$0x0], $0xffff  }
0x356: {  	s16 =	simm.s32 $0x60;
	v12 =	vor.u32 s15, v0;
	v7 =	vld.idx.msk [tilespmem:v13+s2+$0x0], $0xffff  }
0x357: {  	s13 =	simm.s32 $0x70;
	v11 =	vor.u32 s16, v0;
	v16 =	vld.idx.msk [tilespmem:v14+s2+$0x0], $0xffff  }
0x358: {  	v3 =	vor.u32 s13, v0;
	s14 =	simm.s32 $0x80;
	v18 =	vld.idx.msk [tilespmem:v15+s2+$0x0], $0xffff  }
0x359: {  	s15 =	simm.s32 $0x90;
	v5 =	vor.u32 s14, v0;
	v19 =	vld.idx.msk [tilespmem:v17+s2+$0x0], $0xffff  }
0x35a: {  	s16 =	simm.s32 $0xA0;
	v6 =	vor.u32 s15, v0;
	v21 =	vld.idx.msk [tilespmem:v51+s2+$0x0], $0xffff  }
0x35b: {  	s13 =	simm.s32 $0xB0;
	v4 =	vor.u32 s16, v0;
	v22 =	vld.idx.msk [tilespmem:v12+s2+$0x0], $0xffff  }
0x35c: {  	v9 =	vor.u32 s13, v0;
	s14 =	simm.s32 $0xC0;
	v23 =	vld.idx.msk [tilespmem:v11+s2+$0x0], $0xffff  }
0x35d: {  	s16 =	simm.s32 $0xE0;
	v10 =	vor.u32 s14, v0;
	v53 =	vld.idx.msk [tilespmem:v3+s2+$0x0], $0xffff  }
0x35e: {  	v8 =	vor.u32 s16, v0;
	v54 =	vld.idx.msk [tilespmem:v5+s2+$0x0], $0xffff  }
0x35f: {  	s15 =	simm.s32 $0xD0;
	v55 =	vld.idx.msk [tilespmem:v6+s2+$0x0], $0xffff;
	v52 =	vadd.s32 v1, v7  }
0x360: {  	v56 =	vld.idx.msk [tilespmem:v4+s2+$0x0], $0xffff;
	v7 =	vor.u32 s15, v0  }
0x361: {  	v57 =	vld.idx.msk [tilespmem:v9+s2+$0x0], $0xffff;
	v16 =	vadd.s32 v1, v16  }
0x362: {  	v58 =	vld.idx.msk [tilespmem:v10+s2+$0x0], $0xffff;
	v18 =	vadd.s32 v1, v18  }
0x363: {  	v60 =	vld.idx.msk [tilespmem:v8+s2+$0x0], $0xffff;
	v19 =	vadd.s32 v1, v19  }
0x364: {  	v21 =	vadd.s32 v1, v21;
	v25 =	vld.idx.msk [tilespmem:v52+s0+$0x0], $0xffff  }
0x365: {  	v22 =	vadd.s32 v1, v22;
	v59 =	vld.idx.msk [tilespmem:v7+s2+$0x0], $0xffff  }
0x366: {  	v23 =	vadd.s32 v1, v23;
	v16 =	vld.idx.msk [tilespmem:v16+s0+$0x0], $0xffff  }
0x367: {  	v26 =	vadd.s32 v1, v53;
	v61 =	vld.idx.msk [tilespmem:v18+s0+$0x0], $0xffff  }
0x368: {  	v27 =	vadd.s32 v1, v54;
	v62 =	vld.idx.msk [tilespmem:v19+s0+$0x0], $0xffff  }
0x369: {  	v28 =	vadd.s32 v1, v55;
	v63 =	vld.idx.msk [tilespmem:v21+s0+$0x0], $0xffff  }
0x36a: {  	v29 =	vadd.s32 v1, v56;
	v19 =	vld.idx.msk [tilespmem:v22+s0+$0x0], $0xffff  }
0x36b: {  	v18 =	vld.idx.msk [tilespmem:v23+s0+$0x0], $0xffff;
	v23 =	vadd.s32 v1, v57;
	[tilespmem:v13+s7+$0x0] =	vst.idx.msk $0xffff, v25  }
0x36c: {  	v22 =	vadd.s32 v1, v58;
	[tilespmem:v14+s7+$0x0] =	vst.idx.msk $0xffff, v16;
	v16 =	vld.idx.msk [tilespmem:v26+s0+$0x0], $0xffff  }
0x36d: {  	[tilespmem:v15+s7+$0x0] =	vst.idx.msk $0xffff, v61;
	v14 =	vld.idx.msk [tilespmem:v27+s0+$0x0], $0xffff;
	v21 =	vadd.s32 v1, v59  }
0x36e: {  	v13 =	vadd.s32 v1, v20;
	[tilespmem:v17+s7+$0x0] =	vst.idx.msk $0xffff, v62;
	v15 =	vld.idx.msk [tilespmem:v28+s0+$0x0], $0xffff;
	v20 =	vadd.s32 v1, v60  }
0x36f: {  	s11 =	simm.s32 $0x20;
	s12 =	simm.s32 $0x100;
	[tilespmem:v51+s7+$0x0] =	vst.idx.msk $0xffff, v63;
	v17 =	vld.idx.msk [tilespmem:v29+s0+$0x0], $0xffff  }
.LBB2_16:
0x370: {  	p0 =	slt.u32 s11, $0x3F0;
	v24 =	vor.u32 s12, v0;
	s13 =	sadd.s32 $0x10, s12;
	s14 =	sadd.s32 $0xF0, s12;
	[tilespmem:v12+s7+$0x0] =	vst.idx.msk $0xffff, v19;
	v19 =	vld.idx.msk [tilespmem:v23+s0+$0x0], $0xffff  }
0x371: {  	s15 =	sadd.s32 $0x30, s12;
	s16 =	sadd.s32 $0x40, s12;
	v25 =	vor.u32 s13, v0;
	s13 =	sadd.s32 $0x20, s12;
	v23 =	vor.u32 s14, v0;
	[tilespmem:v11+s7+$0x0] =	vst.idx.msk $0xffff, v18;
	v18 =	vld.idx.msk [tilespmem:v22+s0+$0x0], $0xffff  }
0x372: {  	v27 =	vor.u32 s15, v0;
	v28 =	vor.u32 s16, v0;
	s14 =	sadd.s32 $0x60, s12;
	s15 =	sadd.s32 $0x70, s12;
	v26 =	vor.u32 s13, v0;
	s13 =	sadd.s32 $0x50, s12;
	v21 =	vld.idx.msk [tilespmem:v21+s0+$0x0], $0xffff  }
0x373: {  	v11 =	vor.u32 s14, v0;
	v22 =	vor.u32 s15, v0;
	s14 =	sadd.s32 $0x90, s12;
	s15 =	sadd.s32 $0xA0, s12;
	v12 =	vor.u32 s13, v0;
	s13 =	sadd.s32 $0x80, s12;
	v20 =	vld.idx.msk [tilespmem:v20+s0+$0x0], $0xffff  }
0x374: {  	v30 =	vor.u32 s14, v0;
	v31 =	vor.u32 s15, v0;
	s14 =	sadd.s32 $0xC0, s12;
	s15 =	sadd.s32 $0xD0, s12;
	v29 =	vor.u32 s13, v0;
	s13 =	sadd.s32 $0xB0, s12;
	v32 =	vld.idx.msk [tilespmem:v13+s0+$0x0], $0xffff  }
0x375: {  	v34 =	vor.u32 s14, v0;
	v35 =	vor.u32 s15, v0;
	s12 =	sadd.s32 $0xE0, s12;
	v13 =	vld.idx.msk [tilespmem:v24+s2+$0x0], $0xffff;
	v33 =	vor.u32 s13, v0  }
0x376: {  	v36 =	vor.u32 s12, v0;
	v37 =	vld.idx.msk [tilespmem:v23+s2+$0x0], $0xffff;
	[tilespmem:v3+s7+$0x0] =	vst.idx.msk $0xffff, v16;
	v3 =	vmov v22  }
0x377: {  	v16 =	vld.idx.msk [tilespmem:v25+s2+$0x0], $0xffff;
	[tilespmem:v5+s7+$0x0] =	vst.idx.msk $0xffff, v14;
	v5 =	vmov v29  }
0x378: {  	v14 =	vld.idx.msk [tilespmem:v26+s2+$0x0], $0xffff;
	[tilespmem:v6+s7+$0x0] =	vst.idx.msk $0xffff, v15;
	v6 =	vmov v30  }
0x379: {  	v15 =	vld.idx.msk [tilespmem:v27+s2+$0x0], $0xffff;
	[tilespmem:v4+s7+$0x0] =	vst.idx.msk $0xffff, v17;
	v4 =	vmov v31  }
0x37a: {  	v17 =	vld.idx.msk [tilespmem:v28+s2+$0x0], $0xffff;
	[tilespmem:v9+s7+$0x0] =	vst.idx.msk $0xffff, v19;
	v9 =	vmov v33  }
0x37b: {  	v13 =	vadd.s32 v1, v13;
	v19 =	vld.idx.msk [tilespmem:v12+s2+$0x0], $0xffff;
	[tilespmem:v10+s7+$0x0] =	vst.idx.msk $0xffff, v18;
	v10 =	vmov v34  }
0x37c: {  	v22 =	vadd.s32 v1, v37;
	v18 =	vld.idx.msk [tilespmem:v11+s2+$0x0], $0xffff;
	[tilespmem:v7+s7+$0x0] =	vst.idx.msk $0xffff, v21;
	v7 =	vmov v35  }
0x37d: {  	v16 =	vadd.s32 v1, v16;
	v21 =	vld.idx.msk [tilespmem:v3+s2+$0x0], $0xffff;
	[tilespmem:v8+s7+$0x0] =	vst.idx.msk $0xffff, v20;
	v8 =	vmov v36  }
0x37e: {  	v14 =	vadd.s32 v1, v14;
	v20 =	vld.idx.msk [tilespmem:v29+s2+$0x0], $0xffff;
	[tilespmem:v2+s7+$0x0] =	vst.idx.msk $0xffff, v32;
	v2 =	vmov v24  }
0x37f: {  	v15 =	vadd.s32 v1, v15;
	v24 =	vld.idx.msk [tilespmem:v30+s2+$0x0], $0xffff  }
0x380: {  	v17 =	vadd.s32 v1, v17;
	v29 =	vld.idx.msk [tilespmem:v31+s2+$0x0], $0xffff  }
0x381: {  	v19 =	vadd.s32 v1, v19;
	v22 =	vld.idx.msk [tilespmem:v22+s0+$0x0], $0xffff  }
0x382: {  	v18 =	vadd.s32 v1, v18;
	v30 =	vld.idx.msk [tilespmem:v33+s2+$0x0], $0xffff  }
0x383: {  	v31 =	vadd.s32 v1, v21;
	v21 =	vld.idx.msk [tilespmem:v34+s2+$0x0], $0xffff  }
0x384: {  	v32 =	vadd.s32 v1, v20;
	v20 =	vld.idx.msk [tilespmem:v35+s2+$0x0], $0xffff  }
0x385: {  	v24 =	vadd.s32 v1, v24;
	v33 =	vld.idx.msk [tilespmem:v36+s2+$0x0], $0xffff  }
0x386: {  	v29 =	vadd.s32 v1, v29;
	v16 =	vld.idx.msk [tilespmem:v16+s0+$0x0], $0xffff  }
0x387: {  	v14 =	vld.idx.msk [tilespmem:v14+s0+$0x0], $0xffff;
	[tilespmem:v23+s7+$0x0] =	vst.idx.msk $0xffff, v22  }
0x388: {  	v23 =	vadd.s32 v1, v30;
	v15 =	vld.idx.msk [tilespmem:v15+s0+$0x0], $0xffff  }
0x389: {  	v22 =	vadd.s32 v1, v21;
	v17 =	vld.idx.msk [tilespmem:v17+s0+$0x0], $0xffff  }
0x38a: {  	v21 =	vadd.s32 v1, v20;
	v19 =	vld.idx.msk [tilespmem:v19+s0+$0x0], $0xffff  }
.Ltmp7:
0x38b: {  	v20 =	vadd.s32 v1, v33;
	v18 =	vld.idx.msk [tilespmem:v18+s0+$0x0], $0xffff;
	(pc) =	sbr.rel @p0 .LBB2_16-.Ltmp7, $4  }
0x38c: {  	[tilespmem:v25+s7+$0x0] =	vst.idx.msk $0xffff, v16;
	v16 =	vld.idx.msk [tilespmem:v31+s0+$0x0], $0xffff  }
0x38d: {  	[tilespmem:v26+s7+$0x0] =	vst.idx.msk $0xffff, v14;
	v14 =	vld.idx.msk [tilespmem:v32+s0+$0x0], $0xffff  }
0x38e: {  	[tilespmem:v27+s7+$0x0] =	vst.idx.msk $0xffff, v15;
	v15 =	vld.idx.msk [tilespmem:v24+s0+$0x0], $0xffff  }
0x38f: {  	s12 =	sshll.u32 s11, $0x4;
	s11 =	sadd.s32 $0x10, s11;
	[tilespmem:v28+s7+$0x0] =	vst.idx.msk $0xffff, v17;
	v17 =	vld.idx.msk [tilespmem:v29+s0+$0x0], $0xffff  }
0x390: {  	_ =	sdelay $0x3  }
0x391: {  	v24 =	vor.u32 s12, v0;
	s11 =	sadd.s32 $0xF0, s12;
	v23 =	vld.idx.msk [tilespmem:v23+s0+$0x0], $0xffff  }
0x392: {  	s13 =	sadd.s32 $0x10, s12;
	v22 =	vld.idx.msk [tilespmem:v22+s0+$0x0], $0xffff;
	v25 =	vor.u32 s11, v0  }
0x393: {  	s15 =	sadd.s32 $0x20, s12;
	v21 =	vld.idx.msk [tilespmem:v21+s0+$0x0], $0xffff;
	v26 =	vor.u32 s13, v0  }
0x394: {  	s16 =	sadd.s32 $0x30, s12;
	v20 =	vld.idx.msk [tilespmem:v20+s0+$0x0], $0xffff;
	v27 =	vor.u32 s15, v0  }
0x395: {  	s14 =	sadd.s32 $0x40, s12;
	v13 =	vld.idx.msk [tilespmem:v13+s0+$0x0], $0xffff;
	v28 =	vor.u32 s16, v0  }
0x396: {  	v29 =	vor.u32 s14, v0;
	s15 =	sadd.s32 $0x50, s12;
	v30 =	vld.idx.msk [tilespmem:v24+s2+$0x0], $0xffff  }
0x397: {  	s16 =	sadd.s32 $0x60, s12;
	v31 =	vor.u32 s15, v0;
	v32 =	vld.idx.msk [tilespmem:v25+s2+$0x0], $0xffff  }
0x398: {  	s14 =	sadd.s32 $0x70, s12;
	v33 =	vor.u32 s16, v0;
	v34 =	vld.idx.msk [tilespmem:v26+s2+$0x0], $0xffff  }
0x399: {  	v35 =	vor.u32 s14, v0;
	s15 =	sadd.s32 $0x80, s12;
	v36 =	vld.idx.msk [tilespmem:v27+s2+$0x0], $0xffff  }
0x39a: {  	s16 =	sadd.s32 $0x90, s12;
	v37 =	vor.u32 s15, v0;
	v38 =	vld.idx.msk [tilespmem:v28+s2+$0x0], $0xffff  }
0x39b: {  	s14 =	sadd.s32 $0xA0, s12;
	v39 =	vor.u32 s16, v0;
	v40 =	vld.idx.msk [tilespmem:v29+s2+$0x0], $0xffff  }
0x39c: {  	v41 =	vor.u32 s14, v0;
	s15 =	sadd.s32 $0xB0, s12;
	v42 =	vld.idx.msk [tilespmem:v31+s2+$0x0], $0xffff  }
0x39d: {  	s16 =	sadd.s32 $0xC0, s12;
	v44 =	vor.u32 s15, v0;
	v43 =	vld.idx.msk [tilespmem:v33+s2+$0x0], $0xffff  }
0x39e: {  	s14 =	sadd.s32 $0xD0, s12;
	v46 =	vor.u32 s16, v0;
	v45 =	vld.idx.msk [tilespmem:v35+s2+$0x0], $0xffff  }
0x39f: {  	[tilespmem:v12+s7+$0x0] =	vst.idx.msk $0xffff, v19;
	v12 =	vor.u32 s14, v0;
	s15 =	sadd.s32 $0xE0, s12;
	v47 =	vld.idx.msk [tilespmem:v37+s2+$0x0], $0xffff  }
0x3a0: {  	[tilespmem:v11+s7+$0x0] =	vst.idx.msk $0xffff, v18;
	v11 =	vor.u32 s15, v0;
	v62 =	vld.idx.msk [tilespmem:v39+s2+$0x0], $0xffff  }
0x3a1: {  	v63 =	vld.idx.msk [tilespmem:v41+s2+$0x0], $0xffff;
	v32 =	vadd.s32 v1, v32  }
0x3a2: {  	[tilespmem:v3+s7+$0x0] =	vst.idx.msk $0xffff, v16;
	v49 =	vld.idx.msk [tilespmem:v44+s2+$0x0], $0xffff;
	v3 =	vadd.s32 v1, v34  }
0x3a3: {  	[tilespmem:v5+s7+$0x0] =	vst.idx.msk $0xffff, v14;
	v51 =	vld.idx.msk [tilespmem:v46+s2+$0x0], $0xffff;
	v48 =	vadd.s32 v1, v36  }
0x3a4: {  	[tilespmem:v6+s7+$0x0] =	vst.idx.msk $0xffff, v15;
	v53 =	vld.idx.msk [tilespmem:v12+s2+$0x0], $0xffff;
	v50 =	vadd.s32 v1, v38  }
0x3a5: {  	[tilespmem:v4+s7+$0x0] =	vst.idx.msk $0xffff, v17;
	v55 =	vld.idx.msk [tilespmem:v11+s2+$0x0], $0xffff;
	v52 =	vadd.s32 v1, v40  }
0x3a6: {  	[tilespmem:v9+s7+$0x0] =	vst.idx.msk $0xffff, v23;
	v54 =	vadd.s32 v1, v42;
	v34 =	vld.idx.msk [tilespmem:v32+s0+$0x0], $0xffff  }
0x3a7: {  	[tilespmem:v10+s7+$0x0] =	vst.idx.msk $0xffff, v22;
	v56 =	vadd.s32 v1, v43;
	v3 =	vld.idx.msk [tilespmem:v3+s0+$0x0], $0xffff  }
0x3a8: {  	[tilespmem:v7+s7+$0x0] =	vst.idx.msk $0xffff, v21;
	v57 =	vadd.s32 v1, v45;
	v5 =	vld.idx.msk [tilespmem:v48+s0+$0x0], $0xffff  }
0x3a9: {  	[tilespmem:v8+s7+$0x0] =	vst.idx.msk $0xffff, v20;
	v58 =	vadd.s32 v1, v47;
	v6 =	vld.idx.msk [tilespmem:v50+s0+$0x0], $0xffff  }
0x3aa: {  	[tilespmem:v2+s7+$0x0] =	vst.idx.msk $0xffff, v13;
	v2 =	vadd.s32 v1, v62;
	v4 =	vld.idx.msk [tilespmem:v52+s0+$0x0], $0xffff  }
0x3ab: {  	v59 =	vadd.s32 v1, v63;
	v9 =	vld.idx.msk [tilespmem:v54+s0+$0x0], $0xffff;
	[tilespmem:v25+s7+$0x0] =	vst.idx.msk $0xffff, v34  }
0x3ac: {  	v14 =	vadd.s32 v1, v49;
	v10 =	vld.idx.msk [tilespmem:v56+s0+$0x0], $0xffff;
	[tilespmem:v26+s7+$0x0] =	vst.idx.msk $0xffff, v3  }
0x3ad: {  	v60 =	vadd.s32 v1, v53;
	v7 =	vld.idx.msk [tilespmem:v57+s0+$0x0], $0xffff;
	[tilespmem:v27+s7+$0x0] =	vst.idx.msk $0xffff, v5  }
0x3ae: {  	v61 =	vadd.s32 v1, v55;
	v8 =	vld.idx.msk [tilespmem:v58+s0+$0x0], $0xffff;
	[tilespmem:v28+s7+$0x0] =	vst.idx.msk $0xffff, v6  }
0x3af: {  	v62 =	vadd.s32 v1, v30;
	v2 =	vld.idx.msk [tilespmem:v2+s0+$0x0], $0xffff;
	[tilespmem:v29+s7+$0x0] =	vst.idx.msk $0xffff, v4  }
0x3b0: {  	v13 =	vld.idx.msk [tilespmem:v59+s0+$0x0], $0xffff;
	v3 =	vadd.s32 v1, v51;
	[tilespmem:v31+s7+$0x0] =	vst.idx.msk $0xffff, v9  }
0x3b1: {  	v63 =	vld.idx.msk [tilespmem:v14+s0+$0x0], $0xffff;
	[tilespmem:v33+s7+$0x0] =	vst.idx.msk $0xffff, v10  }
0x3b2: {  	v5 =	vld.idx.msk [tilespmem:v60+s0+$0x0], $0xffff;
	[tilespmem:v35+s7+$0x0] =	vst.idx.msk $0xffff, v7  }
0x3b3: {  	v6 =	vld.idx.msk [tilespmem:v61+s0+$0x0], $0xffff;
	[tilespmem:v37+s7+$0x0] =	vst.idx.msk $0xffff, v8  }
0x3b4: {  	[tilespmem:v39+s7+$0x0] =	vst.idx.msk $0xffff, v2;
	v2 =	vld.idx.msk [tilespmem:v62+s0+$0x0], $0xffff  }
0x3b5: {  	[tilespmem:v41+s7+$0x0] =	vst.idx.msk $0xffff, v13;
	v3 =	vld.idx.msk [tilespmem:v3+s0+$0x0], $0xffff  }
0x3b6: {  	[tilespmem:v44+s7+$0x0] =	vst.idx.msk $0xffff, v63  }
0x3b7: {  	[tilespmem:v12+s7+$0x0] =	vst.idx.msk $0xffff, v5  }
0x3b8: {  	[tilespmem:v11+s7+$0x0] =	vst.idx.msk $0xffff, v6  }
0x3b9: {  	[tilespmem:v24+s7+$0x0] =	vst.idx.msk $0xffff, v2  }
0x3ba: {  	[tilespmem:v46+s7+$0x0] =	vst.idx.msk $0xffff, v3  }
0x3bb: {  	[hbm4b:s26+s30] =	stream.strided.scatter [tilespmem:s7], [sflag:$0x3], $0x4000, s31, s30, $0x38;
	[tilespmem:$0x18080] =	vst v63  }
0x3bc: {  	_ =	swait.ge [sflag:s8], $0x4000  }
0x3bd: {  	[sflag:s8] =	ssyncset.done $0x0  }
0x3be: {  	[sflag:s8] =	ssyncadd.s32 $0xFFFFC000  }
0x3bf: {  	_ =	swait.ge [sflag:s8], $0x4000  }
0x3c0: {  	[sflag:s8] =	ssyncset.done $0x0  }
0x3c1: {  	s16 =	simm.s32 $0x18000;
	[sflag:s8] =	ssyncadd.s32 $0xFFFFC000  }
0x3c2: {  	[tilespmem:s16], [sflag:$0x4] =	stream.linear.gather [hbm4b:s28+s1], $0x80, $0x38;
	[tilespmem:$0x18080] =	vst v63  }
0x3c3: {  	s9 =	sadd.s32 $0x1, s9;
	_ =	swait.ge [sflag:s10], $0x80  }
0x3c4: {  	p0 =	sne.s32 s9, s29;
	[sflag:s10] =	ssyncset.done $0x0  }
.Ltmp8:
0x3c5: {  	[sflag:s10] =	ssyncadd.s32 $0xFFFFFF80;
	(pc) =	sbr.rel @p0 .LBB2_1-.Ltmp8, $4  }
0x3c6: {  	[hbm4b:s6+s1] =	stream.linear.scatter [tilespmem:s16], [sflag:$0x4], $0x80, $0x38;
	[tilespmem:$0x18080] =	vst v63  }
0x3c7: {  	_ =	swait.ge [sflag:s10], $0x80  }
0x3c8: {  	[sflag:s10] =	ssyncset.done $0x0  }
0x3c9: {  	[sflag:s10] =	ssyncadd.s32 $0xFFFFFF80  }
0x3ca: {  	_ =	sfence.sel $0x180000  }
0x3cb: {  	[bflag:$0x0] =	sbarrier.arrive $0xFFFF  }
0x3cc: {  	_ =	strace $0x9000004A  }
0x3cd: {  	s0 =	stileid.u32;
	[bflag:$0x2] =	sbarrier.arrive $0xFFFF  }
0x3ce: {  	p0 =	sne.s32 s0, $0x0;
	s0 =	rddreg [dreg:$0x2]  }
0x3cf: {  	s0 =	sadd.s32 @!p0 $0x100000, s0  }
0x3d0: {  	[sflag:s0] =	ssyncadd.tile.s32 @!p0 $0x1;
	_ =	shalt  }
.Lfunc_end2:
_tile_overlayer_lowered:
.L_overlay_start_2:
0x3d1: {  	(tag) =	ssettag $0x2  }
0x3d2: {  	s0 =	rddreg [dreg:$0x0];
	s2 =	stileid.u32  }
0x3d3: {  	s1 =	rddreg [dreg:$0x1];
	p0 =	sne.s32 s2, $0x0  }
0x3d4: {  	s3 =	rddreg [dreg:$0x2];
	[bflag:$0x3] =	sbarrier.arrive $0xFFFF;
	s2 =	simm.s32 @!p0 $0x1C04  }
0x3d5: {  	[timem:s3], [sflag:s2] =	dma.local @!p0 [hbm:s0], s1  }
0x3d6: {  	s0 =	simm.s32 @!p0 $0x4  }
0x3d7: {  	_ =	swait.ge @!p0 [sflag:s0], s1  }
0x3d8: {  	s1 =	ssub.s32 @!p0 $0x0, s1;
	[sflag:s0] =	ssyncset.done @!p0 $0x0  }
0x3d9: {  	[sflag:s0] =	ssyncadd.s32 @!p0 s1  }
0x3da: {  	[bflag:$0x3] =	sbarrier.arrive $0xFFFF  }
0x3db: {  	_ =	shalt  }

</sc_bundles>
